<compile_context>
chip_gen: v7x
topology: tpu7x:2x2x1
jax: 0.10.2.dev20260603
libtpu: 0.0.44.dev20260713+nightly
codegen_flags: <defaults>
</compile_context>

<pallas_src>
import functools

import jax
import jax.numpy as jnp
from jax import lax
from jax.experimental import pallas as pl
from jax.experimental.pallas import tpu as pltpu
from jax.experimental.pallas import tpu_sc as plsc

N = 10000
D = 128
E = 320000
G = 16

NP = N + 8
WD = 144
BN = 1112
GRID = NP // BN

NTILES = 32
CHUNK = 128
CPT0 = 94
CPT1 = 64
EPT0 = CPT0 * CHUNK
EPT1 = CPT1 * CHUNK
EPAD = 16 * (EPT0 + EPT1)
NEG = -1e30


def _pre_body(x_ref, w_ref, asr, adr, he_ref, asc_ref, adc_ref, m_ref, sm):
    g = pl.program_id(0)
    h = jnp.dot(x_ref[:], w_ref[:], preferred_element_type=jnp.float32)
    he_ref[:, pl.ds(0, 128)] = h
    lane = lax.broadcasted_iota(jnp.int32, (BN, 16), 1)
    he_ref[:, pl.ds(128, 16)] = jnp.where(lane == 0, 1.0, 0.0).astype(jnp.float32)
    a_s = jnp.sum(h * asr[:], axis=1, keepdims=True)
    a_d = jnp.sum(h * adr[:], axis=1, keepdims=True)
    rid = g * BN + lax.broadcasted_iota(jnp.int32, (BN, 1), 0)
    a_s = jnp.where(rid < N, a_s, NEG)
    a_d = jnp.where(rid < N, a_d, NEG)
    asc_ref[:] = a_s
    adc_ref[:] = a_d
    c0 = jnp.where(g == 0, NEG, sm[0])
    c1 = jnp.where(g == 0, NEG, sm[1])
    sm[0] = jnp.maximum(c0, jnp.max(a_s))
    sm[1] = jnp.maximum(c1, jnp.max(a_d))

    @pl.when(g == GRID - 1)
    def _():
        mm = sm[0] + sm[1]
        mv = jnp.where(mm > 0, mm, 0.2 * mm)
        m_ref[:] = jnp.full((1, 128), mv, dtype=jnp.float32)


def _pre(x_pad, W, att_src, att_dst):
    return pl.pallas_call(
        _pre_body,
        grid=(GRID,),
        in_specs=[
            pl.BlockSpec((BN, 128), lambda g: (g, 0)),
            pl.BlockSpec((128, 128), lambda g: (0, 0)),
            pl.BlockSpec((1, 128), lambda g: (0, 0)),
            pl.BlockSpec((1, 128), lambda g: (0, 0)),
        ],
        out_specs=[
            pl.BlockSpec((BN, WD), lambda g: (g, 0)),
            pl.BlockSpec((BN, 1), lambda g: (g, 0)),
            pl.BlockSpec((BN, 1), lambda g: (g, 0)),
            pl.BlockSpec((1, 128), lambda g: (0, 0)),
        ],
        out_shape=[
            jax.ShapeDtypeStruct((NP, WD), jnp.float32),
            jax.ShapeDtypeStruct((NP, 1), jnp.float32),
            jax.ShapeDtypeStruct((NP, 1), jnp.float32),
            jax.ShapeDtypeStruct((1, 128), jnp.float32),
        ],
        scratch_shapes=[pltpu.SMEM((2,), jnp.float32)],
    )(x_pad, W, att_src, att_dst)


def _sc_body(he_hbm, as_hbm, ad_hbm, m_hbm, src_hbm, dst_hbm, part_hbm,
             acc, as_v, ad_v, m_v, src_v, dst_v, rows_v, ex_v, sem):
    cid = lax.axis_index("c")
    sid = lax.axis_index("s")
    t = cid * 16 + sid

    pltpu.sync_copy(as_hbm, as_v)
    pltpu.sync_copy(ad_hbm, ad_v)
    pltpu.sync_copy(m_hbm, m_v)

    def zbody(i, carry):
        for j in range(WD // 16):
            rows_v[i, pl.ds(j * 16, 16)] = jnp.zeros((16,), jnp.float32)
        return carry

    lax.fori_loop(0, CHUNK, zbody, 0)

    row0 = sid * 624

    @pl.when(sid < 15)
    def _():
        for k in range(4):
            pltpu.sync_copy(rows_v.at[pl.ds(0, 128)],
                            acc.at[pl.ds(row0 + k * 128, 128)])
        pltpu.sync_copy(rows_v.at[pl.ds(0, 112)],
                        acc.at[pl.ds(row0 + 512, 112)])

    @pl.when(sid == 15)
    def _():
        for k in range(5):
            pltpu.sync_copy(rows_v.at[pl.ds(0, 128)],
                            acc.at[pl.ds(9360 + k * 128, 128)])
        pltpu.sync_copy(rows_v.at[pl.ds(0, 8)],
                        acc.at[pl.ds(10000, 8)])

    plsc.subcore_barrier()

    base = jnp.where(cid == 0, sid * EPT0, 16 * EPT0 + sid * EPT1)
    nchunks = jnp.where(cid == 0, CPT0, CPT1)
    m0 = m_v[pl.ds(0, 16)][0]

    def chunk(c, carry):
        off = base + c * CHUNK
        pltpu.sync_copy(src_hbm.at[pl.ds(off, CHUNK)], src_v)
        pltpu.sync_copy(dst_hbm.at[pl.ds(off, CHUNK)], dst_v)
        cp = pltpu.async_copy(he_hbm.at[src_v], rows_v, sem)
        for k in range(CHUNK // 16):
            sv = src_v[pl.ds(k * 16, 16)]
            dv = dst_v[pl.ds(k * 16, 16)]
            e = plsc.load_gather(as_v, [sv]) + plsc.load_gather(ad_v, [dv])
            e = jnp.where(e > 0, e, e * 0.2)
            ex_v[pl.ds(k * 16, 16)] = jnp.exp(e - m0)
        cp.wait()

        def scale(k, carry2):
            exv = ex_v[pl.ds(k * 16, 16)]
            for l in range(16):
                w = exv[l]
                i = k * 16 + l
                for j in range(WD // 16):
                    rows_v[i, pl.ds(j * 16, 16)] = (
                        rows_v[i, pl.ds(j * 16, 16)] * w)
            return carry2

        lax.fori_loop(0, CHUNK // 16, scale, 0)
        pltpu.sync_copy(rows_v, acc.at[dst_v], add=True)
        return carry

    lax.fori_loop(0, nchunks, chunk, 0)
    plsc.subcore_barrier()

    @pl.when(sid < 15)
    def _():
        pltpu.sync_copy(acc.at[pl.ds(row0, 624)],
                        part_hbm.at[cid, pl.ds(row0, 624)])

    @pl.when(sid == 15)
    def _():
        pltpu.sync_copy(acc.at[pl.ds(9360, 648)],
                        part_hbm.at[cid, pl.ds(9360, 648)])


def _sc_edge_pass(he, a_src, a_dst, m16, src_p, dst_p):
    mesh = plsc.VectorSubcoreMesh(core_axis_name="c", subcore_axis_name="s")
    k = functools.partial(
        pl.kernel,
        out_type=jax.ShapeDtypeStruct((2, NP, WD), jnp.float32),
        mesh=mesh,
        compiler_params=pltpu.CompilerParams(
            needs_layout_passes=False, use_tc_tiling_on_sc=False),
        scratch_types=[
            pltpu.VMEM_SHARED((NP, WD), jnp.float32),
            pltpu.VMEM((NP,), jnp.float32),
            pltpu.VMEM((NP,), jnp.float32),
            pltpu.VMEM((16,), jnp.float32),
            pltpu.VMEM((CHUNK,), jnp.int32),
            pltpu.VMEM((CHUNK,), jnp.int32),
            pltpu.VMEM((CHUNK, WD), jnp.float32),
            pltpu.VMEM((CHUNK,), jnp.float32),
            pltpu.SemaphoreType.DMA,
        ],
    )(_sc_body)
    return k(he, a_src, a_dst, m16, src_p, dst_p)


def _epi_body(part_ref, he_ref, asr, adr, m_ref, b_ref, bat_ref, out_ref):
    g = pl.program_id(0)
    acc = part_ref[0, :, pl.ds(0, 128)] + part_ref[1, :, pl.ds(0, 128)]
    den = part_ref[0, :, pl.ds(128, 1)] + part_ref[1, :, pl.ds(128, 1)]
    es = asr[:] + adr[:]
    es = jnp.where(es > 0, es, es * 0.2)
    exs = jnp.exp(es - m_ref[0, 0])
    tot = acc + exs * he_ref[:, pl.ds(0, 128)]
    dent = den + exs + 1e-16
    r = jnp.maximum(tot / dent + b_ref[:], 0.0)
    cur = jnp.where(g == 0, jnp.full((G, 128), -jnp.inf, jnp.float32), out_ref[:])
    rows = []
    for gg in range(G):
        rm = jnp.where(bat_ref[:] == gg, r, -jnp.inf)
        rows.append(jnp.max(rm, axis=0, keepdims=True))
    cur = jnp.maximum(cur, jnp.concatenate(rows, axis=0))

    @pl.when(g < GRID - 1)
    def _():
        out_ref[:] = cur

    @pl.when(g == GRID - 1)
    def _():
        out_ref[:] = jnp.where(jnp.isfinite(cur), cur, 0.0)


def _epilogue(part, he, a_src, a_dst, m128, bias, batch2d):
    return pl.pallas_call(
        _epi_body,
        grid=(GRID,),
        in_specs=[
            pl.BlockSpec((2, BN, WD), lambda g: (0, g, 0)),
            pl.BlockSpec((BN, WD), lambda g: (g, 0)),
            pl.BlockSpec((BN, 1), lambda g: (g, 0)),
            pl.BlockSpec((BN, 1), lambda g: (g, 0)),
            pl.BlockSpec((1, 128), lambda g: (0, 0)),
            pl.BlockSpec((1, 128), lambda g: (0, 0)),
            pl.BlockSpec((BN, 1), lambda g: (g, 0)),
        ],
        out_specs=pl.BlockSpec((G, 128), lambda g: (0, 0)),
        out_shape=jax.ShapeDtypeStruct((G, 128), jnp.float32),
    )(part, he, a_src, a_dst, m128, bias, batch2d)


def kernel(x, edge_index, batch, W, att_src, att_dst, bias):
    x_pad = jnp.concatenate([x, jnp.zeros((NP - N, D), jnp.float32)], axis=0)
    pad = jnp.full((EPAD - E,), N, jnp.int32)
    src_p = jnp.concatenate([edge_index[0], pad])
    dst_p = jnp.concatenate([edge_index[1], pad])
    batch2d = jnp.concatenate([batch, jnp.full((NP - N,), G, jnp.int32)]).reshape(NP, 1)

    he, a_src2d, a_dst2d, m128 = _pre(
        x_pad, W, att_src.reshape(1, 128), att_dst.reshape(1, 128))
    part = _sc_edge_pass(he, a_src2d.reshape(NP), a_dst2d.reshape(NP),
                         m128[0, :16], src_p, dst_p)
    return _epilogue(part, he, a_src2d, a_dst2d, m128,
                     bias.reshape(1, 128), batch2d)

# --- scband reference (transcript-rebuilt; emitter-appended) ---
"""Pipeline reference for scband-mcdgnn-4896262717832 (READ-ONLY COPY).

The authoritative reference and input builder live on the scoring server;
editing this copy changes nothing except your own understanding.
"""

import jax, jax.numpy as jnp
import numpy as np

N = 10000
E = 320000
D = 128
G = 16


def setup_inputs(seed: int = 0) -> dict:
    key = jax.random.key(seed)
    k1, k2, k3, k4, k5, k6, k7 = jax.random.split(key, 7)
    x = jax.random.normal(k1, (N, D), dtype=jnp.float32)
    edge_index = jax.random.randint(k2, (2, E), 0, N, dtype=jnp.int32)
    batch = jnp.sort(jax.random.randint(k3, (N,), 0, G, dtype=jnp.int32))
    # GATConv params (single head, in=128 -> out=128)
    W = jax.random.normal(k4, (D, D), dtype=jnp.float32) * (1.0 / np.sqrt(D))
    att_src = jax.random.normal(k5, (D,), dtype=jnp.float32) * 0.1
    att_dst = jax.random.normal(k6, (D,), dtype=jnp.float32) * 0.1
    bias = jnp.zeros((D,), dtype=jnp.float32)
    return {"x": x, "edge_index": edge_index, "batch": batch, "W": W, "att_src": att_src, "att_dst": att_dst, "bias": bias}


def _gat_conv(x, edge_index, W, att_src, att_dst, bias):
    src = edge_index[0]
    dst = edge_index[1]
    # add self loops (PyG GATConv default add_self_loops=True)
    loops = jnp.arange(N, dtype=src.dtype)
    src = jnp.concatenate([src, loops])
    dst = jnp.concatenate([dst, loops])
    h = x @ W  # [N, D]
    a_src = jnp.sum(h * att_src, axis=-1)  # [N]
    a_dst = jnp.sum(h * att_dst, axis=-1)  # [N]
    e = a_src[src] + a_dst[dst]            # gather per edge
    e = jax.nn.leaky_relu(e, negative_slope=0.2)
    # segment softmax over incoming edges of each dst node
    m = jax.ops.segment_max(e, dst, num_segments=N)
    m = jnp.where(jnp.isfinite(m), m, 0.0)
    ex = jnp.exp(e - m[dst])
    denom = jax.ops.segment_sum(ex, dst, num_segments=N)
    alpha = ex / (denom[dst] + 1e-16)
    out = jax.ops.segment_sum(h[src] * alpha[:, None], dst, num_segments=N)
    return out + bias


def reference(x, edge_index, batch, W, att_src, att_dst, bias):
    h = _gat_conv(x, edge_index, W, att_src, att_dst, bias)
    h = jax.nn.relu(h)
    # global_max_pool over graphs in the batch
    pooled = jax.ops.segment_max(h, batch, num_segments=G)
    pooled = jnp.where(jnp.isfinite(pooled), pooled, 0.0)
    return pooled

if __name__ == "__main__":
    import jax
    _d = setup_inputs()
    print(jax.jit(kernel)(*tuple(_d.values())))

</pallas_src>

<mosaic_0001>
#map = affine_map<(d0, d1) -> (0, 0)>
#map1 = affine_map<(d0, d1) -> (0)>
#map2 = affine_map<(d0, d1) -> (0, 0, 0)>
module attributes {stable_mosaic.version = 14 : i64} {
  func.func @_sc_body(%arg0: i32, %arg1: i32, %arg2: memref<10008x144xf32, #tpu.memory_space<hbm>>, %arg3: memref<10008xf32, #tpu.memory_space<hbm>>, %arg4: memref<10008xf32, #tpu.memory_space<hbm>>, %arg5: memref<16xf32, #tpu.memory_space<hbm>>, %arg6: memref<323584xi32, #tpu.memory_space<hbm>>, %arg7: memref<323584xi32, #tpu.memory_space<hbm>>, %arg8: memref<2x10008x144xf32, #tpu.memory_space<hbm>>, %arg9: memref<10008x144xf32, #tpu.memory_space<vmem_shared>>, %arg10: memref<10008xf32, #tpu.memory_space<vmem>>, %arg11: memref<10008xf32, #tpu.memory_space<vmem>>, %arg12: memref<16xf32, #tpu.memory_space<vmem>>, %arg13: memref<128xi32, #tpu.memory_space<vmem>>, %arg14: memref<128xi32, #tpu.memory_space<vmem>>, %arg15: memref<128x144xf32, #tpu.memory_space<vmem>>, %arg16: memref<128xf32, #tpu.memory_space<vmem>>, %arg17: memref<!tpu.dma_semaphore, #tpu.memory_space<semaphore_mem>>) attributes {dimension_semantics = [#tpu.dimension_semantics<core_parallel>, #tpu.dimension_semantics<subcore_parallel>], iteration_bounds = array<i64: 2, 16>, scalar_prefetch = 0 : i64, scratch_operands = 9 : i64, tpu.core_type = #tpu.core_type<sc_vector_subcore>, window_params = [{transform_indices = #map}, {transform_indices = #map1}, {transform_indices = #map1}, {transform_indices = #map1}, {transform_indices = #map1}, {transform_indices = #map1}, {transform_indices = #map2}]} {
    %mul3A = arith.constant 16 : i32
    %mul3A_0 = arith.muli %arg0, %mul3A : i32
    %add3A = arith.addi %mul3A_0, %arg1 : i32
    "tpu.region"() ({
      %run_scoped3A = tpu.sem_alloc : memref<!tpu.dma_semaphore, #tpu.memory_space<semaphore_mem>>
      tpu.enqueue_dma source(%arg3 : memref<10008xf32, #tpu.memory_space<hbm>>) target(%arg10 : memref<10008xf32, #tpu.memory_space<vmem>>) target_semaphore(%run_scoped3A : memref<!tpu.dma_semaphore, #tpu.memory_space<semaphore_mem>>)
      tpu.wait_dma2 semaphore(%run_scoped3A : memref<!tpu.dma_semaphore, #tpu.memory_space<semaphore_mem>>) src(%arg3 : memref<10008xf32, #tpu.memory_space<hbm>>) dst(%arg10 : memref<10008xf32, #tpu.memory_space<vmem>>)
      tpu.yield
    }) : () -> ()
    "tpu.region"() ({
      %run_scoped3A = tpu.sem_alloc : memref<!tpu.dma_semaphore, #tpu.memory_space<semaphore_mem>>
      tpu.enqueue_dma source(%arg4 : memref<10008xf32, #tpu.memory_space<hbm>>) target(%arg11 : memref<10008xf32, #tpu.memory_space<vmem>>) target_semaphore(%run_scoped3A : memref<!tpu.dma_semaphore, #tpu.memory_space<semaphore_mem>>)
      tpu.wait_dma2 semaphore(%run_scoped3A : memref<!tpu.dma_semaphore, #tpu.memory_space<semaphore_mem>>) src(%arg4 : memref<10008xf32, #tpu.memory_space<hbm>>) dst(%arg11 : memref<10008xf32, #tpu.memory_space<vmem>>)
      tpu.yield
    }) : () -> ()
    "tpu.region"() ({
      %run_scoped3A = tpu.sem_alloc : memref<!tpu.dma_semaphore, #tpu.memory_space<semaphore_mem>>
      tpu.enqueue_dma source(%arg5 : memref<16xf32, #tpu.memory_space<hbm>>) target(%arg12 : memref<16xf32, #tpu.memory_space<vmem>>) target_semaphore(%run_scoped3A : memref<!tpu.dma_semaphore, #tpu.memory_space<semaphore_mem>>)
      tpu.wait_dma2 semaphore(%run_scoped3A : memref<!tpu.dma_semaphore, #tpu.memory_space<semaphore_mem>>) src(%arg5 : memref<16xf32, #tpu.memory_space<hbm>>) dst(%arg12 : memref<16xf32, #tpu.memory_space<vmem>>)
      tpu.yield
    }) : () -> ()
    %scan3A = arith.constant 0 : i32
    %scan3A_1 = arith.constant 0 : i32
    %scan3A_2 = arith.constant 128 : i32
    %scan3A_3 = arith.addi %scan3A_1, %scan3A_2 : i32
    %scan3A_4 = arith.constant 1 : i32
    scf.for %scan3A_47 = %scan3A_1 to %scan3A_3 step %scan3A_4  : i32 {
      %broadcast_in_dim3A = arith.constant 0.000000e+00 : f32
      %broadcast_in_dim3A_48 = vector.broadcast %broadcast_in_dim3A : f32 to vector<16xf32>
      %swap3A = arith.index_cast %scan3A_47 : i32 to index
      %swap3A_49 = arith.constant 0 : index
      %swap3A_50 = tpu.vector_load %arg15[%swap3A, %swap3A_49] {strides = array<i32>} : memref<128x144xf32, #tpu.memory_space<vmem>>, vector<16xf32>,
      tpu.vector_store %arg15[%swap3A, %swap3A_49], %broadcast_in_dim3A_48 {strides = array<i32>} : memref<128x144xf32, #tpu.memory_space<vmem>>, vector<16xf32>,
      %broadcast_in_dim3A_51 = arith.constant 0.000000e+00 : f32
      %broadcast_in_dim3A_52 = vector.broadcast %broadcast_in_dim3A_51 : f32 to vector<16xf32>
      %swap3A_53 = arith.index_cast %scan3A_47 : i32 to index
      %swap3A_54 = arith.constant 16 : index
      %swap3A_55 = tpu.vector_load %arg15[%swap3A_53, %swap3A_54] {strides = array<i32>} : memref<128x144xf32, #tpu.memory_space<vmem>>, vector<16xf32>,
      tpu.vector_store %arg15[%swap3A_53, %swap3A_54], %broadcast_in_dim3A_52 {strides = array<i32>} : memref<128x144xf32, #tpu.memory_space<vmem>>, vector<16xf32>,
      %broadcast_in_dim3A_56 = arith.constant 0.000000e+00 : f32
      %broadcast_in_dim3A_57 = vector.broadcast %broadcast_in_dim3A_56 : f32 to vector<16xf32>
      %swap3A_58 = arith.index_cast %scan3A_47 : i32 to index
      %swap3A_59 = arith.constant 32 : index
      %swap3A_60 = tpu.vector_load %arg15[%swap3A_58, %swap3A_59] {strides = array<i32>} : memref<128x144xf32, #tpu.memory_space<vmem>>, vector<16xf32>,
      tpu.vector_store %arg15[%swap3A_58, %swap3A_59], %broadcast_in_dim3A_57 {strides = array<i32>} : memref<128x144xf32, #tpu.memory_space<vmem>>, vector<16xf32>,
      %broadcast_in_dim3A_61 = arith.constant 0.000000e+00 : f32
      %broadcast_in_dim3A_62 = vector.broadcast %broadcast_in_dim3A_61 : f32 to vector<16xf32>
      %swap3A_63 = arith.index_cast %scan3A_47 : i32 to index
      %swap3A_64 = arith.constant 48 : index
      %swap3A_65 = tpu.vector_load %arg15[%swap3A_63, %swap3A_64] {strides = array<i32>} : memref<128x144xf32, #tpu.memory_space<vmem>>, vector<16xf32>,
      tpu.vector_store %arg15[%swap3A_63, %swap3A_64], %broadcast_in_dim3A_62 {strides = array<i32>} : memref<128x144xf32, #tpu.memory_space<vmem>>, vector<16xf32>,
      %broadcast_in_dim3A_66 = arith.constant 0.000000e+00 : f32
      %broadcast_in_dim3A_67 = vector.broadcast %broadcast_in_dim3A_66 : f32 to vector<16xf32>
      %swap3A_68 = arith.index_cast %scan3A_47 : i32 to index
      %swap3A_69 = arith.constant 64 : index
      %swap3A_70 = tpu.vector_load %arg15[%swap3A_68, %swap3A_69] {strides = array<i32>} : memref<128x144xf32, #tpu.memory_space<vmem>>, vector<16xf32>,
      tpu.vector_store %arg15[%swap3A_68, %swap3A_69], %broadcast_in_dim3A_67 {strides = array<i32>} : memref<128x144xf32, #tpu.memory_space<vmem>>, vector<16xf32>,
      %broadcast_in_dim3A_71 = arith.constant 0.000000e+00 : f32
      %broadcast_in_dim3A_72 = vector.broadcast %broadcast_in_dim3A_71 : f32 to vector<16xf32>
      %swap3A_73 = arith.index_cast %scan3A_47 : i32 to index
      %swap3A_74 = arith.constant 80 : index
      %swap3A_75 = tpu.vector_load %arg15[%swap3A_73, %swap3A_74] {strides = array<i32>} : memref<128x144xf32, #tpu.memory_space<vmem>>, vector<16xf32>,
      tpu.vector_store %arg15[%swap3A_73, %swap3A_74], %broadcast_in_dim3A_72 {strides = array<i32>} : memref<128x144xf32, #tpu.memory_space<vmem>>, vector<16xf32>,
      %broadcast_in_dim3A_76 = arith.constant 0.000000e+00 : f32
      %broadcast_in_dim3A_77 = vector.broadcast %broadcast_in_dim3A_76 : f32 to vector<16xf32>
      %swap3A_78 = arith.index_cast %scan3A_47 : i32 to index
      %swap3A_79 = arith.constant 96 : index
      %swap3A_80 = tpu.vector_load %arg15[%swap3A_78, %swap3A_79] {strides = array<i32>} : memref<128x144xf32, #tpu.memory_space<vmem>>, vector<16xf32>,
      tpu.vector_store %arg15[%swap3A_78, %swap3A_79], %broadcast_in_dim3A_77 {strides = array<i32>} : memref<128x144xf32, #tpu.memory_space<vmem>>, vector<16xf32>,
      %broadcast_in_dim3A_81 = arith.constant 0.000000e+00 : f32
      %broadcast_in_dim3A_82 = vector.broadcast %broadcast_in_dim3A_81 : f32 to vector<16xf32>
      %swap3A_83 = arith.index_cast %scan3A_47 : i32 to index
      %swap3A_84 = arith.constant 112 : index
      %swap3A_85 = tpu.vector_load %arg15[%swap3A_83, %swap3A_84] {strides = array<i32>} : memref<128x144xf32, #tpu.memory_space<vmem>>, vector<16xf32>,
      tpu.vector_store %arg15[%swap3A_83, %swap3A_84], %broadcast_in_dim3A_82 {strides = array<i32>} : memref<128x144xf32, #tpu.memory_space<vmem>>, vector<16xf32>,
      %broadcast_in_dim3A_86 = arith.constant 0.000000e+00 : f32
      %broadcast_in_dim3A_87 = vector.broadcast %broadcast_in_dim3A_86 : f32 to vector<16xf32>
      %swap3A_88 = arith.index_cast %scan3A_47 : i32 to index
      %swap3A_89 = arith.constant 128 : index
      %swap3A_90 = tpu.vector_load %arg15[%swap3A_88, %swap3A_89] {strides = array<i32>} : memref<128x144xf32, #tpu.memory_space<vmem>>, vector<16xf32>,
      tpu.vector_store %arg15[%swap3A_88, %swap3A_89], %broadcast_in_dim3A_87 {strides = array<i32>} : memref<128x144xf32, #tpu.memory_space<vmem>>, vector<16xf32>,
    }
    %scan3A_5 = arith.constant 128 : i32
    %mul3A_6 = arith.constant 624 : i32
    %mul3A_7 = arith.muli %arg1, %mul3A_6 : i32
    %lt3A = arith.constant 15 : i32
    %lt3A_8 = arith.cmpi slt, %arg1, %lt3A : i32
    %convert_element_type3A = arith.extui %lt3A_8 : i1 to i32
    %cond3A = arith.constant 0 : i32
    %cond3A_9 = arith.cmpi ne, %convert_element_type3A, %cond3A : i32
    scf.if %cond3A_9 {
      %add3A_47 = arith.constant 0 : i32
      %add3A_48 = arith.addi %mul3A_7, %add3A_47 : i32
      "tpu.region"() ({
        %run_scoped3A = tpu.sem_alloc : memref<!tpu.dma_semaphore, #tpu.memory_space<semaphore_mem>>
        %dma_start3A = arith.constant 0 : i32
        %dma_start3A_57 = arith.constant 0 : i32
        %dma_start3A_58 = tpu.memref_slice %arg15[%dma_start3A, %dma_start3A_57] : memref<128x144xf32, #tpu.memory_space<vmem>> -> memref<128x144xf32, #tpu.memory_space<vmem>>
        %dma_start3A_59 = arith.constant 0 : i32
        %dma_start3A_60 = tpu.memref_slice %arg9[%add3A_48, %dma_start3A_59] : memref<10008x144xf32, #tpu.memory_space<vmem_shared>> -> memref<128x144xf32, #tpu.memory_space<vmem_shared>>
        %dma_start3A_61 = arith.constant 0 : i32
        %dma_start3A_62 = tpu.memref_slice %arg9[%add3A_48, %dma_start3A_61] : memref<10008x144xf32, #tpu.memory_space<vmem_shared>> -> memref<128x144xf32, #tpu.memory_space<vmem_shared>>
        %dma_start3A_63 = arith.constant 0 : i32
        %dma_start3A_64 = arith.constant 0 : i32
        %dma_start3A_65 = tpu.memref_slice %arg15[%dma_start3A_63, %dma_start3A_64] : memref<128x144xf32, #tpu.memory_space<vmem>> -> memref<128x144xf32, #tpu.memory_space<vmem>>
        tpu.enqueue_dma source(%dma_start3A_65 : memref<128x144xf32, #tpu.memory_space<vmem>>) target(%dma_start3A_62 : memref<128x144xf32, #tpu.memory_space<vmem_shared>>) target_semaphore(%run_scoped3A : memref<!tpu.dma_semaphore, #tpu.memory_space<semaphore_mem>>)
        %dma_wait3A = arith.constant 0 : i32
        %dma_wait3A_66 = arith.constant 0 : i32
        %dma_wait3A_67 = tpu.memref_slice %arg15[%dma_wait3A, %dma_wait3A_66] : memref<128x144xf32, #tpu.memory_space<vmem>> -> memref<128x144xf32, #tpu.memory_space<vmem>>
        %dma_wait3A_68 = arith.constant 0 : i32
        %dma_wait3A_69 = tpu.memref_slice %arg9[%add3A_48, %dma_wait3A_68] : memref<10008x144xf32, #tpu.memory_space<vmem_shared>> -> memref<128x144xf32, #tpu.memory_space<vmem_shared>>
        %dma_wait3A_70 = arith.constant 0 : i32
        %dma_wait3A_71 = tpu.memref_slice %arg9[%add3A_48, %dma_wait3A_70] : memref<10008x144xf32, #tpu.memory_space<vmem_shared>> -> memref<128x144xf32, #tpu.memory_space<vmem_shared>>
        %dma_wait3A_72 = arith.constant 0 : i32
        %dma_wait3A_73 = arith.constant 0 : i32
        %dma_wait3A_74 = tpu.memref_slice %arg15[%dma_wait3A_72, %dma_wait3A_73] : memref<128x144xf32, #tpu.memory_space<vmem>> -> memref<128x144xf32, #tpu.memory_space<vmem>>
        tpu.wait_dma2 semaphore(%run_scoped3A : memref<!tpu.dma_semaphore, #tpu.memory_space<semaphore_mem>>) src(%dma_wait3A_74 : memref<128x144xf32, #tpu.memory_space<vmem>>) dst(%dma_wait3A_71 : memref<128x144xf32, #tpu.memory_space<vmem_shared>>)
        tpu.yield
      }) : () -> ()
      %add3A_49 = arith.constant 128 : i32
      %add3A_50 = arith.addi %mul3A_7, %add3A_49 : i32
      "tpu.region"() ({
        %run_scoped3A = tpu.sem_alloc : memref<!tpu.dma_semaphore, #tpu.memory_space<semaphore_mem>>
        %dma_start3A = arith.constant 0 : i32
        %dma_start3A_57 = arith.constant 0 : i32
        %dma_start3A_58 = tpu.memref_slice %arg15[%dma_start3A, %dma_start3A_57] : memref<128x144xf32, #tpu.memory_space<vmem>> -> memref<128x144xf32, #tpu.memory_space<vmem>>
        %dma_start3A_59 = arith.constant 0 : i32
        %dma_start3A_60 = tpu.memref_slice %arg9[%add3A_50, %dma_start3A_59] : memref<10008x144xf32, #tpu.memory_space<vmem_shared>> -> memref<128x144xf32, #tpu.memory_space<vmem_shared>>
        %dma_start3A_61 = arith.constant 0 : i32
        %dma_start3A_62 = tpu.memref_slice %arg9[%add3A_50, %dma_start3A_61] : memref<10008x144xf32, #tpu.memory_space<vmem_shared>> -> memref<128x144xf32, #tpu.memory_space<vmem_shared>>
        %dma_start3A_63 = arith.constant 0 : i32
        %dma_start3A_64 = arith.constant 0 : i32
        %dma_start3A_65 = tpu.memref_slice %arg15[%dma_start3A_63, %dma_start3A_64] : memref<128x144xf32, #tpu.memory_space<vmem>> -> memref<128x144xf32, #tpu.memory_space<vmem>>
        tpu.enqueue_dma source(%dma_start3A_65 : memref<128x144xf32, #tpu.memory_space<vmem>>) target(%dma_start3A_62 : memref<128x144xf32, #tpu.memory_space<vmem_shared>>) target_semaphore(%run_scoped3A : memref<!tpu.dma_semaphore, #tpu.memory_space<semaphore_mem>>)
        %dma_wait3A = arith.constant 0 : i32
        %dma_wait3A_66 = arith.constant 0 : i32
        %dma_wait3A_67 = tpu.memref_slice %arg15[%dma_wait3A, %dma_wait3A_66] : memref<128x144xf32, #tpu.memory_space<vmem>> -> memref<128x144xf32, #tpu.memory_space<vmem>>
        %dma_wait3A_68 = arith.constant 0 : i32
        %dma_wait3A_69 = tpu.memref_slice %arg9[%add3A_50, %dma_wait3A_68] : memref<10008x144xf32, #tpu.memory_space<vmem_shared>> -> memref<128x144xf32, #tpu.memory_space<vmem_shared>>
        %dma_wait3A_70 = arith.constant 0 : i32
        %dma_wait3A_71 = tpu.memref_slice %arg9[%add3A_50, %dma_wait3A_70] : memref<10008x144xf32, #tpu.memory_space<vmem_shared>> -> memref<128x144xf32, #tpu.memory_space<vmem_shared>>
        %dma_wait3A_72 = arith.constant 0 : i32
        %dma_wait3A_73 = arith.constant 0 : i32
        %dma_wait3A_74 = tpu.memref_slice %arg15[%dma_wait3A_72, %dma_wait3A_73] : memref<128x144xf32, #tpu.memory_space<vmem>> -> memref<128x144xf32, #tpu.memory_space<vmem>>
        tpu.wait_dma2 semaphore(%run_scoped3A : memref<!tpu.dma_semaphore, #tpu.memory_space<semaphore_mem>>) src(%dma_wait3A_74 : memref<128x144xf32, #tpu.memory_space<vmem>>) dst(%dma_wait3A_71 : memref<128x144xf32, #tpu.memory_space<vmem_shared>>)
        tpu.yield
      }) : () -> ()
      %add3A_51 = arith.constant 256 : i32
      %add3A_52 = arith.addi %mul3A_7, %add3A_51 : i32
      "tpu.region"() ({
        %run_scoped3A = tpu.sem_alloc : memref<!tpu.dma_semaphore, #tpu.memory_space<semaphore_mem>>
        %dma_start3A = arith.constant 0 : i32
        %dma_start3A_57 = arith.constant 0 : i32
        %dma_start3A_58 = tpu.memref_slice %arg15[%dma_start3A, %dma_start3A_57] : memref<128x144xf32, #tpu.memory_space<vmem>> -> memref<128x144xf32, #tpu.memory_space<vmem>>
        %dma_start3A_59 = arith.constant 0 : i32
        %dma_start3A_60 = tpu.memref_slice %arg9[%add3A_52, %dma_start3A_59] : memref<10008x144xf32, #tpu.memory_space<vmem_shared>> -> memref<128x144xf32, #tpu.memory_space<vmem_shared>>
        %dma_start3A_61 = arith.constant 0 : i32
        %dma_start3A_62 = tpu.memref_slice %arg9[%add3A_52, %dma_start3A_61] : memref<10008x144xf32, #tpu.memory_space<vmem_shared>> -> memref<128x144xf32, #tpu.memory_space<vmem_shared>>
        %dma_start3A_63 = arith.constant 0 : i32
        %dma_start3A_64 = arith.constant 0 : i32
        %dma_start3A_65 = tpu.memref_slice %arg15[%dma_start3A_63, %dma_start3A_64] : memref<128x144xf32, #tpu.memory_space<vmem>> -> memref<128x144xf32, #tpu.memory_space<vmem>>
        tpu.enqueue_dma source(%dma_start3A_65 : memref<128x144xf32, #tpu.memory_space<vmem>>) target(%dma_start3A_62 : memref<128x144xf32, #tpu.memory_space<vmem_shared>>) target_semaphore(%run_scoped3A : memref<!tpu.dma_semaphore, #tpu.memory_space<semaphore_mem>>)
        %dma_wait3A = arith.constant 0 : i32
        %dma_wait3A_66 = arith.constant 0 : i32
        %dma_wait3A_67 = tpu.memref_slice %arg15[%dma_wait3A, %dma_wait3A_66] : memref<128x144xf32, #tpu.memory_space<vmem>> -> memref<128x144xf32, #tpu.memory_space<vmem>>
        %dma_wait3A_68 = arith.constant 0 : i32
        %dma_wait3A_69 = tpu.memref_slice %arg9[%add3A_52, %dma_wait3A_68] : memref<10008x144xf32, #tpu.memory_space<vmem_shared>> -> memref<128x144xf32, #tpu.memory_space<vmem_shared>>
        %dma_wait3A_70 = arith.constant 0 : i32
        %dma_wait3A_71 = tpu.memref_slice %arg9[%add3A_52, %dma_wait3A_70] : memref<10008x144xf32, #tpu.memory_space<vmem_shared>> -> memref<128x144xf32, #tpu.memory_space<vmem_shared>>
        %dma_wait3A_72 = arith.constant 0 : i32
        %dma_wait3A_73 = arith.constant 0 : i32
        %dma_wait3A_74 = tpu.memref_slice %arg15[%dma_wait3A_72, %dma_wait3A_73] : memref<128x144xf32, #tpu.memory_space<vmem>> -> memref<128x144xf32, #tpu.memory_space<vmem>>
        tpu.wait_dma2 semaphore(%run_scoped3A : memref<!tpu.dma_semaphore, #tpu.memory_space<semaphore_mem>>) src(%dma_wait3A_74 : memref<128x144xf32, #tpu.memory_space<vmem>>) dst(%dma_wait3A_71 : memref<128x144xf32, #tpu.memory_space<vmem_shared>>)
        tpu.yield
      }) : () -> ()
      %add3A_53 = arith.constant 384 : i32
      %add3A_54 = arith.addi %mul3A_7, %add3A_53 : i32
      "tpu.region"() ({
        %run_scoped3A = tpu.sem_alloc : memref<!tpu.dma_semaphore, #tpu.memory_space<semaphore_mem>>
        %dma_start3A = arith.constant 0 : i32
        %dma_start3A_57 = arith.constant 0 : i32
        %dma_start3A_58 = tpu.memref_slice %arg15[%dma_start3A, %dma_start3A_57] : memref<128x144xf32, #tpu.memory_space<vmem>> -> memref<128x144xf32, #tpu.memory_space<vmem>>
        %dma_start3A_59 = arith.constant 0 : i32
        %dma_start3A_60 = tpu.memref_slice %arg9[%add3A_54, %dma_start3A_59] : memref<10008x144xf32, #tpu.memory_space<vmem_shared>> -> memref<128x144xf32, #tpu.memory_space<vmem_shared>>
        %dma_start3A_61 = arith.constant 0 : i32
        %dma_start3A_62 = tpu.memref_slice %arg9[%add3A_54, %dma_start3A_61] : memref<10008x144xf32, #tpu.memory_space<vmem_shared>> -> memref<128x144xf32, #tpu.memory_space<vmem_shared>>
        %dma_start3A_63 = arith.constant 0 : i32
        %dma_start3A_64 = arith.constant 0 : i32
        %dma_start3A_65 = tpu.memref_slice %arg15[%dma_start3A_63, %dma_start3A_64] : memref<128x144xf32, #tpu.memory_space<vmem>> -> memref<128x144xf32, #tpu.memory_space<vmem>>
        tpu.enqueue_dma source(%dma_start3A_65 : memref<128x144xf32, #tpu.memory_space<vmem>>) target(%dma_start3A_62 : memref<128x144xf32, #tpu.memory_space<vmem_shared>>) target_semaphore(%run_scoped3A : memref<!tpu.dma_semaphore, #tpu.memory_space<semaphore_mem>>)
        %dma_wait3A = arith.constant 0 : i32
        %dma_wait3A_66 = arith.constant 0 : i32
        %dma_wait3A_67 = tpu.memref_slice %arg15[%dma_wait3A, %dma_wait3A_66] : memref<128x144xf32, #tpu.memory_space<vmem>> -> memref<128x144xf32, #tpu.memory_space<vmem>>
        %dma_wait3A_68 = arith.constant 0 : i32
        %dma_wait3A_69 = tpu.memref_slice %arg9[%add3A_54, %dma_wait3A_68] : memref<10008x144xf32, #tpu.memory_space<vmem_shared>> -> memref<128x144xf32, #tpu.memory_space<vmem_shared>>
        %dma_wait3A_70 = arith.constant 0 : i32
        %dma_wait3A_71 = tpu.memref_slice %arg9[%add3A_54, %dma_wait3A_70] : memref<10008x144xf32, #tpu.memory_space<vmem_shared>> -> memref<128x144xf32, #tpu.memory_space<vmem_shared>>
        %dma_wait3A_72 = arith.constant 0 : i32
        %dma_wait3A_73 = arith.constant 0 : i32
        %dma_wait3A_74 = tpu.memref_slice %arg15[%dma_wait3A_72, %dma_wait3A_73] : memref<128x144xf32, #tpu.memory_space<vmem>> -> memref<128x144xf32, #tpu.memory_space<vmem>>
        tpu.wait_dma2 semaphore(%run_scoped3A : memref<!tpu.dma_semaphore, #tpu.memory_space<semaphore_mem>>) src(%dma_wait3A_74 : memref<128x144xf32, #tpu.memory_space<vmem>>) dst(%dma_wait3A_71 : memref<128x144xf32, #tpu.memory_space<vmem_shared>>)
        tpu.yield
      }) : () -> ()
      %add3A_55 = arith.constant 512 : i32
      %add3A_56 = arith.addi %mul3A_7, %add3A_55 : i32
      "tpu.region"() ({
        %run_scoped3A = tpu.sem_alloc : memref<!tpu.dma_semaphore, #tpu.memory_space<semaphore_mem>>
        %dma_start3A = arith.constant 0 : i32
        %dma_start3A_57 = arith.constant 0 : i32
        %dma_start3A_58 = tpu.memref_slice %arg15[%dma_start3A, %dma_start3A_57] : memref<128x144xf32, #tpu.memory_space<vmem>> -> memref<112x144xf32, #tpu.memory_space<vmem>>
        %dma_start3A_59 = arith.constant 0 : i32
        %dma_start3A_60 = tpu.memref_slice %arg9[%add3A_56, %dma_start3A_59] : memref<10008x144xf32, #tpu.memory_space<vmem_shared>> -> memref<112x144xf32, #tpu.memory_space<vmem_shared>>
        %dma_start3A_61 = arith.constant 0 : i32
        %dma_start3A_62 = tpu.memref_slice %arg9[%add3A_56, %dma_start3A_61] : memref<10008x144xf32, #tpu.memory_space<vmem_shared>> -> memref<112x144xf32, #tpu.memory_space<vmem_shared>>
        %dma_start3A_63 = arith.constant 0 : i32
        %dma_start3A_64 = arith.constant 0 : i32
        %dma_start3A_65 = tpu.memref_slice %arg15[%dma_start3A_63, %dma_start3A_64] : memref<128x144xf32, #tpu.memory_space<vmem>> -> memref<112x144xf32, #tpu.memory_space<vmem>>
        tpu.enqueue_dma source(%dma_start3A_65 : memref<112x144xf32, #tpu.memory_space<vmem>>) target(%dma_start3A_62 : memref<112x144xf32, #tpu.memory_space<vmem_shared>>) target_semaphore(%run_scoped3A : memref<!tpu.dma_semaphore, #tpu.memory_space<semaphore_mem>>)
        %dma_wait3A = arith.constant 0 : i32
        %dma_wait3A_66 = arith.constant 0 : i32
        %dma_wait3A_67 = tpu.memref_slice %arg15[%dma_wait3A, %dma_wait3A_66] : memref<128x144xf32, #tpu.memory_space<vmem>> -> memref<112x144xf32, #tpu.memory_space<vmem>>
        %dma_wait3A_68 = arith.constant 0 : i32
        %dma_wait3A_69 = tpu.memref_slice %arg9[%add3A_56, %dma_wait3A_68] : memref<10008x144xf32, #tpu.memory_space<vmem_shared>> -> memref<112x144xf32, #tpu.memory_space<vmem_shared>>
        %dma_wait3A_70 = arith.constant 0 : i32
        %dma_wait3A_71 = tpu.memref_slice %arg9[%add3A_56, %dma_wait3A_70] : memref<10008x144xf32, #tpu.memory_space<vmem_shared>> -> memref<112x144xf32, #tpu.memory_space<vmem_shared>>
        %dma_wait3A_72 = arith.constant 0 : i32
        %dma_wait3A_73 = arith.constant 0 : i32
        %dma_wait3A_74 = tpu.memref_slice %arg15[%dma_wait3A_72, %dma_wait3A_73] : memref<128x144xf32, #tpu.memory_space<vmem>> -> memref<112x144xf32, #tpu.memory_space<vmem>>
        tpu.wait_dma2 semaphore(%run_scoped3A : memref<!tpu.dma_semaphore, #tpu.memory_space<semaphore_mem>>) src(%dma_wait3A_74 : memref<112x144xf32, #tpu.memory_space<vmem>>) dst(%dma_wait3A_71 : memref<112x144xf32, #tpu.memory_space<vmem_shared>>)
        tpu.yield
      }) : () -> ()
    } else {
    }
    %eq3A = arith.constant 15 : i32
    %eq3A_10 = arith.cmpi eq, %arg1, %eq3A : i32
    %convert_element_type3A_11 = arith.extui %eq3A_10 : i1 to i32
    %cond3A_12 = arith.constant 0 : i32
    %cond3A_13 = arith.cmpi ne, %convert_element_type3A_11, %cond3A_12 : i32
    scf.if %cond3A_13 {
      "tpu.region"() ({
        %run_scoped3A = tpu.sem_alloc : memref<!tpu.dma_semaphore, #tpu.memory_space<semaphore_mem>>
        %dma_start3A = arith.constant 0 : i32
        %dma_start3A_47 = arith.constant 0 : i32
        %dma_start3A_48 = tpu.memref_slice %arg15[%dma_start3A, %dma_start3A_47] : memref<128x144xf32, #tpu.memory_space<vmem>> -> memref<128x144xf32, #tpu.memory_space<vmem>>
        %dma_start3A_49 = arith.constant 9360 : i32
        %dma_start3A_50 = arith.constant 0 : i32
        %dma_start3A_51 = tpu.memref_slice %arg9[%dma_start3A_49, %dma_start3A_50] : memref<10008x144xf32, #tpu.memory_space<vmem_shared>> -> memref<128x144xf32, #tpu.memory_space<vmem_shared>>
        %dma_start3A_52 = arith.constant 9360 : i32
        %dma_start3A_53 = arith.constant 0 : i32
        %dma_start3A_54 = tpu.memref_slice %arg9[%dma_start3A_52, %dma_start3A_53] : memref<10008x144xf32, #tpu.memory_space<vmem_shared>> -> memref<128x144xf32, #tpu.memory_space<vmem_shared>>
        %dma_start3A_55 = arith.constant 0 : i32
        %dma_start3A_56 = arith.constant 0 : i32
        %dma_start3A_57 = tpu.memref_slice %arg15[%dma_start3A_55, %dma_start3A_56] : memref<128x144xf32, #tpu.memory_space<vmem>> -> memref<128x144xf32, #tpu.memory_space<vmem>>
        tpu.enqueue_dma source(%dma_start3A_57 : memref<128x144xf32, #tpu.memory_space<vmem>>) target(%dma_start3A_54 : memref<128x144xf32, #tpu.memory_space<vmem_shared>>) target_semaphore(%run_scoped3A : memref<!tpu.dma_semaphore, #tpu.memory_space<semaphore_mem>>)
        %dma_wait3A = arith.constant 0 : i32
        %dma_wait3A_58 = arith.constant 0 : i32
        %dma_wait3A_59 = tpu.memref_slice %arg15[%dma_wait3A, %dma_wait3A_58] : memref<128x144xf32, #tpu.memory_space<vmem>> -> memref<128x144xf32, #tpu.memory_space<vmem>>
        %dma_wait3A_60 = arith.constant 9360 : i32
        %dma_wait3A_61 = arith.constant 0 : i32
        %dma_wait3A_62 = tpu.memref_slice %arg9[%dma_wait3A_60, %dma_wait3A_61] : memref<10008x144xf32, #tpu.memory_space<vmem_shared>> -> memref<128x144xf32, #tpu.memory_space<vmem_shared>>
        %dma_wait3A_63 = arith.constant 9360 : i32
        %dma_wait3A_64 = arith.constant 0 : i32
        %dma_wait3A_65 = tpu.memref_slice %arg9[%dma_wait3A_63, %dma_wait3A_64] : memref<10008x144xf32, #tpu.memory_space<vmem_shared>> -> memref<128x144xf32, #tpu.memory_space<vmem_shared>>
        %dma_wait3A_66 = arith.constant 0 : i32
        %dma_wait3A_67 = arith.constant 0 : i32
        %dma_wait3A_68 = tpu.memref_slice %arg15[%dma_wait3A_66, %dma_wait3A_67] : memref<128x144xf32, #tpu.memory_space<vmem>> -> memref<128x144xf32, #tpu.memory_space<vmem>>
        tpu.wait_dma2 semaphore(%run_scoped3A : memref<!tpu.dma_semaphore, #tpu.memory_space<semaphore_mem>>) src(%dma_wait3A_68 : memref<128x144xf32, #tpu.memory_space<vmem>>) dst(%dma_wait3A_65 : memref<128x144xf32, #tpu.memory_space<vmem_shared>>)
        tpu.yield
      }) : () -> ()
      "tpu.region"() ({
        %run_scoped3A = tpu.sem_alloc : memref<!tpu.dma_semaphore, #tpu.memory_space<semaphore_mem>>
        %dma_start3A = arith.constant 0 : i32
        %dma_start3A_47 = arith.constant 0 : i32
        %dma_start3A_48 = tpu.memref_slice %arg15[%dma_start3A, %dma_start3A_47] : memref<128x144xf32, #tpu.memory_space<vmem>> -> memref<128x144xf32, #tpu.memory_space<vmem>>
        %dma_start3A_49 = arith.constant 9488 : i32
        %dma_start3A_50 = arith.constant 0 : i32
        %dma_start3A_51 = tpu.memref_slice %arg9[%dma_start3A_49, %dma_start3A_50] : memref<10008x144xf32, #tpu.memory_space<vmem_shared>> -> memref<128x144xf32, #tpu.memory_space<vmem_shared>>
        %dma_start3A_52 = arith.constant 9488 : i32
        %dma_start3A_53 = arith.constant 0 : i32
        %dma_start3A_54 = tpu.memref_slice %arg9[%dma_start3A_52, %dma_start3A_53] : memref<10008x144xf32, #tpu.memory_space<vmem_shared>> -> memref<128x144xf32, #tpu.memory_space<vmem_shared>>
        %dma_start3A_55 = arith.constant 0 : i32
        %dma_start3A_56 = arith.constant 0 : i32
        %dma_start3A_57 = tpu.memref_slice %arg15[%dma_start3A_55, %dma_start3A_56] : memref<128x144xf32, #tpu.memory_space<vmem>> -> memref<128x144xf32, #tpu.memory_space<vmem>>
        tpu.enqueue_dma source(%dma_start3A_57 : memref<128x144xf32, #tpu.memory_space<vmem>>) target(%dma_start3A_54 : memref<128x144xf32, #tpu.memory_space<vmem_shared>>) target_semaphore(%run_scoped3A : memref<!tpu.dma_semaphore, #tpu.memory_space<semaphore_mem>>)
        %dma_wait3A = arith.constant 0 : i32
        %dma_wait3A_58 = arith.constant 0 : i32
        %dma_wait3A_59 = tpu.memref_slice %arg15[%dma_wait3A, %dma_wait3A_58] : memref<128x144xf32, #tpu.memory_space<vmem>> -> memref<128x144xf32, #tpu.memory_space<vmem>>
        %dma_wait3A_60 = arith.constant 9488 : i32
        %dma_wait3A_61 = arith.constant 0 : i32
        %dma_wait3A_62 = tpu.memref_slice %arg9[%dma_wait3A_60, %dma_wait3A_61] : memref<10008x144xf32, #tpu.memory_space<vmem_shared>> -> memref<128x144xf32, #tpu.memory_space<vmem_shared>>
        %dma_wait3A_63 = arith.constant 9488 : i32
        %dma_wait3A_64 = arith.constant 0 : i32
        %dma_wait3A_65 = tpu.memref_slice %arg9[%dma_wait3A_63, %dma_wait3A_64] : memref<10008x144xf32, #tpu.memory_space<vmem_shared>> -> memref<128x144xf32, #tpu.memory_space<vmem_shared>>
        %dma_wait3A_66 = arith.constant 0 : i32
        %dma_wait3A_67 = arith.constant 0 : i32
        %dma_wait3A_68 = tpu.memref_slice %arg15[%dma_wait3A_66, %dma_wait3A_67] : memref<128x144xf32, #tpu.memory_space<vmem>> -> memref<128x144xf32, #tpu.memory_space<vmem>>
        tpu.wait_dma2 semaphore(%run_scoped3A : memref<!tpu.dma_semaphore, #tpu.memory_space<semaphore_mem>>) src(%dma_wait3A_68 : memref<128x144xf32, #tpu.memory_space<vmem>>) dst(%dma_wait3A_65 : memref<128x144xf32, #tpu.memory_space<vmem_shared>>)
        tpu.yield
      }) : () -> ()
      "tpu.region"() ({
        %run_scoped3A = tpu.sem_alloc : memref<!tpu.dma_semaphore, #tpu.memory_space<semaphore_mem>>
        %dma_start3A = arith.constant 0 : i32
        %dma_start3A_47 = arith.constant 0 : i32
        %dma_start3A_48 = tpu.memref_slice %arg15[%dma_start3A, %dma_start3A_47] : memref<128x144xf32, #tpu.memory_space<vmem>> -> memref<128x144xf32, #tpu.memory_space<vmem>>
        %dma_start3A_49 = arith.constant 9616 : i32
        %dma_start3A_50 = arith.constant 0 : i32
        %dma_start3A_51 = tpu.memref_slice %arg9[%dma_start3A_49, %dma_start3A_50] : memref<10008x144xf32, #tpu.memory_space<vmem_shared>> -> memref<128x144xf32, #tpu.memory_space<vmem_shared>>
        %dma_start3A_52 = arith.constant 9616 : i32
        %dma_start3A_53 = arith.constant 0 : i32
        %dma_start3A_54 = tpu.memref_slice %arg9[%dma_start3A_52, %dma_start3A_53] : memref<10008x144xf32, #tpu.memory_space<vmem_shared>> -> memref<128x144xf32, #tpu.memory_space<vmem_shared>>
        %dma_start3A_55 = arith.constant 0 : i32
        %dma_start3A_56 = arith.constant 0 : i32
        %dma_start3A_57 = tpu.memref_slice %arg15[%dma_start3A_55, %dma_start3A_56] : memref<128x144xf32, #tpu.memory_space<vmem>> -> memref<128x144xf32, #tpu.memory_space<vmem>>
        tpu.enqueue_dma source(%dma_start3A_57 : memref<128x144xf32, #tpu.memory_space<vmem>>) target(%dma_start3A_54 : memref<128x144xf32, #tpu.memory_space<vmem_shared>>) target_semaphore(%run_scoped3A : memref<!tpu.dma_semaphore, #tpu.memory_space<semaphore_mem>>)
        %dma_wait3A = arith.constant 0 : i32
        %dma_wait3A_58 = arith.constant 0 : i32
        %dma_wait3A_59 = tpu.memref_slice %arg15[%dma_wait3A, %dma_wait3A_58] : memref<128x144xf32, #tpu.memory_space<vmem>> -> memref<128x144xf32, #tpu.memory_space<vmem>>
        %dma_wait3A_60 = arith.constant 9616 : i32
        %dma_wait3A_61 = arith.constant 0 : i32
        %dma_wait3A_62 = tpu.memref_slice %arg9[%dma_wait3A_60, %dma_wait3A_61] : memref<10008x144xf32, #tpu.memory_space<vmem_shared>> -> memref<128x144xf32, #tpu.memory_space<vmem_shared>>
        %dma_wait3A_63 = arith.constant 9616 : i32
        %dma_wait3A_64 = arith.constant 0 : i32
        %dma_wait3A_65 = tpu.memref_slice %arg9[%dma_wait3A_63, %dma_wait3A_64] : memref<10008x144xf32, #tpu.memory_space<vmem_shared>> -> memref<128x144xf32, #tpu.memory_space<vmem_shared>>
        %dma_wait3A_66 = arith.constant 0 : i32
        %dma_wait3A_67 = arith.constant 0 : i32
        %dma_wait3A_68 = tpu.memref_slice %arg15[%dma_wait3A_66, %dma_wait3A_67] : memref<128x144xf32, #tpu.memory_space<vmem>> -> memref<128x144xf32, #tpu.memory_space<vmem>>
        tpu.wait_dma2 semaphore(%run_scoped3A : memref<!tpu.dma_semaphore, #tpu.memory_space<semaphore_mem>>) src(%dma_wait3A_68 : memref<128x144xf32, #tpu.memory_space<vmem>>) dst(%dma_wait3A_65 : memref<128x144xf32, #tpu.memory_space<vmem_shared>>)
        tpu.yield
      }) : () -> ()
      "tpu.region"() ({
        %run_scoped3A = tpu.sem_alloc : memref<!tpu.dma_semaphore, #tpu.memory_space<semaphore_mem>>
        %dma_start3A = arith.constant 0 : i32
        %dma_start3A_47 = arith.constant 0 : i32
        %dma_start3A_48 = tpu.memref_slice %arg15[%dma_start3A, %dma_start3A_47] : memref<128x144xf32, #tpu.memory_space<vmem>> -> memref<128x144xf32, #tpu.memory_space<vmem>>
        %dma_start3A_49 = arith.constant 9744 : i32
        %dma_start3A_50 = arith.constant 0 : i32
        %dma_start3A_51 = tpu.memref_slice %arg9[%dma_start3A_49, %dma_start3A_50] : memref<10008x144xf32, #tpu.memory_space<vmem_shared>> -> memref<128x144xf32, #tpu.memory_space<vmem_shared>>
        %dma_start3A_52 = arith.constant 9744 : i32
        %dma_start3A_53 = arith.constant 0 : i32
        %dma_start3A_54 = tpu.memref_slice %arg9[%dma_start3A_52, %dma_start3A_53] : memref<10008x144xf32, #tpu.memory_space<vmem_shared>> -> memref<128x144xf32, #tpu.memory_space<vmem_shared>>
        %dma_start3A_55 = arith.constant 0 : i32
        %dma_start3A_56 = arith.constant 0 : i32
        %dma_start3A_57 = tpu.memref_slice %arg15[%dma_start3A_55, %dma_start3A_56] : memref<128x144xf32, #tpu.memory_space<vmem>> -> memref<128x144xf32, #tpu.memory_space<vmem>>
        tpu.enqueue_dma source(%dma_start3A_57 : memref<128x144xf32, #tpu.memory_space<vmem>>) target(%dma_start3A_54 : memref<128x144xf32, #tpu.memory_space<vmem_shared>>) target_semaphore(%run_scoped3A : memref<!tpu.dma_semaphore, #tpu.memory_space<semaphore_mem>>)
        %dma_wait3A = arith.constant 0 : i32
        %dma_wait3A_58 = arith.constant 0 : i32
        %dma_wait3A_59 = tpu.memref_slice %arg15[%dma_wait3A, %dma_wait3A_58] : memref<128x144xf32, #tpu.memory_space<vmem>> -> memref<128x144xf32, #tpu.memory_space<vmem>>
        %dma_wait3A_60 = arith.constant 9744 : i32
        %dma_wait3A_61 = arith.constant 0 : i32
        %dma_wait3A_62 = tpu.memref_slice %arg9[%dma_wait3A_60, %dma_wait3A_61] : memref<10008x144xf32, #tpu.memory_space<vmem_shared>> -> memref<128x144xf32, #tpu.memory_space<vmem_shared>>
        %dma_wait3A_63 = arith.constant 9744 : i32
        %dma_wait3A_64 = arith.constant 0 : i32
        %dma_wait3A_65 = tpu.memref_slice %arg9[%dma_wait3A_63, %dma_wait3A_64] : memref<10008x144xf32, #tpu.memory_space<vmem_shared>> -> memref<128x144xf32, #tpu.memory_space<vmem_shared>>
        %dma_wait3A_66 = arith.constant 0 : i32
        %dma_wait3A_67 = arith.constant 0 : i32
        %dma_wait3A_68 = tpu.memref_slice %arg15[%dma_wait3A_66, %dma_wait3A_67] : memref<128x144xf32, #tpu.memory_space<vmem>> -> memref<128x144xf32, #tpu.memory_space<vmem>>
        tpu.wait_dma2 semaphore(%run_scoped3A : memref<!tpu.dma_semaphore, #tpu.memory_space<semaphore_mem>>) src(%dma_wait3A_68 : memref<128x144xf32, #tpu.memory_space<vmem>>) dst(%dma_wait3A_65 : memref<128x144xf32, #tpu.memory_space<vmem_shared>>)
        tpu.yield
      }) : () -> ()
      "tpu.region"() ({
        %run_scoped3A = tpu.sem_alloc : memref<!tpu.dma_semaphore, #tpu.memory_space<semaphore_mem>>
        %dma_start3A = arith.constant 0 : i32
        %dma_start3A_47 = arith.constant 0 : i32
        %dma_start3A_48 = tpu.memref_slice %arg15[%dma_start3A, %dma_start3A_47] : memref<128x144xf32, #tpu.memory_space<vmem>> -> memref<128x144xf32, #tpu.memory_space<vmem>>
        %dma_start3A_49 = arith.constant 9872 : i32
        %dma_start3A_50 = arith.constant 0 : i32
        %dma_start3A_51 = tpu.memref_slice %arg9[%dma_start3A_49, %dma_start3A_50] : memref<10008x144xf32, #tpu.memory_space<vmem_shared>> -> memref<128x144xf32, #tpu.memory_space<vmem_shared>>
        %dma_start3A_52 = arith.constant 9872 : i32
        %dma_start3A_53 = arith.constant 0 : i32
        %dma_start3A_54 = tpu.memref_slice %arg9[%dma_start3A_52, %dma_start3A_53] : memref<10008x144xf32, #tpu.memory_space<vmem_shared>> -> memref<128x144xf32, #tpu.memory_space<vmem_shared>>
        %dma_start3A_55 = arith.constant 0 : i32
        %dma_start3A_56 = arith.constant 0 : i32
        %dma_start3A_57 = tpu.memref_slice %arg15[%dma_start3A_55, %dma_start3A_56] : memref<128x144xf32, #tpu.memory_space<vmem>> -> memref<128x144xf32, #tpu.memory_space<vmem>>
        tpu.enqueue_dma source(%dma_start3A_57 : memref<128x144xf32, #tpu.memory_space<vmem>>) target(%dma_start3A_54 : memref<128x144xf32, #tpu.memory_space<vmem_shared>>) target_semaphore(%run_scoped3A : memref<!tpu.dma_semaphore, #tpu.memory_space<semaphore_mem>>)
        %dma_wait3A = arith.constant 0 : i32
        %dma_wait3A_58 = arith.constant 0 : i32
        %dma_wait3A_59 = tpu.memref_slice %arg15[%dma_wait3A, %dma_wait3A_58] : memref<128x144xf32, #tpu.memory_space<vmem>> -> memref<128x144xf32, #tpu.memory_space<vmem>>
        %dma_wait3A_60 = arith.constant 9872 : i32
        %dma_wait3A_61 = arith.constant 0 : i32
        %dma_wait3A_62 = tpu.memref_slice %arg9[%dma_wait3A_60, %dma_wait3A_61] : memref<10008x144xf32, #tpu.memory_space<vmem_shared>> -> memref<128x144xf32, #tpu.memory_space<vmem_shared>>
        %dma_wait3A_63 = arith.constant 9872 : i32
        %dma_wait3A_64 = arith.constant 0 : i32
        %dma_wait3A_65 = tpu.memref_slice %arg9[%dma_wait3A_63, %dma_wait3A_64] : memref<10008x144xf32, #tpu.memory_space<vmem_shared>> -> memref<128x144xf32, #tpu.memory_space<vmem_shared>>
        %dma_wait3A_66 = arith.constant 0 : i32
        %dma_wait3A_67 = arith.constant 0 : i32
        %dma_wait3A_68 = tpu.memref_slice %arg15[%dma_wait3A_66, %dma_wait3A_67] : memref<128x144xf32, #tpu.memory_space<vmem>> -> memref<128x144xf32, #tpu.memory_space<vmem>>
        tpu.wait_dma2 semaphore(%run_scoped3A : memref<!tpu.dma_semaphore, #tpu.memory_space<semaphore_mem>>) src(%dma_wait3A_68 : memref<128x144xf32, #tpu.memory_space<vmem>>) dst(%dma_wait3A_65 : memref<128x144xf32, #tpu.memory_space<vmem_shared>>)
        tpu.yield
      }) : () -> ()
      "tpu.region"() ({
        %run_scoped3A = tpu.sem_alloc : memref<!tpu.dma_semaphore, #tpu.memory_space<semaphore_mem>>
        %dma_start3A = arith.constant 0 : i32
        %dma_start3A_47 = arith.constant 0 : i32
        %dma_start3A_48 = tpu.memref_slice %arg15[%dma_start3A, %dma_start3A_47] : memref<128x144xf32, #tpu.memory_space<vmem>> -> memref<8x144xf32, #tpu.memory_space<vmem>>
        %dma_start3A_49 = arith.constant 10000 : i32
        %dma_start3A_50 = arith.constant 0 : i32
        %dma_start3A_51 = tpu.memref_slice %arg9[%dma_start3A_49, %dma_start3A_50] : memref<10008x144xf32, #tpu.memory_space<vmem_shared>> -> memref<8x144xf32, #tpu.memory_space<vmem_shared>>
        %dma_start3A_52 = arith.constant 10000 : i32
        %dma_start3A_53 = arith.constant 0 : i32
        %dma_start3A_54 = tpu.memref_slice %arg9[%dma_start3A_52, %dma_start3A_53] : memref<10008x144xf32, #tpu.memory_space<vmem_shared>> -> memref<8x144xf32, #tpu.memory_space<vmem_shared>>
        %dma_start3A_55 = arith.constant 0 : i32
        %dma_start3A_56 = arith.constant 0 : i32
        %dma_start3A_57 = tpu.memref_slice %arg15[%dma_start3A_55, %dma_start3A_56] : memref<128x144xf32, #tpu.memory_space<vmem>> -> memref<8x144xf32, #tpu.memory_space<vmem>>
        tpu.enqueue_dma source(%dma_start3A_57 : memref<8x144xf32, #tpu.memory_space<vmem>>) target(%dma_start3A_54 : memref<8x144xf32, #tpu.memory_space<vmem_shared>>) target_semaphore(%run_scoped3A : memref<!tpu.dma_semaphore, #tpu.memory_space<semaphore_mem>>)
        %dma_wait3A = arith.constant 0 : i32
        %dma_wait3A_58 = arith.constant 0 : i32
        %dma_wait3A_59 = tpu.memref_slice %arg15[%dma_wait3A, %dma_wait3A_58] : memref<128x144xf32, #tpu.memory_space<vmem>> -> memref<8x144xf32, #tpu.memory_space<vmem>>
        %dma_wait3A_60 = arith.constant 10000 : i32
        %dma_wait3A_61 = arith.constant 0 : i32
        %dma_wait3A_62 = tpu.memref_slice %arg9[%dma_wait3A_60, %dma_wait3A_61] : memref<10008x144xf32, #tpu.memory_space<vmem_shared>> -> memref<8x144xf32, #tpu.memory_space<vmem_shared>>
        %dma_wait3A_63 = arith.constant 10000 : i32
        %dma_wait3A_64 = arith.constant 0 : i32
        %dma_wait3A_65 = tpu.memref_slice %arg9[%dma_wait3A_63, %dma_wait3A_64] : memref<10008x144xf32, #tpu.memory_space<vmem_shared>> -> memref<8x144xf32, #tpu.memory_space<vmem_shared>>
        %dma_wait3A_66 = arith.constant 0 : i32
        %dma_wait3A_67 = arith.constant 0 : i32
        %dma_wait3A_68 = tpu.memref_slice %arg15[%dma_wait3A_66, %dma_wait3A_67] : memref<128x144xf32, #tpu.memory_space<vmem>> -> memref<8x144xf32, #tpu.memory_space<vmem>>
        tpu.wait_dma2 semaphore(%run_scoped3A : memref<!tpu.dma_semaphore, #tpu.memory_space<semaphore_mem>>) src(%dma_wait3A_68 : memref<8x144xf32, #tpu.memory_space<vmem>>) dst(%dma_wait3A_65 : memref<8x144xf32, #tpu.memory_space<vmem_shared>>)
        tpu.yield
      }) : () -> ()
    } else {
    }
    %barrier3A = arith.constant 0 : index
    tpu.barrier barrier_id(%barrier3A)
    %eq3A_14 = arith.constant 0 : i32
    %eq3A_15 = arith.cmpi eq, %arg0, %eq3A_14 : i32
    %mul3A_16 = arith.constant 12032 : i32
    %mul3A_17 = arith.muli %arg1, %mul3A_16 : i32
    %mul3A_18 = arith.constant 8192 : i32
    %mul3A_19 = arith.muli %arg1, %mul3A_18 : i32
    %add3A_20 = arith.constant 192512 : i32
    %add3A_21 = arith.addi %add3A_20, %mul3A_19 : i32
    %select_n3A = arith.select %eq3A_15, %mul3A_17, %add3A_21 : i32
    %eq3A_22 = arith.constant 0 : i32
    %eq3A_23 = arith.cmpi eq, %arg0, %eq3A_22 : i32
    %jit3A = arith.constant 94 : i32
    %jit3A_24 = arith.constant 64 : i32
    %select_n3A_25 = arith.select %eq3A_23, %jit3A, %jit3A_24 : i32
    %get3A = arith.constant 0 : index
    %get3A_26 = tpu.vector_load %arg12[%get3A] {strides = array<i32>} : memref<16xf32, #tpu.memory_space<vmem>>, vector<16xf32>,
    %slice3A = vector.extract_strided_slice %get3A_26 {offsets = [0], sizes = [1], strides = [1]} : vector<16xf32> to vector<1xf32>
    %squeeze3A = vector.extract %slice3A[0] : f32 from vector<1xf32>
    %while3A = arith.constant 0 : i32
    %while3A_27 = arith.constant 0 : i32
    %while3A_28 = arith.subi %select_n3A_25, %while3A_27 : i32
    %while3A_29 = arith.addi %while3A_27, %while3A_28 : i32
    %while3A_30 = arith.constant 1 : i32
    %while3A_31 = arith.divsi %while3A_28, %while3A_30 : i32
    %while3A_32 = arith.muli %while3A_31, %while3A_30 : i32
    %while3A_33 = arith.addi %while3A_27, %while3A_32 : i32
    %while3A_34 = arith.constant 1 : i32
    scf.for %while3A_47 = %while3A_27 to %while3A_33 step %while3A_34  : i32 {
      %mul3A_48 = arith.constant 128 : i32
      %mul3A_49 = arith.muli %while3A_47, %mul3A_48 : i32
      %add3A_50 = arith.addi %select_n3A, %mul3A_49 : i32
      "tpu.region"() ({
        %run_scoped3A = tpu.sem_alloc : memref<!tpu.dma_semaphore, #tpu.memory_space<semaphore_mem>>
        %dma_start3A_208 = tpu.memref_slice %arg6[%add3A_50] : memref<323584xi32, #tpu.memory_space<hbm>> -> memref<128xi32, #tpu.memory_space<hbm>>
        %dma_start3A_209 = tpu.memref_slice %arg6[%add3A_50] : memref<323584xi32, #tpu.memory_space<hbm>> -> memref<128xi32, #tpu.memory_space<hbm>>
        tpu.enqueue_dma source(%dma_start3A_209 : memref<128xi32, #tpu.memory_space<hbm>>) target(%arg13 : memref<128xi32, #tpu.memory_space<vmem>>) target_semaphore(%run_scoped3A : memref<!tpu.dma_semaphore, #tpu.memory_space<semaphore_mem>>)
        %dma_wait3A_210 = tpu.memref_slice %arg6[%add3A_50] : memref<323584xi32, #tpu.memory_space<hbm>> -> memref<128xi32, #tpu.memory_space<hbm>>
        %dma_wait3A_211 = tpu.memref_slice %arg6[%add3A_50] : memref<323584xi32, #tpu.memory_space<hbm>> -> memref<128xi32, #tpu.memory_space<hbm>>
        tpu.wait_dma2 semaphore(%run_scoped3A : memref<!tpu.dma_semaphore, #tpu.memory_space<semaphore_mem>>) src(%dma_wait3A_211 : memref<128xi32, #tpu.memory_space<hbm>>) dst(%arg13 : memref<128xi32, #tpu.memory_space<vmem>>)
        tpu.yield
      }) : () -> ()
      "tpu.region"() ({
        %run_scoped3A = tpu.sem_alloc : memref<!tpu.dma_semaphore, #tpu.memory_space<semaphore_mem>>
        %dma_start3A_208 = tpu.memref_slice %arg7[%add3A_50] : memref<323584xi32, #tpu.memory_space<hbm>> -> memref<128xi32, #tpu.memory_space<hbm>>
        %dma_start3A_209 = tpu.memref_slice %arg7[%add3A_50] : memref<323584xi32, #tpu.memory_space<hbm>> -> memref<128xi32, #tpu.memory_space<hbm>>
        tpu.enqueue_dma source(%dma_start3A_209 : memref<128xi32, #tpu.memory_space<hbm>>) target(%arg14 : memref<128xi32, #tpu.memory_space<vmem>>) target_semaphore(%run_scoped3A : memref<!tpu.dma_semaphore, #tpu.memory_space<semaphore_mem>>)
        %dma_wait3A_210 = tpu.memref_slice %arg7[%add3A_50] : memref<323584xi32, #tpu.memory_space<hbm>> -> memref<128xi32, #tpu.memory_space<hbm>>
        %dma_wait3A_211 = tpu.memref_slice %arg7[%add3A_50] : memref<323584xi32, #tpu.memory_space<hbm>> -> memref<128xi32, #tpu.memory_space<hbm>>
        tpu.wait_dma2 semaphore(%run_scoped3A : memref<!tpu.dma_semaphore, #tpu.memory_space<semaphore_mem>>) src(%dma_wait3A_211 : memref<128xi32, #tpu.memory_space<hbm>>) dst(%arg14 : memref<128xi32, #tpu.memory_space<vmem>>)
        tpu.yield
      }) : () -> ()
      %dma_start3A = arith.constant 0 : i32
      %dma_start3A_51 = arith.constant 0 : i32
      %dma_start3A_52 = tpu.memref_slice %arg2[%dma_start3A, %dma_start3A_51] : memref<10008x144xf32, #tpu.memory_space<hbm>> -> memref<10008x144xf32, #tpu.memory_space<hbm>>
      tpu.enqueue_indirect_dma source(%dma_start3A_52 : memref<10008x144xf32, #tpu.memory_space<hbm>>) target(%arg15 : memref<128x144xf32, #tpu.memory_space<vmem>>) offsets(%arg13 : memref<128xi32, #tpu.memory_space<vmem>>) semaphore(%arg17 : memref<!tpu.dma_semaphore, #tpu.memory_space<semaphore_mem>>)
      %get3A_53 = arith.constant 0 : index
      %get3A_54 = tpu.vector_load %arg13[%get3A_53] {strides = array<i32>} : memref<128xi32, #tpu.memory_space<vmem>>, vector<16xi32>,
      %get3A_55 = arith.constant 0 : index
      %get3A_56 = tpu.vector_load %arg14[%get3A_55] {strides = array<i32>} : memref<128xi32, #tpu.memory_space<vmem>>, vector<16xi32>,
      %gather3A = tpu.vector_load_idx %arg10[%get3A_54] : memref<10008xf32, #tpu.memory_space<vmem>>[vector<16xi32>], vector<16xf32>,
      %gather3A_57 = tpu.vector_load_idx %arg11[%get3A_56] : memref<10008xf32, #tpu.memory_space<vmem>>[vector<16xi32>], vector<16xf32>,
      %add3A_58 = arith.addf %gather3A, %gather3A_57 : vector<16xf32>
      %gt3A = arith.constant 0.000000e+00 : f32
      %gt3A_59 = vector.broadcast %gt3A : f32 to vector<16xf32>
      %gt3A_60 = arith.cmpf ogt, %add3A_58, %gt3A_59 : vector<16xf32>
      %mul3A_61 = arith.constant 2.000000e-01 : f32
      %mul3A_62 = vector.broadcast %mul3A_61 : f32 to vector<16xf32>
      %mul3A_63 = arith.mulf %add3A_58, %mul3A_62 : vector<16xf32>
      %select_n3A_64 = arith.select %gt3A_60, %add3A_58, %mul3A_63 : vector<16xi1>, vector<16xf32>
      %sub3A = vector.broadcast %squeeze3A : f32 to vector<16xf32>
      %sub3A_65 = arith.subf %select_n3A_64, %sub3A : vector<16xf32>
      %exp3A = math.exp %sub3A_65 : vector<16xf32>
      %swap3A = arith.constant 0 : index
      %swap3A_66 = tpu.vector_load %arg16[%swap3A] {strides = array<i32>} : memref<128xf32, #tpu.memory_space<vmem>>, vector<16xf32>,
      tpu.vector_store %arg16[%swap3A], %exp3A {strides = array<i32>} : memref<128xf32, #tpu.memory_space<vmem>>, vector<16xf32>,
      %get3A_67 = arith.constant 16 : index
      %get3A_68 = tpu.vector_load %arg13[%get3A_67] {strides = array<i32>} : memref<128xi32, #tpu.memory_space<vmem>>, vector<16xi32>,
      %get3A_69 = arith.constant 16 : index
      %get3A_70 = tpu.vector_load %arg14[%get3A_69] {strides = array<i32>} : memref<128xi32, #tpu.memory_space<vmem>>, vector<16xi32>,
      %gather3A_71 = tpu.vector_load_idx %arg10[%get3A_68] : memref<10008xf32, #tpu.memory_space<vmem>>[vector<16xi32>], vector<16xf32>,
      %gather3A_72 = tpu.vector_load_idx %arg11[%get3A_70] : memref<10008xf32, #tpu.memory_space<vmem>>[vector<16xi32>], vector<16xf32>,
      %add3A_73 = arith.addf %gather3A_71, %gather3A_72 : vector<16xf32>
      %gt3A_74 = arith.constant 0.000000e+00 : f32
      %gt3A_75 = vector.broadcast %gt3A_74 : f32 to vector<16xf32>
      %gt3A_76 = arith.cmpf ogt, %add3A_73, %gt3A_75 : vector<16xf32>
      %mul3A_77 = arith.constant 2.000000e-01 : f32
      %mul3A_78 = vector.broadcast %mul3A_77 : f32 to vector<16xf32>
      %mul3A_79 = arith.mulf %add3A_73, %mul3A_78 : vector<16xf32>
      %select_n3A_80 = arith.select %gt3A_76, %add3A_73, %mul3A_79 : vector<16xi1>, vector<16xf32>
      %sub3A_81 = vector.broadcast %squeeze3A : f32 to vector<16xf32>
      %sub3A_82 = arith.subf %select_n3A_80, %sub3A_81 : vector<16xf32>
      %exp3A_83 = math.exp %sub3A_82 : vector<16xf32>
      %swap3A_84 = arith.constant 16 : index
      %swap3A_85 = tpu.vector_load %arg16[%swap3A_84] {strides = array<i32>} : memref<128xf32, #tpu.memory_space<vmem>>, vector<16xf32>,
      tpu.vector_store %arg16[%swap3A_84], %exp3A_83 {strides = array<i32>} : memref<128xf32, #tpu.memory_space<vmem>>, vector<16xf32>,
      %get3A_86 = arith.constant 32 : index
      %get3A_87 = tpu.vector_load %arg13[%get3A_86] {strides = array<i32>} : memref<128xi32, #tpu.memory_space<vmem>>, vector<16xi32>,
      %get3A_88 = arith.constant 32 : index
      %get3A_89 = tpu.vector_load %arg14[%get3A_88] {strides = array<i32>} : memref<128xi32, #tpu.memory_space<vmem>>, vector<16xi32>,
      %gather3A_90 = tpu.vector_load_idx %arg10[%get3A_87] : memref<10008xf32, #tpu.memory_space<vmem>>[vector<16xi32>], vector<16xf32>,
      %gather3A_91 = tpu.vector_load_idx %arg11[%get3A_89] : memref<10008xf32, #tpu.memory_space<vmem>>[vector<16xi32>], vector<16xf32>,
      %add3A_92 = arith.addf %gather3A_90, %gather3A_91 : vector<16xf32>
      %gt3A_93 = arith.constant 0.000000e+00 : f32
      %gt3A_94 = vector.broadcast %gt3A_93 : f32 to vector<16xf32>
      %gt3A_95 = arith.cmpf ogt, %add3A_92, %gt3A_94 : vector<16xf32>
      %mul3A_96 = arith.constant 2.000000e-01 : f32
      %mul3A_97 = vector.broadcast %mul3A_96 : f32 to vector<16xf32>
      %mul3A_98 = arith.mulf %add3A_92, %mul3A_97 : vector<16xf32>
      %select_n3A_99 = arith.select %gt3A_95, %add3A_92, %mul3A_98 : vector<16xi1>, vector<16xf32>
      %sub3A_100 = vector.broadcast %squeeze3A : f32 to vector<16xf32>
      %sub3A_101 = arith.subf %select_n3A_99, %sub3A_100 : vector<16xf32>
      %exp3A_102 = math.exp %sub3A_101 : vector<16xf32>
      %swap3A_103 = arith.constant 32 : index
      %swap3A_104 = tpu.vector_load %arg16[%swap3A_103] {strides = array<i32>} : memref<128xf32, #tpu.memory_space<vmem>>, vector<16xf32>,
      tpu.vector_store %arg16[%swap3A_103], %exp3A_102 {strides = array<i32>} : memref<128xf32, #tpu.memory_space<vmem>>, vector<16xf32>,
      %get3A_105 = arith.constant 48 : index
      %get3A_106 = tpu.vector_load %arg13[%get3A_105] {strides = array<i32>} : memref<128xi32, #tpu.memory_space<vmem>>, vector<16xi32>,
      %get3A_107 = arith.constant 48 : index
      %get3A_108 = tpu.vector_load %arg14[%get3A_107] {strides = array<i32>} : memref<128xi32, #tpu.memory_space<vmem>>, vector<16xi32>,
      %gather3A_109 = tpu.vector_load_idx %arg10[%get3A_106] : memref<10008xf32, #tpu.memory_space<vmem>>[vector<16xi32>], vector<16xf32>,
      %gather3A_110 = tpu.vector_load_idx %arg11[%get3A_108] : memref<10008xf32, #tpu.memory_space<vmem>>[vector<16xi32>], vector<16xf32>,
      %add3A_111 = arith.addf %gather3A_109, %gather3A_110 : vector<16xf32>
      %gt3A_112 = arith.constant 0.000000e+00 : f32
      %gt3A_113 = vector.broadcast %gt3A_112 : f32 to vector<16xf32>
      %gt3A_114 = arith.cmpf ogt, %add3A_111, %gt3A_113 : vector<16xf32>
      %mul3A_115 = arith.constant 2.000000e-01 : f32
      %mul3A_116 = vector.broadcast %mul3A_115 : f32 to vector<16xf32>
      %mul3A_117 = arith.mulf %add3A_111, %mul3A_116 : vector<16xf32>
      %select_n3A_118 = arith.select %gt3A_114, %add3A_111, %mul3A_117 : vector<16xi1>, vector<16xf32>
      %sub3A_119 = vector.broadcast %squeeze3A : f32 to vector<16xf32>
      %sub3A_120 = arith.subf %select_n3A_118, %sub3A_119 : vector<16xf32>
      %exp3A_121 = math.exp %sub3A_120 : vector<16xf32>
      %swap3A_122 = arith.constant 48 : index
      %swap3A_123 = tpu.vector_load %arg16[%swap3A_122] {strides = array<i32>} : memref<128xf32, #tpu.memory_space<vmem>>, vector<16xf32>,
      tpu.vector_store %arg16[%swap3A_122], %exp3A_121 {strides = array<i32>} : memref<128xf32, #tpu.memory_space<vmem>>, vector<16xf32>,
      %get3A_124 = arith.constant 64 : index
      %get3A_125 = tpu.vector_load %arg13[%get3A_124] {strides = array<i32>} : memref<128xi32, #tpu.memory_space<vmem>>, vector<16xi32>,
      %get3A_126 = arith.constant 64 : index
      %get3A_127 = tpu.vector_load %arg14[%get3A_126] {strides = array<i32>} : memref<128xi32, #tpu.memory_space<vmem>>, vector<16xi32>,
      %gather3A_128 = tpu.vector_load_idx %arg10[%get3A_125] : memref<10008xf32, #tpu.memory_space<vmem>>[vector<16xi32>], vector<16xf32>,
      %gather3A_129 = tpu.vector_load_idx %arg11[%get3A_127] : memref<10008xf32, #tpu.memory_space<vmem>>[vector<16xi32>], vector<16xf32>,
      %add3A_130 = arith.addf %gather3A_128, %gather3A_129 : vector<16xf32>
      %gt3A_131 = arith.constant 0.000000e+00 : f32
      %gt3A_132 = vector.broadcast %gt3A_131 : f32 to vector<16xf32>
      %gt3A_133 = arith.cmpf ogt, %add3A_130, %gt3A_132 : vector<16xf32>
      %mul3A_134 = arith.constant 2.000000e-01 : f32
      %mul3A_135 = vector.broadcast %mul3A_134 : f32 to vector<16xf32>
      %mul3A_136 = arith.mulf %add3A_130, %mul3A_135 : vector<16xf32>
      %select_n3A_137 = arith.select %gt3A_133, %add3A_130, %mul3A_136 : vector<16xi1>, vector<16xf32>
      %sub3A_138 = vector.broadcast %squeeze3A : f32 to vector<16xf32>
      %sub3A_139 = arith.subf %select_n3A_137, %sub3A_138 : vector<16xf32>
      %exp3A_140 = math.exp %sub3A_139 : vector<16xf32>
      %swap3A_141 = arith.constant 64 : index
      %swap3A_142 = tpu.vector_load %arg16[%swap3A_141] {strides = array<i32>} : memref<128xf32, #tpu.memory_space<vmem>>, vector<16xf32>,
      tpu.vector_store %arg16[%swap3A_141], %exp3A_140 {strides = array<i32>} : memref<128xf32, #tpu.memory_space<vmem>>, vector<16xf32>,
      %get3A_143 = arith.constant 80 : index
      %get3A_144 = tpu.vector_load %arg13[%get3A_143] {strides = array<i32>} : memref<128xi32, #tpu.memory_space<vmem>>, vector<16xi32>,
      %get3A_145 = arith.constant 80 : index
      %get3A_146 = tpu.vector_load %arg14[%get3A_145] {strides = array<i32>} : memref<128xi32, #tpu.memory_space<vmem>>, vector<16xi32>,
      %gather3A_147 = tpu.vector_load_idx %arg10[%get3A_144] : memref<10008xf32, #tpu.memory_space<vmem>>[vector<16xi32>], vector<16xf32>,
      %gather3A_148 = tpu.vector_load_idx %arg11[%get3A_146] : memref<10008xf32, #tpu.memory_space<vmem>>[vector<16xi32>], vector<16xf32>,
      %add3A_149 = arith.addf %gather3A_147, %gather3A_148 : vector<16xf32>
      %gt3A_150 = arith.constant 0.000000e+00 : f32
      %gt3A_151 = vector.broadcast %gt3A_150 : f32 to vector<16xf32>
      %gt3A_152 = arith.cmpf ogt, %add3A_149, %gt3A_151 : vector<16xf32>
      %mul3A_153 = arith.constant 2.000000e-01 : f32
      %mul3A_154 = vector.broadcast %mul3A_153 : f32 to vector<16xf32>
      %mul3A_155 = arith.mulf %add3A_149, %mul3A_154 : vector<16xf32>
      %select_n3A_156 = arith.select %gt3A_152, %add3A_149, %mul3A_155 : vector<16xi1>, vector<16xf32>
      %sub3A_157 = vector.broadcast %squeeze3A : f32 to vector<16xf32>
      %sub3A_158 = arith.subf %select_n3A_156, %sub3A_157 : vector<16xf32>
      %exp3A_159 = math.exp %sub3A_158 : vector<16xf32>
      %swap3A_160 = arith.constant 80 : index
      %swap3A_161 = tpu.vector_load %arg16[%swap3A_160] {strides = array<i32>} : memref<128xf32, #tpu.memory_space<vmem>>, vector<16xf32>,
      tpu.vector_store %arg16[%swap3A_160], %exp3A_159 {strides = array<i32>} : memref<128xf32, #tpu.memory_space<vmem>>, vector<16xf32>,
      %get3A_162 = arith.constant 96 : index
      %get3A_163 = tpu.vector_load %arg13[%get3A_162] {strides = array<i32>} : memref<128xi32, #tpu.memory_space<vmem>>, vector<16xi32>,
      %get3A_164 = arith.constant 96 : index
      %get3A_165 = tpu.vector_load %arg14[%get3A_164] {strides = array<i32>} : memref<128xi32, #tpu.memory_space<vmem>>, vector<16xi32>,
      %gather3A_166 = tpu.vector_load_idx %arg10[%get3A_163] : memref<10008xf32, #tpu.memory_space<vmem>>[vector<16xi32>], vector<16xf32>,
      %gather3A_167 = tpu.vector_load_idx %arg11[%get3A_165] : memref<10008xf32, #tpu.memory_space<vmem>>[vector<16xi32>], vector<16xf32>,
      %add3A_168 = arith.addf %gather3A_166, %gather3A_167 : vector<16xf32>
      %gt3A_169 = arith.constant 0.000000e+00 : f32
      %gt3A_170 = vector.broadcast %gt3A_169 : f32 to vector<16xf32>
      %gt3A_171 = arith.cmpf ogt, %add3A_168, %gt3A_170 : vector<16xf32>
      %mul3A_172 = arith.constant 2.000000e-01 : f32
      %mul3A_173 = vector.broadcast %mul3A_172 : f32 to vector<16xf32>
      %mul3A_174 = arith.mulf %add3A_168, %mul3A_173 : vector<16xf32>
      %select_n3A_175 = arith.select %gt3A_171, %add3A_168, %mul3A_174 : vector<16xi1>, vector<16xf32>
      %sub3A_176 = vector.broadcast %squeeze3A : f32 to vector<16xf32>
      %sub3A_177 = arith.subf %select_n3A_175, %sub3A_176 : vector<16xf32>
      %exp3A_178 = math.exp %sub3A_177 : vector<16xf32>
      %swap3A_179 = arith.constant 96 : index
      %swap3A_180 = tpu.vector_load %arg16[%swap3A_179] {strides = array<i32>} : memref<128xf32, #tpu.memory_space<vmem>>, vector<16xf32>,
      tpu.vector_store %arg16[%swap3A_179], %exp3A_178 {strides = array<i32>} : memref<128xf32, #tpu.memory_space<vmem>>, vector<16xf32>,
      %get3A_181 = arith.constant 112 : index
      %get3A_182 = tpu.vector_load %arg13[%get3A_181] {strides = array<i32>} : memref<128xi32, #tpu.memory_space<vmem>>, vector<16xi32>,
      %get3A_183 = arith.constant 112 : index
      %get3A_184 = tpu.vector_load %arg14[%get3A_183] {strides = array<i32>} : memref<128xi32, #tpu.memory_space<vmem>>, vector<16xi32>,
      %gather3A_185 = tpu.vector_load_idx %arg10[%get3A_182] : memref<10008xf32, #tpu.memory_space<vmem>>[vector<16xi32>], vector<16xf32>,
      %gather3A_186 = tpu.vector_load_idx %arg11[%get3A_184] : memref<10008xf32, #tpu.memory_space<vmem>>[vector<16xi32>], vector<16xf32>,
      %add3A_187 = arith.addf %gather3A_185, %gather3A_186 : vector<16xf32>
      %gt3A_188 = arith.constant 0.000000e+00 : f32
      %gt3A_189 = vector.broadcast %gt3A_188 : f32 to vector<16xf32>
      %gt3A_190 = arith.cmpf ogt, %add3A_187, %gt3A_189 : vector<16xf32>
      %mul3A_191 = arith.constant 2.000000e-01 : f32
      %mul3A_192 = vector.broadcast %mul3A_191 : f32 to vector<16xf32>
      %mul3A_193 = arith.mulf %add3A_187, %mul3A_192 : vector<16xf32>
      %select_n3A_194 = arith.select %gt3A_190, %add3A_187, %mul3A_193 : vector<16xi1>, vector<16xf32>
      %sub3A_195 = vector.broadcast %squeeze3A : f32 to vector<16xf32>
      %sub3A_196 = arith.subf %select_n3A_194, %sub3A_195 : vector<16xf32>
      %exp3A_197 = math.exp %sub3A_196 : vector<16xf32>
      %swap3A_198 = arith.constant 112 : index
      %swap3A_199 = tpu.vector_load %arg16[%swap3A_198] {strides = array<i32>} : memref<128xf32, #tpu.memory_space<vmem>>, vector<16xf32>,
      tpu.vector_store %arg16[%swap3A_198], %exp3A_197 {strides = array<i32>} : memref<128xf32, #tpu.memory_space<vmem>>, vector<16xf32>,
      %dma_wait3A = arith.constant 0 : i32
      %dma_wait3A_200 = arith.constant 0 : i32
      %dma_wait3A_201 = tpu.memref_slice %arg2[%dma_wait3A, %dma_wait3A_200] : memref<10008x144xf32, #tpu.memory_space<hbm>> -> memref<10008x144xf32, #tpu.memory_space<hbm>>
      tpu.wait_indirect_dma semaphore(%arg17 : memref<!tpu.dma_semaphore, #tpu.memory_space<semaphore_mem>>) src(%dma_wait3A_201 : memref<10008x144xf32, #tpu.memory_space<hbm>>) dst(%arg15 : memref<128x144xf32, #tpu.memory_space<vmem>>)
      %scan3A_202 = arith.constant 0 : i32
      %scan3A_203 = arith.constant 0 : i32
      %scan3A_204 = arith.constant 8 : i32
      %scan3A_205 = arith.addi %scan3A_203, %scan3A_204 : i32
      %scan3A_206 = arith.constant 1 : i32
      scf.for %scan3A_208 = %scan3A_203 to %scan3A_205 step %scan3A_206  : i32 {
        %mul3A_209 = arith.constant 16 : i32
        %mul3A_210 = arith.muli %scan3A_208, %mul3A_209 : i32
        %get3A_211 = arith.index_cast %mul3A_210 : i32 to index
        %get3A_212 = tpu.vector_load %arg16[%get3A_211] {strides = array<i32>} : memref<128xf32, #tpu.memory_space<vmem>>, vector<16xf32>,
        %slice3A_213 = vector.extract_strided_slice %get3A_212 {offsets = [0], sizes = [1], strides = [1]} : vector<16xf32> to vector<1xf32>
        %squeeze3A_214 = vector.extract %slice3A_213[0] : f32 from vector<1xf32>
        %mul3A_215 = arith.constant 16 : i32
        %mul3A_216 = arith.muli %scan3A_208, %mul3A_215 : i32
        %add3A_217 = arith.constant 0 : i32
        %add3A_218 = arith.addi %mul3A_216, %add3A_217 : i32
        %get3A_219 = arith.index_cast %add3A_218 : i32 to index
        %get3A_220 = arith.constant 0 : index
        %get3A_221 = tpu.vector_load %arg15[%get3A_219, %get3A_220] {strides = array<i32>} : memref<128x144xf32, #tpu.memory_space<vmem>>, vector<16xf32>,
        %mul3A_222 = vector.broadcast %squeeze3A_214 : f32 to vector<16xf32>
        %mul3A_223 = arith.mulf %get3A_221, %mul3A_222 : vector<16xf32>
        %swap3A_224 = arith.index_cast %add3A_218 : i32 to index
        %swap3A_225 = arith.constant 0 : index
        %swap3A_226 = tpu.vector_load %arg15[%swap3A_224, %swap3A_225] {strides = array<i32>} : memref<128x144xf32, #tpu.memory_space<vmem>>, vector<16xf32>,
        tpu.vector_store %arg15[%swap3A_224, %swap3A_225], %mul3A_223 {strides = array<i32>} : memref<128x144xf32, #tpu.memory_space<vmem>>, vector<16xf32>,
        %get3A_227 = arith.index_cast %add3A_218 : i32 to index
        %get3A_228 = arith.constant 16 : index
        %get3A_229 = tpu.vector_load %arg15[%get3A_227, %get3A_228] {strides = array<i32>} : memref<128x144xf32, #tpu.memory_space<vmem>>, vector<16xf32>,
        %mul3A_230 = vector.broadcast %squeeze3A_214 : f32 to vector<16xf32>
        %mul3A_231 = arith.mulf %get3A_229, %mul3A_230 : vector<16xf32>
        %swap3A_232 = arith.index_cast %add3A_218 : i32 to index
        %swap3A_233 = arith.constant 16 : index
        %swap3A_234 = tpu.vector_load %arg15[%swap3A_232, %swap3A_233] {strides = array<i32>} : memref<128x144xf32, #tpu.memory_space<vmem>>, vector<16xf32>,
        tpu.vector_store %arg15[%swap3A_232, %swap3A_233], %mul3A_231 {strides = array<i32>} : memref<128x144xf32, #tpu.memory_space<vmem>>, vector<16xf32>,
        %get3A_235 = arith.index_cast %add3A_218 : i32 to index
        %get3A_236 = arith.constant 32 : index
        %get3A_237 = tpu.vector_load %arg15[%get3A_235, %get3A_236] {strides = array<i32>} : memref<128x144xf32, #tpu.memory_space<vmem>>, vector<16xf32>,
        %mul3A_238 = vector.broadcast %squeeze3A_214 : f32 to vector<16xf32>
        %mul3A_239 = arith.mulf %get3A_237, %mul3A_238 : vector<16xf32>
        %swap3A_240 = arith.index_cast %add3A_218 : i32 to index
        %swap3A_241 = arith.constant 32 : index
        %swap3A_242 = tpu.vector_load %arg15[%swap3A_240, %swap3A_241] {strides = array<i32>} : memref<128x144xf32, #tpu.memory_space<vmem>>, vector<16xf32>,
        tpu.vector_store %arg15[%swap3A_240, %swap3A_241], %mul3A_239 {strides = array<i32>} : memref<128x144xf32, #tpu.memory_space<vmem>>, vector<16xf32>,
        %get3A_243 = arith.index_cast %add3A_218 : i32 to index
        %get3A_244 = arith.constant 48 : index
        %get3A_245 = tpu.vector_load %arg15[%get3A_243, %get3A_244] {strides = array<i32>} : memref<128x144xf32, #tpu.memory_space<vmem>>, vector<16xf32>,
        %mul3A_246 = vector.broadcast %squeeze3A_214 : f32 to vector<16xf32>
        %mul3A_247 = arith.mulf %get3A_245, %mul3A_246 : vector<16xf32>
        %swap3A_248 = arith.index_cast %add3A_218 : i32 to index
        %swap3A_249 = arith.constant 48 : index
        %swap3A_250 = tpu.vector_load %arg15[%swap3A_248, %swap3A_249] {strides = array<i32>} : memref<128x144xf32, #tpu.memory_space<vmem>>, vector<16xf32>,
        tpu.vector_store %arg15[%swap3A_248, %swap3A_249], %mul3A_247 {strides = array<i32>} : memref<128x144xf32, #tpu.memory_space<vmem>>, vector<16xf32>,
        %get3A_251 = arith.index_cast %add3A_218 : i32 to index
        %get3A_252 = arith.constant 64 : index
        %get3A_253 = tpu.vector_load %arg15[%get3A_251, %get3A_252] {strides = array<i32>} : memref<128x144xf32, #tpu.memory_space<vmem>>, vector<16xf32>,
        %mul3A_254 = vector.broadcast %squeeze3A_214 : f32 to vector<16xf32>
        %mul3A_255 = arith.mulf %get3A_253, %mul3A_254 : vector<16xf32>
        %swap3A_256 = arith.index_cast %add3A_218 : i32 to index
        %swap3A_257 = arith.constant 64 : index
        %swap3A_258 = tpu.vector_load %arg15[%swap3A_256, %swap3A_257] {strides = array<i32>} : memref<128x144xf32, #tpu.memory_space<vmem>>, vector<16xf32>,
        tpu.vector_store %arg15[%swap3A_256, %swap3A_257], %mul3A_255 {strides = array<i32>} : memref<128x144xf32, #tpu.memory_space<vmem>>, vector<16xf32>,
        %get3A_259 = arith.index_cast %add3A_218 : i32 to index
        %get3A_260 = arith.constant 80 : index
        %get3A_261 = tpu.vector_load %arg15[%get3A_259, %get3A_260] {strides = array<i32>} : memref<128x144xf32, #tpu.memory_space<vmem>>, vector<16xf32>,
        %mul3A_262 = vector.broadcast %squeeze3A_214 : f32 to vector<16xf32>
        %mul3A_263 = arith.mulf %get3A_261, %mul3A_262 : vector<16xf32>
        %swap3A_264 = arith.index_cast %add3A_218 : i32 to index
        %swap3A_265 = arith.constant 80 : index
        %swap3A_266 = tpu.vector_load %arg15[%swap3A_264, %swap3A_265] {strides = array<i32>} : memref<128x144xf32, #tpu.memory_space<vmem>>, vector<16xf32>,
        tpu.vector_store %arg15[%swap3A_264, %swap3A_265], %mul3A_263 {strides = array<i32>} : memref<128x144xf32, #tpu.memory_space<vmem>>, vector<16xf32>,
        %get3A_267 = arith.index_cast %add3A_218 : i32 to index
        %get3A_268 = arith.constant 96 : index
        %get3A_269 = tpu.vector_load %arg15[%get3A_267, %get3A_268] {strides = array<i32>} : memref<128x144xf32, #tpu.memory_space<vmem>>, vector<16xf32>,
        %mul3A_270 = vector.broadcast %squeeze3A_214 : f32 to vector<16xf32>
        %mul3A_271 = arith.mulf %get3A_269, %mul3A_270 : vector<16xf32>
        %swap3A_272 = arith.index_cast %add3A_218 : i32 to index
        %swap3A_273 = arith.constant 96 : index
        %swap3A_274 = tpu.vector_load %arg15[%swap3A_272, %swap3A_273] {strides = array<i32>} : memref<128x144xf32, #tpu.memory_space<vmem>>, vector<16xf32>,
        tpu.vector_store %arg15[%swap3A_272, %swap3A_273], %mul3A_271 {strides = array<i32>} : memref<128x144xf32, #tpu.memory_space<vmem>>, vector<16xf32>,
        %get3A_275 = arith.index_cast %add3A_218 : i32 to index
        %get3A_276 = arith.constant 112 : index
        %get3A_277 = tpu.vector_load %arg15[%get3A_275, %get3A_276] {strides = array<i32>} : memref<128x144xf32, #tpu.memory_space<vmem>>, vector<16xf32>,
        %mul3A_278 = vector.broadcast %squeeze3A_214 : f32 to vector<16xf32>
        %mul3A_279 = arith.mulf %get3A_277, %mul3A_278 : vector<16xf32>
        %swap3A_280 = arith.index_cast %add3A_218 : i32 to index
        %swap3A_281 = arith.constant 112 : index
        %swap3A_282 = tpu.vector_load %arg15[%swap3A_280, %swap3A_281] {strides = array<i32>} : memref<128x144xf32, #tpu.memory_space<vmem>>, vector<16xf32>,
        tpu.vector_store %arg15[%swap3A_280, %swap3A_281], %mul3A_279 {strides = array<i32>} : memref<128x144xf32, #tpu.memory_space<vmem>>, vector<16xf32>,
        %get3A_283 = arith.index_cast %add3A_218 : i32 to index
        %get3A_284 = arith.constant 128 : index
        %get3A_285 = tpu.vector_load %arg15[%get3A_283, %get3A_284] {strides = array<i32>} : memref<128x144xf32, #tpu.memory_space<vmem>>, vector<16xf32>,
        %mul3A_286 = vector.broadcast %squeeze3A_214 : f32 to vector<16xf32>
        %mul3A_287 = arith.mulf %get3A_285, %mul3A_286 : vector<16xf32>
        %swap3A_288 = arith.index_cast %add3A_218 : i32 to index
        %swap3A_289 = arith.constant 128 : index
        %swap3A_290 = tpu.vector_load %arg15[%swap3A_288, %swap3A_289] {strides = array<i32>} : memref<128x144xf32, #tpu.memory_space<vmem>>, vector<16xf32>,
        tpu.vector_store %arg15[%swap3A_288, %swap3A_289], %mul3A_287 {strides = array<i32>} : memref<128x144xf32, #tpu.memory_space<vmem>>, vector<16xf32>,
        %slice3A_291 = vector.extract_strided_slice %get3A_212 {offsets = [1], sizes = [1], strides = [1]} : vector<16xf32> to vector<1xf32>
        %squeeze3A_292 = vector.extract %slice3A_291[0] : f32 from vector<1xf32>
        %mul3A_293 = arith.constant 16 : i32
        %mul3A_294 = arith.muli %scan3A_208, %mul3A_293 : i32
        %add3A_295 = arith.constant 1 : i32
        %add3A_296 = arith.addi %mul3A_294, %add3A_295 : i32
        %get3A_297 = arith.index_cast %add3A_296 : i32 to index
        %get3A_298 = arith.constant 0 : index
        %get3A_299 = tpu.vector_load %arg15[%get3A_297, %get3A_298] {strides = array<i32>} : memref<128x144xf32, #tpu.memory_space<vmem>>, vector<16xf32>,
        %mul3A_300 = vector.broadcast %squeeze3A_292 : f32 to vector<16xf32>
        %mul3A_301 = arith.mulf %get3A_299, %mul3A_300 : vector<16xf32>
        %swap3A_302 = arith.index_cast %add3A_296 : i32 to index
        %swap3A_303 = arith.constant 0 : index
        %swap3A_304 = tpu.vector_load %arg15[%swap3A_302, %swap3A_303] {strides = array<i32>} : memref<128x144xf32, #tpu.memory_space<vmem>>, vector<16xf32>,
        tpu.vector_store %arg15[%swap3A_302, %swap3A_303], %mul3A_301 {strides = array<i32>} : memref<128x144xf32, #tpu.memory_space<vmem>>, vector<16xf32>,
        %get3A_305 = arith.index_cast %add3A_296 : i32 to index
        %get3A_306 = arith.constant 16 : index
        %get3A_307 = tpu.vector_load %arg15[%get3A_305, %get3A_306] {strides = array<i32>} : memref<128x144xf32, #tpu.memory_space<vmem>>, vector<16xf32>,
        %mul3A_308 = vector.broadcast %squeeze3A_292 : f32 to vector<16xf32>
        %mul3A_309 = arith.mulf %get3A_307, %mul3A_308 : vector<16xf32>
        %swap3A_310 = arith.index_cast %add3A_296 : i32 to index
        %swap3A_311 = arith.constant 16 : index
        %swap3A_312 = tpu.vector_load %arg15[%swap3A_310, %swap3A_311] {strides = array<i32>} : memref<128x144xf32, #tpu.memory_space<vmem>>, vector<16xf32>,
        tpu.vector_store %arg15[%swap3A_310, %swap3A_311], %mul3A_309 {strides = array<i32>} : memref<128x144xf32, #tpu.memory_space<vmem>>, vector<16xf32>,
        %get3A_313 = arith.index_cast %add3A_296 : i32 to index
        %get3A_314 = arith.constant 32 : index
        %get3A_315 = tpu.vector_load %arg15[%get3A_313, %get3A_314] {strides = array<i32>} : memref<128x144xf32, #tpu.memory_space<vmem>>, vector<16xf32>,
        %mul3A_316 = vector.broadcast %squeeze3A_292 : f32 to vector<16xf32>
        %mul3A_317 = arith.mulf %get3A_315, %mul3A_316 : vector<16xf32>
        %swap3A_318 = arith.index_cast %add3A_296 : i32 to index
        %swap3A_319 = arith.constant 32 : index
        %swap3A_320 = tpu.vector_load %arg15[%swap3A_318, %swap3A_319] {strides = array<i32>} : memref<128x144xf32, #tpu.memory_space<vmem>>, vector<16xf32>,
        tpu.vector_store %arg15[%swap3A_318, %swap3A_319], %mul3A_317 {strides = array<i32>} : memref<128x144xf32, #tpu.memory_space<vmem>>, vector<16xf32>,
        %get3A_321 = arith.index_cast %add3A_296 : i32 to index
        %get3A_322 = arith.constant 48 : index
        %get3A_323 = tpu.vector_load %arg15[%get3A_321, %get3A_322] {strides = array<i32>} : memref<128x144xf32, #tpu.memory_space<vmem>>, vector<16xf32>,
        %mul3A_324 = vector.broadcast %squeeze3A_292 : f32 to vector<16xf32>
        %mul3A_325 = arith.mulf %get3A_323, %mul3A_324 : vector<16xf32>
        %swap3A_326 = arith.index_cast %add3A_296 : i32 to index
        %swap3A_327 = arith.constant 48 : index
        %swap3A_328 = tpu.vector_load %arg15[%swap3A_326, %swap3A_327] {strides = array<i32>} : memref<128x144xf32, #tpu.memory_space<vmem>>, vector<16xf32>,
        tpu.vector_store %arg15[%swap3A_326, %swap3A_327], %mul3A_325 {strides = array<i32>} : memref<128x144xf32, #tpu.memory_space<vmem>>, vector<16xf32>,
        %get3A_329 = arith.index_cast %add3A_296 : i32 to index
        %get3A_330 = arith.constant 64 : index
        %get3A_331 = tpu.vector_load %arg15[%get3A_329, %get3A_330] {strides = array<i32>} : memref<128x144xf32, #tpu.memory_space<vmem>>, vector<16xf32>,
        %mul3A_332 = vector.broadcast %squeeze3A_292 : f32 to vector<16xf32>
        %mul3A_333 = arith.mulf %get3A_331, %mul3A_332 : vector<16xf32>
        %swap3A_334 = arith.index_cast %add3A_296 : i32 to index
        %swap3A_335 = arith.constant 64 : index
        %swap3A_336 = tpu.vector_load %arg15[%swap3A_334, %swap3A_335] {strides = array<i32>} : memref<128x144xf32, #tpu.memory_space<vmem>>, vector<16xf32>,
        tpu.vector_store %arg15[%swap3A_334, %swap3A_335], %mul3A_333 {strides = array<i32>} : memref<128x144xf32, #tpu.memory_space<vmem>>, vector<16xf32>,
        %get3A_337 = arith.index_cast %add3A_296 : i32 to index
        %get3A_338 = arith.constant 80 : index
        %get3A_339 = tpu.vector_load %arg15[%get3A_337, %get3A_338] {strides = array<i32>} : memref<128x144xf32, #tpu.memory_space<vmem>>, vector<16xf32>,
        %mul3A_340 = vector.broadcast %squeeze3A_292 : f32 to vector<16xf32>
        %mul3A_341 = arith.mulf %get3A_339, %mul3A_340 : vector<16xf32>
        %swap3A_342 = arith.index_cast %add3A_296 : i32 to index
        %swap3A_343 = arith.constant 80 : index
        %swap3A_344 = tpu.vector_load %arg15[%swap3A_342, %swap3A_343] {strides = array<i32>} : memref<128x144xf32, #tpu.memory_space<vmem>>, vector<16xf32>,
        tpu.vector_store %arg15[%swap3A_342, %swap3A_343], %mul3A_341 {strides = array<i32>} : memref<128x144xf32, #tpu.memory_space<vmem>>, vector<16xf32>,
        %get3A_345 = arith.index_cast %add3A_296 : i32 to index
        %get3A_346 = arith.constant 96 : index
        %get3A_347 = tpu.vector_load %arg15[%get3A_345, %get3A_346] {strides = array<i32>} : memref<128x144xf32, #tpu.memory_space<vmem>>, vector<16xf32>,
        %mul3A_348 = vector.broadcast %squeeze3A_292 : f32 to vector<16xf32>
        %mul3A_349 = arith.mulf %get3A_347, %mul3A_348 : vector<16xf32>
        %swap3A_350 = arith.index_cast %add3A_296 : i32 to index
        %swap3A_351 = arith.constant 96 : index
        %swap3A_352 = tpu.vector_load %arg15[%swap3A_350, %swap3A_351] {strides = array<i32>} : memref<128x144xf32, #tpu.memory_space<vmem>>, vector<16xf32>,
        tpu.vector_store %arg15[%swap3A_350, %swap3A_351], %mul3A_349 {strides = array<i32>} : memref<128x144xf32, #tpu.memory_space<vmem>>, vector<16xf32>,
        %get3A_353 = arith.index_cast %add3A_296 : i32 to index
        %get3A_354 = arith.constant 112 : index
        %get3A_355 = tpu.vector_load %arg15[%get3A_353, %get3A_354] {strides = array<i32>} : memref<128x144xf32, #tpu.memory_space<vmem>>, vector<16xf32>,
        %mul3A_356 = vector.broadcast %squeeze3A_292 : f32 to vector<16xf32>
        %mul3A_357 = arith.mulf %get3A_355, %mul3A_356 : vector<16xf32>
        %swap3A_358 = arith.index_cast %add3A_296 : i32 to index
        %swap3A_359 = arith.constant 112 : index
        %swap3A_360 = tpu.vector_load %arg15[%swap3A_358, %swap3A_359] {strides = array<i32>} : memref<128x144xf32, #tpu.memory_space<vmem>>, vector<16xf32>,
        tpu.vector_store %arg15[%swap3A_358, %swap3A_359], %mul3A_357 {strides = array<i32>} : memref<128x144xf32, #tpu.memory_space<vmem>>, vector<16xf32>,
        %get3A_361 = arith.index_cast %add3A_296 : i32 to index
        %get3A_362 = arith.constant 128 : index
        %get3A_363 = tpu.vector_load %arg15[%get3A_361, %get3A_362] {strides = array<i32>} : memref<128x144xf32, #tpu.memory_space<vmem>>, vector<16xf32>,
        %mul3A_364 = vector.broadcast %squeeze3A_292 : f32 to vector<16xf32>
        %mul3A_365 = arith.mulf %get3A_363, %mul3A_364 : vector<16xf32>
        %swap3A_366 = arith.index_cast %add3A_296 : i32 to index
        %swap3A_367 = arith.constant 128 : index
        %swap3A_368 = tpu.vector_load %arg15[%swap3A_366, %swap3A_367] {strides = array<i32>} : memref<128x144xf32, #tpu.memory_space<vmem>>, vector<16xf32>,
        tpu.vector_store %arg15[%swap3A_366, %swap3A_367], %mul3A_365 {strides = array<i32>} : memref<128x144xf32, #tpu.memory_space<vmem>>, vector<16xf32>,
        %slice3A_369 = vector.extract_strided_slice %get3A_212 {offsets = [2], sizes = [1], strides = [1]} : vector<16xf32> to vector<1xf32>
        %squeeze3A_370 = vector.extract %slice3A_369[0] : f32 from vector<1xf32>
        %mul3A_371 = arith.constant 16 : i32
        %mul3A_372 = arith.muli %scan3A_208, %mul3A_371 : i32
        %add3A_373 = arith.constant 2 : i32
        %add3A_374 = arith.addi %mul3A_372, %add3A_373 : i32
        %get3A_375 = arith.index_cast %add3A_374 : i32 to index
        %get3A_376 = arith.constant 0 : index
        %get3A_377 = tpu.vector_load %arg15[%get3A_375, %get3A_376] {strides = array<i32>} : memref<128x144xf32, #tpu.memory_space<vmem>>, vector<16xf32>,
        %mul3A_378 = vector.broadcast %squeeze3A_370 : f32 to vector<16xf32>
        %mul3A_379 = arith.mulf %get3A_377, %mul3A_378 : vector<16xf32>
        %swap3A_380 = arith.index_cast %add3A_374 : i32 to index
        %swap3A_381 = arith.constant 0 : index
        %swap3A_382 = tpu.vector_load %arg15[%swap3A_380, %swap3A_381] {strides = array<i32>} : memref<128x144xf32, #tpu.memory_space<vmem>>, vector<16xf32>,
        tpu.vector_store %arg15[%swap3A_380, %swap3A_381], %mul3A_379 {strides = array<i32>} : memref<128x144xf32, #tpu.memory_space<vmem>>, vector<16xf32>,
        %get3A_383 = arith.index_cast %add3A_374 : i32 to index
        %get3A_384 = arith.constant 16 : index
        %get3A_385 = tpu.vector_load %arg15[%get3A_383, %get3A_384] {strides = array<i32>} : memref<128x144xf32, #tpu.memory_space<vmem>>, vector<16xf32>,
        %mul3A_386 = vector.broadcast %squeeze3A_370 : f32 to vector<16xf32>
        %mul3A_387 = arith.mulf %get3A_385, %mul3A_386 : vector<16xf32>
        %swap3A_388 = arith.index_cast %add3A_374 : i32 to index
        %swap3A_389 = arith.constant 16 : index
        %swap3A_390 = tpu.vector_load %arg15[%swap3A_388, %swap3A_389] {strides = array<i32>} : memref<128x144xf32, #tpu.memory_space<vmem>>, vector<16xf32>,
        tpu.vector_store %arg15[%swap3A_388, %swap3A_389], %mul3A_387 {strides = array<i32>} : memref<128x144xf32, #tpu.memory_space<vmem>>, vector<16xf32>,
        %get3A_391 = arith.index_cast %add3A_374 : i32 to index
        %get3A_392 = arith.constant 32 : index
        %get3A_393 = tpu.vector_load %arg15[%get3A_391, %get3A_392] {strides = array<i32>} : memref<128x144xf32, #tpu.memory_space<vmem>>, vector<16xf32>,
        %mul3A_394 = vector.broadcast %squeeze3A_370 : f32 to vector<16xf32>
        %mul3A_395 = arith.mulf %get3A_393, %mul3A_394 : vector<16xf32>
        %swap3A_396 = arith.index_cast %add3A_374 : i32 to index
        %swap3A_397 = arith.constant 32 : index
        %swap3A_398 = tpu.vector_load %arg15[%swap3A_396, %swap3A_397] {strides = array<i32>} : memref<128x144xf32, #tpu.memory_space<vmem>>, vector<16xf32>,
        tpu.vector_store %arg15[%swap3A_396, %swap3A_397], %mul3A_395 {strides = array<i32>} : memref<128x144xf32, #tpu.memory_space<vmem>>, vector<16xf32>,
        %get3A_399 = arith.index_cast %add3A_374 : i32 to index
        %get3A_400 = arith.constant 48 : index
        %get3A_401 = tpu.vector_load %arg15[%get3A_399, %get3A_400] {strides = array<i32>} : memref<128x144xf32, #tpu.memory_space<vmem>>, vector<16xf32>,
        %mul3A_402 = vector.broadcast %squeeze3A_370 : f32 to vector<16xf32>
        %mul3A_403 = arith.mulf %get3A_401, %mul3A_402 : vector<16xf32>
        %swap3A_404 = arith.index_cast %add3A_374 : i32 to index
        %swap3A_405 = arith.constant 48 : index
        %swap3A_406 = tpu.vector_load %arg15[%swap3A_404, %swap3A_405] {strides = array<i32>} : memref<128x144xf32, #tpu.memory_space<vmem>>, vector<16xf32>,
        tpu.vector_store %arg15[%swap3A_404, %swap3A_405], %mul3A_403 {strides = array<i32>} : memref<128x144xf32, #tpu.memory_space<vmem>>, vector<16xf32>,
        %get3A_407 = arith.index_cast %add3A_374 : i32 to index
        %get3A_408 = arith.constant 64 : index
        %get3A_409 = tpu.vector_load %arg15[%get3A_407, %get3A_408] {strides = array<i32>} : memref<128x144xf32, #tpu.memory_space<vmem>>, vector<16xf32>,
        %mul3A_410 = vector.broadcast %squeeze3A_370 : f32 to vector<16xf32>
        %mul3A_411 = arith.mulf %get3A_409, %mul3A_410 : vector<16xf32>
        %swap3A_412 = arith.index_cast %add3A_374 : i32 to index
        %swap3A_413 = arith.constant 64 : index
        %swap3A_414 = tpu.vector_load %arg15[%swap3A_412, %swap3A_413] {strides = array<i32>} : memref<128x144xf32, #tpu.memory_space<vmem>>, vector<16xf32>,
        tpu.vector_store %arg15[%swap3A_412, %swap3A_413], %mul3A_411 {strides = array<i32>} : memref<128x144xf32, #tpu.memory_space<vmem>>, vector<16xf32>,
        %get3A_415 = arith.index_cast %add3A_374 : i32 to index
        %get3A_416 = arith.constant 80 : index
        %get3A_417 = tpu.vector_load %arg15[%get3A_415, %get3A_416] {strides = array<i32>} : memref<128x144xf32, #tpu.memory_space<vmem>>, vector<16xf32>,
        %mul3A_418 = vector.broadcast %squeeze3A_370 : f32 to vector<16xf32>
        %mul3A_419 = arith.mulf %get3A_417, %mul3A_418 : vector<16xf32>
        %swap3A_420 = arith.index_cast %add3A_374 : i32 to index
        %swap3A_421 = arith.constant 80 : index
        %swap3A_422 = tpu.vector_load %arg15[%swap3A_420, %swap3A_421] {strides = array<i32>} : memref<128x144xf32, #tpu.memory_space<vmem>>, vector<16xf32>,
        tpu.vector_store %arg15[%swap3A_420, %swap3A_421], %mul3A_419 {strides = array<i32>} : memref<128x144xf32, #tpu.memory_space<vmem>>, vector<16xf32>,
        %get3A_423 = arith.index_cast %add3A_374 : i32 to index
        %get3A_424 = arith.constant 96 : index
        %get3A_425 = tpu.vector_load %arg15[%get3A_423, %get3A_424] {strides = array<i32>} : memref<128x144xf32, #tpu.memory_space<vmem>>, vector<16xf32>,
        %mul3A_426 = vector.broadcast %squeeze3A_370 : f32 to vector<16xf32>
        %mul3A_427 = arith.mulf %get3A_425, %mul3A_426 : vector<16xf32>
        %swap3A_428 = arith.index_cast %add3A_374 : i32 to index
        %swap3A_429 = arith.constant 96 : index
        %swap3A_430 = tpu.vector_load %arg15[%swap3A_428, %swap3A_429] {strides = array<i32>} : memref<128x144xf32, #tpu.memory_space<vmem>>, vector<16xf32>,
        tpu.vector_store %arg15[%swap3A_428, %swap3A_429], %mul3A_427 {strides = array<i32>} : memref<128x144xf32, #tpu.memory_space<vmem>>, vector<16xf32>,
        %get3A_431 = arith.index_cast %add3A_374 : i32 to index
        %get3A_432 = arith.constant 112 : index
        %get3A_433 = tpu.vector_load %arg15[%get3A_431, %get3A_432] {strides = array<i32>} : memref<128x144xf32, #tpu.memory_space<vmem>>, vector<16xf32>,
        %mul3A_434 = vector.broadcast %squeeze3A_370 : f32 to vector<16xf32>
        %mul3A_435 = arith.mulf %get3A_433, %mul3A_434 : vector<16xf32>
        %swap3A_436 = arith.index_cast %add3A_374 : i32 to index
        %swap3A_437 = arith.constant 112 : index
        %swap3A_438 = tpu.vector_load %arg15[%swap3A_436, %swap3A_437] {strides = array<i32>} : memref<128x144xf32, #tpu.memory_space<vmem>>, vector<16xf32>,
        tpu.vector_store %arg15[%swap3A_436, %swap3A_437], %mul3A_435 {strides = array<i32>} : memref<128x144xf32, #tpu.memory_space<vmem>>, vector<16xf32>,
        %get3A_439 = arith.index_cast %add3A_374 : i32 to index
        %get3A_440 = arith.constant 128 : index
        %get3A_441 = tpu.vector_load %arg15[%get3A_439, %get3A_440] {strides = array<i32>} : memref<128x144xf32, #tpu.memory_space<vmem>>, vector<16xf32>,
        %mul3A_442 = vector.broadcast %squeeze3A_370 : f32 to vector<16xf32>
        %mul3A_443 = arith.mulf %get3A_441, %mul3A_442 : vector<16xf32>
        %swap3A_444 = arith.index_cast %add3A_374 : i32 to index
        %swap3A_445 = arith.constant 128 : index
        %swap3A_446 = tpu.vector_load %arg15[%swap3A_444, %swap3A_445] {strides = array<i32>} : memref<128x144xf32, #tpu.memory_space<vmem>>, vector<16xf32>,
        tpu.vector_store %arg15[%swap3A_444, %swap3A_445], %mul3A_443 {strides = array<i32>} : memref<128x144xf32, #tpu.memory_space<vmem>>, vector<16xf32>,
        %slice3A_447 = vector.extract_strided_slice %get3A_212 {offsets = [3], sizes = [1], strides = [1]} : vector<16xf32> to vector<1xf32>
        %squeeze3A_448 = vector.extract %slice3A_447[0] : f32 from vector<1xf32>
        %mul3A_449 = arith.constant 16 : i32
        %mul3A_450 = arith.muli %scan3A_208, %mul3A_449 : i32
        %add3A_451 = arith.constant 3 : i32
        %add3A_452 = arith.addi %mul3A_450, %add3A_451 : i32
        %get3A_453 = arith.index_cast %add3A_452 : i32 to index
        %get3A_454 = arith.constant 0 : index
        %get3A_455 = tpu.vector_load %arg15[%get3A_453, %get3A_454] {strides = array<i32>} : memref<128x144xf32, #tpu.memory_space<vmem>>, vector<16xf32>,
        %mul3A_456 = vector.broadcast %squeeze3A_448 : f32 to vector<16xf32>
        %mul3A_457 = arith.mulf %get3A_455, %mul3A_456 : vector<16xf32>
        %swap3A_458 = arith.index_cast %add3A_452 : i32 to index
        %swap3A_459 = arith.constant 0 : index
        %swap3A_460 = tpu.vector_load %arg15[%swap3A_458, %swap3A_459] {strides = array<i32>} : memref<128x144xf32, #tpu.memory_space<vmem>>, vector<16xf32>,
        tpu.vector_store %arg15[%swap3A_458, %swap3A_459], %mul3A_457 {strides = array<i32>} : memref<128x144xf32, #tpu.memory_space<vmem>>, vector<16xf32>,
        %get3A_461 = arith.index_cast %add3A_452 : i32 to index
        %get3A_462 = arith.constant 16 : index
        %get3A_463 = tpu.vector_load %arg15[%get3A_461, %get3A_462] {strides = array<i32>} : memref<128x144xf32, #tpu.memory_space<vmem>>, vector<16xf32>,
        %mul3A_464 = vector.broadcast %squeeze3A_448 : f32 to vector<16xf32>
        %mul3A_465 = arith.mulf %get3A_463, %mul3A_464 : vector<16xf32>
        %swap3A_466 = arith.index_cast %add3A_452 : i32 to index
        %swap3A_467 = arith.constant 16 : index
        %swap3A_468 = tpu.vector_load %arg15[%swap3A_466, %swap3A_467] {strides = array<i32>} : memref<128x144xf32, #tpu.memory_space<vmem>>, vector<16xf32>,
        tpu.vector_store %arg15[%swap3A_466, %swap3A_467], %mul3A_465 {strides = array<i32>} : memref<128x144xf32, #tpu.memory_space<vmem>>, vector<16xf32>,
        %get3A_469 = arith.index_cast %add3A_452 : i32 to index
        %get3A_470 = arith.constant 32 : index
        %get3A_471 = tpu.vector_load %arg15[%get3A_469, %get3A_470] {strides = array<i32>} : memref<128x144xf32, #tpu.memory_space<vmem>>, vector<16xf32>,
        %mul3A_472 = vector.broadcast %squeeze3A_448 : f32 to vector<16xf32>
        %mul3A_473 = arith.mulf %get3A_471, %mul3A_472 : vector<16xf32>
        %swap3A_474 = arith.index_cast %add3A_452 : i32 to index
        %swap3A_475 = arith.constant 32 : index
        %swap3A_476 = tpu.vector_load %arg15[%swap3A_474, %swap3A_475] {strides = array<i32>} : memref<128x144xf32, #tpu.memory_space<vmem>>, vector<16xf32>,
        tpu.vector_store %arg15[%swap3A_474, %swap3A_475], %mul3A_473 {strides = array<i32>} : memref<128x144xf32, #tpu.memory_space<vmem>>, vector<16xf32>,
        %get3A_477 = arith.index_cast %add3A_452 : i32 to index
        %get3A_478 = arith.constant 48 : index
        %get3A_479 = tpu.vector_load %arg15[%get3A_477, %get3A_478] {strides = array<i32>} : memref<128x144xf32, #tpu.memory_space<vmem>>, vector<16xf32>,
        %mul3A_480 = vector.broadcast %squeeze3A_448 : f32 to vector<16xf32>
        %mul3A_481 = arith.mulf %get3A_479, %mul3A_480 : vector<16xf32>
        %swap3A_482 = arith.index_cast %add3A_452 : i32 to index
        %swap3A_483 = arith.constant 48 : index
        %swap3A_484 = tpu.vector_load %arg15[%swap3A_482, %swap3A_483] {strides = array<i32>} : memref<128x144xf32, #tpu.memory_space<vmem>>, vector<16xf32>,
        tpu.vector_store %arg15[%swap3A_482, %swap3A_483], %mul3A_481 {strides = array<i32>} : memref<128x144xf32, #tpu.memory_space<vmem>>, vector<16xf32>,
        %get3A_485 = arith.index_cast %add3A_452 : i32 to index
        %get3A_486 = arith.constant 64 : index
        %get3A_487 = tpu.vector_load %arg15[%get3A_485, %get3A_486] {strides = array<i32>} : memref<128x144xf32, #tpu.memory_space<vmem>>, vector<16xf32>,
        %mul3A_488 = vector.broadcast %squeeze3A_448 : f32 to vector<16xf32>
        %mul3A_489 = arith.mulf %get3A_487, %mul3A_488 : vector<16xf32>
        %swap3A_490 = arith.index_cast %add3A_452 : i32 to index
        %swap3A_491 = arith.constant 64 : index
        %swap3A_492 = tpu.vector_load %arg15[%swap3A_490, %swap3A_491] {strides = array<i32>} : memref<128x144xf32, #tpu.memory_space<vmem>>, vector<16xf32>,
        tpu.vector_store %arg15[%swap3A_490, %swap3A_491], %mul3A_489 {strides = array<i32>} : memref<128x144xf32, #tpu.memory_space<vmem>>, vector<16xf32>,
        %get3A_493 = arith.index_cast %add3A_452 : i32 to index
        %get3A_494 = arith.constant 80 : index
        %get3A_495 = tpu.vector_load %arg15[%get3A_493, %get3A_494] {strides = array<i32>} : memref<128x144xf32, #tpu.memory_space<vmem>>, vector<16xf32>,
        %mul3A_496 = vector.broadcast %squeeze3A_448 : f32 to vector<16xf32>
        %mul3A_497 = arith.mulf %get3A_495, %mul3A_496 : vector<16xf32>
        %swap3A_498 = arith.index_cast %add3A_452 : i32 to index
        %swap3A_499 = arith.constant 80 : index
        %swap3A_500 = tpu.vector_load %arg15[%swap3A_498, %swap3A_499] {strides = array<i32>} : memref<128x144xf32, #tpu.memory_space<vmem>>, vector<16xf32>,
        tpu.vector_store %arg15[%swap3A_498, %swap3A_499], %mul3A_497 {strides = array<i32>} : memref<128x144xf32, #tpu.memory_space<vmem>>, vector<16xf32>,
        %get3A_501 = arith.index_cast %add3A_452 : i32 to index
        %get3A_502 = arith.constant 96 : index
        %get3A_503 = tpu.vector_load %arg15[%get3A_501, %get3A_502] {strides = array<i32>} : memref<128x144xf32, #tpu.memory_space<vmem>>, vector<16xf32>,
        %mul3A_504 = vector.broadcast %squeeze3A_448 : f32 to vector<16xf32>
        %mul3A_505 = arith.mulf %get3A_503, %mul3A_504 : vector<16xf32>
        %swap3A_506 = arith.index_cast %add3A_452 : i32 to index
        %swap3A_507 = arith.constant 96 : index
        %swap3A_508 = tpu.vector_load %arg15[%swap3A_506, %swap3A_507] {strides = array<i32>} : memref<128x144xf32, #tpu.memory_space<vmem>>, vector<16xf32>,
        tpu.vector_store %arg15[%swap3A_506, %swap3A_507], %mul3A_505 {strides = array<i32>} : memref<128x144xf32, #tpu.memory_space<vmem>>, vector<16xf32>,
        %get3A_509 = arith.index_cast %add3A_452 : i32 to index
        %get3A_510 = arith.constant 112 : index
        %get3A_511 = tpu.vector_load %arg15[%get3A_509, %get3A_510] {strides = array<i32>} : memref<128x144xf32, #tpu.memory_space<vmem>>, vector<16xf32>,
        %mul3A_512 = vector.broadcast %squeeze3A_448 : f32 to vector<16xf32>
        %mul3A_513 = arith.mulf %get3A_511, %mul3A_512 : vector<16xf32>
        %swap3A_514 = arith.index_cast %add3A_452 : i32 to index
        %swap3A_515 = arith.constant 112 : index
        %swap3A_516 = tpu.vector_load %arg15[%swap3A_514, %swap3A_515] {strides = array<i32>} : memref<128x144xf32, #tpu.memory_space<vmem>>, vector<16xf32>,
        tpu.vector_store %arg15[%swap3A_514, %swap3A_515], %mul3A_513 {strides = array<i32>} : memref<128x144xf32, #tpu.memory_space<vmem>>, vector<16xf32>,
        %get3A_517 = arith.index_cast %add3A_452 : i32 to index
        %get3A_518 = arith.constant 128 : index
        %get3A_519 = tpu.vector_load %arg15[%get3A_517, %get3A_518] {strides = array<i32>} : memref<128x144xf32, #tpu.memory_space<vmem>>, vector<16xf32>,
        %mul3A_520 = vector.broadcast %squeeze3A_448 : f32 to vector<16xf32>
        %mul3A_521 = arith.mulf %get3A_519, %mul3A_520 : vector<16xf32>
        %swap3A_522 = arith.index_cast %add3A_452 : i32 to index
        %swap3A_523 = arith.constant 128 : index
        %swap3A_524 = tpu.vector_load %arg15[%swap3A_522, %swap3A_523] {strides = array<i32>} : memref<128x144xf32, #tpu.memory_space<vmem>>, vector<16xf32>,
        tpu.vector_store %arg15[%swap3A_522, %swap3A_523], %mul3A_521 {strides = array<i32>} : memref<128x144xf32, #tpu.memory_space<vmem>>, vector<16xf32>,
        %slice3A_525 = vector.extract_strided_slice %get3A_212 {offsets = [4], sizes = [1], strides = [1]} : vector<16xf32> to vector<1xf32>
        %squeeze3A_526 = vector.extract %slice3A_525[0] : f32 from vector<1xf32>
        %mul3A_527 = arith.constant 16 : i32
        %mul3A_528 = arith.muli %scan3A_208, %mul3A_527 : i32
        %add3A_529 = arith.constant 4 : i32
        %add3A_530 = arith.addi %mul3A_528, %add3A_529 : i32
        %get3A_531 = arith.index_cast %add3A_530 : i32 to index
        %get3A_532 = arith.constant 0 : index
        %get3A_533 = tpu.vector_load %arg15[%get3A_531, %get3A_532] {strides = array<i32>} : memref<128x144xf32, #tpu.memory_space<vmem>>, vector<16xf32>,
        %mul3A_534 = vector.broadcast %squeeze3A_526 : f32 to vector<16xf32>
        %mul3A_535 = arith.mulf %get3A_533, %mul3A_534 : vector<16xf32>
        %swap3A_536 = arith.index_cast %add3A_530 : i32 to index
        %swap3A_537 = arith.constant 0 : index
        %swap3A_538 = tpu.vector_load %arg15[%swap3A_536, %swap3A_537] {strides = array<i32>} : memref<128x144xf32, #tpu.memory_space<vmem>>, vector<16xf32>,
        tpu.vector_store %arg15[%swap3A_536, %swap3A_537], %mul3A_535 {strides = array<i32>} : memref<128x144xf32, #tpu.memory_space<vmem>>, vector<16xf32>,
        %get3A_539 = arith.index_cast %add3A_530 : i32 to index
        %get3A_540 = arith.constant 16 : index
        %get3A_541 = tpu.vector_load %arg15[%get3A_539, %get3A_540] {strides = array<i32>} : memref<128x144xf32, #tpu.memory_space<vmem>>, vector<16xf32>,
        %mul3A_542 = vector.broadcast %squeeze3A_526 : f32 to vector<16xf32>
        %mul3A_543 = arith.mulf %get3A_541, %mul3A_542 : vector<16xf32>
        %swap3A_544 = arith.index_cast %add3A_530 : i32 to index
        %swap3A_545 = arith.constant 16 : index
        %swap3A_546 = tpu.vector_load %arg15[%swap3A_544, %swap3A_545] {strides = array<i32>} : memref<128x144xf32, #tpu.memory_space<vmem>>, vector<16xf32>,
        tpu.vector_store %arg15[%swap3A_544, %swap3A_545], %mul3A_543 {strides = array<i32>} : memref<128x144xf32, #tpu.memory_space<vmem>>, vector<16xf32>,
        %get3A_547 = arith.index_cast %add3A_530 : i32 to index
        %get3A_548 = arith.constant 32 : index
        %get3A_549 = tpu.vector_load %arg15[%get3A_547, %get3A_548] {strides = array<i32>} : memref<128x144xf32, #tpu.memory_space<vmem>>, vector<16xf32>,
        %mul3A_550 = vector.broadcast %squeeze3A_526 : f32 to vector<16xf32>
        %mul3A_551 = arith.mulf %get3A_549, %mul3A_550 : vector<16xf32>
        %swap3A_552 = arith.index_cast %add3A_530 : i32 to index
        %swap3A_553 = arith.constant 32 : index
        %swap3A_554 = tpu.vector_load %arg15[%swap3A_552, %swap3A_553] {strides = array<i32>} : memref<128x144xf32, #tpu.memory_space<vmem>>, vector<16xf32>,
        tpu.vector_store %arg15[%swap3A_552, %swap3A_553], %mul3A_551 {strides = array<i32>} : memref<128x144xf32, #tpu.memory_space<vmem>>, vector<16xf32>,
        %get3A_555 = arith.index_cast %add3A_530 : i32 to index
        %get3A_556 = arith.constant 48 : index
        %get3A_557 = tpu.vector_load %arg15[%get3A_555, %get3A_556] {strides = array<i32>} : memref<128x144xf32, #tpu.memory_space<vmem>>, vector<16xf32>,
        %mul3A_558 = vector.broadcast %squeeze3A_526 : f32 to vector<16xf32>
        %mul3A_559 = arith.mulf %get3A_557, %mul3A_558 : vector<16xf32>
        %swap3A_560 = arith.index_cast %add3A_530 : i32 to index
        %swap3A_561 = arith.constant 48 : index
        %swap3A_562 = tpu.vector_load %arg15[%swap3A_560, %swap3A_561] {strides = array<i32>} : memref<128x144xf32, #tpu.memory_space<vmem>>, vector<16xf32>,
        tpu.vector_store %arg15[%swap3A_560, %swap3A_561], %mul3A_559 {strides = array<i32>} : memref<128x144xf32, #tpu.memory_space<vmem>>, vector<16xf32>,
        %get3A_563 = arith.index_cast %add3A_530 : i32 to index
        %get3A_564 = arith.constant 64 : index
        %get3A_565 = tpu.vector_load %arg15[%get3A_563, %get3A_564] {strides = array<i32>} : memref<128x144xf32, #tpu.memory_space<vmem>>, vector<16xf32>,
        %mul3A_566 = vector.broadcast %squeeze3A_526 : f32 to vector<16xf32>
        %mul3A_567 = arith.mulf %get3A_565, %mul3A_566 : vector<16xf32>
        %swap3A_568 = arith.index_cast %add3A_530 : i32 to index
        %swap3A_569 = arith.constant 64 : index
        %swap3A_570 = tpu.vector_load %arg15[%swap3A_568, %swap3A_569] {strides = array<i32>} : memref<128x144xf32, #tpu.memory_space<vmem>>, vector<16xf32>,
        tpu.vector_store %arg15[%swap3A_568, %swap3A_569], %mul3A_567 {strides = array<i32>} : memref<128x144xf32, #tpu.memory_space<vmem>>, vector<16xf32>,
        %get3A_571 = arith.index_cast %add3A_530 : i32 to index
        %get3A_572 = arith.constant 80 : index
        %get3A_573 = tpu.vector_load %arg15[%get3A_571, %get3A_572] {strides = array<i32>} : memref<128x144xf32, #tpu.memory_space<vmem>>, vector<16xf32>,
        %mul3A_574 = vector.broadcast %squeeze3A_526 : f32 to vector<16xf32>
        %mul3A_575 = arith.mulf %get3A_573, %mul3A_574 : vector<16xf32>
        %swap3A_576 = arith.index_cast %add3A_530 : i32 to index
        %swap3A_577 = arith.constant 80 : index
        %swap3A_578 = tpu.vector_load %arg15[%swap3A_576, %swap3A_577] {strides = array<i32>} : memref<128x144xf32, #tpu.memory_space<vmem>>, vector<16xf32>,
        tpu.vector_store %arg15[%swap3A_576, %swap3A_577], %mul3A_575 {strides = array<i32>} : memref<128x144xf32, #tpu.memory_space<vmem>>, vector<16xf32>,
        %get3A_579 = arith.index_cast %add3A_530 : i32 to index
        %get3A_580 = arith.constant 96 : index
        %get3A_581 = tpu.vector_load %arg15[%get3A_579, %get3A_580] {strides = array<i32>} : memref<128x144xf32, #tpu.memory_space<vmem>>, vector<16xf32>,
        %mul3A_582 = vector.broadcast %squeeze3A_526 : f32 to vector<16xf32>
        %mul3A_583 = arith.mulf %get3A_581, %mul3A_582 : vector<16xf32>
        %swap3A_584 = arith.index_cast %add3A_530 : i32 to index
        %swap3A_585 = arith.constant 96 : index
        %swap3A_586 = tpu.vector_load %arg15[%swap3A_584, %swap3A_585] {strides = array<i32>} : memref<128x144xf32, #tpu.memory_space<vmem>>, vector<16xf32>,
        tpu.vector_store %arg15[%swap3A_584, %swap3A_585], %mul3A_583 {strides = array<i32>} : memref<128x144xf32, #tpu.memory_space<vmem>>, vector<16xf32>,
        %get3A_587 = arith.index_cast %add3A_530 : i32 to index
        %get3A_588 = arith.constant 112 : index
        %get3A_589 = tpu.vector_load %arg15[%get3A_587, %get3A_588] {strides = array<i32>} : memref<128x144xf32, #tpu.memory_space<vmem>>, vector<16xf32>,
        %mul3A_590 = vector.broadcast %squeeze3A_526 : f32 to vector<16xf32>
        %mul3A_591 = arith.mulf %get3A_589, %mul3A_590 : vector<16xf32>
        %swap3A_592 = arith.index_cast %add3A_530 : i32 to index
        %swap3A_593 = arith.constant 112 : index
        %swap3A_594 = tpu.vector_load %arg15[%swap3A_592, %swap3A_593] {strides = array<i32>} : memref<128x144xf32, #tpu.memory_space<vmem>>, vector<16xf32>,
        tpu.vector_store %arg15[%swap3A_592, %swap3A_593], %mul3A_591 {strides = array<i32>} : memref<128x144xf32, #tpu.memory_space<vmem>>, vector<16xf32>,
        %get3A_595 = arith.index_cast %add3A_530 : i32 to index
        %get3A_596 = arith.constant 128 : index
        %get3A_597 = tpu.vector_load %arg15[%get3A_595, %get3A_596] {strides = array<i32>} : memref<128x144xf32, #tpu.memory_space<vmem>>, vector<16xf32>,
        %mul3A_598 = vector.broadcast %squeeze3A_526 : f32 to vector<16xf32>
        %mul3A_599 = arith.mulf %get3A_597, %mul3A_598 : vector<16xf32>
        %swap3A_600 = arith.index_cast %add3A_530 : i32 to index
        %swap3A_601 = arith.constant 128 : index
        %swap3A_602 = tpu.vector_load %arg15[%swap3A_600, %swap3A_601] {strides = array<i32>} : memref<128x144xf32, #tpu.memory_space<vmem>>, vector<16xf32>,
        tpu.vector_store %arg15[%swap3A_600, %swap3A_601], %mul3A_599 {strides = array<i32>} : memref<128x144xf32, #tpu.memory_space<vmem>>, vector<16xf32>,
        %slice3A_603 = vector.extract_strided_slice %get3A_212 {offsets = [5], sizes = [1], strides = [1]} : vector<16xf32> to vector<1xf32>
        %squeeze3A_604 = vector.extract %slice3A_603[0] : f32 from vector<1xf32>
        %mul3A_605 = arith.constant 16 : i32
        %mul3A_606 = arith.muli %scan3A_208, %mul3A_605 : i32
        %add3A_607 = arith.constant 5 : i32
        %add3A_608 = arith.addi %mul3A_606, %add3A_607 : i32
        %get3A_609 = arith.index_cast %add3A_608 : i32 to index
        %get3A_610 = arith.constant 0 : index
        %get3A_611 = tpu.vector_load %arg15[%get3A_609, %get3A_610] {strides = array<i32>} : memref<128x144xf32, #tpu.memory_space<vmem>>, vector<16xf32>,
        %mul3A_612 = vector.broadcast %squeeze3A_604 : f32 to vector<16xf32>
        %mul3A_613 = arith.mulf %get3A_611, %mul3A_612 : vector<16xf32>
        %swap3A_614 = arith.index_cast %add3A_608 : i32 to index
        %swap3A_615 = arith.constant 0 : index
        %swap3A_616 = tpu.vector_load %arg15[%swap3A_614, %swap3A_615] {strides = array<i32>} : memref<128x144xf32, #tpu.memory_space<vmem>>, vector<16xf32>,
        tpu.vector_store %arg15[%swap3A_614, %swap3A_615], %mul3A_613 {strides = array<i32>} : memref<128x144xf32, #tpu.memory_space<vmem>>, vector<16xf32>,
        %get3A_617 = arith.index_cast %add3A_608 : i32 to index
        %get3A_618 = arith.constant 16 : index
        %get3A_619 = tpu.vector_load %arg15[%get3A_617, %get3A_618] {strides = array<i32>} : memref<128x144xf32, #tpu.memory_space<vmem>>, vector<16xf32>,
        %mul3A_620 = vector.broadcast %squeeze3A_604 : f32 to vector<16xf32>
        %mul3A_621 = arith.mulf %get3A_619, %mul3A_620 : vector<16xf32>
        %swap3A_622 = arith.index_cast %add3A_608 : i32 to index
        %swap3A_623 = arith.constant 16 : index
        %swap3A_624 = tpu.vector_load %arg15[%swap3A_622, %swap3A_623] {strides = array<i32>} : memref<128x144xf32, #tpu.memory_space<vmem>>, vector<16xf32>,
        tpu.vector_store %arg15[%swap3A_622, %swap3A_623], %mul3A_621 {strides = array<i32>} : memref<128x144xf32, #tpu.memory_space<vmem>>, vector<16xf32>,
        %get3A_625 = arith.index_cast %add3A_608 : i32 to index
        %get3A_626 = arith.constant 32 : index
        %get3A_627 = tpu.vector_load %arg15[%get3A_625, %get3A_626] {strides = array<i32>} : memref<128x144xf32, #tpu.memory_space<vmem>>, vector<16xf32>,
        %mul3A_628 = vector.broadcast %squeeze3A_604 : f32 to vector<16xf32>
        %mul3A_629 = arith.mulf %get3A_627, %mul3A_628 : vector<16xf32>
        %swap3A_630 = arith.index_cast %add3A_608 : i32 to index
        %swap3A_631 = arith.constant 32 : index
        %swap3A_632 = tpu.vector_load %arg15[%swap3A_630, %swap3A_631] {strides = array<i32>} : memref<128x144xf32, #tpu.memory_space<vmem>>, vector<16xf32>,
        tpu.vector_store %arg15[%swap3A_630, %swap3A_631], %mul3A_629 {strides = array<i32>} : memref<128x144xf32, #tpu.memory_space<vmem>>, vector<16xf32>,
        %get3A_633 = arith.index_cast %add3A_608 : i32 to index
        %get3A_634 = arith.constant 48 : index
        %get3A_635 = tpu.vector_load %arg15[%get3A_633, %get3A_634] {strides = array<i32>} : memref<128x144xf32, #tpu.memory_space<vmem>>, vector<16xf32>,
        %mul3A_636 = vector.broadcast %squeeze3A_604 : f32 to vector<16xf32>
        %mul3A_637 = arith.mulf %get3A_635, %mul3A_636 : vector<16xf32>
        %swap3A_638 = arith.index_cast %add3A_608 : i32 to index
        %swap3A_639 = arith.constant 48 : index
        %swap3A_640 = tpu.vector_load %arg15[%swap3A_638, %swap3A_639] {strides = array<i32>} : memref<128x144xf32, #tpu.memory_space<vmem>>, vector<16xf32>,
        tpu.vector_store %arg15[%swap3A_638, %swap3A_639], %mul3A_637 {strides = array<i32>} : memref<128x144xf32, #tpu.memory_space<vmem>>, vector<16xf32>,
        %get3A_641 = arith.index_cast %add3A_608 : i32 to index
        %get3A_642 = arith.constant 64 : index
        %get3A_643 = tpu.vector_load %arg15[%get3A_641, %get3A_642] {strides = array<i32>} : memref<128x144xf32, #tpu.memory_space<vmem>>, vector<16xf32>,
        %mul3A_644 = vector.broadcast %squeeze3A_604 : f32 to vector<16xf32>
        %mul3A_645 = arith.mulf %get3A_643, %mul3A_644 : vector<16xf32>
        %swap3A_646 = arith.index_cast %add3A_608 : i32 to index
        %swap3A_647 = arith.constant 64 : index
        %swap3A_648 = tpu.vector_load %arg15[%swap3A_646, %swap3A_647] {strides = array<i32>} : memref<128x144xf32, #tpu.memory_space<vmem>>, vector<16xf32>,
        tpu.vector_store %arg15[%swap3A_646, %swap3A_647], %mul3A_645 {strides = array<i32>} : memref<128x144xf32, #tpu.memory_space<vmem>>, vector<16xf32>,
        %get3A_649 = arith.index_cast %add3A_608 : i32 to index
        %get3A_650 = arith.constant 80 : index
        %get3A_651 = tpu.vector_load %arg15[%get3A_649, %get3A_650] {strides = array<i32>} : memref<128x144xf32, #tpu.memory_space<vmem>>, vector<16xf32>,
        %mul3A_652 = vector.broadcast %squeeze3A_604 : f32 to vector<16xf32>
        %mul3A_653 = arith.mulf %get3A_651, %mul3A_652 : vector<16xf32>
        %swap3A_654 = arith.index_cast %add3A_608 : i32 to index
        %swap3A_655 = arith.constant 80 : index
        %swap3A_656 = tpu.vector_load %arg15[%swap3A_654, %swap3A_655] {strides = array<i32>} : memref<128x144xf32, #tpu.memory_space<vmem>>, vector<16xf32>,
        tpu.vector_store %arg15[%swap3A_654, %swap3A_655], %mul3A_653 {strides = array<i32>} : memref<128x144xf32, #tpu.memory_space<vmem>>, vector<16xf32>,
        %get3A_657 = arith.index_cast %add3A_608 : i32 to index
        %get3A_658 = arith.constant 96 : index
        %get3A_659 = tpu.vector_load %arg15[%get3A_657, %get3A_658] {strides = array<i32>} : memref<128x144xf32, #tpu.memory_space<vmem>>, vector<16xf32>,
        %mul3A_660 = vector.broadcast %squeeze3A_604 : f32 to vector<16xf32>
        %mul3A_661 = arith.mulf %get3A_659, %mul3A_660 : vector<16xf32>
        %swap3A_662 = arith.index_cast %add3A_608 : i32 to index
        %swap3A_663 = arith.constant 96 : index
        %swap3A_664 = tpu.vector_load %arg15[%swap3A_662, %swap3A_663] {strides = array<i32>} : memref<128x144xf32, #tpu.memory_space<vmem>>, vector<16xf32>,
        tpu.vector_store %arg15[%swap3A_662, %swap3A_663], %mul3A_661 {strides = array<i32>} : memref<128x144xf32, #tpu.memory_space<vmem>>, vector<16xf32>,
        %get3A_665 = arith.index_cast %add3A_608 : i32 to index
        %get3A_666 = arith.constant 112 : index
        %get3A_667 = tpu.vector_load %arg15[%get3A_665, %get3A_666] {strides = array<i32>} : memref<128x144xf32, #tpu.memory_space<vmem>>, vector<16xf32>,
        %mul3A_668 = vector.broadcast %squeeze3A_604 : f32 to vector<16xf32>
        %mul3A_669 = arith.mulf %get3A_667, %mul3A_668 : vector<16xf32>
        %swap3A_670 = arith.index_cast %add3A_608 : i32 to index
        %swap3A_671 = arith.constant 112 : index
        %swap3A_672 = tpu.vector_load %arg15[%swap3A_670, %swap3A_671] {strides = array<i32>} : memref<128x144xf32, #tpu.memory_space<vmem>>, vector<16xf32>,
        tpu.vector_store %arg15[%swap3A_670, %swap3A_671], %mul3A_669 {strides = array<i32>} : memref<128x144xf32, #tpu.memory_space<vmem>>, vector<16xf32>,
        %get3A_673 = arith.index_cast %add3A_608 : i32 to index
        %get3A_674 = arith.constant 128 : index
        %get3A_675 = tpu.vector_load %arg15[%get3A_673, %get3A_674] {strides = array<i32>} : memref<128x144xf32, #tpu.memory_space<vmem>>, vector<16xf32>,
        %mul3A_676 = vector.broadcast %squeeze3A_604 : f32 to vector<16xf32>
        %mul3A_677 = arith.mulf %get3A_675, %mul3A_676 : vector<16xf32>
        %swap3A_678 = arith.index_cast %add3A_608 : i32 to index
        %swap3A_679 = arith.constant 128 : index
        %swap3A_680 = tpu.vector_load %arg15[%swap3A_678, %swap3A_679] {strides = array<i32>} : memref<128x144xf32, #tpu.memory_space<vmem>>, vector<16xf32>,
        tpu.vector_store %arg15[%swap3A_678, %swap3A_679], %mul3A_677 {strides = array<i32>} : memref<128x144xf32, #tpu.memory_space<vmem>>, vector<16xf32>,
        %slice3A_681 = vector.extract_strided_slice %get3A_212 {offsets = [6], sizes = [1], strides = [1]} : vector<16xf32> to vector<1xf32>
        %squeeze3A_682 = vector.extract %slice3A_681[0] : f32 from vector<1xf32>
        %mul3A_683 = arith.constant 16 : i32
        %mul3A_684 = arith.muli %scan3A_208, %mul3A_683 : i32
        %add3A_685 = arith.constant 6 : i32
        %add3A_686 = arith.addi %mul3A_684, %add3A_685 : i32
        %get3A_687 = arith.index_cast %add3A_686 : i32 to index
        %get3A_688 = arith.constant 0 : index
        %get3A_689 = tpu.vector_load %arg15[%get3A_687, %get3A_688] {strides = array<i32>} : memref<128x144xf32, #tpu.memory_space<vmem>>, vector<16xf32>,
        %mul3A_690 = vector.broadcast %squeeze3A_682 : f32 to vector<16xf32>
        %mul3A_691 = arith.mulf %get3A_689, %mul3A_690 : vector<16xf32>
        %swap3A_692 = arith.index_cast %add3A_686 : i32 to index
        %swap3A_693 = arith.constant 0 : index
        %swap3A_694 = tpu.vector_load %arg15[%swap3A_692, %swap3A_693] {strides = array<i32>} : memref<128x144xf32, #tpu.memory_space<vmem>>, vector<16xf32>,
        tpu.vector_store %arg15[%swap3A_692, %swap3A_693], %mul3A_691 {strides = array<i32>} : memref<128x144xf32, #tpu.memory_space<vmem>>, vector<16xf32>,
        %get3A_695 = arith.index_cast %add3A_686 : i32 to index
        %get3A_696 = arith.constant 16 : index
        %get3A_697 = tpu.vector_load %arg15[%get3A_695, %get3A_696] {strides = array<i32>} : memref<128x144xf32, #tpu.memory_space<vmem>>, vector<16xf32>,
        %mul3A_698 = vector.broadcast %squeeze3A_682 : f32 to vector<16xf32>
        %mul3A_699 = arith.mulf %get3A_697, %mul3A_698 : vector<16xf32>
        %swap3A_700 = arith.index_cast %add3A_686 : i32 to index
        %swap3A_701 = arith.constant 16 : index
        %swap3A_702 = tpu.vector_load %arg15[%swap3A_700, %swap3A_701] {strides = array<i32>} : memref<128x144xf32, #tpu.memory_space<vmem>>, vector<16xf32>,
        tpu.vector_store %arg15[%swap3A_700, %swap3A_701], %mul3A_699 {strides = array<i32>} : memref<128x144xf32, #tpu.memory_space<vmem>>, vector<16xf32>,
        %get3A_703 = arith.index_cast %add3A_686 : i32 to index
        %get3A_704 = arith.constant 32 : index
        %get3A_705 = tpu.vector_load %arg15[%get3A_703, %get3A_704] {strides = array<i32>} : memref<128x144xf32, #tpu.memory_space<vmem>>, vector<16xf32>,
        %mul3A_706 = vector.broadcast %squeeze3A_682 : f32 to vector<16xf32>
        %mul3A_707 = arith.mulf %get3A_705, %mul3A_706 : vector<16xf32>
        %swap3A_708 = arith.index_cast %add3A_686 : i32 to index
        %swap3A_709 = arith.constant 32 : index
        %swap3A_710 = tpu.vector_load %arg15[%swap3A_708, %swap3A_709] {strides = array<i32>} : memref<128x144xf32, #tpu.memory_space<vmem>>, vector<16xf32>,
        tpu.vector_store %arg15[%swap3A_708, %swap3A_709], %mul3A_707 {strides = array<i32>} : memref<128x144xf32, #tpu.memory_space<vmem>>, vector<16xf32>,
        %get3A_711 = arith.index_cast %add3A_686 : i32 to index
        %get3A_712 = arith.constant 48 : index
        %get3A_713 = tpu.vector_load %arg15[%get3A_711, %get3A_712] {strides = array<i32>} : memref<128x144xf32, #tpu.memory_space<vmem>>, vector<16xf32>,
        %mul3A_714 = vector.broadcast %squeeze3A_682 : f32 to vector<16xf32>
        %mul3A_715 = arith.mulf %get3A_713, %mul3A_714 : vector<16xf32>
        %swap3A_716 = arith.index_cast %add3A_686 : i32 to index
        %swap3A_717 = arith.constant 48 : index
        %swap3A_718 = tpu.vector_load %arg15[%swap3A_716, %swap3A_717] {strides = array<i32>} : memref<128x144xf32, #tpu.memory_space<vmem>>, vector<16xf32>,
        tpu.vector_store %arg15[%swap3A_716, %swap3A_717], %mul3A_715 {strides = array<i32>} : memref<128x144xf32, #tpu.memory_space<vmem>>, vector<16xf32>,
        %get3A_719 = arith.index_cast %add3A_686 : i32 to index
        %get3A_720 = arith.constant 64 : index
        %get3A_721 = tpu.vector_load %arg15[%get3A_719, %get3A_720] {strides = array<i32>} : memref<128x144xf32, #tpu.memory_space<vmem>>, vector<16xf32>,
        %mul3A_722 = vector.broadcast %squeeze3A_682 : f32 to vector<16xf32>
        %mul3A_723 = arith.mulf %get3A_721, %mul3A_722 : vector<16xf32>
        %swap3A_724 = arith.index_cast %add3A_686 : i32 to index
        %swap3A_725 = arith.constant 64 : index
        %swap3A_726 = tpu.vector_load %arg15[%swap3A_724, %swap3A_725] {strides = array<i32>} : memref<128x144xf32, #tpu.memory_space<vmem>>, vector<16xf32>,
        tpu.vector_store %arg15[%swap3A_724, %swap3A_725], %mul3A_723 {strides = array<i32>} : memref<128x144xf32, #tpu.memory_space<vmem>>, vector<16xf32>,
        %get3A_727 = arith.index_cast %add3A_686 : i32 to index
        %get3A_728 = arith.constant 80 : index
        %get3A_729 = tpu.vector_load %arg15[%get3A_727, %get3A_728] {strides = array<i32>} : memref<128x144xf32, #tpu.memory_space<vmem>>, vector<16xf32>,
        %mul3A_730 = vector.broadcast %squeeze3A_682 : f32 to vector<16xf32>
        %mul3A_731 = arith.mulf %get3A_729, %mul3A_730 : vector<16xf32>
        %swap3A_732 = arith.index_cast %add3A_686 : i32 to index
        %swap3A_733 = arith.constant 80 : index
        %swap3A_734 = tpu.vector_load %arg15[%swap3A_732, %swap3A_733] {strides = array<i32>} : memref<128x144xf32, #tpu.memory_space<vmem>>, vector<16xf32>,
        tpu.vector_store %arg15[%swap3A_732, %swap3A_733], %mul3A_731 {strides = array<i32>} : memref<128x144xf32, #tpu.memory_space<vmem>>, vector<16xf32>,
        %get3A_735 = arith.index_cast %add3A_686 : i32 to index
        %get3A_736 = arith.constant 96 : index
        %get3A_737 = tpu.vector_load %arg15[%get3A_735, %get3A_736] {strides = array<i32>} : memref<128x144xf32, #tpu.memory_space<vmem>>, vector<16xf32>,
        %mul3A_738 = vector.broadcast %squeeze3A_682 : f32 to vector<16xf32>
        %mul3A_739 = arith.mulf %get3A_737, %mul3A_738 : vector<16xf32>
        %swap3A_740 = arith.index_cast %add3A_686 : i32 to index
        %swap3A_741 = arith.constant 96 : index
        %swap3A_742 = tpu.vector_load %arg15[%swap3A_740, %swap3A_741] {strides = array<i32>} : memref<128x144xf32, #tpu.memory_space<vmem>>, vector<16xf32>,
        tpu.vector_store %arg15[%swap3A_740, %swap3A_741], %mul3A_739 {strides = array<i32>} : memref<128x144xf32, #tpu.memory_space<vmem>>, vector<16xf32>,
        %get3A_743 = arith.index_cast %add3A_686 : i32 to index
        %get3A_744 = arith.constant 112 : index
        %get3A_745 = tpu.vector_load %arg15[%get3A_743, %get3A_744] {strides = array<i32>} : memref<128x144xf32, #tpu.memory_space<vmem>>, vector<16xf32>,
        %mul3A_746 = vector.broadcast %squeeze3A_682 : f32 to vector<16xf32>
        %mul3A_747 = arith.mulf %get3A_745, %mul3A_746 : vector<16xf32>
        %swap3A_748 = arith.index_cast %add3A_686 : i32 to index
        %swap3A_749 = arith.constant 112 : index
        %swap3A_750 = tpu.vector_load %arg15[%swap3A_748, %swap3A_749] {strides = array<i32>} : memref<128x144xf32, #tpu.memory_space<vmem>>, vector<16xf32>,
        tpu.vector_store %arg15[%swap3A_748, %swap3A_749], %mul3A_747 {strides = array<i32>} : memref<128x144xf32, #tpu.memory_space<vmem>>, vector<16xf32>,
        %get3A_751 = arith.index_cast %add3A_686 : i32 to index
        %get3A_752 = arith.constant 128 : index
        %get3A_753 = tpu.vector_load %arg15[%get3A_751, %get3A_752] {strides = array<i32>} : memref<128x144xf32, #tpu.memory_space<vmem>>, vector<16xf32>,
        %mul3A_754 = vector.broadcast %squeeze3A_682 : f32 to vector<16xf32>
        %mul3A_755 = arith.mulf %get3A_753, %mul3A_754 : vector<16xf32>
        %swap3A_756 = arith.index_cast %add3A_686 : i32 to index
        %swap3A_757 = arith.constant 128 : index
        %swap3A_758 = tpu.vector_load %arg15[%swap3A_756, %swap3A_757] {strides = array<i32>} : memref<128x144xf32, #tpu.memory_space<vmem>>, vector<16xf32>,
        tpu.vector_store %arg15[%swap3A_756, %swap3A_757], %mul3A_755 {strides = array<i32>} : memref<128x144xf32, #tpu.memory_space<vmem>>, vector<16xf32>,
        %slice3A_759 = vector.extract_strided_slice %get3A_212 {offsets = [7], sizes = [1], strides = [1]} : vector<16xf32> to vector<1xf32>
        %squeeze3A_760 = vector.extract %slice3A_759[0] : f32 from vector<1xf32>
        %mul3A_761 = arith.constant 16 : i32
        %mul3A_762 = arith.muli %scan3A_208, %mul3A_761 : i32
        %add3A_763 = arith.constant 7 : i32
        %add3A_764 = arith.addi %mul3A_762, %add3A_763 : i32
        %get3A_765 = arith.index_cast %add3A_764 : i32 to index
        %get3A_766 = arith.constant 0 : index
        %get3A_767 = tpu.vector_load %arg15[%get3A_765, %get3A_766] {strides = array<i32>} : memref<128x144xf32, #tpu.memory_space<vmem>>, vector<16xf32>,
        %mul3A_768 = vector.broadcast %squeeze3A_760 : f32 to vector<16xf32>
        %mul3A_769 = arith.mulf %get3A_767, %mul3A_768 : vector<16xf32>
        %swap3A_770 = arith.index_cast %add3A_764 : i32 to index
        %swap3A_771 = arith.constant 0 : index
        %swap3A_772 = tpu.vector_load %arg15[%swap3A_770, %swap3A_771] {strides = array<i32>} : memref<128x144xf32, #tpu.memory_space<vmem>>, vector<16xf32>,
        tpu.vector_store %arg15[%swap3A_770, %swap3A_771], %mul3A_769 {strides = array<i32>} : memref<128x144xf32, #tpu.memory_space<vmem>>, vector<16xf32>,
        %get3A_773 = arith.index_cast %add3A_764 : i32 to index
        %get3A_774 = arith.constant 16 : index
        %get3A_775 = tpu.vector_load %arg15[%get3A_773, %get3A_774] {strides = array<i32>} : memref<128x144xf32, #tpu.memory_space<vmem>>, vector<16xf32>,
        %mul3A_776 = vector.broadcast %squeeze3A_760 : f32 to vector<16xf32>
        %mul3A_777 = arith.mulf %get3A_775, %mul3A_776 : vector<16xf32>
        %swap3A_778 = arith.index_cast %add3A_764 : i32 to index
        %swap3A_779 = arith.constant 16 : index
        %swap3A_780 = tpu.vector_load %arg15[%swap3A_778, %swap3A_779] {strides = array<i32>} : memref<128x144xf32, #tpu.memory_space<vmem>>, vector<16xf32>,
        tpu.vector_store %arg15[%swap3A_778, %swap3A_779], %mul3A_777 {strides = array<i32>} : memref<128x144xf32, #tpu.memory_space<vmem>>, vector<16xf32>,
        %get3A_781 = arith.index_cast %add3A_764 : i32 to index
        %get3A_782 = arith.constant 32 : index
        %get3A_783 = tpu.vector_load %arg15[%get3A_781, %get3A_782] {strides = array<i32>} : memref<128x144xf32, #tpu.memory_space<vmem>>, vector<16xf32>,
        %mul3A_784 = vector.broadcast %squeeze3A_760 : f32 to vector<16xf32>
        %mul3A_785 = arith.mulf %get3A_783, %mul3A_784 : vector<16xf32>
        %swap3A_786 = arith.index_cast %add3A_764 : i32 to index
        %swap3A_787 = arith.constant 32 : index
        %swap3A_788 = tpu.vector_load %arg15[%swap3A_786, %swap3A_787] {strides = array<i32>} : memref<128x144xf32, #tpu.memory_space<vmem>>, vector<16xf32>,
        tpu.vector_store %arg15[%swap3A_786, %swap3A_787], %mul3A_785 {strides = array<i32>} : memref<128x144xf32, #tpu.memory_space<vmem>>, vector<16xf32>,
        %get3A_789 = arith.index_cast %add3A_764 : i32 to index
        %get3A_790 = arith.constant 48 : index
        %get3A_791 = tpu.vector_load %arg15[%get3A_789, %get3A_790] {strides = array<i32>} : memref<128x144xf32, #tpu.memory_space<vmem>>, vector<16xf32>,
        %mul3A_792 = vector.broadcast %squeeze3A_760 : f32 to vector<16xf32>
        %mul3A_793 = arith.mulf %get3A_791, %mul3A_792 : vector<16xf32>
        %swap3A_794 = arith.index_cast %add3A_764 : i32 to index
        %swap3A_795 = arith.constant 48 : index
        %swap3A_796 = tpu.vector_load %arg15[%swap3A_794, %swap3A_795] {strides = array<i32>} : memref<128x144xf32, #tpu.memory_space<vmem>>, vector<16xf32>,
        tpu.vector_store %arg15[%swap3A_794, %swap3A_795], %mul3A_793 {strides = array<i32>} : memref<128x144xf32, #tpu.memory_space<vmem>>, vector<16xf32>,
        %get3A_797 = arith.index_cast %add3A_764 : i32 to index
        %get3A_798 = arith.constant 64 : index
        %get3A_799 = tpu.vector_load %arg15[%get3A_797, %get3A_798] {strides = array<i32>} : memref<128x144xf32, #tpu.memory_space<vmem>>, vector<16xf32>,
        %mul3A_800 = vector.broadcast %squeeze3A_760 : f32 to vector<16xf32>
        %mul3A_801 = arith.mulf %get3A_799, %mul3A_800 : vector<16xf32>
        %swap3A_802 = arith.index_cast %add3A_764 : i32 to index
        %swap3A_803 = arith.constant 64 : index
        %swap3A_804 = tpu.vector_load %arg15[%swap3A_802, %swap3A_803] {strides = array<i32>} : memref<128x144xf32, #tpu.memory_space<vmem>>, vector<16xf32>,
        tpu.vector_store %arg15[%swap3A_802, %swap3A_803], %mul3A_801 {strides = array<i32>} : memref<128x144xf32, #tpu.memory_space<vmem>>, vector<16xf32>,
        %get3A_805 = arith.index_cast %add3A_764 : i32 to index
        %get3A_806 = arith.constant 80 : index
        %get3A_807 = tpu.vector_load %arg15[%get3A_805, %get3A_806] {strides = array<i32>} : memref<128x144xf32, #tpu.memory_space<vmem>>, vector<16xf32>,
        %mul3A_808 = vector.broadcast %squeeze3A_760 : f32 to vector<16xf32>
        %mul3A_809 = arith.mulf %get3A_807, %mul3A_808 : vector<16xf32>
        %swap3A_810 = arith.index_cast %add3A_764 : i32 to index
        %swap3A_811 = arith.constant 80 : index
        %swap3A_812 = tpu.vector_load %arg15[%swap3A_810, %swap3A_811] {strides = array<i32>} : memref<128x144xf32, #tpu.memory_space<vmem>>, vector<16xf32>,
        tpu.vector_store %arg15[%swap3A_810, %swap3A_811], %mul3A_809 {strides = array<i32>} : memref<128x144xf32, #tpu.memory_space<vmem>>, vector<16xf32>,
        %get3A_813 = arith.index_cast %add3A_764 : i32 to index
        %get3A_814 = arith.constant 96 : index
        %get3A_815 = tpu.vector_load %arg15[%get3A_813, %get3A_814] {strides = array<i32>} : memref<128x144xf32, #tpu.memory_space<vmem>>, vector<16xf32>,
        %mul3A_816 = vector.broadcast %squeeze3A_760 : f32 to vector<16xf32>
        %mul3A_817 = arith.mulf %get3A_815, %mul3A_816 : vector<16xf32>
        %swap3A_818 = arith.index_cast %add3A_764 : i32 to index
        %swap3A_819 = arith.constant 96 : index
        %swap3A_820 = tpu.vector_load %arg15[%swap3A_818, %swap3A_819] {strides = array<i32>} : memref<128x144xf32, #tpu.memory_space<vmem>>, vector<16xf32>,
        tpu.vector_store %arg15[%swap3A_818, %swap3A_819], %mul3A_817 {strides = array<i32>} : memref<128x144xf32, #tpu.memory_space<vmem>>, vector<16xf32>,
        %get3A_821 = arith.index_cast %add3A_764 : i32 to index
        %get3A_822 = arith.constant 112 : index
        %get3A_823 = tpu.vector_load %arg15[%get3A_821, %get3A_822] {strides = array<i32>} : memref<128x144xf32, #tpu.memory_space<vmem>>, vector<16xf32>,
        %mul3A_824 = vector.broadcast %squeeze3A_760 : f32 to vector<16xf32>
        %mul3A_825 = arith.mulf %get3A_823, %mul3A_824 : vector<16xf32>
        %swap3A_826 = arith.index_cast %add3A_764 : i32 to index
        %swap3A_827 = arith.constant 112 : index
        %swap3A_828 = tpu.vector_load %arg15[%swap3A_826, %swap3A_827] {strides = array<i32>} : memref<128x144xf32, #tpu.memory_space<vmem>>, vector<16xf32>,
        tpu.vector_store %arg15[%swap3A_826, %swap3A_827], %mul3A_825 {strides = array<i32>} : memref<128x144xf32, #tpu.memory_space<vmem>>, vector<16xf32>,
        %get3A_829 = arith.index_cast %add3A_764 : i32 to index
        %get3A_830 = arith.constant 128 : index
        %get3A_831 = tpu.vector_load %arg15[%get3A_829, %get3A_830] {strides = array<i32>} : memref<128x144xf32, #tpu.memory_space<vmem>>, vector<16xf32>,
        %mul3A_832 = vector.broadcast %squeeze3A_760 : f32 to vector<16xf32>
        %mul3A_833 = arith.mulf %get3A_831, %mul3A_832 : vector<16xf32>
        %swap3A_834 = arith.index_cast %add3A_764 : i32 to index
        %swap3A_835 = arith.constant 128 : index
        %swap3A_836 = tpu.vector_load %arg15[%swap3A_834, %swap3A_835] {strides = array<i32>} : memref<128x144xf32, #tpu.memory_space<vmem>>, vector<16xf32>,
        tpu.vector_store %arg15[%swap3A_834, %swap3A_835], %mul3A_833 {strides = array<i32>} : memref<128x144xf32, #tpu.memory_space<vmem>>, vector<16xf32>,
        %slice3A_837 = vector.extract_strided_slice %get3A_212 {offsets = [8], sizes = [1], strides = [1]} : vector<16xf32> to vector<1xf32>
        %squeeze3A_838 = vector.extract %slice3A_837[0] : f32 from vector<1xf32>
        %mul3A_839 = arith.constant 16 : i32
        %mul3A_840 = arith.muli %scan3A_208, %mul3A_839 : i32
        %add3A_841 = arith.constant 8 : i32
        %add3A_842 = arith.addi %mul3A_840, %add3A_841 : i32
        %get3A_843 = arith.index_cast %add3A_842 : i32 to index
        %get3A_844 = arith.constant 0 : index
        %get3A_845 = tpu.vector_load %arg15[%get3A_843, %get3A_844] {strides = array<i32>} : memref<128x144xf32, #tpu.memory_space<vmem>>, vector<16xf32>,
        %mul3A_846 = vector.broadcast %squeeze3A_838 : f32 to vector<16xf32>
        %mul3A_847 = arith.mulf %get3A_845, %mul3A_846 : vector<16xf32>
        %swap3A_848 = arith.index_cast %add3A_842 : i32 to index
        %swap3A_849 = arith.constant 0 : index
        %swap3A_850 = tpu.vector_load %arg15[%swap3A_848, %swap3A_849] {strides = array<i32>} : memref<128x144xf32, #tpu.memory_space<vmem>>, vector<16xf32>,
        tpu.vector_store %arg15[%swap3A_848, %swap3A_849], %mul3A_847 {strides = array<i32>} : memref<128x144xf32, #tpu.memory_space<vmem>>, vector<16xf32>,
        %get3A_851 = arith.index_cast %add3A_842 : i32 to index
        %get3A_852 = arith.constant 16 : index
        %get3A_853 = tpu.vector_load %arg15[%get3A_851, %get3A_852] {strides = array<i32>} : memref<128x144xf32, #tpu.memory_space<vmem>>, vector<16xf32>,
        %mul3A_854 = vector.broadcast %squeeze3A_838 : f32 to vector<16xf32>
        %mul3A_855 = arith.mulf %get3A_853, %mul3A_854 : vector<16xf32>
        %swap3A_856 = arith.index_cast %add3A_842 : i32 to index
        %swap3A_857 = arith.constant 16 : index
        %swap3A_858 = tpu.vector_load %arg15[%swap3A_856, %swap3A_857] {strides = array<i32>} : memref<128x144xf32, #tpu.memory_space<vmem>>, vector<16xf32>,
        tpu.vector_store %arg15[%swap3A_856, %swap3A_857], %mul3A_855 {strides = array<i32>} : memref<128x144xf32, #tpu.memory_space<vmem>>, vector<16xf32>,
        %get3A_859 = arith.index_cast %add3A_842 : i32 to index
        %get3A_860 = arith.constant 32 : index
        %get3A_861 = tpu.vector_load %arg15[%get3A_859, %get3A_860] {strides = array<i32>} : memref<128x144xf32, #tpu.memory_space<vmem>>, vector<16xf32>,
        %mul3A_862 = vector.broadcast %squeeze3A_838 : f32 to vector<16xf32>
        %mul3A_863 = arith.mulf %get3A_861, %mul3A_862 : vector<16xf32>
        %swap3A_864 = arith.index_cast %add3A_842 : i32 to index
        %swap3A_865 = arith.constant 32 : index
        %swap3A_866 = tpu.vector_load %arg15[%swap3A_864, %swap3A_865] {strides = array<i32>} : memref<128x144xf32, #tpu.memory_space<vmem>>, vector<16xf32>,
        tpu.vector_store %arg15[%swap3A_864, %swap3A_865], %mul3A_863 {strides = array<i32>} : memref<128x144xf32, #tpu.memory_space<vmem>>, vector<16xf32>,
        %get3A_867 = arith.index_cast %add3A_842 : i32 to index
        %get3A_868 = arith.constant 48 : index
        %get3A_869 = tpu.vector_load %arg15[%get3A_867, %get3A_868] {strides = array<i32>} : memref<128x144xf32, #tpu.memory_space<vmem>>, vector<16xf32>,
        %mul3A_870 = vector.broadcast %squeeze3A_838 : f32 to vector<16xf32>
        %mul3A_871 = arith.mulf %get3A_869, %mul3A_870 : vector<16xf32>
        %swap3A_872 = arith.index_cast %add3A_842 : i32 to index
        %swap3A_873 = arith.constant 48 : index
        %swap3A_874 = tpu.vector_load %arg15[%swap3A_872, %swap3A_873] {strides = array<i32>} : memref<128x144xf32, #tpu.memory_space<vmem>>, vector<16xf32>,
        tpu.vector_store %arg15[%swap3A_872, %swap3A_873], %mul3A_871 {strides = array<i32>} : memref<128x144xf32, #tpu.memory_space<vmem>>, vector<16xf32>,
        %get3A_875 = arith.index_cast %add3A_842 : i32 to index
        %get3A_876 = arith.constant 64 : index
        %get3A_877 = tpu.vector_load %arg15[%get3A_875, %get3A_876] {strides = array<i32>} : memref<128x144xf32, #tpu.memory_space<vmem>>, vector<16xf32>,
        %mul3A_878 = vector.broadcast %squeeze3A_838 : f32 to vector<16xf32>
        %mul3A_879 = arith.mulf %get3A_877, %mul3A_878 : vector<16xf32>
        %swap3A_880 = arith.index_cast %add3A_842 : i32 to index
        %swap3A_881 = arith.constant 64 : index
        %swap3A_882 = tpu.vector_load %arg15[%swap3A_880, %swap3A_881] {strides = array<i32>} : memref<128x144xf32, #tpu.memory_space<vmem>>, vector<16xf32>,
        tpu.vector_store %arg15[%swap3A_880, %swap3A_881], %mul3A_879 {strides = array<i32>} : memref<128x144xf32, #tpu.memory_space<vmem>>, vector<16xf32>,
        %get3A_883 = arith.index_cast %add3A_842 : i32 to index
        %get3A_884 = arith.constant 80 : index
        %get3A_885 = tpu.vector_load %arg15[%get3A_883, %get3A_884] {strides = array<i32>} : memref<128x144xf32, #tpu.memory_space<vmem>>, vector<16xf32>,
        %mul3A_886 = vector.broadcast %squeeze3A_838 : f32 to vector<16xf32>
        %mul3A_887 = arith.mulf %get3A_885, %mul3A_886 : vector<16xf32>
        %swap3A_888 = arith.index_cast %add3A_842 : i32 to index
        %swap3A_889 = arith.constant 80 : index
        %swap3A_890 = tpu.vector_load %arg15[%swap3A_888, %swap3A_889] {strides = array<i32>} : memref<128x144xf32, #tpu.memory_space<vmem>>, vector<16xf32>,
        tpu.vector_store %arg15[%swap3A_888, %swap3A_889], %mul3A_887 {strides = array<i32>} : memref<128x144xf32, #tpu.memory_space<vmem>>, vector<16xf32>,
        %get3A_891 = arith.index_cast %add3A_842 : i32 to index
        %get3A_892 = arith.constant 96 : index
        %get3A_893 = tpu.vector_load %arg15[%get3A_891, %get3A_892] {strides = array<i32>} : memref<128x144xf32, #tpu.memory_space<vmem>>, vector<16xf32>,
        %mul3A_894 = vector.broadcast %squeeze3A_838 : f32 to vector<16xf32>
        %mul3A_895 = arith.mulf %get3A_893, %mul3A_894 : vector<16xf32>
        %swap3A_896 = arith.index_cast %add3A_842 : i32 to index
        %swap3A_897 = arith.constant 96 : index
        %swap3A_898 = tpu.vector_load %arg15[%swap3A_896, %swap3A_897] {strides = array<i32>} : memref<128x144xf32, #tpu.memory_space<vmem>>, vector<16xf32>,
        tpu.vector_store %arg15[%swap3A_896, %swap3A_897], %mul3A_895 {strides = array<i32>} : memref<128x144xf32, #tpu.memory_space<vmem>>, vector<16xf32>,
        %get3A_899 = arith.index_cast %add3A_842 : i32 to index
        %get3A_900 = arith.constant 112 : index
        %get3A_901 = tpu.vector_load %arg15[%get3A_899, %get3A_900] {strides = array<i32>} : memref<128x144xf32, #tpu.memory_space<vmem>>, vector<16xf32>,
        %mul3A_902 = vector.broadcast %squeeze3A_838 : f32 to vector<16xf32>
        %mul3A_903 = arith.mulf %get3A_901, %mul3A_902 : vector<16xf32>
        %swap3A_904 = arith.index_cast %add3A_842 : i32 to index
        %swap3A_905 = arith.constant 112 : index
        %swap3A_906 = tpu.vector_load %arg15[%swap3A_904, %swap3A_905] {strides = array<i32>} : memref<128x144xf32, #tpu.memory_space<vmem>>, vector<16xf32>,
        tpu.vector_store %arg15[%swap3A_904, %swap3A_905], %mul3A_903 {strides = array<i32>} : memref<128x144xf32, #tpu.memory_space<vmem>>, vector<16xf32>,
        %get3A_907 = arith.index_cast %add3A_842 : i32 to index
        %get3A_908 = arith.constant 128 : index
        %get3A_909 = tpu.vector_load %arg15[%get3A_907, %get3A_908] {strides = array<i32>} : memref<128x144xf32, #tpu.memory_space<vmem>>, vector<16xf32>,
        %mul3A_910 = vector.broadcast %squeeze3A_838 : f32 to vector<16xf32>
        %mul3A_911 = arith.mulf %get3A_909, %mul3A_910 : vector<16xf32>
        %swap3A_912 = arith.index_cast %add3A_842 : i32 to index
        %swap3A_913 = arith.constant 128 : index
        %swap3A_914 = tpu.vector_load %arg15[%swap3A_912, %swap3A_913] {strides = array<i32>} : memref<128x144xf32, #tpu.memory_space<vmem>>, vector<16xf32>,
        tpu.vector_store %arg15[%swap3A_912, %swap3A_913], %mul3A_911 {strides = array<i32>} : memref<128x144xf32, #tpu.memory_space<vmem>>, vector<16xf32>,
        %slice3A_915 = vector.extract_strided_slice %get3A_212 {offsets = [9], sizes = [1], strides = [1]} : vector<16xf32> to vector<1xf32>
        %squeeze3A_916 = vector.extract %slice3A_915[0] : f32 from vector<1xf32>
        %mul3A_917 = arith.constant 16 : i32
        %mul3A_918 = arith.muli %scan3A_208, %mul3A_917 : i32
        %add3A_919 = arith.constant 9 : i32
        %add3A_920 = arith.addi %mul3A_918, %add3A_919 : i32
        %get3A_921 = arith.index_cast %add3A_920 : i32 to index
        %get3A_922 = arith.constant 0 : index
        %get3A_923 = tpu.vector_load %arg15[%get3A_921, %get3A_922] {strides = array<i32>} : memref<128x144xf32, #tpu.memory_space<vmem>>, vector<16xf32>,
        %mul3A_924 = vector.broadcast %squeeze3A_916 : f32 to vector<16xf32>
        %mul3A_925 = arith.mulf %get3A_923, %mul3A_924 : vector<16xf32>
        %swap3A_926 = arith.index_cast %add3A_920 : i32 to index
        %swap3A_927 = arith.constant 0 : index
        %swap3A_928 = tpu.vector_load %arg15[%swap3A_926, %swap3A_927] {strides = array<i32>} : memref<128x144xf32, #tpu.memory_space<vmem>>, vector<16xf32>,
        tpu.vector_store %arg15[%swap3A_926, %swap3A_927], %mul3A_925 {strides = array<i32>} : memref<128x144xf32, #tpu.memory_space<vmem>>, vector<16xf32>,
        %get3A_929 = arith.index_cast %add3A_920 : i32 to index
        %get3A_930 = arith.constant 16 : index
        %get3A_931 = tpu.vector_load %arg15[%get3A_929, %get3A_930] {strides = array<i32>} : memref<128x144xf32, #tpu.memory_space<vmem>>, vector<16xf32>,
        %mul3A_932 = vector.broadcast %squeeze3A_916 : f32 to vector<16xf32>
        %mul3A_933 = arith.mulf %get3A_931, %mul3A_932 : vector<16xf32>
        %swap3A_934 = arith.index_cast %add3A_920 : i32 to index
        %swap3A_935 = arith.constant 16 : index
        %swap3A_936 = tpu.vector_load %arg15[%swap3A_934, %swap3A_935] {strides = array<i32>} : memref<128x144xf32, #tpu.memory_space<vmem>>, vector<16xf32>,
        tpu.vector_store %arg15[%swap3A_934, %swap3A_935], %mul3A_933 {strides = array<i32>} : memref<128x144xf32, #tpu.memory_space<vmem>>, vector<16xf32>,
        %get3A_937 = arith.index_cast %add3A_920 : i32 to index
        %get3A_938 = arith.constant 32 : index
        %get3A_939 = tpu.vector_load %arg15[%get3A_937, %get3A_938] {strides = array<i32>} : memref<128x144xf32, #tpu.memory_space<vmem>>, vector<16xf32>,
        %mul3A_940 = vector.broadcast %squeeze3A_916 : f32 to vector<16xf32>
        %mul3A_941 = arith.mulf %get3A_939, %mul3A_940 : vector<16xf32>
        %swap3A_942 = arith.index_cast %add3A_920 : i32 to index
        %swap3A_943 = arith.constant 32 : index
        %swap3A_944 = tpu.vector_load %arg15[%swap3A_942, %swap3A_943] {strides = array<i32>} : memref<128x144xf32, #tpu.memory_space<vmem>>, vector<16xf32>,
        tpu.vector_store %arg15[%swap3A_942, %swap3A_943], %mul3A_941 {strides = array<i32>} : memref<128x144xf32, #tpu.memory_space<vmem>>, vector<16xf32>,
        %get3A_945 = arith.index_cast %add3A_920 : i32 to index
        %get3A_946 = arith.constant 48 : index
        %get3A_947 = tpu.vector_load %arg15[%get3A_945, %get3A_946] {strides = array<i32>} : memref<128x144xf32, #tpu.memory_space<vmem>>, vector<16xf32>,
        %mul3A_948 = vector.broadcast %squeeze3A_916 : f32 to vector<16xf32>
        %mul3A_949 = arith.mulf %get3A_947, %mul3A_948 : vector<16xf32>
        %swap3A_950 = arith.index_cast %add3A_920 : i32 to index
        %swap3A_951 = arith.constant 48 : index
        %swap3A_952 = tpu.vector_load %arg15[%swap3A_950, %swap3A_951] {strides = array<i32>} : memref<128x144xf32, #tpu.memory_space<vmem>>, vector<16xf32>,
        tpu.vector_store %arg15[%swap3A_950, %swap3A_951], %mul3A_949 {strides = array<i32>} : memref<128x144xf32, #tpu.memory_space<vmem>>, vector<16xf32>,
        %get3A_953 = arith.index_cast %add3A_920 : i32 to index
        %get3A_954 = arith.constant 64 : index
        %get3A_955 = tpu.vector_load %arg15[%get3A_953, %get3A_954] {strides = array<i32>} : memref<128x144xf32, #tpu.memory_space<vmem>>, vector<16xf32>,
        %mul3A_956 = vector.broadcast %squeeze3A_916 : f32 to vector<16xf32>
        %mul3A_957 = arith.mulf %get3A_955, %mul3A_956 : vector<16xf32>
        %swap3A_958 = arith.index_cast %add3A_920 : i32 to index
        %swap3A_959 = arith.constant 64 : index
        %swap3A_960 = tpu.vector_load %arg15[%swap3A_958, %swap3A_959] {strides = array<i32>} : memref<128x144xf32, #tpu.memory_space<vmem>>, vector<16xf32>,
        tpu.vector_store %arg15[%swap3A_958, %swap3A_959], %mul3A_957 {strides = array<i32>} : memref<128x144xf32, #tpu.memory_space<vmem>>, vector<16xf32>,
        %get3A_961 = arith.index_cast %add3A_920 : i32 to index
        %get3A_962 = arith.constant 80 : index
        %get3A_963 = tpu.vector_load %arg15[%get3A_961, %get3A_962] {strides = array<i32>} : memref<128x144xf32, #tpu.memory_space<vmem>>, vector<16xf32>,
        %mul3A_964 = vector.broadcast %squeeze3A_916 : f32 to vector<16xf32>
        %mul3A_965 = arith.mulf %get3A_963, %mul3A_964 : vector<16xf32>
        %swap3A_966 = arith.index_cast %add3A_920 : i32 to index
        %swap3A_967 = arith.constant 80 : index
        %swap3A_968 = tpu.vector_load %arg15[%swap3A_966, %swap3A_967] {strides = array<i32>} : memref<128x144xf32, #tpu.memory_space<vmem>>, vector<16xf32>,
        tpu.vector_store %arg15[%swap3A_966, %swap3A_967], %mul3A_965 {strides = array<i32>} : memref<128x144xf32, #tpu.memory_space<vmem>>, vector<16xf32>,
        %get3A_969 = arith.index_cast %add3A_920 : i32 to index
        %get3A_970 = arith.constant 96 : index
        %get3A_971 = tpu.vector_load %arg15[%get3A_969, %get3A_970] {strides = array<i32>} : memref<128x144xf32, #tpu.memory_space<vmem>>, vector<16xf32>,
        %mul3A_972 = vector.broadcast %squeeze3A_916 : f32 to vector<16xf32>
        %mul3A_973 = arith.mulf %get3A_971, %mul3A_972 : vector<16xf32>
        %swap3A_974 = arith.index_cast %add3A_920 : i32 to index
        %swap3A_975 = arith.constant 96 : index
        %swap3A_976 = tpu.vector_load %arg15[%swap3A_974, %swap3A_975] {strides = array<i32>} : memref<128x144xf32, #tpu.memory_space<vmem>>, vector<16xf32>,
        tpu.vector_store %arg15[%swap3A_974, %swap3A_975], %mul3A_973 {strides = array<i32>} : memref<128x144xf32, #tpu.memory_space<vmem>>, vector<16xf32>,
        %get3A_977 = arith.index_cast %add3A_920 : i32 to index
        %get3A_978 = arith.constant 112 : index
        %get3A_979 = tpu.vector_load %arg15[%get3A_977, %get3A_978] {strides = array<i32>} : memref<128x144xf32, #tpu.memory_space<vmem>>, vector<16xf32>,
        %mul3A_980 = vector.broadcast %squeeze3A_916 : f32 to vector<16xf32>
        %mul3A_981 = arith.mulf %get3A_979, %mul3A_980 : vector<16xf32>
        %swap3A_982 = arith.index_cast %add3A_920 : i32 to index
        %swap3A_983 = arith.constant 112 : index
        %swap3A_984 = tpu.vector_load %arg15[%swap3A_982, %swap3A_983] {strides = array<i32>} : memref<128x144xf32, #tpu.memory_space<vmem>>, vector<16xf32>,
        tpu.vector_store %arg15[%swap3A_982, %swap3A_983], %mul3A_981 {strides = array<i32>} : memref<128x144xf32, #tpu.memory_space<vmem>>, vector<16xf32>,
        %get3A_985 = arith.index_cast %add3A_920 : i32 to index
        %get3A_986 = arith.constant 128 : index
        %get3A_987 = tpu.vector_load %arg15[%get3A_985, %get3A_986] {strides = array<i32>} : memref<128x144xf32, #tpu.memory_space<vmem>>, vector<16xf32>,
        %mul3A_988 = vector.broadcast %squeeze3A_916 : f32 to vector<16xf32>
        %mul3A_989 = arith.mulf %get3A_987, %mul3A_988 : vector<16xf32>
        %swap3A_990 = arith.index_cast %add3A_920 : i32 to index
        %swap3A_991 = arith.constant 128 : index
        %swap3A_992 = tpu.vector_load %arg15[%swap3A_990, %swap3A_991] {strides = array<i32>} : memref<128x144xf32, #tpu.memory_space<vmem>>, vector<16xf32>,
        tpu.vector_store %arg15[%swap3A_990, %swap3A_991], %mul3A_989 {strides = array<i32>} : memref<128x144xf32, #tpu.memory_space<vmem>>, vector<16xf32>,
        %slice3A_993 = vector.extract_strided_slice %get3A_212 {offsets = [10], sizes = [1], strides = [1]} : vector<16xf32> to vector<1xf32>
        %squeeze3A_994 = vector.extract %slice3A_993[0] : f32 from vector<1xf32>
        %mul3A_995 = arith.constant 16 : i32
        %mul3A_996 = arith.muli %scan3A_208, %mul3A_995 : i32
        %add3A_997 = arith.constant 10 : i32
        %add3A_998 = arith.addi %mul3A_996, %add3A_997 : i32
        %get3A_999 = arith.index_cast %add3A_998 : i32 to index
        %get3A_1000 = arith.constant 0 : index
        %get3A_1001 = tpu.vector_load %arg15[%get3A_999, %get3A_1000] {strides = array<i32>} : memref<128x144xf32, #tpu.memory_space<vmem>>, vector<16xf32>,
        %mul3A_1002 = vector.broadcast %squeeze3A_994 : f32 to vector<16xf32>
        %mul3A_1003 = arith.mulf %get3A_1001, %mul3A_1002 : vector<16xf32>
        %swap3A_1004 = arith.index_cast %add3A_998 : i32 to index
        %swap3A_1005 = arith.constant 0 : index
        %swap3A_1006 = tpu.vector_load %arg15[%swap3A_1004, %swap3A_1005] {strides = array<i32>} : memref<128x144xf32, #tpu.memory_space<vmem>>, vector<16xf32>,
        tpu.vector_store %arg15[%swap3A_1004, %swap3A_1005], %mul3A_1003 {strides = array<i32>} : memref<128x144xf32, #tpu.memory_space<vmem>>, vector<16xf32>,
        %get3A_1007 = arith.index_cast %add3A_998 : i32 to index
        %get3A_1008 = arith.constant 16 : index
        %get3A_1009 = tpu.vector_load %arg15[%get3A_1007, %get3A_1008] {strides = array<i32>} : memref<128x144xf32, #tpu.memory_space<vmem>>, vector<16xf32>,
        %mul3A_1010 = vector.broadcast %squeeze3A_994 : f32 to vector<16xf32>
        %mul3A_1011 = arith.mulf %get3A_1009, %mul3A_1010 : vector<16xf32>
        %swap3A_1012 = arith.index_cast %add3A_998 : i32 to index
        %swap3A_1013 = arith.constant 16 : index
        %swap3A_1014 = tpu.vector_load %arg15[%swap3A_1012, %swap3A_1013] {strides = array<i32>} : memref<128x144xf32, #tpu.memory_space<vmem>>, vector<16xf32>,
        tpu.vector_store %arg15[%swap3A_1012, %swap3A_1013], %mul3A_1011 {strides = array<i32>} : memref<128x144xf32, #tpu.memory_space<vmem>>, vector<16xf32>,
        %get3A_1015 = arith.index_cast %add3A_998 : i32 to index
        %get3A_1016 = arith.constant 32 : index
        %get3A_1017 = tpu.vector_load %arg15[%get3A_1015, %get3A_1016] {strides = array<i32>} : memref<128x144xf32, #tpu.memory_space<vmem>>, vector<16xf32>,
        %mul3A_1018 = vector.broadcast %squeeze3A_994 : f32 to vector<16xf32>
        %mul3A_1019 = arith.mulf %get3A_1017, %mul3A_1018 : vector<16xf32>
        %swap3A_1020 = arith.index_cast %add3A_998 : i32 to index
        %swap3A_1021 = arith.constant 32 : index
        %swap3A_1022 = tpu.vector_load %arg15[%swap3A_1020, %swap3A_1021] {strides = array<i32>} : memref<128x144xf32, #tpu.memory_space<vmem>>, vector<16xf32>,
        tpu.vector_store %arg15[%swap3A_1020, %swap3A_1021], %mul3A_1019 {strides = array<i32>} : memref<128x144xf32, #tpu.memory_space<vmem>>, vector<16xf32>,
        %get3A_1023 = arith.index_cast %add3A_998 : i32 to index
        %get3A_1024 = arith.constant 48 : index
        %get3A_1025 = tpu.vector_load %arg15[%get3A_1023, %get3A_1024] {strides = array<i32>} : memref<128x144xf32, #tpu.memory_space<vmem>>, vector<16xf32>,
        %mul3A_1026 = vector.broadcast %squeeze3A_994 : f32 to vector<16xf32>
        %mul3A_1027 = arith.mulf %get3A_1025, %mul3A_1026 : vector<16xf32>
        %swap3A_1028 = arith.index_cast %add3A_998 : i32 to index
        %swap3A_1029 = arith.constant 48 : index
        %swap3A_1030 = tpu.vector_load %arg15[%swap3A_1028, %swap3A_1029] {strides = array<i32>} : memref<128x144xf32, #tpu.memory_space<vmem>>, vector<16xf32>,
        tpu.vector_store %arg15[%swap3A_1028, %swap3A_1029], %mul3A_1027 {strides = array<i32>} : memref<128x144xf32, #tpu.memory_space<vmem>>, vector<16xf32>,
        %get3A_1031 = arith.index_cast %add3A_998 : i32 to index
        %get3A_1032 = arith.constant 64 : index
        %get3A_1033 = tpu.vector_load %arg15[%get3A_1031, %get3A_1032] {strides = array<i32>} : memref<128x144xf32, #tpu.memory_space<vmem>>, vector<16xf32>,
        %mul3A_1034 = vector.broadcast %squeeze3A_994 : f32 to vector<16xf32>
        %mul3A_1035 = arith.mulf %get3A_1033, %mul3A_1034 : vector<16xf32>
        %swap3A_1036 = arith.index_cast %add3A_998 : i32 to index
        %swap3A_1037 = arith.constant 64 : index
        %swap3A_1038 = tpu.vector_load %arg15[%swap3A_1036, %swap3A_1037] {strides = array<i32>} : memref<128x144xf32, #tpu.memory_space<vmem>>, vector<16xf32>,
        tpu.vector_store %arg15[%swap3A_1036, %swap3A_1037], %mul3A_1035 {strides = array<i32>} : memref<128x144xf32, #tpu.memory_space<vmem>>, vector<16xf32>,
        %get3A_1039 = arith.index_cast %add3A_998 : i32 to index
        %get3A_1040 = arith.constant 80 : index
        %get3A_1041 = tpu.vector_load %arg15[%get3A_1039, %get3A_1040] {strides = array<i32>} : memref<128x144xf32, #tpu.memory_space<vmem>>, vector<16xf32>,
        %mul3A_1042 = vector.broadcast %squeeze3A_994 : f32 to vector<16xf32>
        %mul3A_1043 = arith.mulf %get3A_1041, %mul3A_1042 : vector<16xf32>
        %swap3A_1044 = arith.index_cast %add3A_998 : i32 to index
        %swap3A_1045 = arith.constant 80 : index
        %swap3A_1046 = tpu.vector_load %arg15[%swap3A_1044, %swap3A_1045] {strides = array<i32>} : memref<128x144xf32, #tpu.memory_space<vmem>>, vector<16xf32>,
        tpu.vector_store %arg15[%swap3A_1044, %swap3A_1045], %mul3A_1043 {strides = array<i32>} : memref<128x144xf32, #tpu.memory_space<vmem>>, vector<16xf32>,
        %get3A_1047 = arith.index_cast %add3A_998 : i32 to index
        %get3A_1048 = arith.constant 96 : index
        %get3A_1049 = tpu.vector_load %arg15[%get3A_1047, %get3A_1048] {strides = array<i32>} : memref<128x144xf32, #tpu.memory_space<vmem>>, vector<16xf32>,
        %mul3A_1050 = vector.broadcast %squeeze3A_994 : f32 to vector<16xf32>
        %mul3A_1051 = arith.mulf %get3A_1049, %mul3A_1050 : vector<16xf32>
        %swap3A_1052 = arith.index_cast %add3A_998 : i32 to index
        %swap3A_1053 = arith.constant 96 : index
        %swap3A_1054 = tpu.vector_load %arg15[%swap3A_1052, %swap3A_1053] {strides = array<i32>} : memref<128x144xf32, #tpu.memory_space<vmem>>, vector<16xf32>,
        tpu.vector_store %arg15[%swap3A_1052, %swap3A_1053], %mul3A_1051 {strides = array<i32>} : memref<128x144xf32, #tpu.memory_space<vmem>>, vector<16xf32>,
        %get3A_1055 = arith.index_cast %add3A_998 : i32 to index
        %get3A_1056 = arith.constant 112 : index
        %get3A_1057 = tpu.vector_load %arg15[%get3A_1055, %get3A_1056] {strides = array<i32>} : memref<128x144xf32, #tpu.memory_space<vmem>>, vector<16xf32>,
        %mul3A_1058 = vector.broadcast %squeeze3A_994 : f32 to vector<16xf32>
        %mul3A_1059 = arith.mulf %get3A_1057, %mul3A_1058 : vector<16xf32>
        %swap3A_1060 = arith.index_cast %add3A_998 : i32 to index
        %swap3A_1061 = arith.constant 112 : index
        %swap3A_1062 = tpu.vector_load %arg15[%swap3A_1060, %swap3A_1061] {strides = array<i32>} : memref<128x144xf32, #tpu.memory_space<vmem>>, vector<16xf32>,
        tpu.vector_store %arg15[%swap3A_1060, %swap3A_1061], %mul3A_1059 {strides = array<i32>} : memref<128x144xf32, #tpu.memory_space<vmem>>, vector<16xf32>,
        %get3A_1063 = arith.index_cast %add3A_998 : i32 to index
        %get3A_1064 = arith.constant 128 : index
        %get3A_1065 = tpu.vector_load %arg15[%get3A_1063, %get3A_1064] {strides = array<i32>} : memref<128x144xf32, #tpu.memory_space<vmem>>, vector<16xf32>,
        %mul3A_1066 = vector.broadcast %squeeze3A_994 : f32 to vector<16xf32>
        %mul3A_1067 = arith.mulf %get3A_1065, %mul3A_1066 : vector<16xf32>
        %swap3A_1068 = arith.index_cast %add3A_998 : i32 to index
        %swap3A_1069 = arith.constant 128 : index
        %swap3A_1070 = tpu.vector_load %arg15[%swap3A_1068, %swap3A_1069] {strides = array<i32>} : memref<128x144xf32, #tpu.memory_space<vmem>>, vector<16xf32>,
        tpu.vector_store %arg15[%swap3A_1068, %swap3A_1069], %mul3A_1067 {strides = array<i32>} : memref<128x144xf32, #tpu.memory_space<vmem>>, vector<16xf32>,
        %slice3A_1071 = vector.extract_strided_slice %get3A_212 {offsets = [11], sizes = [1], strides = [1]} : vector<16xf32> to vector<1xf32>
        %squeeze3A_1072 = vector.extract %slice3A_1071[0] : f32 from vector<1xf32>
        %mul3A_1073 = arith.constant 16 : i32
        %mul3A_1074 = arith.muli %scan3A_208, %mul3A_1073 : i32
        %add3A_1075 = arith.constant 11 : i32
        %add3A_1076 = arith.addi %mul3A_1074, %add3A_1075 : i32
        %get3A_1077 = arith.index_cast %add3A_1076 : i32 to index
        %get3A_1078 = arith.constant 0 : index
        %get3A_1079 = tpu.vector_load %arg15[%get3A_1077, %get3A_1078] {strides = array<i32>} : memref<128x144xf32, #tpu.memory_space<vmem>>, vector<16xf32>,
        %mul3A_1080 = vector.broadcast %squeeze3A_1072 : f32 to vector<16xf32>
        %mul3A_1081 = arith.mulf %get3A_1079, %mul3A_1080 : vector<16xf32>
        %swap3A_1082 = arith.index_cast %add3A_1076 : i32 to index
        %swap3A_1083 = arith.constant 0 : index
        %swap3A_1084 = tpu.vector_load %arg15[%swap3A_1082, %swap3A_1083] {strides = array<i32>} : memref<128x144xf32, #tpu.memory_space<vmem>>, vector<16xf32>,
        tpu.vector_store %arg15[%swap3A_1082, %swap3A_1083], %mul3A_1081 {strides = array<i32>} : memref<128x144xf32, #tpu.memory_space<vmem>>, vector<16xf32>,
        %get3A_1085 = arith.index_cast %add3A_1076 : i32 to index
        %get3A_1086 = arith.constant 16 : index
        %get3A_1087 = tpu.vector_load %arg15[%get3A_1085, %get3A_1086] {strides = array<i32>} : memref<128x144xf32, #tpu.memory_space<vmem>>, vector<16xf32>,
        %mul3A_1088 = vector.broadcast %squeeze3A_1072 : f32 to vector<16xf32>
        %mul3A_1089 = arith.mulf %get3A_1087, %mul3A_1088 : vector<16xf32>
        %swap3A_1090 = arith.index_cast %add3A_1076 : i32 to index
        %swap3A_1091 = arith.constant 16 : index
        %swap3A_1092 = tpu.vector_load %arg15[%swap3A_1090, %swap3A_1091] {strides = array<i32>} : memref<128x144xf32, #tpu.memory_space<vmem>>, vector<16xf32>,
        tpu.vector_store %arg15[%swap3A_1090, %swap3A_1091], %mul3A_1089 {strides = array<i32>} : memref<128x144xf32, #tpu.memory_space<vmem>>, vector<16xf32>,
        %get3A_1093 = arith.index_cast %add3A_1076 : i32 to index
        %get3A_1094 = arith.constant 32 : index
        %get3A_1095 = tpu.vector_load %arg15[%get3A_1093, %get3A_1094] {strides = array<i32>} : memref<128x144xf32, #tpu.memory_space<vmem>>, vector<16xf32>,
        %mul3A_1096 = vector.broadcast %squeeze3A_1072 : f32 to vector<16xf32>
        %mul3A_1097 = arith.mulf %get3A_1095, %mul3A_1096 : vector<16xf32>
        %swap3A_1098 = arith.index_cast %add3A_1076 : i32 to index
        %swap3A_1099 = arith.constant 32 : index
        %swap3A_1100 = tpu.vector_load %arg15[%swap3A_1098, %swap3A_1099] {strides = array<i32>} : memref<128x144xf32, #tpu.memory_space<vmem>>, vector<16xf32>,
        tpu.vector_store %arg15[%swap3A_1098, %swap3A_1099], %mul3A_1097 {strides = array<i32>} : memref<128x144xf32, #tpu.memory_space<vmem>>, vector<16xf32>,
        %get3A_1101 = arith.index_cast %add3A_1076 : i32 to index
        %get3A_1102 = arith.constant 48 : index
        %get3A_1103 = tpu.vector_load %arg15[%get3A_1101, %get3A_1102] {strides = array<i32>} : memref<128x144xf32, #tpu.memory_space<vmem>>, vector<16xf32>,
        %mul3A_1104 = vector.broadcast %squeeze3A_1072 : f32 to vector<16xf32>
        %mul3A_1105 = arith.mulf %get3A_1103, %mul3A_1104 : vector<16xf32>
        %swap3A_1106 = arith.index_cast %add3A_1076 : i32 to index
        %swap3A_1107 = arith.constant 48 : index
        %swap3A_1108 = tpu.vector_load %arg15[%swap3A_1106, %swap3A_1107] {strides = array<i32>} : memref<128x144xf32, #tpu.memory_space<vmem>>, vector<16xf32>,
        tpu.vector_store %arg15[%swap3A_1106, %swap3A_1107], %mul3A_1105 {strides = array<i32>} : memref<128x144xf32, #tpu.memory_space<vmem>>, vector<16xf32>,
        %get3A_1109 = arith.index_cast %add3A_1076 : i32 to index
        %get3A_1110 = arith.constant 64 : index
        %get3A_1111 = tpu.vector_load %arg15[%get3A_1109, %get3A_1110] {strides = array<i32>} : memref<128x144xf32, #tpu.memory_space<vmem>>, vector<16xf32>,
        %mul3A_1112 = vector.broadcast %squeeze3A_1072 : f32 to vector<16xf32>
        %mul3A_1113 = arith.mulf %get3A_1111, %mul3A_1112 : vector<16xf32>
        %swap3A_1114 = arith.index_cast %add3A_1076 : i32 to index
        %swap3A_1115 = arith.constant 64 : index
        %swap3A_1116 = tpu.vector_load %arg15[%swap3A_1114, %swap3A_1115] {strides = array<i32>} : memref<128x144xf32, #tpu.memory_space<vmem>>, vector<16xf32>,
        tpu.vector_store %arg15[%swap3A_1114, %swap3A_1115], %mul3A_1113 {strides = array<i32>} : memref<128x144xf32, #tpu.memory_space<vmem>>, vector<16xf32>,
        %get3A_1117 = arith.index_cast %add3A_1076 : i32 to index
        %get3A_1118 = arith.constant 80 : index
        %get3A_1119 = tpu.vector_load %arg15[%get3A_1117, %get3A_1118] {strides = array<i32>} : memref<128x144xf32, #tpu.memory_space<vmem>>, vector<16xf32>,
        %mul3A_1120 = vector.broadcast %squeeze3A_1072 : f32 to vector<16xf32>
        %mul3A_1121 = arith.mulf %get3A_1119, %mul3A_1120 : vector<16xf32>
        %swap3A_1122 = arith.index_cast %add3A_1076 : i32 to index
        %swap3A_1123 = arith.constant 80 : index
        %swap3A_1124 = tpu.vector_load %arg15[%swap3A_1122, %swap3A_1123] {strides = array<i32>} : memref<128x144xf32, #tpu.memory_space<vmem>>, vector<16xf32>,
        tpu.vector_store %arg15[%swap3A_1122, %swap3A_1123], %mul3A_1121 {strides = array<i32>} : memref<128x144xf32, #tpu.memory_space<vmem>>, vector<16xf32>,
        %get3A_1125 = arith.index_cast %add3A_1076 : i32 to index
        %get3A_1126 = arith.constant 96 : index
        %get3A_1127 = tpu.vector_load %arg15[%get3A_1125, %get3A_1126] {strides = array<i32>} : memref<128x144xf32, #tpu.memory_space<vmem>>, vector<16xf32>,
        %mul3A_1128 = vector.broadcast %squeeze3A_1072 : f32 to vector<16xf32>
        %mul3A_1129 = arith.mulf %get3A_1127, %mul3A_1128 : vector<16xf32>
        %swap3A_1130 = arith.index_cast %add3A_1076 : i32 to index
        %swap3A_1131 = arith.constant 96 : index
        %swap3A_1132 = tpu.vector_load %arg15[%swap3A_1130, %swap3A_1131] {strides = array<i32>} : memref<128x144xf32, #tpu.memory_space<vmem>>, vector<16xf32>,
        tpu.vector_store %arg15[%swap3A_1130, %swap3A_1131], %mul3A_1129 {strides = array<i32>} : memref<128x144xf32, #tpu.memory_space<vmem>>, vector<16xf32>,
        %get3A_1133 = arith.index_cast %add3A_1076 : i32 to index
        %get3A_1134 = arith.constant 112 : index
        %get3A_1135 = tpu.vector_load %arg15[%get3A_1133, %get3A_1134] {strides = array<i32>} : memref<128x144xf32, #tpu.memory_space<vmem>>, vector<16xf32>,
        %mul3A_1136 = vector.broadcast %squeeze3A_1072 : f32 to vector<16xf32>
        %mul3A_1137 = arith.mulf %get3A_1135, %mul3A_1136 : vector<16xf32>
        %swap3A_1138 = arith.index_cast %add3A_1076 : i32 to index
        %swap3A_1139 = arith.constant 112 : index
        %swap3A_1140 = tpu.vector_load %arg15[%swap3A_1138, %swap3A_1139] {strides = array<i32>} : memref<128x144xf32, #tpu.memory_space<vmem>>, vector<16xf32>,
        tpu.vector_store %arg15[%swap3A_1138, %swap3A_1139], %mul3A_1137 {strides = array<i32>} : memref<128x144xf32, #tpu.memory_space<vmem>>, vector<16xf32>,
        %get3A_1141 = arith.index_cast %add3A_1076 : i32 to index
        %get3A_1142 = arith.constant 128 : index
        %get3A_1143 = tpu.vector_load %arg15[%get3A_1141, %get3A_1142] {strides = array<i32>} : memref<128x144xf32, #tpu.memory_space<vmem>>, vector<16xf32>,
        %mul3A_1144 = vector.broadcast %squeeze3A_1072 : f32 to vector<16xf32>
        %mul3A_1145 = arith.mulf %get3A_1143, %mul3A_1144 : vector<16xf32>
        %swap3A_1146 = arith.index_cast %add3A_1076 : i32 to index
        %swap3A_1147 = arith.constant 128 : index
        %swap3A_1148 = tpu.vector_load %arg15[%swap3A_1146, %swap3A_1147] {strides = array<i32>} : memref<128x144xf32, #tpu.memory_space<vmem>>, vector<16xf32>,
        tpu.vector_store %arg15[%swap3A_1146, %swap3A_1147], %mul3A_1145 {strides = array<i32>} : memref<128x144xf32, #tpu.memory_space<vmem>>, vector<16xf32>,
        %slice3A_1149 = vector.extract_strided_slice %get3A_212 {offsets = [12], sizes = [1], strides = [1]} : vector<16xf32> to vector<1xf32>
        %squeeze3A_1150 = vector.extract %slice3A_1149[0] : f32 from vector<1xf32>
        %mul3A_1151 = arith.constant 16 : i32
        %mul3A_1152 = arith.muli %scan3A_208, %mul3A_1151 : i32
        %add3A_1153 = arith.constant 12 : i32
        %add3A_1154 = arith.addi %mul3A_1152, %add3A_1153 : i32
        %get3A_1155 = arith.index_cast %add3A_1154 : i32 to index
        %get3A_1156 = arith.constant 0 : index
        %get3A_1157 = tpu.vector_load %arg15[%get3A_1155, %get3A_1156] {strides = array<i32>} : memref<128x144xf32, #tpu.memory_space<vmem>>, vector<16xf32>,
        %mul3A_1158 = vector.broadcast %squeeze3A_1150 : f32 to vector<16xf32>
        %mul3A_1159 = arith.mulf %get3A_1157, %mul3A_1158 : vector<16xf32>
        %swap3A_1160 = arith.index_cast %add3A_1154 : i32 to index
        %swap3A_1161 = arith.constant 0 : index
        %swap3A_1162 = tpu.vector_load %arg15[%swap3A_1160, %swap3A_1161] {strides = array<i32>} : memref<128x144xf32, #tpu.memory_space<vmem>>, vector<16xf32>,
        tpu.vector_store %arg15[%swap3A_1160, %swap3A_1161], %mul3A_1159 {strides = array<i32>} : memref<128x144xf32, #tpu.memory_space<vmem>>, vector<16xf32>,
        %get3A_1163 = arith.index_cast %add3A_1154 : i32 to index
        %get3A_1164 = arith.constant 16 : index
        %get3A_1165 = tpu.vector_load %arg15[%get3A_1163, %get3A_1164] {strides = array<i32>} : memref<128x144xf32, #tpu.memory_space<vmem>>, vector<16xf32>,
        %mul3A_1166 = vector.broadcast %squeeze3A_1150 : f32 to vector<16xf32>
        %mul3A_1167 = arith.mulf %get3A_1165, %mul3A_1166 : vector<16xf32>
        %swap3A_1168 = arith.index_cast %add3A_1154 : i32 to index
        %swap3A_1169 = arith.constant 16 : index
        %swap3A_1170 = tpu.vector_load %arg15[%swap3A_1168, %swap3A_1169] {strides = array<i32>} : memref<128x144xf32, #tpu.memory_space<vmem>>, vector<16xf32>,
        tpu.vector_store %arg15[%swap3A_1168, %swap3A_1169], %mul3A_1167 {strides = array<i32>} : memref<128x144xf32, #tpu.memory_space<vmem>>, vector<16xf32>,
        %get3A_1171 = arith.index_cast %add3A_1154 : i32 to index
        %get3A_1172 = arith.constant 32 : index
        %get3A_1173 = tpu.vector_load %arg15[%get3A_1171, %get3A_1172] {strides = array<i32>} : memref<128x144xf32, #tpu.memory_space<vmem>>, vector<16xf32>,
        %mul3A_1174 = vector.broadcast %squeeze3A_1150 : f32 to vector<16xf32>
        %mul3A_1175 = arith.mulf %get3A_1173, %mul3A_1174 : vector<16xf32>
        %swap3A_1176 = arith.index_cast %add3A_1154 : i32 to index
        %swap3A_1177 = arith.constant 32 : index
        %swap3A_1178 = tpu.vector_load %arg15[%swap3A_1176, %swap3A_1177] {strides = array<i32>} : memref<128x144xf32, #tpu.memory_space<vmem>>, vector<16xf32>,
        tpu.vector_store %arg15[%swap3A_1176, %swap3A_1177], %mul3A_1175 {strides = array<i32>} : memref<128x144xf32, #tpu.memory_space<vmem>>, vector<16xf32>,
        %get3A_1179 = arith.index_cast %add3A_1154 : i32 to index
        %get3A_1180 = arith.constant 48 : index
        %get3A_1181 = tpu.vector_load %arg15[%get3A_1179, %get3A_1180] {strides = array<i32>} : memref<128x144xf32, #tpu.memory_space<vmem>>, vector<16xf32>,
        %mul3A_1182 = vector.broadcast %squeeze3A_1150 : f32 to vector<16xf32>
        %mul3A_1183 = arith.mulf %get3A_1181, %mul3A_1182 : vector<16xf32>
        %swap3A_1184 = arith.index_cast %add3A_1154 : i32 to index
        %swap3A_1185 = arith.constant 48 : index
        %swap3A_1186 = tpu.vector_load %arg15[%swap3A_1184, %swap3A_1185] {strides = array<i32>} : memref<128x144xf32, #tpu.memory_space<vmem>>, vector<16xf32>,
        tpu.vector_store %arg15[%swap3A_1184, %swap3A_1185], %mul3A_1183 {strides = array<i32>} : memref<128x144xf32, #tpu.memory_space<vmem>>, vector<16xf32>,
        %get3A_1187 = arith.index_cast %add3A_1154 : i32 to index
        %get3A_1188 = arith.constant 64 : index
        %get3A_1189 = tpu.vector_load %arg15[%get3A_1187, %get3A_1188] {strides = array<i32>} : memref<128x144xf32, #tpu.memory_space<vmem>>, vector<16xf32>,
        %mul3A_1190 = vector.broadcast %squeeze3A_1150 : f32 to vector<16xf32>
        %mul3A_1191 = arith.mulf %get3A_1189, %mul3A_1190 : vector<16xf32>
        %swap3A_1192 = arith.index_cast %add3A_1154 : i32 to index
        %swap3A_1193 = arith.constant 64 : index
        %swap3A_1194 = tpu.vector_load %arg15[%swap3A_1192, %swap3A_1193] {strides = array<i32>} : memref<128x144xf32, #tpu.memory_space<vmem>>, vector<16xf32>,
        tpu.vector_store %arg15[%swap3A_1192, %swap3A_1193], %mul3A_1191 {strides = array<i32>} : memref<128x144xf32, #tpu.memory_space<vmem>>, vector<16xf32>,
        %get3A_1195 = arith.index_cast %add3A_1154 : i32 to index
        %get3A_1196 = arith.constant 80 : index
        %get3A_1197 = tpu.vector_load %arg15[%get3A_1195, %get3A_1196] {strides = array<i32>} : memref<128x144xf32, #tpu.memory_space<vmem>>, vector<16xf32>,
        %mul3A_1198 = vector.broadcast %squeeze3A_1150 : f32 to vector<16xf32>
        %mul3A_1199 = arith.mulf %get3A_1197, %mul3A_1198 : vector<16xf32>
        %swap3A_1200 = arith.index_cast %add3A_1154 : i32 to index
        %swap3A_1201 = arith.constant 80 : index
        %swap3A_1202 = tpu.vector_load %arg15[%swap3A_1200, %swap3A_1201] {strides = array<i32>} : memref<128x144xf32, #tpu.memory_space<vmem>>, vector<16xf32>,
        tpu.vector_store %arg15[%swap3A_1200, %swap3A_1201], %mul3A_1199 {strides = array<i32>} : memref<128x144xf32, #tpu.memory_space<vmem>>, vector<16xf32>,
        %get3A_1203 = arith.index_cast %add3A_1154 : i32 to index
        %get3A_1204 = arith.constant 96 : index
        %get3A_1205 = tpu.vector_load %arg15[%get3A_1203, %get3A_1204] {strides = array<i32>} : memref<128x144xf32, #tpu.memory_space<vmem>>, vector<16xf32>,
        %mul3A_1206 = vector.broadcast %squeeze3A_1150 : f32 to vector<16xf32>
        %mul3A_1207 = arith.mulf %get3A_1205, %mul3A_1206 : vector<16xf32>
        %swap3A_1208 = arith.index_cast %add3A_1154 : i32 to index
        %swap3A_1209 = arith.constant 96 : index
        %swap3A_1210 = tpu.vector_load %arg15[%swap3A_1208, %swap3A_1209] {strides = array<i32>} : memref<128x144xf32, #tpu.memory_space<vmem>>, vector<16xf32>,
        tpu.vector_store %arg15[%swap3A_1208, %swap3A_1209], %mul3A_1207 {strides = array<i32>} : memref<128x144xf32, #tpu.memory_space<vmem>>, vector<16xf32>,
        %get3A_1211 = arith.index_cast %add3A_1154 : i32 to index
        %get3A_1212 = arith.constant 112 : index
        %get3A_1213 = tpu.vector_load %arg15[%get3A_1211, %get3A_1212] {strides = array<i32>} : memref<128x144xf32, #tpu.memory_space<vmem>>, vector<16xf32>,
        %mul3A_1214 = vector.broadcast %squeeze3A_1150 : f32 to vector<16xf32>
        %mul3A_1215 = arith.mulf %get3A_1213, %mul3A_1214 : vector<16xf32>
        %swap3A_1216 = arith.index_cast %add3A_1154 : i32 to index
        %swap3A_1217 = arith.constant 112 : index
        %swap3A_1218 = tpu.vector_load %arg15[%swap3A_1216, %swap3A_1217] {strides = array<i32>} : memref<128x144xf32, #tpu.memory_space<vmem>>, vector<16xf32>,
        tpu.vector_store %arg15[%swap3A_1216, %swap3A_1217], %mul3A_1215 {strides = array<i32>} : memref<128x144xf32, #tpu.memory_space<vmem>>, vector<16xf32>,
        %get3A_1219 = arith.index_cast %add3A_1154 : i32 to index
        %get3A_1220 = arith.constant 128 : index
        %get3A_1221 = tpu.vector_load %arg15[%get3A_1219, %get3A_1220] {strides = array<i32>} : memref<128x144xf32, #tpu.memory_space<vmem>>, vector<16xf32>,
        %mul3A_1222 = vector.broadcast %squeeze3A_1150 : f32 to vector<16xf32>
        %mul3A_1223 = arith.mulf %get3A_1221, %mul3A_1222 : vector<16xf32>
        %swap3A_1224 = arith.index_cast %add3A_1154 : i32 to index
        %swap3A_1225 = arith.constant 128 : index
        %swap3A_1226 = tpu.vector_load %arg15[%swap3A_1224, %swap3A_1225] {strides = array<i32>} : memref<128x144xf32, #tpu.memory_space<vmem>>, vector<16xf32>,
        tpu.vector_store %arg15[%swap3A_1224, %swap3A_1225], %mul3A_1223 {strides = array<i32>} : memref<128x144xf32, #tpu.memory_space<vmem>>, vector<16xf32>,
        %slice3A_1227 = vector.extract_strided_slice %get3A_212 {offsets = [13], sizes = [1], strides = [1]} : vector<16xf32> to vector<1xf32>
        %squeeze3A_1228 = vector.extract %slice3A_1227[0] : f32 from vector<1xf32>
        %mul3A_1229 = arith.constant 16 : i32
        %mul3A_1230 = arith.muli %scan3A_208, %mul3A_1229 : i32
        %add3A_1231 = arith.constant 13 : i32
        %add3A_1232 = arith.addi %mul3A_1230, %add3A_1231 : i32
        %get3A_1233 = arith.index_cast %add3A_1232 : i32 to index
        %get3A_1234 = arith.constant 0 : index
        %get3A_1235 = tpu.vector_load %arg15[%get3A_1233, %get3A_1234] {strides = array<i32>} : memref<128x144xf32, #tpu.memory_space<vmem>>, vector<16xf32>,
        %mul3A_1236 = vector.broadcast %squeeze3A_1228 : f32 to vector<16xf32>
        %mul3A_1237 = arith.mulf %get3A_1235, %mul3A_1236 : vector<16xf32>
        %swap3A_1238 = arith.index_cast %add3A_1232 : i32 to index
        %swap3A_1239 = arith.constant 0 : index
        %swap3A_1240 = tpu.vector_load %arg15[%swap3A_1238, %swap3A_1239] {strides = array<i32>} : memref<128x144xf32, #tpu.memory_space<vmem>>, vector<16xf32>,
        tpu.vector_store %arg15[%swap3A_1238, %swap3A_1239], %mul3A_1237 {strides = array<i32>} : memref<128x144xf32, #tpu.memory_space<vmem>>, vector<16xf32>,
        %get3A_1241 = arith.index_cast %add3A_1232 : i32 to index
        %get3A_1242 = arith.constant 16 : index
        %get3A_1243 = tpu.vector_load %arg15[%get3A_1241, %get3A_1242] {strides = array<i32>} : memref<128x144xf32, #tpu.memory_space<vmem>>, vector<16xf32>,
        %mul3A_1244 = vector.broadcast %squeeze3A_1228 : f32 to vector<16xf32>
        %mul3A_1245 = arith.mulf %get3A_1243, %mul3A_1244 : vector<16xf32>
        %swap3A_1246 = arith.index_cast %add3A_1232 : i32 to index
        %swap3A_1247 = arith.constant 16 : index
        %swap3A_1248 = tpu.vector_load %arg15[%swap3A_1246, %swap3A_1247] {strides = array<i32>} : memref<128x144xf32, #tpu.memory_space<vmem>>, vector<16xf32>,
        tpu.vector_store %arg15[%swap3A_1246, %swap3A_1247], %mul3A_1245 {strides = array<i32>} : memref<128x144xf32, #tpu.memory_space<vmem>>, vector<16xf32>,
        %get3A_1249 = arith.index_cast %add3A_1232 : i32 to index
        %get3A_1250 = arith.constant 32 : index
        %get3A_1251 = tpu.vector_load %arg15[%get3A_1249, %get3A_1250] {strides = array<i32>} : memref<128x144xf32, #tpu.memory_space<vmem>>, vector<16xf32>,
        %mul3A_1252 = vector.broadcast %squeeze3A_1228 : f32 to vector<16xf32>
        %mul3A_1253 = arith.mulf %get3A_1251, %mul3A_1252 : vector<16xf32>
        %swap3A_1254 = arith.index_cast %add3A_1232 : i32 to index
        %swap3A_1255 = arith.constant 32 : index
        %swap3A_1256 = tpu.vector_load %arg15[%swap3A_1254, %swap3A_1255] {strides = array<i32>} : memref<128x144xf32, #tpu.memory_space<vmem>>, vector<16xf32>,
        tpu.vector_store %arg15[%swap3A_1254, %swap3A_1255], %mul3A_1253 {strides = array<i32>} : memref<128x144xf32, #tpu.memory_space<vmem>>, vector<16xf32>,
        %get3A_1257 = arith.index_cast %add3A_1232 : i32 to index
        %get3A_1258 = arith.constant 48 : index
        %get3A_1259 = tpu.vector_load %arg15[%get3A_1257, %get3A_1258] {strides = array<i32>} : memref<128x144xf32, #tpu.memory_space<vmem>>, vector<16xf32>,
        %mul3A_1260 = vector.broadcast %squeeze3A_1228 : f32 to vector<16xf32>
        %mul3A_1261 = arith.mulf %get3A_1259, %mul3A_1260 : vector<16xf32>
        %swap3A_1262 = arith.index_cast %add3A_1232 : i32 to index
        %swap3A_1263 = arith.constant 48 : index
        %swap3A_1264 = tpu.vector_load %arg15[%swap3A_1262, %swap3A_1263] {strides = array<i32>} : memref<128x144xf32, #tpu.memory_space<vmem>>, vector<16xf32>,
        tpu.vector_store %arg15[%swap3A_1262, %swap3A_1263], %mul3A_1261 {strides = array<i32>} : memref<128x144xf32, #tpu.memory_space<vmem>>, vector<16xf32>,
        %get3A_1265 = arith.index_cast %add3A_1232 : i32 to index
        %get3A_1266 = arith.constant 64 : index
        %get3A_1267 = tpu.vector_load %arg15[%get3A_1265, %get3A_1266] {strides = array<i32>} : memref<128x144xf32, #tpu.memory_space<vmem>>, vector<16xf32>,
        %mul3A_1268 = vector.broadcast %squeeze3A_1228 : f32 to vector<16xf32>
        %mul3A_1269 = arith.mulf %get3A_1267, %mul3A_1268 : vector<16xf32>
        %swap3A_1270 = arith.index_cast %add3A_1232 : i32 to index
        %swap3A_1271 = arith.constant 64 : index
        %swap3A_1272 = tpu.vector_load %arg15[%swap3A_1270, %swap3A_1271] {strides = array<i32>} : memref<128x144xf32, #tpu.memory_space<vmem>>, vector<16xf32>,
        tpu.vector_store %arg15[%swap3A_1270, %swap3A_1271], %mul3A_1269 {strides = array<i32>} : memref<128x144xf32, #tpu.memory_space<vmem>>, vector<16xf32>,
        %get3A_1273 = arith.index_cast %add3A_1232 : i32 to index
        %get3A_1274 = arith.constant 80 : index
        %get3A_1275 = tpu.vector_load %arg15[%get3A_1273, %get3A_1274] {strides = array<i32>} : memref<128x144xf32, #tpu.memory_space<vmem>>, vector<16xf32>,
        %mul3A_1276 = vector.broadcast %squeeze3A_1228 : f32 to vector<16xf32>
        %mul3A_1277 = arith.mulf %get3A_1275, %mul3A_1276 : vector<16xf32>
        %swap3A_1278 = arith.index_cast %add3A_1232 : i32 to index
        %swap3A_1279 = arith.constant 80 : index
        %swap3A_1280 = tpu.vector_load %arg15[%swap3A_1278, %swap3A_1279] {strides = array<i32>} : memref<128x144xf32, #tpu.memory_space<vmem>>, vector<16xf32>,
        tpu.vector_store %arg15[%swap3A_1278, %swap3A_1279], %mul3A_1277 {strides = array<i32>} : memref<128x144xf32, #tpu.memory_space<vmem>>, vector<16xf32>,
        %get3A_1281 = arith.index_cast %add3A_1232 : i32 to index
        %get3A_1282 = arith.constant 96 : index
        %get3A_1283 = tpu.vector_load %arg15[%get3A_1281, %get3A_1282] {strides = array<i32>} : memref<128x144xf32, #tpu.memory_space<vmem>>, vector<16xf32>,
        %mul3A_1284 = vector.broadcast %squeeze3A_1228 : f32 to vector<16xf32>
        %mul3A_1285 = arith.mulf %get3A_1283, %mul3A_1284 : vector<16xf32>
        %swap3A_1286 = arith.index_cast %add3A_1232 : i32 to index
        %swap3A_1287 = arith.constant 96 : index
        %swap3A_1288 = tpu.vector_load %arg15[%swap3A_1286, %swap3A_1287] {strides = array<i32>} : memref<128x144xf32, #tpu.memory_space<vmem>>, vector<16xf32>,
        tpu.vector_store %arg15[%swap3A_1286, %swap3A_1287], %mul3A_1285 {strides = array<i32>} : memref<128x144xf32, #tpu.memory_space<vmem>>, vector<16xf32>,
        %get3A_1289 = arith.index_cast %add3A_1232 : i32 to index
        %get3A_1290 = arith.constant 112 : index
        %get3A_1291 = tpu.vector_load %arg15[%get3A_1289, %get3A_1290] {strides = array<i32>} : memref<128x144xf32, #tpu.memory_space<vmem>>, vector<16xf32>,
        %mul3A_1292 = vector.broadcast %squeeze3A_1228 : f32 to vector<16xf32>
        %mul3A_1293 = arith.mulf %get3A_1291, %mul3A_1292 : vector<16xf32>
        %swap3A_1294 = arith.index_cast %add3A_1232 : i32 to index
        %swap3A_1295 = arith.constant 112 : index
        %swap3A_1296 = tpu.vector_load %arg15[%swap3A_1294, %swap3A_1295] {strides = array<i32>} : memref<128x144xf32, #tpu.memory_space<vmem>>, vector<16xf32>,
        tpu.vector_store %arg15[%swap3A_1294, %swap3A_1295], %mul3A_1293 {strides = array<i32>} : memref<128x144xf32, #tpu.memory_space<vmem>>, vector<16xf32>,
        %get3A_1297 = arith.index_cast %add3A_1232 : i32 to index
        %get3A_1298 = arith.constant 128 : index
        %get3A_1299 = tpu.vector_load %arg15[%get3A_1297, %get3A_1298] {strides = array<i32>} : memref<128x144xf32, #tpu.memory_space<vmem>>, vector<16xf32>,
        %mul3A_1300 = vector.broadcast %squeeze3A_1228 : f32 to vector<16xf32>
        %mul3A_1301 = arith.mulf %get3A_1299, %mul3A_1300 : vector<16xf32>
        %swap3A_1302 = arith.index_cast %add3A_1232 : i32 to index
        %swap3A_1303 = arith.constant 128 : index
        %swap3A_1304 = tpu.vector_load %arg15[%swap3A_1302, %swap3A_1303] {strides = array<i32>} : memref<128x144xf32, #tpu.memory_space<vmem>>, vector<16xf32>,
        tpu.vector_store %arg15[%swap3A_1302, %swap3A_1303], %mul3A_1301 {strides = array<i32>} : memref<128x144xf32, #tpu.memory_space<vmem>>, vector<16xf32>,
        %slice3A_1305 = vector.extract_strided_slice %get3A_212 {offsets = [14], sizes = [1], strides = [1]} : vector<16xf32> to vector<1xf32>
        %squeeze3A_1306 = vector.extract %slice3A_1305[0] : f32 from vector<1xf32>
        %mul3A_1307 = arith.constant 16 : i32
        %mul3A_1308 = arith.muli %scan3A_208, %mul3A_1307 : i32
        %add3A_1309 = arith.constant 14 : i32
        %add3A_1310 = arith.addi %mul3A_1308, %add3A_1309 : i32
        %get3A_1311 = arith.index_cast %add3A_1310 : i32 to index
        %get3A_1312 = arith.constant 0 : index
        %get3A_1313 = tpu.vector_load %arg15[%get3A_1311, %get3A_1312] {strides = array<i32>} : memref<128x144xf32, #tpu.memory_space<vmem>>, vector<16xf32>,
        %mul3A_1314 = vector.broadcast %squeeze3A_1306 : f32 to vector<16xf32>
        %mul3A_1315 = arith.mulf %get3A_1313, %mul3A_1314 : vector<16xf32>
        %swap3A_1316 = arith.index_cast %add3A_1310 : i32 to index
        %swap3A_1317 = arith.constant 0 : index
        %swap3A_1318 = tpu.vector_load %arg15[%swap3A_1316, %swap3A_1317] {strides = array<i32>} : memref<128x144xf32, #tpu.memory_space<vmem>>, vector<16xf32>,
        tpu.vector_store %arg15[%swap3A_1316, %swap3A_1317], %mul3A_1315 {strides = array<i32>} : memref<128x144xf32, #tpu.memory_space<vmem>>, vector<16xf32>,
        %get3A_1319 = arith.index_cast %add3A_1310 : i32 to index
        %get3A_1320 = arith.constant 16 : index
        %get3A_1321 = tpu.vector_load %arg15[%get3A_1319, %get3A_1320] {strides = array<i32>} : memref<128x144xf32, #tpu.memory_space<vmem>>, vector<16xf32>,
        %mul3A_1322 = vector.broadcast %squeeze3A_1306 : f32 to vector<16xf32>
        %mul3A_1323 = arith.mulf %get3A_1321, %mul3A_1322 : vector<16xf32>
        %swap3A_1324 = arith.index_cast %add3A_1310 : i32 to index
        %swap3A_1325 = arith.constant 16 : index
        %swap3A_1326 = tpu.vector_load %arg15[%swap3A_1324, %swap3A_1325] {strides = array<i32>} : memref<128x144xf32, #tpu.memory_space<vmem>>, vector<16xf32>,
        tpu.vector_store %arg15[%swap3A_1324, %swap3A_1325], %mul3A_1323 {strides = array<i32>} : memref<128x144xf32, #tpu.memory_space<vmem>>, vector<16xf32>,
        %get3A_1327 = arith.index_cast %add3A_1310 : i32 to index
        %get3A_1328 = arith.constant 32 : index
        %get3A_1329 = tpu.vector_load %arg15[%get3A_1327, %get3A_1328] {strides = array<i32>} : memref<128x144xf32, #tpu.memory_space<vmem>>, vector<16xf32>,
        %mul3A_1330 = vector.broadcast %squeeze3A_1306 : f32 to vector<16xf32>
        %mul3A_1331 = arith.mulf %get3A_1329, %mul3A_1330 : vector<16xf32>
        %swap3A_1332 = arith.index_cast %add3A_1310 : i32 to index
        %swap3A_1333 = arith.constant 32 : index
        %swap3A_1334 = tpu.vector_load %arg15[%swap3A_1332, %swap3A_1333] {strides = array<i32>} : memref<128x144xf32, #tpu.memory_space<vmem>>, vector<16xf32>,
        tpu.vector_store %arg15[%swap3A_1332, %swap3A_1333], %mul3A_1331 {strides = array<i32>} : memref<128x144xf32, #tpu.memory_space<vmem>>, vector<16xf32>,
        %get3A_1335 = arith.index_cast %add3A_1310 : i32 to index
        %get3A_1336 = arith.constant 48 : index
        %get3A_1337 = tpu.vector_load %arg15[%get3A_1335, %get3A_1336] {strides = array<i32>} : memref<128x144xf32, #tpu.memory_space<vmem>>, vector<16xf32>,
        %mul3A_1338 = vector.broadcast %squeeze3A_1306 : f32 to vector<16xf32>
        %mul3A_1339 = arith.mulf %get3A_1337, %mul3A_1338 : vector<16xf32>
        %swap3A_1340 = arith.index_cast %add3A_1310 : i32 to index
        %swap3A_1341 = arith.constant 48 : index
        %swap3A_1342 = tpu.vector_load %arg15[%swap3A_1340, %swap3A_1341] {strides = array<i32>} : memref<128x144xf32, #tpu.memory_space<vmem>>, vector<16xf32>,
        tpu.vector_store %arg15[%swap3A_1340, %swap3A_1341], %mul3A_1339 {strides = array<i32>} : memref<128x144xf32, #tpu.memory_space<vmem>>, vector<16xf32>,
        %get3A_1343 = arith.index_cast %add3A_1310 : i32 to index
        %get3A_1344 = arith.constant 64 : index
        %get3A_1345 = tpu.vector_load %arg15[%get3A_1343, %get3A_1344] {strides = array<i32>} : memref<128x144xf32, #tpu.memory_space<vmem>>, vector<16xf32>,
        %mul3A_1346 = vector.broadcast %squeeze3A_1306 : f32 to vector<16xf32>
        %mul3A_1347 = arith.mulf %get3A_1345, %mul3A_1346 : vector<16xf32>
        %swap3A_1348 = arith.index_cast %add3A_1310 : i32 to index
        %swap3A_1349 = arith.constant 64 : index
        %swap3A_1350 = tpu.vector_load %arg15[%swap3A_1348, %swap3A_1349] {strides = array<i32>} : memref<128x144xf32, #tpu.memory_space<vmem>>, vector<16xf32>,
        tpu.vector_store %arg15[%swap3A_1348, %swap3A_1349], %mul3A_1347 {strides = array<i32>} : memref<128x144xf32, #tpu.memory_space<vmem>>, vector<16xf32>,
        %get3A_1351 = arith.index_cast %add3A_1310 : i32 to index
        %get3A_1352 = arith.constant 80 : index
        %get3A_1353 = tpu.vector_load %arg15[%get3A_1351, %get3A_1352] {strides = array<i32>} : memref<128x144xf32, #tpu.memory_space<vmem>>, vector<16xf32>,
        %mul3A_1354 = vector.broadcast %squeeze3A_1306 : f32 to vector<16xf32>
        %mul3A_1355 = arith.mulf %get3A_1353, %mul3A_1354 : vector<16xf32>
        %swap3A_1356 = arith.index_cast %add3A_1310 : i32 to index
        %swap3A_1357 = arith.constant 80 : index
        %swap3A_1358 = tpu.vector_load %arg15[%swap3A_1356, %swap3A_1357] {strides = array<i32>} : memref<128x144xf32, #tpu.memory_space<vmem>>, vector<16xf32>,
        tpu.vector_store %arg15[%swap3A_1356, %swap3A_1357], %mul3A_1355 {strides = array<i32>} : memref<128x144xf32, #tpu.memory_space<vmem>>, vector<16xf32>,
        %get3A_1359 = arith.index_cast %add3A_1310 : i32 to index
        %get3A_1360 = arith.constant 96 : index
        %get3A_1361 = tpu.vector_load %arg15[%get3A_1359, %get3A_1360] {strides = array<i32>} : memref<128x144xf32, #tpu.memory_space<vmem>>, vector<16xf32>,
        %mul3A_1362 = vector.broadcast %squeeze3A_1306 : f32 to vector<16xf32>
        %mul3A_1363 = arith.mulf %get3A_1361, %mul3A_1362 : vector<16xf32>
        %swap3A_1364 = arith.index_cast %add3A_1310 : i32 to index
        %swap3A_1365 = arith.constant 96 : index
        %swap3A_1366 = tpu.vector_load %arg15[%swap3A_1364, %swap3A_1365] {strides = array<i32>} : memref<128x144xf32, #tpu.memory_space<vmem>>, vector<16xf32>,
        tpu.vector_store %arg15[%swap3A_1364, %swap3A_1365], %mul3A_1363 {strides = array<i32>} : memref<128x144xf32, #tpu.memory_space<vmem>>, vector<16xf32>,
        %get3A_1367 = arith.index_cast %add3A_1310 : i32 to index
        %get3A_1368 = arith.constant 112 : index
        %get3A_1369 = tpu.vector_load %arg15[%get3A_1367, %get3A_1368] {strides = array<i32>} : memref<128x144xf32, #tpu.memory_space<vmem>>, vector<16xf32>,
        %mul3A_1370 = vector.broadcast %squeeze3A_1306 : f32 to vector<16xf32>
        %mul3A_1371 = arith.mulf %get3A_1369, %mul3A_1370 : vector<16xf32>
        %swap3A_1372 = arith.index_cast %add3A_1310 : i32 to index
        %swap3A_1373 = arith.constant 112 : index
        %swap3A_1374 = tpu.vector_load %arg15[%swap3A_1372, %swap3A_1373] {strides = array<i32>} : memref<128x144xf32, #tpu.memory_space<vmem>>, vector<16xf32>,
        tpu.vector_store %arg15[%swap3A_1372, %swap3A_1373], %mul3A_1371 {strides = array<i32>} : memref<128x144xf32, #tpu.memory_space<vmem>>, vector<16xf32>,
        %get3A_1375 = arith.index_cast %add3A_1310 : i32 to index
        %get3A_1376 = arith.constant 128 : index
        %get3A_1377 = tpu.vector_load %arg15[%get3A_1375, %get3A_1376] {strides = array<i32>} : memref<128x144xf32, #tpu.memory_space<vmem>>, vector<16xf32>,
        %mul3A_1378 = vector.broadcast %squeeze3A_1306 : f32 to vector<16xf32>
        %mul3A_1379 = arith.mulf %get3A_1377, %mul3A_1378 : vector<16xf32>
        %swap3A_1380 = arith.index_cast %add3A_1310 : i32 to index
        %swap3A_1381 = arith.constant 128 : index
        %swap3A_1382 = tpu.vector_load %arg15[%swap3A_1380, %swap3A_1381] {strides = array<i32>} : memref<128x144xf32, #tpu.memory_space<vmem>>, vector<16xf32>,
        tpu.vector_store %arg15[%swap3A_1380, %swap3A_1381], %mul3A_1379 {strides = array<i32>} : memref<128x144xf32, #tpu.memory_space<vmem>>, vector<16xf32>,
        %slice3A_1383 = vector.extract_strided_slice %get3A_212 {offsets = [15], sizes = [1], strides = [1]} : vector<16xf32> to vector<1xf32>
        %squeeze3A_1384 = vector.extract %slice3A_1383[0] : f32 from vector<1xf32>
        %mul3A_1385 = arith.constant 16 : i32
        %mul3A_1386 = arith.muli %scan3A_208, %mul3A_1385 : i32
        %add3A_1387 = arith.constant 15 : i32
        %add3A_1388 = arith.addi %mul3A_1386, %add3A_1387 : i32
        %get3A_1389 = arith.index_cast %add3A_1388 : i32 to index
        %get3A_1390 = arith.constant 0 : index
        %get3A_1391 = tpu.vector_load %arg15[%get3A_1389, %get3A_1390] {strides = array<i32>} : memref<128x144xf32, #tpu.memory_space<vmem>>, vector<16xf32>,
        %mul3A_1392 = vector.broadcast %squeeze3A_1384 : f32 to vector<16xf32>
        %mul3A_1393 = arith.mulf %get3A_1391, %mul3A_1392 : vector<16xf32>
        %swap3A_1394 = arith.index_cast %add3A_1388 : i32 to index
        %swap3A_1395 = arith.constant 0 : index
        %swap3A_1396 = tpu.vector_load %arg15[%swap3A_1394, %swap3A_1395] {strides = array<i32>} : memref<128x144xf32, #tpu.memory_space<vmem>>, vector<16xf32>,
        tpu.vector_store %arg15[%swap3A_1394, %swap3A_1395], %mul3A_1393 {strides = array<i32>} : memref<128x144xf32, #tpu.memory_space<vmem>>, vector<16xf32>,
        %get3A_1397 = arith.index_cast %add3A_1388 : i32 to index
        %get3A_1398 = arith.constant 16 : index
        %get3A_1399 = tpu.vector_load %arg15[%get3A_1397, %get3A_1398] {strides = array<i32>} : memref<128x144xf32, #tpu.memory_space<vmem>>, vector<16xf32>,
        %mul3A_1400 = vector.broadcast %squeeze3A_1384 : f32 to vector<16xf32>
        %mul3A_1401 = arith.mulf %get3A_1399, %mul3A_1400 : vector<16xf32>
        %swap3A_1402 = arith.index_cast %add3A_1388 : i32 to index
        %swap3A_1403 = arith.constant 16 : index
        %swap3A_1404 = tpu.vector_load %arg15[%swap3A_1402, %swap3A_1403] {strides = array<i32>} : memref<128x144xf32, #tpu.memory_space<vmem>>, vector<16xf32>,
        tpu.vector_store %arg15[%swap3A_1402, %swap3A_1403], %mul3A_1401 {strides = array<i32>} : memref<128x144xf32, #tpu.memory_space<vmem>>, vector<16xf32>,
        %get3A_1405 = arith.index_cast %add3A_1388 : i32 to index
        %get3A_1406 = arith.constant 32 : index
        %get3A_1407 = tpu.vector_load %arg15[%get3A_1405, %get3A_1406] {strides = array<i32>} : memref<128x144xf32, #tpu.memory_space<vmem>>, vector<16xf32>,
        %mul3A_1408 = vector.broadcast %squeeze3A_1384 : f32 to vector<16xf32>
        %mul3A_1409 = arith.mulf %get3A_1407, %mul3A_1408 : vector<16xf32>
        %swap3A_1410 = arith.index_cast %add3A_1388 : i32 to index
        %swap3A_1411 = arith.constant 32 : index
        %swap3A_1412 = tpu.vector_load %arg15[%swap3A_1410, %swap3A_1411] {strides = array<i32>} : memref<128x144xf32, #tpu.memory_space<vmem>>, vector<16xf32>,
        tpu.vector_store %arg15[%swap3A_1410, %swap3A_1411], %mul3A_1409 {strides = array<i32>} : memref<128x144xf32, #tpu.memory_space<vmem>>, vector<16xf32>,
        %get3A_1413 = arith.index_cast %add3A_1388 : i32 to index
        %get3A_1414 = arith.constant 48 : index
        %get3A_1415 = tpu.vector_load %arg15[%get3A_1413, %get3A_1414] {strides = array<i32>} : memref<128x144xf32, #tpu.memory_space<vmem>>, vector<16xf32>,
        %mul3A_1416 = vector.broadcast %squeeze3A_1384 : f32 to vector<16xf32>
        %mul3A_1417 = arith.mulf %get3A_1415, %mul3A_1416 : vector<16xf32>
        %swap3A_1418 = arith.index_cast %add3A_1388 : i32 to index
        %swap3A_1419 = arith.constant 48 : index
        %swap3A_1420 = tpu.vector_load %arg15[%swap3A_1418, %swap3A_1419] {strides = array<i32>} : memref<128x144xf32, #tpu.memory_space<vmem>>, vector<16xf32>,
        tpu.vector_store %arg15[%swap3A_1418, %swap3A_1419], %mul3A_1417 {strides = array<i32>} : memref<128x144xf32, #tpu.memory_space<vmem>>, vector<16xf32>,
        %get3A_1421 = arith.index_cast %add3A_1388 : i32 to index
        %get3A_1422 = arith.constant 64 : index
        %get3A_1423 = tpu.vector_load %arg15[%get3A_1421, %get3A_1422] {strides = array<i32>} : memref<128x144xf32, #tpu.memory_space<vmem>>, vector<16xf32>,
        %mul3A_1424 = vector.broadcast %squeeze3A_1384 : f32 to vector<16xf32>
        %mul3A_1425 = arith.mulf %get3A_1423, %mul3A_1424 : vector<16xf32>
        %swap3A_1426 = arith.index_cast %add3A_1388 : i32 to index
        %swap3A_1427 = arith.constant 64 : index
        %swap3A_1428 = tpu.vector_load %arg15[%swap3A_1426, %swap3A_1427] {strides = array<i32>} : memref<128x144xf32, #tpu.memory_space<vmem>>, vector<16xf32>,
        tpu.vector_store %arg15[%swap3A_1426, %swap3A_1427], %mul3A_1425 {strides = array<i32>} : memref<128x144xf32, #tpu.memory_space<vmem>>, vector<16xf32>,
        %get3A_1429 = arith.index_cast %add3A_1388 : i32 to index
        %get3A_1430 = arith.constant 80 : index
        %get3A_1431 = tpu.vector_load %arg15[%get3A_1429, %get3A_1430] {strides = array<i32>} : memref<128x144xf32, #tpu.memory_space<vmem>>, vector<16xf32>,
        %mul3A_1432 = vector.broadcast %squeeze3A_1384 : f32 to vector<16xf32>
        %mul3A_1433 = arith.mulf %get3A_1431, %mul3A_1432 : vector<16xf32>
        %swap3A_1434 = arith.index_cast %add3A_1388 : i32 to index
        %swap3A_1435 = arith.constant 80 : index
        %swap3A_1436 = tpu.vector_load %arg15[%swap3A_1434, %swap3A_1435] {strides = array<i32>} : memref<128x144xf32, #tpu.memory_space<vmem>>, vector<16xf32>,
        tpu.vector_store %arg15[%swap3A_1434, %swap3A_1435], %mul3A_1433 {strides = array<i32>} : memref<128x144xf32, #tpu.memory_space<vmem>>, vector<16xf32>,
        %get3A_1437 = arith.index_cast %add3A_1388 : i32 to index
        %get3A_1438 = arith.constant 96 : index
        %get3A_1439 = tpu.vector_load %arg15[%get3A_1437, %get3A_1438] {strides = array<i32>} : memref<128x144xf32, #tpu.memory_space<vmem>>, vector<16xf32>,
        %mul3A_1440 = vector.broadcast %squeeze3A_1384 : f32 to vector<16xf32>
        %mul3A_1441 = arith.mulf %get3A_1439, %mul3A_1440 : vector<16xf32>
        %swap3A_1442 = arith.index_cast %add3A_1388 : i32 to index
        %swap3A_1443 = arith.constant 96 : index
        %swap3A_1444 = tpu.vector_load %arg15[%swap3A_1442, %swap3A_1443] {strides = array<i32>} : memref<128x144xf32, #tpu.memory_space<vmem>>, vector<16xf32>,
        tpu.vector_store %arg15[%swap3A_1442, %swap3A_1443], %mul3A_1441 {strides = array<i32>} : memref<128x144xf32, #tpu.memory_space<vmem>>, vector<16xf32>,
        %get3A_1445 = arith.index_cast %add3A_1388 : i32 to index
        %get3A_1446 = arith.constant 112 : index
        %get3A_1447 = tpu.vector_load %arg15[%get3A_1445, %get3A_1446] {strides = array<i32>} : memref<128x144xf32, #tpu.memory_space<vmem>>, vector<16xf32>,
        %mul3A_1448 = vector.broadcast %squeeze3A_1384 : f32 to vector<16xf32>
        %mul3A_1449 = arith.mulf %get3A_1447, %mul3A_1448 : vector<16xf32>
        %swap3A_1450 = arith.index_cast %add3A_1388 : i32 to index
        %swap3A_1451 = arith.constant 112 : index
        %swap3A_1452 = tpu.vector_load %arg15[%swap3A_1450, %swap3A_1451] {strides = array<i32>} : memref<128x144xf32, #tpu.memory_space<vmem>>, vector<16xf32>,
        tpu.vector_store %arg15[%swap3A_1450, %swap3A_1451], %mul3A_1449 {strides = array<i32>} : memref<128x144xf32, #tpu.memory_space<vmem>>, vector<16xf32>,
        %get3A_1453 = arith.index_cast %add3A_1388 : i32 to index
        %get3A_1454 = arith.constant 128 : index
        %get3A_1455 = tpu.vector_load %arg15[%get3A_1453, %get3A_1454] {strides = array<i32>} : memref<128x144xf32, #tpu.memory_space<vmem>>, vector<16xf32>,
        %mul3A_1456 = vector.broadcast %squeeze3A_1384 : f32 to vector<16xf32>
        %mul3A_1457 = arith.mulf %get3A_1455, %mul3A_1456 : vector<16xf32>
        %swap3A_1458 = arith.index_cast %add3A_1388 : i32 to index
        %swap3A_1459 = arith.constant 128 : index
        %swap3A_1460 = tpu.vector_load %arg15[%swap3A_1458, %swap3A_1459] {strides = array<i32>} : memref<128x144xf32, #tpu.memory_space<vmem>>, vector<16xf32>,
        tpu.vector_store %arg15[%swap3A_1458, %swap3A_1459], %mul3A_1457 {strides = array<i32>} : memref<128x144xf32, #tpu.memory_space<vmem>>, vector<16xf32>,
      }
      %scan3A_207 = arith.constant 8 : i32
      "tpu.region"() ({
        %run_scoped3A = tpu.sem_alloc : memref<!tpu.dma_semaphore, #tpu.memory_space<semaphore_mem>>
        %dma_start3A_208 = arith.constant 0 : i32
        %dma_start3A_209 = arith.constant 0 : i32
        %dma_start3A_210 = tpu.memref_slice %arg9[%dma_start3A_208, %dma_start3A_209] : memref<10008x144xf32, #tpu.memory_space<vmem_shared>> -> memref<10008x144xf32, #tpu.memory_space<vmem_shared>>
        tpu.enqueue_indirect_dma source(%arg15 : memref<128x144xf32, #tpu.memory_space<vmem>>) target(%dma_start3A_210 : memref<10008x144xf32, #tpu.memory_space<vmem_shared>>) offsets(%arg14 : memref<128xi32, #tpu.memory_space<vmem>>) semaphore(%run_scoped3A : memref<!tpu.dma_semaphore, #tpu.memory_space<semaphore_mem>>) {add = true}
        %dma_wait3A_211 = arith.constant 0 : i32
        %dma_wait3A_212 = arith.constant 0 : i32
        %dma_wait3A_213 = tpu.memref_slice %arg9[%dma_wait3A_211, %dma_wait3A_212] : memref<10008x144xf32, #tpu.memory_space<vmem_shared>> -> memref<10008x144xf32, #tpu.memory_space<vmem_shared>>
        tpu.wait_indirect_dma semaphore(%run_scoped3A : memref<!tpu.dma_semaphore, #tpu.memory_space<semaphore_mem>>) src(%arg15 : memref<128x144xf32, #tpu.memory_space<vmem>>) dst(%dma_wait3A_213 : memref<10008x144xf32, #tpu.memory_space<vmem_shared>>)
        tpu.yield
      }) : () -> ()
    }
    %while3A_35 = arith.constant 1 : i32
    scf.for %while3A_47 = %while3A_33 to %while3A_29 step %while3A_35  : i32 {
      %mul3A_48 = arith.constant 128 : i32
      %mul3A_49 = arith.muli %while3A_47, %mul3A_48 : i32
      %add3A_50 = arith.addi %select_n3A, %mul3A_49 : i32
      "tpu.region"() ({
        %run_scoped3A = tpu.sem_alloc : memref<!tpu.dma_semaphore, #tpu.memory_space<semaphore_mem>>
        %dma_start3A_208 = tpu.memref_slice %arg6[%add3A_50] : memref<323584xi32, #tpu.memory_space<hbm>> -> memref<128xi32, #tpu.memory_space<hbm>>
        %dma_start3A_209 = tpu.memref_slice %arg6[%add3A_50] : memref<323584xi32, #tpu.memory_space<hbm>> -> memref<128xi32, #tpu.memory_space<hbm>>
        tpu.enqueue_dma source(%dma_start3A_209 : memref<128xi32, #tpu.memory_space<hbm>>) target(%arg13 : memref<128xi32, #tpu.memory_space<vmem>>) target_semaphore(%run_scoped3A : memref<!tpu.dma_semaphore, #tpu.memory_space<semaphore_mem>>)
        %dma_wait3A_210 = tpu.memref_slice %arg6[%add3A_50] : memref<323584xi32, #tpu.memory_space<hbm>> -> memref<128xi32, #tpu.memory_space<hbm>>
        %dma_wait3A_211 = tpu.memref_slice %arg6[%add3A_50] : memref<323584xi32, #tpu.memory_space<hbm>> -> memref<128xi32, #tpu.memory_space<hbm>>
        tpu.wait_dma2 semaphore(%run_scoped3A : memref<!tpu.dma_semaphore, #tpu.memory_space<semaphore_mem>>) src(%dma_wait3A_211 : memref<128xi32, #tpu.memory_space<hbm>>) dst(%arg13 : memref<128xi32, #tpu.memory_space<vmem>>)
        tpu.yield
      }) : () -> ()
      "tpu.region"() ({
        %run_scoped3A = tpu.sem_alloc : memref<!tpu.dma_semaphore, #tpu.memory_space<semaphore_mem>>
        %dma_start3A_208 = tpu.memref_slice %arg7[%add3A_50] : memref<323584xi32, #tpu.memory_space<hbm>> -> memref<128xi32, #tpu.memory_space<hbm>>
        %dma_start3A_209 = tpu.memref_slice %arg7[%add3A_50] : memref<323584xi32, #tpu.memory_space<hbm>> -> memref<128xi32, #tpu.memory_space<hbm>>
        tpu.enqueue_dma source(%dma_start3A_209 : memref<128xi32, #tpu.memory_space<hbm>>) target(%arg14 : memref<128xi32, #tpu.memory_space<vmem>>) target_semaphore(%run_scoped3A : memref<!tpu.dma_semaphore, #tpu.memory_space<semaphore_mem>>)
        %dma_wait3A_210 = tpu.memref_slice %arg7[%add3A_50] : memref<323584xi32, #tpu.memory_space<hbm>> -> memref<128xi32, #tpu.memory_space<hbm>>
        %dma_wait3A_211 = tpu.memref_slice %arg7[%add3A_50] : memref<323584xi32, #tpu.memory_space<hbm>> -> memref<128xi32, #tpu.memory_space<hbm>>
        tpu.wait_dma2 semaphore(%run_scoped3A : memref<!tpu.dma_semaphore, #tpu.memory_space<semaphore_mem>>) src(%dma_wait3A_211 : memref<128xi32, #tpu.memory_space<hbm>>) dst(%arg14 : memref<128xi32, #tpu.memory_space<vmem>>)
        tpu.yield
      }) : () -> ()
      %dma_start3A = arith.constant 0 : i32
      %dma_start3A_51 = arith.constant 0 : i32
      %dma_start3A_52 = tpu.memref_slice %arg2[%dma_start3A, %dma_start3A_51] : memref<10008x144xf32, #tpu.memory_space<hbm>> -> memref<10008x144xf32, #tpu.memory_space<hbm>>
      tpu.enqueue_indirect_dma source(%dma_start3A_52 : memref<10008x144xf32, #tpu.memory_space<hbm>>) target(%arg15 : memref<128x144xf32, #tpu.memory_space<vmem>>) offsets(%arg13 : memref<128xi32, #tpu.memory_space<vmem>>) semaphore(%arg17 : memref<!tpu.dma_semaphore, #tpu.memory_space<semaphore_mem>>)
      %get3A_53 = arith.constant 0 : index
      %get3A_54 = tpu.vector_load %arg13[%get3A_53] {strides = array<i32>} : memref<128xi32, #tpu.memory_space<vmem>>, vector<16xi32>,
      %get3A_55 = arith.constant 0 : index
      %get3A_56 = tpu.vector_load %arg14[%get3A_55] {strides = array<i32>} : memref<128xi32, #tpu.memory_space<vmem>>, vector<16xi32>,
      %gather3A = tpu.vector_load_idx %arg10[%get3A_54] : memref<10008xf32, #tpu.memory_space<vmem>>[vector<16xi32>], vector<16xf32>,
      %gather3A_57 = tpu.vector_load_idx %arg11[%get3A_56] : memref<10008xf32, #tpu.memory_space<vmem>>[vector<16xi32>], vector<16xf32>,
      %add3A_58 = arith.addf %gather3A, %gather3A_57 : vector<16xf32>
      %gt3A = arith.constant 0.000000e+00 : f32
      %gt3A_59 = vector.broadcast %gt3A : f32 to vector<16xf32>
      %gt3A_60 = arith.cmpf ogt, %add3A_58, %gt3A_59 : vector<16xf32>
      %mul3A_61 = arith.constant 2.000000e-01 : f32
      %mul3A_62 = vector.broadcast %mul3A_61 : f32 to vector<16xf32>
      %mul3A_63 = arith.mulf %add3A_58, %mul3A_62 : vector<16xf32>
      %select_n3A_64 = arith.select %gt3A_60, %add3A_58, %mul3A_63 : vector<16xi1>, vector<16xf32>
      %sub3A = vector.broadcast %squeeze3A : f32 to vector<16xf32>
      %sub3A_65 = arith.subf %select_n3A_64, %sub3A : vector<16xf32>
      %exp3A = math.exp %sub3A_65 : vector<16xf32>
      %swap3A = arith.constant 0 : index
      %swap3A_66 = tpu.vector_load %arg16[%swap3A] {strides = array<i32>} : memref<128xf32, #tpu.memory_space<vmem>>, vector<16xf32>,
      tpu.vector_store %arg16[%swap3A], %exp3A {strides = array<i32>} : memref<128xf32, #tpu.memory_space<vmem>>, vector<16xf32>,
      %get3A_67 = arith.constant 16 : index
      %get3A_68 = tpu.vector_load %arg13[%get3A_67] {strides = array<i32>} : memref<128xi32, #tpu.memory_space<vmem>>, vector<16xi32>,
      %get3A_69 = arith.constant 16 : index
      %get3A_70 = tpu.vector_load %arg14[%get3A_69] {strides = array<i32>} : memref<128xi32, #tpu.memory_space<vmem>>, vector<16xi32>,
      %gather3A_71 = tpu.vector_load_idx %arg10[%get3A_68] : memref<10008xf32, #tpu.memory_space<vmem>>[vector<16xi32>], vector<16xf32>,
      %gather3A_72 = tpu.vector_load_idx %arg11[%get3A_70] : memref<10008xf32, #tpu.memory_space<vmem>>[vector<16xi32>], vector<16xf32>,
      %add3A_73 = arith.addf %gather3A_71, %gather3A_72 : vector<16xf32>
      %gt3A_74 = arith.constant 0.000000e+00 : f32
      %gt3A_75 = vector.broadcast %gt3A_74 : f32 to vector<16xf32>
      %gt3A_76 = arith.cmpf ogt, %add3A_73, %gt3A_75 : vector<16xf32>
      %mul3A_77 = arith.constant 2.000000e-01 : f32
      %mul3A_78 = vector.broadcast %mul3A_77 : f32 to vector<16xf32>
      %mul3A_79 = arith.mulf %add3A_73, %mul3A_78 : vector<16xf32>
      %select_n3A_80 = arith.select %gt3A_76, %add3A_73, %mul3A_79 : vector<16xi1>, vector<16xf32>
      %sub3A_81 = vector.broadcast %squeeze3A : f32 to vector<16xf32>
      %sub3A_82 = arith.subf %select_n3A_80, %sub3A_81 : vector<16xf32>
      %exp3A_83 = math.exp %sub3A_82 : vector<16xf32>
      %swap3A_84 = arith.constant 16 : index
      %swap3A_85 = tpu.vector_load %arg16[%swap3A_84] {strides = array<i32>} : memref<128xf32, #tpu.memory_space<vmem>>, vector<16xf32>,
      tpu.vector_store %arg16[%swap3A_84], %exp3A_83 {strides = array<i32>} : memref<128xf32, #tpu.memory_space<vmem>>, vector<16xf32>,
      %get3A_86 = arith.constant 32 : index
      %get3A_87 = tpu.vector_load %arg13[%get3A_86] {strides = array<i32>} : memref<128xi32, #tpu.memory_space<vmem>>, vector<16xi32>,
      %get3A_88 = arith.constant 32 : index
      %get3A_89 = tpu.vector_load %arg14[%get3A_88] {strides = array<i32>} : memref<128xi32, #tpu.memory_space<vmem>>, vector<16xi32>,
      %gather3A_90 = tpu.vector_load_idx %arg10[%get3A_87] : memref<10008xf32, #tpu.memory_space<vmem>>[vector<16xi32>], vector<16xf32>,
      %gather3A_91 = tpu.vector_load_idx %arg11[%get3A_89] : memref<10008xf32, #tpu.memory_space<vmem>>[vector<16xi32>], vector<16xf32>,
      %add3A_92 = arith.addf %gather3A_90, %gather3A_91 : vector<16xf32>
      %gt3A_93 = arith.constant 0.000000e+00 : f32
      %gt3A_94 = vector.broadcast %gt3A_93 : f32 to vector<16xf32>
      %gt3A_95 = arith.cmpf ogt, %add3A_92, %gt3A_94 : vector<16xf32>
      %mul3A_96 = arith.constant 2.000000e-01 : f32
      %mul3A_97 = vector.broadcast %mul3A_96 : f32 to vector<16xf32>
      %mul3A_98 = arith.mulf %add3A_92, %mul3A_97 : vector<16xf32>
      %select_n3A_99 = arith.select %gt3A_95, %add3A_92, %mul3A_98 : vector<16xi1>, vector<16xf32>
      %sub3A_100 = vector.broadcast %squeeze3A : f32 to vector<16xf32>
      %sub3A_101 = arith.subf %select_n3A_99, %sub3A_100 : vector<16xf32>
      %exp3A_102 = math.exp %sub3A_101 : vector<16xf32>
      %swap3A_103 = arith.constant 32 : index
      %swap3A_104 = tpu.vector_load %arg16[%swap3A_103] {strides = array<i32>} : memref<128xf32, #tpu.memory_space<vmem>>, vector<16xf32>,
      tpu.vector_store %arg16[%swap3A_103], %exp3A_102 {strides = array<i32>} : memref<128xf32, #tpu.memory_space<vmem>>, vector<16xf32>,
      %get3A_105 = arith.constant 48 : index
      %get3A_106 = tpu.vector_load %arg13[%get3A_105] {strides = array<i32>} : memref<128xi32, #tpu.memory_space<vmem>>, vector<16xi32>,
      %get3A_107 = arith.constant 48 : index
      %get3A_108 = tpu.vector_load %arg14[%get3A_107] {strides = array<i32>} : memref<128xi32, #tpu.memory_space<vmem>>, vector<16xi32>,
      %gather3A_109 = tpu.vector_load_idx %arg10[%get3A_106] : memref<10008xf32, #tpu.memory_space<vmem>>[vector<16xi32>], vector<16xf32>,
      %gather3A_110 = tpu.vector_load_idx %arg11[%get3A_108] : memref<10008xf32, #tpu.memory_space<vmem>>[vector<16xi32>], vector<16xf32>,
      %add3A_111 = arith.addf %gather3A_109, %gather3A_110 : vector<16xf32>
      %gt3A_112 = arith.constant 0.000000e+00 : f32
      %gt3A_113 = vector.broadcast %gt3A_112 : f32 to vector<16xf32>
      %gt3A_114 = arith.cmpf ogt, %add3A_111, %gt3A_113 : vector<16xf32>
      %mul3A_115 = arith.constant 2.000000e-01 : f32
      %mul3A_116 = vector.broadcast %mul3A_115 : f32 to vector<16xf32>
      %mul3A_117 = arith.mulf %add3A_111, %mul3A_116 : vector<16xf32>
      %select_n3A_118 = arith.select %gt3A_114, %add3A_111, %mul3A_117 : vector<16xi1>, vector<16xf32>
      %sub3A_119 = vector.broadcast %squeeze3A : f32 to vector<16xf32>
      %sub3A_120 = arith.subf %select_n3A_118, %sub3A_119 : vector<16xf32>
      %exp3A_121 = math.exp %sub3A_120 : vector<16xf32>
      %swap3A_122 = arith.constant 48 : index
      %swap3A_123 = tpu.vector_load %arg16[%swap3A_122] {strides = array<i32>} : memref<128xf32, #tpu.memory_space<vmem>>, vector<16xf32>,
      tpu.vector_store %arg16[%swap3A_122], %exp3A_121 {strides = array<i32>} : memref<128xf32, #tpu.memory_space<vmem>>, vector<16xf32>,
      %get3A_124 = arith.constant 64 : index
      %get3A_125 = tpu.vector_load %arg13[%get3A_124] {strides = array<i32>} : memref<128xi32, #tpu.memory_space<vmem>>, vector<16xi32>,
      %get3A_126 = arith.constant 64 : index
      %get3A_127 = tpu.vector_load %arg14[%get3A_126] {strides = array<i32>} : memref<128xi32, #tpu.memory_space<vmem>>, vector<16xi32>,
      %gather3A_128 = tpu.vector_load_idx %arg10[%get3A_125] : memref<10008xf32, #tpu.memory_space<vmem>>[vector<16xi32>], vector<16xf32>,
      %gather3A_129 = tpu.vector_load_idx %arg11[%get3A_127] : memref<10008xf32, #tpu.memory_space<vmem>>[vector<16xi32>], vector<16xf32>,
      %add3A_130 = arith.addf %gather3A_128, %gather3A_129 : vector<16xf32>
      %gt3A_131 = arith.constant 0.000000e+00 : f32
      %gt3A_132 = vector.broadcast %gt3A_131 : f32 to vector<16xf32>
      %gt3A_133 = arith.cmpf ogt, %add3A_130, %gt3A_132 : vector<16xf32>
      %mul3A_134 = arith.constant 2.000000e-01 : f32
      %mul3A_135 = vector.broadcast %mul3A_134 : f32 to vector<16xf32>
      %mul3A_136 = arith.mulf %add3A_130, %mul3A_135 : vector<16xf32>
      %select_n3A_137 = arith.select %gt3A_133, %add3A_130, %mul3A_136 : vector<16xi1>, vector<16xf32>
      %sub3A_138 = vector.broadcast %squeeze3A : f32 to vector<16xf32>
      %sub3A_139 = arith.subf %select_n3A_137, %sub3A_138 : vector<16xf32>
      %exp3A_140 = math.exp %sub3A_139 : vector<16xf32>
      %swap3A_141 = arith.constant 64 : index
      %swap3A_142 = tpu.vector_load %arg16[%swap3A_141] {strides = array<i32>} : memref<128xf32, #tpu.memory_space<vmem>>, vector<16xf32>,
      tpu.vector_store %arg16[%swap3A_141], %exp3A_140 {strides = array<i32>} : memref<128xf32, #tpu.memory_space<vmem>>, vector<16xf32>,
      %get3A_143 = arith.constant 80 : index
      %get3A_144 = tpu.vector_load %arg13[%get3A_143] {strides = array<i32>} : memref<128xi32, #tpu.memory_space<vmem>>, vector<16xi32>,
      %get3A_145 = arith.constant 80 : index
      %get3A_146 = tpu.vector_load %arg14[%get3A_145] {strides = array<i32>} : memref<128xi32, #tpu.memory_space<vmem>>, vector<16xi32>,
      %gather3A_147 = tpu.vector_load_idx %arg10[%get3A_144] : memref<10008xf32, #tpu.memory_space<vmem>>[vector<16xi32>], vector<16xf32>,
      %gather3A_148 = tpu.vector_load_idx %arg11[%get3A_146] : memref<10008xf32, #tpu.memory_space<vmem>>[vector<16xi32>], vector<16xf32>,
      %add3A_149 = arith.addf %gather3A_147, %gather3A_148 : vector<16xf32>
      %gt3A_150 = arith.constant 0.000000e+00 : f32
      %gt3A_151 = vector.broadcast %gt3A_150 : f32 to vector<16xf32>
      %gt3A_152 = arith.cmpf ogt, %add3A_149, %gt3A_151 : vector<16xf32>
      %mul3A_153 = arith.constant 2.000000e-01 : f32
      %mul3A_154 = vector.broadcast %mul3A_153 : f32 to vector<16xf32>
      %mul3A_155 = arith.mulf %add3A_149, %mul3A_154 : vector<16xf32>
      %select_n3A_156 = arith.select %gt3A_152, %add3A_149, %mul3A_155 : vector<16xi1>, vector<16xf32>
      %sub3A_157 = vector.broadcast %squeeze3A : f32 to vector<16xf32>
      %sub3A_158 = arith.subf %select_n3A_156, %sub3A_157 : vector<16xf32>
      %exp3A_159 = math.exp %sub3A_158 : vector<16xf32>
      %swap3A_160 = arith.constant 80 : index
      %swap3A_161 = tpu.vector_load %arg16[%swap3A_160] {strides = array<i32>} : memref<128xf32, #tpu.memory_space<vmem>>, vector<16xf32>,
      tpu.vector_store %arg16[%swap3A_160], %exp3A_159 {strides = array<i32>} : memref<128xf32, #tpu.memory_space<vmem>>, vector<16xf32>,
      %get3A_162 = arith.constant 96 : index
      %get3A_163 = tpu.vector_load %arg13[%get3A_162] {strides = array<i32>} : memref<128xi32, #tpu.memory_space<vmem>>, vector<16xi32>,
      %get3A_164 = arith.constant 96 : index
      %get3A_165 = tpu.vector_load %arg14[%get3A_164] {strides = array<i32>} : memref<128xi32, #tpu.memory_space<vmem>>, vector<16xi32>,
      %gather3A_166 = tpu.vector_load_idx %arg10[%get3A_163] : memref<10008xf32, #tpu.memory_space<vmem>>[vector<16xi32>], vector<16xf32>,
      %gather3A_167 = tpu.vector_load_idx %arg11[%get3A_165] : memref<10008xf32, #tpu.memory_space<vmem>>[vector<16xi32>], vector<16xf32>,
      %add3A_168 = arith.addf %gather3A_166, %gather3A_167 : vector<16xf32>
      %gt3A_169 = arith.constant 0.000000e+00 : f32
      %gt3A_170 = vector.broadcast %gt3A_169 : f32 to vector<16xf32>
      %gt3A_171 = arith.cmpf ogt, %add3A_168, %gt3A_170 : vector<16xf32>
      %mul3A_172 = arith.constant 2.000000e-01 : f32
      %mul3A_173 = vector.broadcast %mul3A_172 : f32 to vector<16xf32>
      %mul3A_174 = arith.mulf %add3A_168, %mul3A_173 : vector<16xf32>
      %select_n3A_175 = arith.select %gt3A_171, %add3A_168, %mul3A_174 : vector<16xi1>, vector<16xf32>
      %sub3A_176 = vector.broadcast %squeeze3A : f32 to vector<16xf32>
      %sub3A_177 = arith.subf %select_n3A_175, %sub3A_176 : vector<16xf32>
      %exp3A_178 = math.exp %sub3A_177 : vector<16xf32>
      %swap3A_179 = arith.constant 96 : index
      %swap3A_180 = tpu.vector_load %arg16[%swap3A_179] {strides = array<i32>} : memref<128xf32, #tpu.memory_space<vmem>>, vector<16xf32>,
      tpu.vector_store %arg16[%swap3A_179], %exp3A_178 {strides = array<i32>} : memref<128xf32, #tpu.memory_space<vmem>>, vector<16xf32>,
      %get3A_181 = arith.constant 112 : index
      %get3A_182 = tpu.vector_load %arg13[%get3A_181] {strides = array<i32>} : memref<128xi32, #tpu.memory_space<vmem>>, vector<16xi32>,
      %get3A_183 = arith.constant 112 : index
      %get3A_184 = tpu.vector_load %arg14[%get3A_183] {strides = array<i32>} : memref<128xi32, #tpu.memory_space<vmem>>, vector<16xi32>,
      %gather3A_185 = tpu.vector_load_idx %arg10[%get3A_182] : memref<10008xf32, #tpu.memory_space<vmem>>[vector<16xi32>], vector<16xf32>,
      %gather3A_186 = tpu.vector_load_idx %arg11[%get3A_184] : memref<10008xf32, #tpu.memory_space<vmem>>[vector<16xi32>], vector<16xf32>,
      %add3A_187 = arith.addf %gather3A_185, %gather3A_186 : vector<16xf32>
      %gt3A_188 = arith.constant 0.000000e+00 : f32
      %gt3A_189 = vector.broadcast %gt3A_188 : f32 to vector<16xf32>
      %gt3A_190 = arith.cmpf ogt, %add3A_187, %gt3A_189 : vector<16xf32>
      %mul3A_191 = arith.constant 2.000000e-01 : f32
      %mul3A_192 = vector.broadcast %mul3A_191 : f32 to vector<16xf32>
      %mul3A_193 = arith.mulf %add3A_187, %mul3A_192 : vector<16xf32>
      %select_n3A_194 = arith.select %gt3A_190, %add3A_187, %mul3A_193 : vector<16xi1>, vector<16xf32>
      %sub3A_195 = vector.broadcast %squeeze3A : f32 to vector<16xf32>
      %sub3A_196 = arith.subf %select_n3A_194, %sub3A_195 : vector<16xf32>
      %exp3A_197 = math.exp %sub3A_196 : vector<16xf32>
      %swap3A_198 = arith.constant 112 : index
      %swap3A_199 = tpu.vector_load %arg16[%swap3A_198] {strides = array<i32>} : memref<128xf32, #tpu.memory_space<vmem>>, vector<16xf32>,
      tpu.vector_store %arg16[%swap3A_198], %exp3A_197 {strides = array<i32>} : memref<128xf32, #tpu.memory_space<vmem>>, vector<16xf32>,
      %dma_wait3A = arith.constant 0 : i32
      %dma_wait3A_200 = arith.constant 0 : i32
      %dma_wait3A_201 = tpu.memref_slice %arg2[%dma_wait3A, %dma_wait3A_200] : memref<10008x144xf32, #tpu.memory_space<hbm>> -> memref<10008x144xf32, #tpu.memory_space<hbm>>
      tpu.wait_indirect_dma semaphore(%arg17 : memref<!tpu.dma_semaphore, #tpu.memory_space<semaphore_mem>>) src(%dma_wait3A_201 : memref<10008x144xf32, #tpu.memory_space<hbm>>) dst(%arg15 : memref<128x144xf32, #tpu.memory_space<vmem>>)
      %scan3A_202 = arith.constant 0 : i32
      %scan3A_203 = arith.constant 0 : i32
      %scan3A_204 = arith.constant 8 : i32
      %scan3A_205 = arith.addi %scan3A_203, %scan3A_204 : i32
      %scan3A_206 = arith.constant 1 : i32
      scf.for %scan3A_208 = %scan3A_203 to %scan3A_205 step %scan3A_206  : i32 {
        %mul3A_209 = arith.constant 16 : i32
        %mul3A_210 = arith.muli %scan3A_208, %mul3A_209 : i32
        %get3A_211 = arith.index_cast %mul3A_210 : i32 to index
        %get3A_212 = tpu.vector_load %arg16[%get3A_211] {strides = array<i32>} : memref<128xf32, #tpu.memory_space<vmem>>, vector<16xf32>,
        %slice3A_213 = vector.extract_strided_slice %get3A_212 {offsets = [0], sizes = [1], strides = [1]} : vector<16xf32> to vector<1xf32>
        %squeeze3A_214 = vector.extract %slice3A_213[0] : f32 from vector<1xf32>
        %mul3A_215 = arith.constant 16 : i32
        %mul3A_216 = arith.muli %scan3A_208, %mul3A_215 : i32
        %add3A_217 = arith.constant 0 : i32
        %add3A_218 = arith.addi %mul3A_216, %add3A_217 : i32
        %get3A_219 = arith.index_cast %add3A_218 : i32 to index
        %get3A_220 = arith.constant 0 : index
        %get3A_221 = tpu.vector_load %arg15[%get3A_219, %get3A_220] {strides = array<i32>} : memref<128x144xf32, #tpu.memory_space<vmem>>, vector<16xf32>,
        %mul3A_222 = vector.broadcast %squeeze3A_214 : f32 to vector<16xf32>
        %mul3A_223 = arith.mulf %get3A_221, %mul3A_222 : vector<16xf32>
        %swap3A_224 = arith.index_cast %add3A_218 : i32 to index
        %swap3A_225 = arith.constant 0 : index
        %swap3A_226 = tpu.vector_load %arg15[%swap3A_224, %swap3A_225] {strides = array<i32>} : memref<128x144xf32, #tpu.memory_space<vmem>>, vector<16xf32>,
        tpu.vector_store %arg15[%swap3A_224, %swap3A_225], %mul3A_223 {strides = array<i32>} : memref<128x144xf32, #tpu.memory_space<vmem>>, vector<16xf32>,
        %get3A_227 = arith.index_cast %add3A_218 : i32 to index
        %get3A_228 = arith.constant 16 : index
        %get3A_229 = tpu.vector_load %arg15[%get3A_227, %get3A_228] {strides = array<i32>} : memref<128x144xf32, #tpu.memory_space<vmem>>, vector<16xf32>,
        %mul3A_230 = vector.broadcast %squeeze3A_214 : f32 to vector<16xf32>
        %mul3A_231 = arith.mulf %get3A_229, %mul3A_230 : vector<16xf32>
        %swap3A_232 = arith.index_cast %add3A_218 : i32 to index
        %swap3A_233 = arith.constant 16 : index
        %swap3A_234 = tpu.vector_load %arg15[%swap3A_232, %swap3A_233] {strides = array<i32>} : memref<128x144xf32, #tpu.memory_space<vmem>>, vector<16xf32>,
        tpu.vector_store %arg15[%swap3A_232, %swap3A_233], %mul3A_231 {strides = array<i32>} : memref<128x144xf32, #tpu.memory_space<vmem>>, vector<16xf32>,
        %get3A_235 = arith.index_cast %add3A_218 : i32 to index
        %get3A_236 = arith.constant 32 : index
        %get3A_237 = tpu.vector_load %arg15[%get3A_235, %get3A_236] {strides = array<i32>} : memref<128x144xf32, #tpu.memory_space<vmem>>, vector<16xf32>,
        %mul3A_238 = vector.broadcast %squeeze3A_214 : f32 to vector<16xf32>
        %mul3A_239 = arith.mulf %get3A_237, %mul3A_238 : vector<16xf32>
        %swap3A_240 = arith.index_cast %add3A_218 : i32 to index
        %swap3A_241 = arith.constant 32 : index
        %swap3A_242 = tpu.vector_load %arg15[%swap3A_240, %swap3A_241] {strides = array<i32>} : memref<128x144xf32, #tpu.memory_space<vmem>>, vector<16xf32>,
        tpu.vector_store %arg15[%swap3A_240, %swap3A_241], %mul3A_239 {strides = array<i32>} : memref<128x144xf32, #tpu.memory_space<vmem>>, vector<16xf32>,
        %get3A_243 = arith.index_cast %add3A_218 : i32 to index
        %get3A_244 = arith.constant 48 : index
        %get3A_245 = tpu.vector_load %arg15[%get3A_243, %get3A_244] {strides = array<i32>} : memref<128x144xf32, #tpu.memory_space<vmem>>, vector<16xf32>,
        %mul3A_246 = vector.broadcast %squeeze3A_214 : f32 to vector<16xf32>
        %mul3A_247 = arith.mulf %get3A_245, %mul3A_246 : vector<16xf32>
        %swap3A_248 = arith.index_cast %add3A_218 : i32 to index
        %swap3A_249 = arith.constant 48 : index
        %swap3A_250 = tpu.vector_load %arg15[%swap3A_248, %swap3A_249] {strides = array<i32>} : memref<128x144xf32, #tpu.memory_space<vmem>>, vector<16xf32>,
        tpu.vector_store %arg15[%swap3A_248, %swap3A_249], %mul3A_247 {strides = array<i32>} : memref<128x144xf32, #tpu.memory_space<vmem>>, vector<16xf32>,
        %get3A_251 = arith.index_cast %add3A_218 : i32 to index
        %get3A_252 = arith.constant 64 : index
        %get3A_253 = tpu.vector_load %arg15[%get3A_251, %get3A_252] {strides = array<i32>} : memref<128x144xf32, #tpu.memory_space<vmem>>, vector<16xf32>,
        %mul3A_254 = vector.broadcast %squeeze3A_214 : f32 to vector<16xf32>
        %mul3A_255 = arith.mulf %get3A_253, %mul3A_254 : vector<16xf32>
        %swap3A_256 = arith.index_cast %add3A_218 : i32 to index
        %swap3A_257 = arith.constant 64 : index
        %swap3A_258 = tpu.vector_load %arg15[%swap3A_256, %swap3A_257] {strides = array<i32>} : memref<128x144xf32, #tpu.memory_space<vmem>>, vector<16xf32>,
        tpu.vector_store %arg15[%swap3A_256, %swap3A_257], %mul3A_255 {strides = array<i32>} : memref<128x144xf32, #tpu.memory_space<vmem>>, vector<16xf32>,
        %get3A_259 = arith.index_cast %add3A_218 : i32 to index
        %get3A_260 = arith.constant 80 : index
        %get3A_261 = tpu.vector_load %arg15[%get3A_259, %get3A_260] {strides = array<i32>} : memref<128x144xf32, #tpu.memory_space<vmem>>, vector<16xf32>,
        %mul3A_262 = vector.broadcast %squeeze3A_214 : f32 to vector<16xf32>
        %mul3A_263 = arith.mulf %get3A_261, %mul3A_262 : vector<16xf32>
        %swap3A_264 = arith.index_cast %add3A_218 : i32 to index
        %swap3A_265 = arith.constant 80 : index
        %swap3A_266 = tpu.vector_load %arg15[%swap3A_264, %swap3A_265] {strides = array<i32>} : memref<128x144xf32, #tpu.memory_space<vmem>>, vector<16xf32>,
        tpu.vector_store %arg15[%swap3A_264, %swap3A_265], %mul3A_263 {strides = array<i32>} : memref<128x144xf32, #tpu.memory_space<vmem>>, vector<16xf32>,
        %get3A_267 = arith.index_cast %add3A_218 : i32 to index
        %get3A_268 = arith.constant 96 : index
        %get3A_269 = tpu.vector_load %arg15[%get3A_267, %get3A_268] {strides = array<i32>} : memref<128x144xf32, #tpu.memory_space<vmem>>, vector<16xf32>,
        %mul3A_270 = vector.broadcast %squeeze3A_214 : f32 to vector<16xf32>
        %mul3A_271 = arith.mulf %get3A_269, %mul3A_270 : vector<16xf32>
        %swap3A_272 = arith.index_cast %add3A_218 : i32 to index
        %swap3A_273 = arith.constant 96 : index
        %swap3A_274 = tpu.vector_load %arg15[%swap3A_272, %swap3A_273] {strides = array<i32>} : memref<128x144xf32, #tpu.memory_space<vmem>>, vector<16xf32>,
        tpu.vector_store %arg15[%swap3A_272, %swap3A_273], %mul3A_271 {strides = array<i32>} : memref<128x144xf32, #tpu.memory_space<vmem>>, vector<16xf32>,
        %get3A_275 = arith.index_cast %add3A_218 : i32 to index
        %get3A_276 = arith.constant 112 : index
        %get3A_277 = tpu.vector_load %arg15[%get3A_275, %get3A_276] {strides = array<i32>} : memref<128x144xf32, #tpu.memory_space<vmem>>, vector<16xf32>,
        %mul3A_278 = vector.broadcast %squeeze3A_214 : f32 to vector<16xf32>
        %mul3A_279 = arith.mulf %get3A_277, %mul3A_278 : vector<16xf32>
        %swap3A_280 = arith.index_cast %add3A_218 : i32 to index
        %swap3A_281 = arith.constant 112 : index
        %swap3A_282 = tpu.vector_load %arg15[%swap3A_280, %swap3A_281] {strides = array<i32>} : memref<128x144xf32, #tpu.memory_space<vmem>>, vector<16xf32>,
        tpu.vector_store %arg15[%swap3A_280, %swap3A_281], %mul3A_279 {strides = array<i32>} : memref<128x144xf32, #tpu.memory_space<vmem>>, vector<16xf32>,
        %get3A_283 = arith.index_cast %add3A_218 : i32 to index
        %get3A_284 = arith.constant 128 : index
        %get3A_285 = tpu.vector_load %arg15[%get3A_283, %get3A_284] {strides = array<i32>} : memref<128x144xf32, #tpu.memory_space<vmem>>, vector<16xf32>,
        %mul3A_286 = vector.broadcast %squeeze3A_214 : f32 to vector<16xf32>
        %mul3A_287 = arith.mulf %get3A_285, %mul3A_286 : vector<16xf32>
        %swap3A_288 = arith.index_cast %add3A_218 : i32 to index
        %swap3A_289 = arith.constant 128 : index
        %swap3A_290 = tpu.vector_load %arg15[%swap3A_288, %swap3A_289] {strides = array<i32>} : memref<128x144xf32, #tpu.memory_space<vmem>>, vector<16xf32>,
        tpu.vector_store %arg15[%swap3A_288, %swap3A_289], %mul3A_287 {strides = array<i32>} : memref<128x144xf32, #tpu.memory_space<vmem>>, vector<16xf32>,
        %slice3A_291 = vector.extract_strided_slice %get3A_212 {offsets = [1], sizes = [1], strides = [1]} : vector<16xf32> to vector<1xf32>
        %squeeze3A_292 = vector.extract %slice3A_291[0] : f32 from vector<1xf32>
        %mul3A_293 = arith.constant 16 : i32
        %mul3A_294 = arith.muli %scan3A_208, %mul3A_293 : i32
        %add3A_295 = arith.constant 1 : i32
        %add3A_296 = arith.addi %mul3A_294, %add3A_295 : i32
        %get3A_297 = arith.index_cast %add3A_296 : i32 to index
        %get3A_298 = arith.constant 0 : index
        %get3A_299 = tpu.vector_load %arg15[%get3A_297, %get3A_298] {strides = array<i32>} : memref<128x144xf32, #tpu.memory_space<vmem>>, vector<16xf32>,
        %mul3A_300 = vector.broadcast %squeeze3A_292 : f32 to vector<16xf32>
        %mul3A_301 = arith.mulf %get3A_299, %mul3A_300 : vector<16xf32>
        %swap3A_302 = arith.index_cast %add3A_296 : i32 to index
        %swap3A_303 = arith.constant 0 : index
        %swap3A_304 = tpu.vector_load %arg15[%swap3A_302, %swap3A_303] {strides = array<i32>} : memref<128x144xf32, #tpu.memory_space<vmem>>, vector<16xf32>,
        tpu.vector_store %arg15[%swap3A_302, %swap3A_303], %mul3A_301 {strides = array<i32>} : memref<128x144xf32, #tpu.memory_space<vmem>>, vector<16xf32>,
        %get3A_305 = arith.index_cast %add3A_296 : i32 to index
        %get3A_306 = arith.constant 16 : index
        %get3A_307 = tpu.vector_load %arg15[%get3A_305, %get3A_306] {strides = array<i32>} : memref<128x144xf32, #tpu.memory_space<vmem>>, vector<16xf32>,
        %mul3A_308 = vector.broadcast %squeeze3A_292 : f32 to vector<16xf32>
        %mul3A_309 = arith.mulf %get3A_307, %mul3A_308 : vector<16xf32>
        %swap3A_310 = arith.index_cast %add3A_296 : i32 to index
        %swap3A_311 = arith.constant 16 : index
        %swap3A_312 = tpu.vector_load %arg15[%swap3A_310, %swap3A_311] {strides = array<i32>} : memref<128x144xf32, #tpu.memory_space<vmem>>, vector<16xf32>,
        tpu.vector_store %arg15[%swap3A_310, %swap3A_311], %mul3A_309 {strides = array<i32>} : memref<128x144xf32, #tpu.memory_space<vmem>>, vector<16xf32>,
        %get3A_313 = arith.index_cast %add3A_296 : i32 to index
        %get3A_314 = arith.constant 32 : index
        %get3A_315 = tpu.vector_load %arg15[%get3A_313, %get3A_314] {strides = array<i32>} : memref<128x144xf32, #tpu.memory_space<vmem>>, vector<16xf32>,
        %mul3A_316 = vector.broadcast %squeeze3A_292 : f32 to vector<16xf32>
        %mul3A_317 = arith.mulf %get3A_315, %mul3A_316 : vector<16xf32>
        %swap3A_318 = arith.index_cast %add3A_296 : i32 to index
        %swap3A_319 = arith.constant 32 : index
        %swap3A_320 = tpu.vector_load %arg15[%swap3A_318, %swap3A_319] {strides = array<i32>} : memref<128x144xf32, #tpu.memory_space<vmem>>, vector<16xf32>,
        tpu.vector_store %arg15[%swap3A_318, %swap3A_319], %mul3A_317 {strides = array<i32>} : memref<128x144xf32, #tpu.memory_space<vmem>>, vector<16xf32>,
        %get3A_321 = arith.index_cast %add3A_296 : i32 to index
        %get3A_322 = arith.constant 48 : index
        %get3A_323 = tpu.vector_load %arg15[%get3A_321, %get3A_322] {strides = array<i32>} : memref<128x144xf32, #tpu.memory_space<vmem>>, vector<16xf32>,
        %mul3A_324 = vector.broadcast %squeeze3A_292 : f32 to vector<16xf32>
        %mul3A_325 = arith.mulf %get3A_323, %mul3A_324 : vector<16xf32>
        %swap3A_326 = arith.index_cast %add3A_296 : i32 to index
        %swap3A_327 = arith.constant 48 : index
        %swap3A_328 = tpu.vector_load %arg15[%swap3A_326, %swap3A_327] {strides = array<i32>} : memref<128x144xf32, #tpu.memory_space<vmem>>, vector<16xf32>,
        tpu.vector_store %arg15[%swap3A_326, %swap3A_327], %mul3A_325 {strides = array<i32>} : memref<128x144xf32, #tpu.memory_space<vmem>>, vector<16xf32>,
        %get3A_329 = arith.index_cast %add3A_296 : i32 to index
        %get3A_330 = arith.constant 64 : index
        %get3A_331 = tpu.vector_load %arg15[%get3A_329, %get3A_330] {strides = array<i32>} : memref<128x144xf32, #tpu.memory_space<vmem>>, vector<16xf32>,
        %mul3A_332 = vector.broadcast %squeeze3A_292 : f32 to vector<16xf32>
        %mul3A_333 = arith.mulf %get3A_331, %mul3A_332 : vector<16xf32>
        %swap3A_334 = arith.index_cast %add3A_296 : i32 to index
        %swap3A_335 = arith.constant 64 : index
        %swap3A_336 = tpu.vector_load %arg15[%swap3A_334, %swap3A_335] {strides = array<i32>} : memref<128x144xf32, #tpu.memory_space<vmem>>, vector<16xf32>,
        tpu.vector_store %arg15[%swap3A_334, %swap3A_335], %mul3A_333 {strides = array<i32>} : memref<128x144xf32, #tpu.memory_space<vmem>>, vector<16xf32>,
        %get3A_337 = arith.index_cast %add3A_296 : i32 to index
        %get3A_338 = arith.constant 80 : index
        %get3A_339 = tpu.vector_load %arg15[%get3A_337, %get3A_338] {strides = array<i32>} : memref<128x144xf32, #tpu.memory_space<vmem>>, vector<16xf32>,
        %mul3A_340 = vector.broadcast %squeeze3A_292 : f32 to vector<16xf32>
        %mul3A_341 = arith.mulf %get3A_339, %mul3A_340 : vector<16xf32>
        %swap3A_342 = arith.index_cast %add3A_296 : i32 to index
        %swap3A_343 = arith.constant 80 : index
        %swap3A_344 = tpu.vector_load %arg15[%swap3A_342, %swap3A_343] {strides = array<i32>} : memref<128x144xf32, #tpu.memory_space<vmem>>, vector<16xf32>,
        tpu.vector_store %arg15[%swap3A_342, %swap3A_343], %mul3A_341 {strides = array<i32>} : memref<128x144xf32, #tpu.memory_space<vmem>>, vector<16xf32>,
        %get3A_345 = arith.index_cast %add3A_296 : i32 to index
        %get3A_346 = arith.constant 96 : index
        %get3A_347 = tpu.vector_load %arg15[%get3A_345, %get3A_346] {strides = array<i32>} : memref<128x144xf32, #tpu.memory_space<vmem>>, vector<16xf32>,
        %mul3A_348 = vector.broadcast %squeeze3A_292 : f32 to vector<16xf32>
        %mul3A_349 = arith.mulf %get3A_347, %mul3A_348 : vector<16xf32>
        %swap3A_350 = arith.index_cast %add3A_296 : i32 to index
        %swap3A_351 = arith.constant 96 : index
        %swap3A_352 = tpu.vector_load %arg15[%swap3A_350, %swap3A_351] {strides = array<i32>} : memref<128x144xf32, #tpu.memory_space<vmem>>, vector<16xf32>,
        tpu.vector_store %arg15[%swap3A_350, %swap3A_351], %mul3A_349 {strides = array<i32>} : memref<128x144xf32, #tpu.memory_space<vmem>>, vector<16xf32>,
        %get3A_353 = arith.index_cast %add3A_296 : i32 to index
        %get3A_354 = arith.constant 112 : index
        %get3A_355 = tpu.vector_load %arg15[%get3A_353, %get3A_354] {strides = array<i32>} : memref<128x144xf32, #tpu.memory_space<vmem>>, vector<16xf32>,
        %mul3A_356 = vector.broadcast %squeeze3A_292 : f32 to vector<16xf32>
        %mul3A_357 = arith.mulf %get3A_355, %mul3A_356 : vector<16xf32>
        %swap3A_358 = arith.index_cast %add3A_296 : i32 to index
        %swap3A_359 = arith.constant 112 : index
        %swap3A_360 = tpu.vector_load %arg15[%swap3A_358, %swap3A_359] {strides = array<i32>} : memref<128x144xf32, #tpu.memory_space<vmem>>, vector<16xf32>,
        tpu.vector_store %arg15[%swap3A_358, %swap3A_359], %mul3A_357 {strides = array<i32>} : memref<128x144xf32, #tpu.memory_space<vmem>>, vector<16xf32>,
        %get3A_361 = arith.index_cast %add3A_296 : i32 to index
        %get3A_362 = arith.constant 128 : index
        %get3A_363 = tpu.vector_load %arg15[%get3A_361, %get3A_362] {strides = array<i32>} : memref<128x144xf32, #tpu.memory_space<vmem>>, vector<16xf32>,
        %mul3A_364 = vector.broadcast %squeeze3A_292 : f32 to vector<16xf32>
        %mul3A_365 = arith.mulf %get3A_363, %mul3A_364 : vector<16xf32>
        %swap3A_366 = arith.index_cast %add3A_296 : i32 to index
        %swap3A_367 = arith.constant 128 : index
        %swap3A_368 = tpu.vector_load %arg15[%swap3A_366, %swap3A_367] {strides = array<i32>} : memref<128x144xf32, #tpu.memory_space<vmem>>, vector<16xf32>,
        tpu.vector_store %arg15[%swap3A_366, %swap3A_367], %mul3A_365 {strides = array<i32>} : memref<128x144xf32, #tpu.memory_space<vmem>>, vector<16xf32>,
        %slice3A_369 = vector.extract_strided_slice %get3A_212 {offsets = [2], sizes = [1], strides = [1]} : vector<16xf32> to vector<1xf32>
        %squeeze3A_370 = vector.extract %slice3A_369[0] : f32 from vector<1xf32>
        %mul3A_371 = arith.constant 16 : i32
        %mul3A_372 = arith.muli %scan3A_208, %mul3A_371 : i32
        %add3A_373 = arith.constant 2 : i32
        %add3A_374 = arith.addi %mul3A_372, %add3A_373 : i32
        %get3A_375 = arith.index_cast %add3A_374 : i32 to index
        %get3A_376 = arith.constant 0 : index
        %get3A_377 = tpu.vector_load %arg15[%get3A_375, %get3A_376] {strides = array<i32>} : memref<128x144xf32, #tpu.memory_space<vmem>>, vector<16xf32>,
        %mul3A_378 = vector.broadcast %squeeze3A_370 : f32 to vector<16xf32>
        %mul3A_379 = arith.mulf %get3A_377, %mul3A_378 : vector<16xf32>
        %swap3A_380 = arith.index_cast %add3A_374 : i32 to index
        %swap3A_381 = arith.constant 0 : index
        %swap3A_382 = tpu.vector_load %arg15[%swap3A_380, %swap3A_381] {strides = array<i32>} : memref<128x144xf32, #tpu.memory_space<vmem>>, vector<16xf32>,
        tpu.vector_store %arg15[%swap3A_380, %swap3A_381], %mul3A_379 {strides = array<i32>} : memref<128x144xf32, #tpu.memory_space<vmem>>, vector<16xf32>,
        %get3A_383 = arith.index_cast %add3A_374 : i32 to index
        %get3A_384 = arith.constant 16 : index
        %get3A_385 = tpu.vector_load %arg15[%get3A_383, %get3A_384] {strides = array<i32>} : memref<128x144xf32, #tpu.memory_space<vmem>>, vector<16xf32>,
        %mul3A_386 = vector.broadcast %squeeze3A_370 : f32 to vector<16xf32>
        %mul3A_387 = arith.mulf %get3A_385, %mul3A_386 : vector<16xf32>
        %swap3A_388 = arith.index_cast %add3A_374 : i32 to index
        %swap3A_389 = arith.constant 16 : index
        %swap3A_390 = tpu.vector_load %arg15[%swap3A_388, %swap3A_389] {strides = array<i32>} : memref<128x144xf32, #tpu.memory_space<vmem>>, vector<16xf32>,
        tpu.vector_store %arg15[%swap3A_388, %swap3A_389], %mul3A_387 {strides = array<i32>} : memref<128x144xf32, #tpu.memory_space<vmem>>, vector<16xf32>,
        %get3A_391 = arith.index_cast %add3A_374 : i32 to index
        %get3A_392 = arith.constant 32 : index
        %get3A_393 = tpu.vector_load %arg15[%get3A_391, %get3A_392] {strides = array<i32>} : memref<128x144xf32, #tpu.memory_space<vmem>>, vector<16xf32>,
        %mul3A_394 = vector.broadcast %squeeze3A_370 : f32 to vector<16xf32>
        %mul3A_395 = arith.mulf %get3A_393, %mul3A_394 : vector<16xf32>
        %swap3A_396 = arith.index_cast %add3A_374 : i32 to index
        %swap3A_397 = arith.constant 32 : index
        %swap3A_398 = tpu.vector_load %arg15[%swap3A_396, %swap3A_397] {strides = array<i32>} : memref<128x144xf32, #tpu.memory_space<vmem>>, vector<16xf32>,
        tpu.vector_store %arg15[%swap3A_396, %swap3A_397], %mul3A_395 {strides = array<i32>} : memref<128x144xf32, #tpu.memory_space<vmem>>, vector<16xf32>,
        %get3A_399 = arith.index_cast %add3A_374 : i32 to index
        %get3A_400 = arith.constant 48 : index
        %get3A_401 = tpu.vector_load %arg15[%get3A_399, %get3A_400] {strides = array<i32>} : memref<128x144xf32, #tpu.memory_space<vmem>>, vector<16xf32>,
        %mul3A_402 = vector.broadcast %squeeze3A_370 : f32 to vector<16xf32>
        %mul3A_403 = arith.mulf %get3A_401, %mul3A_402 : vector<16xf32>
        %swap3A_404 = arith.index_cast %add3A_374 : i32 to index
        %swap3A_405 = arith.constant 48 : index
        %swap3A_406 = tpu.vector_load %arg15[%swap3A_404, %swap3A_405] {strides = array<i32>} : memref<128x144xf32, #tpu.memory_space<vmem>>, vector<16xf32>,
        tpu.vector_store %arg15[%swap3A_404, %swap3A_405], %mul3A_403 {strides = array<i32>} : memref<128x144xf32, #tpu.memory_space<vmem>>, vector<16xf32>,
        %get3A_407 = arith.index_cast %add3A_374 : i32 to index
        %get3A_408 = arith.constant 64 : index
        %get3A_409 = tpu.vector_load %arg15[%get3A_407, %get3A_408] {strides = array<i32>} : memref<128x144xf32, #tpu.memory_space<vmem>>, vector<16xf32>,
        %mul3A_410 = vector.broadcast %squeeze3A_370 : f32 to vector<16xf32>
        %mul3A_411 = arith.mulf %get3A_409, %mul3A_410 : vector<16xf32>
        %swap3A_412 = arith.index_cast %add3A_374 : i32 to index
        %swap3A_413 = arith.constant 64 : index
        %swap3A_414 = tpu.vector_load %arg15[%swap3A_412, %swap3A_413] {strides = array<i32>} : memref<128x144xf32, #tpu.memory_space<vmem>>, vector<16xf32>,
        tpu.vector_store %arg15[%swap3A_412, %swap3A_413], %mul3A_411 {strides = array<i32>} : memref<128x144xf32, #tpu.memory_space<vmem>>, vector<16xf32>,
        %get3A_415 = arith.index_cast %add3A_374 : i32 to index
        %get3A_416 = arith.constant 80 : index
        %get3A_417 = tpu.vector_load %arg15[%get3A_415, %get3A_416] {strides = array<i32>} : memref<128x144xf32, #tpu.memory_space<vmem>>, vector<16xf32>,
        %mul3A_418 = vector.broadcast %squeeze3A_370 : f32 to vector<16xf32>
        %mul3A_419 = arith.mulf %get3A_417, %mul3A_418 : vector<16xf32>
        %swap3A_420 = arith.index_cast %add3A_374 : i32 to index
        %swap3A_421 = arith.constant 80 : index
        %swap3A_422 = tpu.vector_load %arg15[%swap3A_420, %swap3A_421] {strides = array<i32>} : memref<128x144xf32, #tpu.memory_space<vmem>>, vector<16xf32>,
        tpu.vector_store %arg15[%swap3A_420, %swap3A_421], %mul3A_419 {strides = array<i32>} : memref<128x144xf32, #tpu.memory_space<vmem>>, vector<16xf32>,
        %get3A_423 = arith.index_cast %add3A_374 : i32 to index
        %get3A_424 = arith.constant 96 : index
        %get3A_425 = tpu.vector_load %arg15[%get3A_423, %get3A_424] {strides = array<i32>} : memref<128x144xf32, #tpu.memory_space<vmem>>, vector<16xf32>,
        %mul3A_426 = vector.broadcast %squeeze3A_370 : f32 to vector<16xf32>
        %mul3A_427 = arith.mulf %get3A_425, %mul3A_426 : vector<16xf32>
        %swap3A_428 = arith.index_cast %add3A_374 : i32 to index
        %swap3A_429 = arith.constant 96 : index
        %swap3A_430 = tpu.vector_load %arg15[%swap3A_428, %swap3A_429] {strides = array<i32>} : memref<128x144xf32, #tpu.memory_space<vmem>>, vector<16xf32>,
        tpu.vector_store %arg15[%swap3A_428, %swap3A_429], %mul3A_427 {strides = array<i32>} : memref<128x144xf32, #tpu.memory_space<vmem>>, vector<16xf32>,
        %get3A_431 = arith.index_cast %add3A_374 : i32 to index
        %get3A_432 = arith.constant 112 : index
        %get3A_433 = tpu.vector_load %arg15[%get3A_431, %get3A_432] {strides = array<i32>} : memref<128x144xf32, #tpu.memory_space<vmem>>, vector<16xf32>,
        %mul3A_434 = vector.broadcast %squeeze3A_370 : f32 to vector<16xf32>
        %mul3A_435 = arith.mulf %get3A_433, %mul3A_434 : vector<16xf32>
        %swap3A_436 = arith.index_cast %add3A_374 : i32 to index
        %swap3A_437 = arith.constant 112 : index
        %swap3A_438 = tpu.vector_load %arg15[%swap3A_436, %swap3A_437] {strides = array<i32>} : memref<128x144xf32, #tpu.memory_space<vmem>>, vector<16xf32>,
        tpu.vector_store %arg15[%swap3A_436, %swap3A_437], %mul3A_435 {strides = array<i32>} : memref<128x144xf32, #tpu.memory_space<vmem>>, vector<16xf32>,
        %get3A_439 = arith.index_cast %add3A_374 : i32 to index
        %get3A_440 = arith.constant 128 : index
        %get3A_441 = tpu.vector_load %arg15[%get3A_439, %get3A_440] {strides = array<i32>} : memref<128x144xf32, #tpu.memory_space<vmem>>, vector<16xf32>,
        %mul3A_442 = vector.broadcast %squeeze3A_370 : f32 to vector<16xf32>
        %mul3A_443 = arith.mulf %get3A_441, %mul3A_442 : vector<16xf32>
        %swap3A_444 = arith.index_cast %add3A_374 : i32 to index
        %swap3A_445 = arith.constant 128 : index
        %swap3A_446 = tpu.vector_load %arg15[%swap3A_444, %swap3A_445] {strides = array<i32>} : memref<128x144xf32, #tpu.memory_space<vmem>>, vector<16xf32>,
        tpu.vector_store %arg15[%swap3A_444, %swap3A_445], %mul3A_443 {strides = array<i32>} : memref<128x144xf32, #tpu.memory_space<vmem>>, vector<16xf32>,
        %slice3A_447 = vector.extract_strided_slice %get3A_212 {offsets = [3], sizes = [1], strides = [1]} : vector<16xf32> to vector<1xf32>
        %squeeze3A_448 = vector.extract %slice3A_447[0] : f32 from vector<1xf32>
        %mul3A_449 = arith.constant 16 : i32
        %mul3A_450 = arith.muli %scan3A_208, %mul3A_449 : i32
        %add3A_451 = arith.constant 3 : i32
        %add3A_452 = arith.addi %mul3A_450, %add3A_451 : i32
        %get3A_453 = arith.index_cast %add3A_452 : i32 to index
        %get3A_454 = arith.constant 0 : index
        %get3A_455 = tpu.vector_load %arg15[%get3A_453, %get3A_454] {strides = array<i32>} : memref<128x144xf32, #tpu.memory_space<vmem>>, vector<16xf32>,
        %mul3A_456 = vector.broadcast %squeeze3A_448 : f32 to vector<16xf32>
        %mul3A_457 = arith.mulf %get3A_455, %mul3A_456 : vector<16xf32>
        %swap3A_458 = arith.index_cast %add3A_452 : i32 to index
        %swap3A_459 = arith.constant 0 : index
        %swap3A_460 = tpu.vector_load %arg15[%swap3A_458, %swap3A_459] {strides = array<i32>} : memref<128x144xf32, #tpu.memory_space<vmem>>, vector<16xf32>,
        tpu.vector_store %arg15[%swap3A_458, %swap3A_459], %mul3A_457 {strides = array<i32>} : memref<128x144xf32, #tpu.memory_space<vmem>>, vector<16xf32>,
        %get3A_461 = arith.index_cast %add3A_452 : i32 to index
        %get3A_462 = arith.constant 16 : index
        %get3A_463 = tpu.vector_load %arg15[%get3A_461, %get3A_462] {strides = array<i32>} : memref<128x144xf32, #tpu.memory_space<vmem>>, vector<16xf32>,
        %mul3A_464 = vector.broadcast %squeeze3A_448 : f32 to vector<16xf32>
        %mul3A_465 = arith.mulf %get3A_463, %mul3A_464 : vector<16xf32>
        %swap3A_466 = arith.index_cast %add3A_452 : i32 to index
        %swap3A_467 = arith.constant 16 : index
        %swap3A_468 = tpu.vector_load %arg15[%swap3A_466, %swap3A_467] {strides = array<i32>} : memref<128x144xf32, #tpu.memory_space<vmem>>, vector<16xf32>,
        tpu.vector_store %arg15[%swap3A_466, %swap3A_467], %mul3A_465 {strides = array<i32>} : memref<128x144xf32, #tpu.memory_space<vmem>>, vector<16xf32>,
        %get3A_469 = arith.index_cast %add3A_452 : i32 to index
        %get3A_470 = arith.constant 32 : index
        %get3A_471 = tpu.vector_load %arg15[%get3A_469, %get3A_470] {strides = array<i32>} : memref<128x144xf32, #tpu.memory_space<vmem>>, vector<16xf32>,
        %mul3A_472 = vector.broadcast %squeeze3A_448 : f32 to vector<16xf32>
        %mul3A_473 = arith.mulf %get3A_471, %mul3A_472 : vector<16xf32>
        %swap3A_474 = arith.index_cast %add3A_452 : i32 to index
        %swap3A_475 = arith.constant 32 : index
        %swap3A_476 = tpu.vector_load %arg15[%swap3A_474, %swap3A_475] {strides = array<i32>} : memref<128x144xf32, #tpu.memory_space<vmem>>, vector<16xf32>,
        tpu.vector_store %arg15[%swap3A_474, %swap3A_475], %mul3A_473 {strides = array<i32>} : memref<128x144xf32, #tpu.memory_space<vmem>>, vector<16xf32>,
        %get3A_477 = arith.index_cast %add3A_452 : i32 to index
        %get3A_478 = arith.constant 48 : index
        %get3A_479 = tpu.vector_load %arg15[%get3A_477, %get3A_478] {strides = array<i32>} : memref<128x144xf32, #tpu.memory_space<vmem>>, vector<16xf32>,
        %mul3A_480 = vector.broadcast %squeeze3A_448 : f32 to vector<16xf32>
        %mul3A_481 = arith.mulf %get3A_479, %mul3A_480 : vector<16xf32>
        %swap3A_482 = arith.index_cast %add3A_452 : i32 to index
        %swap3A_483 = arith.constant 48 : index
        %swap3A_484 = tpu.vector_load %arg15[%swap3A_482, %swap3A_483] {strides = array<i32>} : memref<128x144xf32, #tpu.memory_space<vmem>>, vector<16xf32>,
        tpu.vector_store %arg15[%swap3A_482, %swap3A_483], %mul3A_481 {strides = array<i32>} : memref<128x144xf32, #tpu.memory_space<vmem>>, vector<16xf32>,
        %get3A_485 = arith.index_cast %add3A_452 : i32 to index
        %get3A_486 = arith.constant 64 : index
        %get3A_487 = tpu.vector_load %arg15[%get3A_485, %get3A_486] {strides = array<i32>} : memref<128x144xf32, #tpu.memory_space<vmem>>, vector<16xf32>,
        %mul3A_488 = vector.broadcast %squeeze3A_448 : f32 to vector<16xf32>
        %mul3A_489 = arith.mulf %get3A_487, %mul3A_488 : vector<16xf32>
        %swap3A_490 = arith.index_cast %add3A_452 : i32 to index
        %swap3A_491 = arith.constant 64 : index
        %swap3A_492 = tpu.vector_load %arg15[%swap3A_490, %swap3A_491] {strides = array<i32>} : memref<128x144xf32, #tpu.memory_space<vmem>>, vector<16xf32>,
        tpu.vector_store %arg15[%swap3A_490, %swap3A_491], %mul3A_489 {strides = array<i32>} : memref<128x144xf32, #tpu.memory_space<vmem>>, vector<16xf32>,
        %get3A_493 = arith.index_cast %add3A_452 : i32 to index
        %get3A_494 = arith.constant 80 : index
        %get3A_495 = tpu.vector_load %arg15[%get3A_493, %get3A_494] {strides = array<i32>} : memref<128x144xf32, #tpu.memory_space<vmem>>, vector<16xf32>,
        %mul3A_496 = vector.broadcast %squeeze3A_448 : f32 to vector<16xf32>
        %mul3A_497 = arith.mulf %get3A_495, %mul3A_496 : vector<16xf32>
        %swap3A_498 = arith.index_cast %add3A_452 : i32 to index
        %swap3A_499 = arith.constant 80 : index
        %swap3A_500 = tpu.vector_load %arg15[%swap3A_498, %swap3A_499] {strides = array<i32>} : memref<128x144xf32, #tpu.memory_space<vmem>>, vector<16xf32>,
        tpu.vector_store %arg15[%swap3A_498, %swap3A_499], %mul3A_497 {strides = array<i32>} : memref<128x144xf32, #tpu.memory_space<vmem>>, vector<16xf32>,
        %get3A_501 = arith.index_cast %add3A_452 : i32 to index
        %get3A_502 = arith.constant 96 : index
        %get3A_503 = tpu.vector_load %arg15[%get3A_501, %get3A_502] {strides = array<i32>} : memref<128x144xf32, #tpu.memory_space<vmem>>, vector<16xf32>,
        %mul3A_504 = vector.broadcast %squeeze3A_448 : f32 to vector<16xf32>
        %mul3A_505 = arith.mulf %get3A_503, %mul3A_504 : vector<16xf32>
        %swap3A_506 = arith.index_cast %add3A_452 : i32 to index
        %swap3A_507 = arith.constant 96 : index
        %swap3A_508 = tpu.vector_load %arg15[%swap3A_506, %swap3A_507] {strides = array<i32>} : memref<128x144xf32, #tpu.memory_space<vmem>>, vector<16xf32>,
        tpu.vector_store %arg15[%swap3A_506, %swap3A_507], %mul3A_505 {strides = array<i32>} : memref<128x144xf32, #tpu.memory_space<vmem>>, vector<16xf32>,
        %get3A_509 = arith.index_cast %add3A_452 : i32 to index
        %get3A_510 = arith.constant 112 : index
        %get3A_511 = tpu.vector_load %arg15[%get3A_509, %get3A_510] {strides = array<i32>} : memref<128x144xf32, #tpu.memory_space<vmem>>, vector<16xf32>,
        %mul3A_512 = vector.broadcast %squeeze3A_448 : f32 to vector<16xf32>
        %mul3A_513 = arith.mulf %get3A_511, %mul3A_512 : vector<16xf32>
        %swap3A_514 = arith.index_cast %add3A_452 : i32 to index
        %swap3A_515 = arith.constant 112 : index
        %swap3A_516 = tpu.vector_load %arg15[%swap3A_514, %swap3A_515] {strides = array<i32>} : memref<128x144xf32, #tpu.memory_space<vmem>>, vector<16xf32>,
        tpu.vector_store %arg15[%swap3A_514, %swap3A_515], %mul3A_513 {strides = array<i32>} : memref<128x144xf32, #tpu.memory_space<vmem>>, vector<16xf32>,
        %get3A_517 = arith.index_cast %add3A_452 : i32 to index
        %get3A_518 = arith.constant 128 : index
        %get3A_519 = tpu.vector_load %arg15[%get3A_517, %get3A_518] {strides = array<i32>} : memref<128x144xf32, #tpu.memory_space<vmem>>, vector<16xf32>,
        %mul3A_520 = vector.broadcast %squeeze3A_448 : f32 to vector<16xf32>
        %mul3A_521 = arith.mulf %get3A_519, %mul3A_520 : vector<16xf32>
        %swap3A_522 = arith.index_cast %add3A_452 : i32 to index
        %swap3A_523 = arith.constant 128 : index
        %swap3A_524 = tpu.vector_load %arg15[%swap3A_522, %swap3A_523] {strides = array<i32>} : memref<128x144xf32, #tpu.memory_space<vmem>>, vector<16xf32>,
        tpu.vector_store %arg15[%swap3A_522, %swap3A_523], %mul3A_521 {strides = array<i32>} : memref<128x144xf32, #tpu.memory_space<vmem>>, vector<16xf32>,
        %slice3A_525 = vector.extract_strided_slice %get3A_212 {offsets = [4], sizes = [1], strides = [1]} : vector<16xf32> to vector<1xf32>
        %squeeze3A_526 = vector.extract %slice3A_525[0] : f32 from vector<1xf32>
        %mul3A_527 = arith.constant 16 : i32
        %mul3A_528 = arith.muli %scan3A_208, %mul3A_527 : i32
        %add3A_529 = arith.constant 4 : i32
        %add3A_530 = arith.addi %mul3A_528, %add3A_529 : i32
        %get3A_531 = arith.index_cast %add3A_530 : i32 to index
        %get3A_532 = arith.constant 0 : index
        %get3A_533 = tpu.vector_load %arg15[%get3A_531, %get3A_532] {strides = array<i32>} : memref<128x144xf32, #tpu.memory_space<vmem>>, vector<16xf32>,
        %mul3A_534 = vector.broadcast %squeeze3A_526 : f32 to vector<16xf32>
        %mul3A_535 = arith.mulf %get3A_533, %mul3A_534 : vector<16xf32>
        %swap3A_536 = arith.index_cast %add3A_530 : i32 to index
        %swap3A_537 = arith.constant 0 : index
        %swap3A_538 = tpu.vector_load %arg15[%swap3A_536, %swap3A_537] {strides = array<i32>} : memref<128x144xf32, #tpu.memory_space<vmem>>, vector<16xf32>,
        tpu.vector_store %arg15[%swap3A_536, %swap3A_537], %mul3A_535 {strides = array<i32>} : memref<128x144xf32, #tpu.memory_space<vmem>>, vector<16xf32>,
        %get3A_539 = arith.index_cast %add3A_530 : i32 to index
        %get3A_540 = arith.constant 16 : index
        %get3A_541 = tpu.vector_load %arg15[%get3A_539, %get3A_540] {strides = array<i32>} : memref<128x144xf32, #tpu.memory_space<vmem>>, vector<16xf32>,
        %mul3A_542 = vector.broadcast %squeeze3A_526 : f32 to vector<16xf32>
        %mul3A_543 = arith.mulf %get3A_541, %mul3A_542 : vector<16xf32>
        %swap3A_544 = arith.index_cast %add3A_530 : i32 to index
        %swap3A_545 = arith.constant 16 : index
        %swap3A_546 = tpu.vector_load %arg15[%swap3A_544, %swap3A_545] {strides = array<i32>} : memref<128x144xf32, #tpu.memory_space<vmem>>, vector<16xf32>,
        tpu.vector_store %arg15[%swap3A_544, %swap3A_545], %mul3A_543 {strides = array<i32>} : memref<128x144xf32, #tpu.memory_space<vmem>>, vector<16xf32>,
        %get3A_547 = arith.index_cast %add3A_530 : i32 to index
        %get3A_548 = arith.constant 32 : index
        %get3A_549 = tpu.vector_load %arg15[%get3A_547, %get3A_548] {strides = array<i32>} : memref<128x144xf32, #tpu.memory_space<vmem>>, vector<16xf32>,
        %mul3A_550 = vector.broadcast %squeeze3A_526 : f32 to vector<16xf32>
        %mul3A_551 = arith.mulf %get3A_549, %mul3A_550 : vector<16xf32>
        %swap3A_552 = arith.index_cast %add3A_530 : i32 to index
        %swap3A_553 = arith.constant 32 : index
        %swap3A_554 = tpu.vector_load %arg15[%swap3A_552, %swap3A_553] {strides = array<i32>} : memref<128x144xf32, #tpu.memory_space<vmem>>, vector<16xf32>,
        tpu.vector_store %arg15[%swap3A_552, %swap3A_553], %mul3A_551 {strides = array<i32>} : memref<128x144xf32, #tpu.memory_space<vmem>>, vector<16xf32>,
        %get3A_555 = arith.index_cast %add3A_530 : i32 to index
        %get3A_556 = arith.constant 48 : index
        %get3A_557 = tpu.vector_load %arg15[%get3A_555, %get3A_556] {strides = array<i32>} : memref<128x144xf32, #tpu.memory_space<vmem>>, vector<16xf32>,
        %mul3A_558 = vector.broadcast %squeeze3A_526 : f32 to vector<16xf32>
        %mul3A_559 = arith.mulf %get3A_557, %mul3A_558 : vector<16xf32>
        %swap3A_560 = arith.index_cast %add3A_530 : i32 to index
        %swap3A_561 = arith.constant 48 : index
        %swap3A_562 = tpu.vector_load %arg15[%swap3A_560, %swap3A_561] {strides = array<i32>} : memref<128x144xf32, #tpu.memory_space<vmem>>, vector<16xf32>,
        tpu.vector_store %arg15[%swap3A_560, %swap3A_561], %mul3A_559 {strides = array<i32>} : memref<128x144xf32, #tpu.memory_space<vmem>>, vector<16xf32>,
        %get3A_563 = arith.index_cast %add3A_530 : i32 to index
        %get3A_564 = arith.constant 64 : index
        %get3A_565 = tpu.vector_load %arg15[%get3A_563, %get3A_564] {strides = array<i32>} : memref<128x144xf32, #tpu.memory_space<vmem>>, vector<16xf32>,
        %mul3A_566 = vector.broadcast %squeeze3A_526 : f32 to vector<16xf32>
        %mul3A_567 = arith.mulf %get3A_565, %mul3A_566 : vector<16xf32>
        %swap3A_568 = arith.index_cast %add3A_530 : i32 to index
        %swap3A_569 = arith.constant 64 : index
        %swap3A_570 = tpu.vector_load %arg15[%swap3A_568, %swap3A_569] {strides = array<i32>} : memref<128x144xf32, #tpu.memory_space<vmem>>, vector<16xf32>,
        tpu.vector_store %arg15[%swap3A_568, %swap3A_569], %mul3A_567 {strides = array<i32>} : memref<128x144xf32, #tpu.memory_space<vmem>>, vector<16xf32>,
        %get3A_571 = arith.index_cast %add3A_530 : i32 to index
        %get3A_572 = arith.constant 80 : index
        %get3A_573 = tpu.vector_load %arg15[%get3A_571, %get3A_572] {strides = array<i32>} : memref<128x144xf32, #tpu.memory_space<vmem>>, vector<16xf32>,
        %mul3A_574 = vector.broadcast %squeeze3A_526 : f32 to vector<16xf32>
        %mul3A_575 = arith.mulf %get3A_573, %mul3A_574 : vector<16xf32>
        %swap3A_576 = arith.index_cast %add3A_530 : i32 to index
        %swap3A_577 = arith.constant 80 : index
        %swap3A_578 = tpu.vector_load %arg15[%swap3A_576, %swap3A_577] {strides = array<i32>} : memref<128x144xf32, #tpu.memory_space<vmem>>, vector<16xf32>,
        tpu.vector_store %arg15[%swap3A_576, %swap3A_577], %mul3A_575 {strides = array<i32>} : memref<128x144xf32, #tpu.memory_space<vmem>>, vector<16xf32>,
        %get3A_579 = arith.index_cast %add3A_530 : i32 to index
        %get3A_580 = arith.constant 96 : index
        %get3A_581 = tpu.vector_load %arg15[%get3A_579, %get3A_580] {strides = array<i32>} : memref<128x144xf32, #tpu.memory_space<vmem>>, vector<16xf32>,
        %mul3A_582 = vector.broadcast %squeeze3A_526 : f32 to vector<16xf32>
        %mul3A_583 = arith.mulf %get3A_581, %mul3A_582 : vector<16xf32>
        %swap3A_584 = arith.index_cast %add3A_530 : i32 to index
        %swap3A_585 = arith.constant 96 : index
        %swap3A_586 = tpu.vector_load %arg15[%swap3A_584, %swap3A_585] {strides = array<i32>} : memref<128x144xf32, #tpu.memory_space<vmem>>, vector<16xf32>,
        tpu.vector_store %arg15[%swap3A_584, %swap3A_585], %mul3A_583 {strides = array<i32>} : memref<128x144xf32, #tpu.memory_space<vmem>>, vector<16xf32>,
        %get3A_587 = arith.index_cast %add3A_530 : i32 to index
        %get3A_588 = arith.constant 112 : index
        %get3A_589 = tpu.vector_load %arg15[%get3A_587, %get3A_588] {strides = array<i32>} : memref<128x144xf32, #tpu.memory_space<vmem>>, vector<16xf32>,
        %mul3A_590 = vector.broadcast %squeeze3A_526 : f32 to vector<16xf32>
        %mul3A_591 = arith.mulf %get3A_589, %mul3A_590 : vector<16xf32>
        %swap3A_592 = arith.index_cast %add3A_530 : i32 to index
        %swap3A_593 = arith.constant 112 : index
        %swap3A_594 = tpu.vector_load %arg15[%swap3A_592, %swap3A_593] {strides = array<i32>} : memref<128x144xf32, #tpu.memory_space<vmem>>, vector<16xf32>,
        tpu.vector_store %arg15[%swap3A_592, %swap3A_593], %mul3A_591 {strides = array<i32>} : memref<128x144xf32, #tpu.memory_space<vmem>>, vector<16xf32>,
        %get3A_595 = arith.index_cast %add3A_530 : i32 to index
        %get3A_596 = arith.constant 128 : index
        %get3A_597 = tpu.vector_load %arg15[%get3A_595, %get3A_596] {strides = array<i32>} : memref<128x144xf32, #tpu.memory_space<vmem>>, vector<16xf32>,
        %mul3A_598 = vector.broadcast %squeeze3A_526 : f32 to vector<16xf32>
        %mul3A_599 = arith.mulf %get3A_597, %mul3A_598 : vector<16xf32>
        %swap3A_600 = arith.index_cast %add3A_530 : i32 to index
        %swap3A_601 = arith.constant 128 : index
        %swap3A_602 = tpu.vector_load %arg15[%swap3A_600, %swap3A_601] {strides = array<i32>} : memref<128x144xf32, #tpu.memory_space<vmem>>, vector<16xf32>,
        tpu.vector_store %arg15[%swap3A_600, %swap3A_601], %mul3A_599 {strides = array<i32>} : memref<128x144xf32, #tpu.memory_space<vmem>>, vector<16xf32>,
        %slice3A_603 = vector.extract_strided_slice %get3A_212 {offsets = [5], sizes = [1], strides = [1]} : vector<16xf32> to vector<1xf32>
        %squeeze3A_604 = vector.extract %slice3A_603[0] : f32 from vector<1xf32>
        %mul3A_605 = arith.constant 16 : i32
        %mul3A_606 = arith.muli %scan3A_208, %mul3A_605 : i32
        %add3A_607 = arith.constant 5 : i32
        %add3A_608 = arith.addi %mul3A_606, %add3A_607 : i32
        %get3A_609 = arith.index_cast %add3A_608 : i32 to index
        %get3A_610 = arith.constant 0 : index
        %get3A_611 = tpu.vector_load %arg15[%get3A_609, %get3A_610] {strides = array<i32>} : memref<128x144xf32, #tpu.memory_space<vmem>>, vector<16xf32>,
        %mul3A_612 = vector.broadcast %squeeze3A_604 : f32 to vector<16xf32>
        %mul3A_613 = arith.mulf %get3A_611, %mul3A_612 : vector<16xf32>
        %swap3A_614 = arith.index_cast %add3A_608 : i32 to index
        %swap3A_615 = arith.constant 0 : index
        %swap3A_616 = tpu.vector_load %arg15[%swap3A_614, %swap3A_615] {strides = array<i32>} : memref<128x144xf32, #tpu.memory_space<vmem>>, vector<16xf32>,
        tpu.vector_store %arg15[%swap3A_614, %swap3A_615], %mul3A_613 {strides = array<i32>} : memref<128x144xf32, #tpu.memory_space<vmem>>, vector<16xf32>,
        %get3A_617 = arith.index_cast %add3A_608 : i32 to index
        %get3A_618 = arith.constant 16 : index
        %get3A_619 = tpu.vector_load %arg15[%get3A_617, %get3A_618] {strides = array<i32>} : memref<128x144xf32, #tpu.memory_space<vmem>>, vector<16xf32>,
        %mul3A_620 = vector.broadcast %squeeze3A_604 : f32 to vector<16xf32>
        %mul3A_621 = arith.mulf %get3A_619, %mul3A_620 : vector<16xf32>
        %swap3A_622 = arith.index_cast %add3A_608 : i32 to index
        %swap3A_623 = arith.constant 16 : index
        %swap3A_624 = tpu.vector_load %arg15[%swap3A_622, %swap3A_623] {strides = array<i32>} : memref<128x144xf32, #tpu.memory_space<vmem>>, vector<16xf32>,
        tpu.vector_store %arg15[%swap3A_622, %swap3A_623], %mul3A_621 {strides = array<i32>} : memref<128x144xf32, #tpu.memory_space<vmem>>, vector<16xf32>,
        %get3A_625 = arith.index_cast %add3A_608 : i32 to index
        %get3A_626 = arith.constant 32 : index
        %get3A_627 = tpu.vector_load %arg15[%get3A_625, %get3A_626] {strides = array<i32>} : memref<128x144xf32, #tpu.memory_space<vmem>>, vector<16xf32>,
        %mul3A_628 = vector.broadcast %squeeze3A_604 : f32 to vector<16xf32>
        %mul3A_629 = arith.mulf %get3A_627, %mul3A_628 : vector<16xf32>
        %swap3A_630 = arith.index_cast %add3A_608 : i32 to index
        %swap3A_631 = arith.constant 32 : index
        %swap3A_632 = tpu.vector_load %arg15[%swap3A_630, %swap3A_631] {strides = array<i32>} : memref<128x144xf32, #tpu.memory_space<vmem>>, vector<16xf32>,
        tpu.vector_store %arg15[%swap3A_630, %swap3A_631], %mul3A_629 {strides = array<i32>} : memref<128x144xf32, #tpu.memory_space<vmem>>, vector<16xf32>,
        %get3A_633 = arith.index_cast %add3A_608 : i32 to index
        %get3A_634 = arith.constant 48 : index
        %get3A_635 = tpu.vector_load %arg15[%get3A_633, %get3A_634] {strides = array<i32>} : memref<128x144xf32, #tpu.memory_space<vmem>>, vector<16xf32>,
        %mul3A_636 = vector.broadcast %squeeze3A_604 : f32 to vector<16xf32>
        %mul3A_637 = arith.mulf %get3A_635, %mul3A_636 : vector<16xf32>
        %swap3A_638 = arith.index_cast %add3A_608 : i32 to index
        %swap3A_639 = arith.constant 48 : index
        %swap3A_640 = tpu.vector_load %arg15[%swap3A_638, %swap3A_639] {strides = array<i32>} : memref<128x144xf32, #tpu.memory_space<vmem>>, vector<16xf32>,
        tpu.vector_store %arg15[%swap3A_638, %swap3A_639], %mul3A_637 {strides = array<i32>} : memref<128x144xf32, #tpu.memory_space<vmem>>, vector<16xf32>,
        %get3A_641 = arith.index_cast %add3A_608 : i32 to index
        %get3A_642 = arith.constant 64 : index
        %get3A_643 = tpu.vector_load %arg15[%get3A_641, %get3A_642] {strides = array<i32>} : memref<128x144xf32, #tpu.memory_space<vmem>>, vector<16xf32>,
        %mul3A_644 = vector.broadcast %squeeze3A_604 : f32 to vector<16xf32>
        %mul3A_645 = arith.mulf %get3A_643, %mul3A_644 : vector<16xf32>
        %swap3A_646 = arith.index_cast %add3A_608 : i32 to index
        %swap3A_647 = arith.constant 64 : index
        %swap3A_648 = tpu.vector_load %arg15[%swap3A_646, %swap3A_647] {strides = array<i32>} : memref<128x144xf32, #tpu.memory_space<vmem>>, vector<16xf32>,
        tpu.vector_store %arg15[%swap3A_646, %swap3A_647], %mul3A_645 {strides = array<i32>} : memref<128x144xf32, #tpu.memory_space<vmem>>, vector<16xf32>,
        %get3A_649 = arith.index_cast %add3A_608 : i32 to index
        %get3A_650 = arith.constant 80 : index
        %get3A_651 = tpu.vector_load %arg15[%get3A_649, %get3A_650] {strides = array<i32>} : memref<128x144xf32, #tpu.memory_space<vmem>>, vector<16xf32>,
        %mul3A_652 = vector.broadcast %squeeze3A_604 : f32 to vector<16xf32>
        %mul3A_653 = arith.mulf %get3A_651, %mul3A_652 : vector<16xf32>
        %swap3A_654 = arith.index_cast %add3A_608 : i32 to index
        %swap3A_655 = arith.constant 80 : index
        %swap3A_656 = tpu.vector_load %arg15[%swap3A_654, %swap3A_655] {strides = array<i32>} : memref<128x144xf32, #tpu.memory_space<vmem>>, vector<16xf32>,
        tpu.vector_store %arg15[%swap3A_654, %swap3A_655], %mul3A_653 {strides = array<i32>} : memref<128x144xf32, #tpu.memory_space<vmem>>, vector<16xf32>,
        %get3A_657 = arith.index_cast %add3A_608 : i32 to index
        %get3A_658 = arith.constant 96 : index
        %get3A_659 = tpu.vector_load %arg15[%get3A_657, %get3A_658] {strides = array<i32>} : memref<128x144xf32, #tpu.memory_space<vmem>>, vector<16xf32>,
        %mul3A_660 = vector.broadcast %squeeze3A_604 : f32 to vector<16xf32>
        %mul3A_661 = arith.mulf %get3A_659, %mul3A_660 : vector<16xf32>
        %swap3A_662 = arith.index_cast %add3A_608 : i32 to index
        %swap3A_663 = arith.constant 96 : index
        %swap3A_664 = tpu.vector_load %arg15[%swap3A_662, %swap3A_663] {strides = array<i32>} : memref<128x144xf32, #tpu.memory_space<vmem>>, vector<16xf32>,
        tpu.vector_store %arg15[%swap3A_662, %swap3A_663], %mul3A_661 {strides = array<i32>} : memref<128x144xf32, #tpu.memory_space<vmem>>, vector<16xf32>,
        %get3A_665 = arith.index_cast %add3A_608 : i32 to index
        %get3A_666 = arith.constant 112 : index
        %get3A_667 = tpu.vector_load %arg15[%get3A_665, %get3A_666] {strides = array<i32>} : memref<128x144xf32, #tpu.memory_space<vmem>>, vector<16xf32>,
        %mul3A_668 = vector.broadcast %squeeze3A_604 : f32 to vector<16xf32>
        %mul3A_669 = arith.mulf %get3A_667, %mul3A_668 : vector<16xf32>
        %swap3A_670 = arith.index_cast %add3A_608 : i32 to index
        %swap3A_671 = arith.constant 112 : index
        %swap3A_672 = tpu.vector_load %arg15[%swap3A_670, %swap3A_671] {strides = array<i32>} : memref<128x144xf32, #tpu.memory_space<vmem>>, vector<16xf32>,
        tpu.vector_store %arg15[%swap3A_670, %swap3A_671], %mul3A_669 {strides = array<i32>} : memref<128x144xf32, #tpu.memory_space<vmem>>, vector<16xf32>,
        %get3A_673 = arith.index_cast %add3A_608 : i32 to index
        %get3A_674 = arith.constant 128 : index
        %get3A_675 = tpu.vector_load %arg15[%get3A_673, %get3A_674] {strides = array<i32>} : memref<128x144xf32, #tpu.memory_space<vmem>>, vector<16xf32>,
        %mul3A_676 = vector.broadcast %squeeze3A_604 : f32 to vector<16xf32>
        %mul3A_677 = arith.mulf %get3A_675, %mul3A_676 : vector<16xf32>
        %swap3A_678 = arith.index_cast %add3A_608 : i32 to index
        %swap3A_679 = arith.constant 128 : index
        %swap3A_680 = tpu.vector_load %arg15[%swap3A_678, %swap3A_679] {strides = array<i32>} : memref<128x144xf32, #tpu.memory_space<vmem>>, vector<16xf32>,
        tpu.vector_store %arg15[%swap3A_678, %swap3A_679], %mul3A_677 {strides = array<i32>} : memref<128x144xf32, #tpu.memory_space<vmem>>, vector<16xf32>,
        %slice3A_681 = vector.extract_strided_slice %get3A_212 {offsets = [6], sizes = [1], strides = [1]} : vector<16xf32> to vector<1xf32>
        %squeeze3A_682 = vector.extract %slice3A_681[0] : f32 from vector<1xf32>
        %mul3A_683 = arith.constant 16 : i32
        %mul3A_684 = arith.muli %scan3A_208, %mul3A_683 : i32
        %add3A_685 = arith.constant 6 : i32
        %add3A_686 = arith.addi %mul3A_684, %add3A_685 : i32
        %get3A_687 = arith.index_cast %add3A_686 : i32 to index
        %get3A_688 = arith.constant 0 : index
        %get3A_689 = tpu.vector_load %arg15[%get3A_687, %get3A_688] {strides = array<i32>} : memref<128x144xf32, #tpu.memory_space<vmem>>, vector<16xf32>,
        %mul3A_690 = vector.broadcast %squeeze3A_682 : f32 to vector<16xf32>
        %mul3A_691 = arith.mulf %get3A_689, %mul3A_690 : vector<16xf32>
        %swap3A_692 = arith.index_cast %add3A_686 : i32 to index
        %swap3A_693 = arith.constant 0 : index
        %swap3A_694 = tpu.vector_load %arg15[%swap3A_692, %swap3A_693] {strides = array<i32>} : memref<128x144xf32, #tpu.memory_space<vmem>>, vector<16xf32>,
        tpu.vector_store %arg15[%swap3A_692, %swap3A_693], %mul3A_691 {strides = array<i32>} : memref<128x144xf32, #tpu.memory_space<vmem>>, vector<16xf32>,
        %get3A_695 = arith.index_cast %add3A_686 : i32 to index
        %get3A_696 = arith.constant 16 : index
        %get3A_697 = tpu.vector_load %arg15[%get3A_695, %get3A_696] {strides = array<i32>} : memref<128x144xf32, #tpu.memory_space<vmem>>, vector<16xf32>,
        %mul3A_698 = vector.broadcast %squeeze3A_682 : f32 to vector<16xf32>
        %mul3A_699 = arith.mulf %get3A_697, %mul3A_698 : vector<16xf32>
        %swap3A_700 = arith.index_cast %add3A_686 : i32 to index
        %swap3A_701 = arith.constant 16 : index
        %swap3A_702 = tpu.vector_load %arg15[%swap3A_700, %swap3A_701] {strides = array<i32>} : memref<128x144xf32, #tpu.memory_space<vmem>>, vector<16xf32>,
        tpu.vector_store %arg15[%swap3A_700, %swap3A_701], %mul3A_699 {strides = array<i32>} : memref<128x144xf32, #tpu.memory_space<vmem>>, vector<16xf32>,
        %get3A_703 = arith.index_cast %add3A_686 : i32 to index
        %get3A_704 = arith.constant 32 : index
        %get3A_705 = tpu.vector_load %arg15[%get3A_703, %get3A_704] {strides = array<i32>} : memref<128x144xf32, #tpu.memory_space<vmem>>, vector<16xf32>,
        %mul3A_706 = vector.broadcast %squeeze3A_682 : f32 to vector<16xf32>
        %mul3A_707 = arith.mulf %get3A_705, %mul3A_706 : vector<16xf32>
        %swap3A_708 = arith.index_cast %add3A_686 : i32 to index
        %swap3A_709 = arith.constant 32 : index
        %swap3A_710 = tpu.vector_load %arg15[%swap3A_708, %swap3A_709] {strides = array<i32>} : memref<128x144xf32, #tpu.memory_space<vmem>>, vector<16xf32>,
        tpu.vector_store %arg15[%swap3A_708, %swap3A_709], %mul3A_707 {strides = array<i32>} : memref<128x144xf32, #tpu.memory_space<vmem>>, vector<16xf32>,
        %get3A_711 = arith.index_cast %add3A_686 : i32 to index
        %get3A_712 = arith.constant 48 : index
        %get3A_713 = tpu.vector_load %arg15[%get3A_711, %get3A_712] {strides = array<i32>} : memref<128x144xf32, #tpu.memory_space<vmem>>, vector<16xf32>,
        %mul3A_714 = vector.broadcast %squeeze3A_682 : f32 to vector<16xf32>
        %mul3A_715 = arith.mulf %get3A_713, %mul3A_714 : vector<16xf32>
        %swap3A_716 = arith.index_cast %add3A_686 : i32 to index
        %swap3A_717 = arith.constant 48 : index
        %swap3A_718 = tpu.vector_load %arg15[%swap3A_716, %swap3A_717] {strides = array<i32>} : memref<128x144xf32, #tpu.memory_space<vmem>>, vector<16xf32>,
        tpu.vector_store %arg15[%swap3A_716, %swap3A_717], %mul3A_715 {strides = array<i32>} : memref<128x144xf32, #tpu.memory_space<vmem>>, vector<16xf32>,
        %get3A_719 = arith.index_cast %add3A_686 : i32 to index
        %get3A_720 = arith.constant 64 : index
        %get3A_721 = tpu.vector_load %arg15[%get3A_719, %get3A_720] {strides = array<i32>} : memref<128x144xf32, #tpu.memory_space<vmem>>, vector<16xf32>,
        %mul3A_722 = vector.broadcast %squeeze3A_682 : f32 to vector<16xf32>
        %mul3A_723 = arith.mulf %get3A_721, %mul3A_722 : vector<16xf32>
        %swap3A_724 = arith.index_cast %add3A_686 : i32 to index
        %swap3A_725 = arith.constant 64 : index
        %swap3A_726 = tpu.vector_load %arg15[%swap3A_724, %swap3A_725] {strides = array<i32>} : memref<128x144xf32, #tpu.memory_space<vmem>>, vector<16xf32>,
        tpu.vector_store %arg15[%swap3A_724, %swap3A_725], %mul3A_723 {strides = array<i32>} : memref<128x144xf32, #tpu.memory_space<vmem>>, vector<16xf32>,
        %get3A_727 = arith.index_cast %add3A_686 : i32 to index
        %get3A_728 = arith.constant 80 : index
        %get3A_729 = tpu.vector_load %arg15[%get3A_727, %get3A_728] {strides = array<i32>} : memref<128x144xf32, #tpu.memory_space<vmem>>, vector<16xf32>,
        %mul3A_730 = vector.broadcast %squeeze3A_682 : f32 to vector<16xf32>
        %mul3A_731 = arith.mulf %get3A_729, %mul3A_730 : vector<16xf32>
        %swap3A_732 = arith.index_cast %add3A_686 : i32 to index
        %swap3A_733 = arith.constant 80 : index
        %swap3A_734 = tpu.vector_load %arg15[%swap3A_732, %swap3A_733] {strides = array<i32>} : memref<128x144xf32, #tpu.memory_space<vmem>>, vector<16xf32>,
        tpu.vector_store %arg15[%swap3A_732, %swap3A_733], %mul3A_731 {strides = array<i32>} : memref<128x144xf32, #tpu.memory_space<vmem>>, vector<16xf32>,
        %get3A_735 = arith.index_cast %add3A_686 : i32 to index
        %get3A_736 = arith.constant 96 : index
        %get3A_737 = tpu.vector_load %arg15[%get3A_735, %get3A_736] {strides = array<i32>} : memref<128x144xf32, #tpu.memory_space<vmem>>, vector<16xf32>,
        %mul3A_738 = vector.broadcast %squeeze3A_682 : f32 to vector<16xf32>
        %mul3A_739 = arith.mulf %get3A_737, %mul3A_738 : vector<16xf32>
        %swap3A_740 = arith.index_cast %add3A_686 : i32 to index
        %swap3A_741 = arith.constant 96 : index
        %swap3A_742 = tpu.vector_load %arg15[%swap3A_740, %swap3A_741] {strides = array<i32>} : memref<128x144xf32, #tpu.memory_space<vmem>>, vector<16xf32>,
        tpu.vector_store %arg15[%swap3A_740, %swap3A_741], %mul3A_739 {strides = array<i32>} : memref<128x144xf32, #tpu.memory_space<vmem>>, vector<16xf32>,
        %get3A_743 = arith.index_cast %add3A_686 : i32 to index
        %get3A_744 = arith.constant 112 : index
        %get3A_745 = tpu.vector_load %arg15[%get3A_743, %get3A_744] {strides = array<i32>} : memref<128x144xf32, #tpu.memory_space<vmem>>, vector<16xf32>,
        %mul3A_746 = vector.broadcast %squeeze3A_682 : f32 to vector<16xf32>
        %mul3A_747 = arith.mulf %get3A_745, %mul3A_746 : vector<16xf32>
        %swap3A_748 = arith.index_cast %add3A_686 : i32 to index
        %swap3A_749 = arith.constant 112 : index
        %swap3A_750 = tpu.vector_load %arg15[%swap3A_748, %swap3A_749] {strides = array<i32>} : memref<128x144xf32, #tpu.memory_space<vmem>>, vector<16xf32>,
        tpu.vector_store %arg15[%swap3A_748, %swap3A_749], %mul3A_747 {strides = array<i32>} : memref<128x144xf32, #tpu.memory_space<vmem>>, vector<16xf32>,
        %get3A_751 = arith.index_cast %add3A_686 : i32 to index
        %get3A_752 = arith.constant 128 : index
        %get3A_753 = tpu.vector_load %arg15[%get3A_751, %get3A_752] {strides = array<i32>} : memref<128x144xf32, #tpu.memory_space<vmem>>, vector<16xf32>,
        %mul3A_754 = vector.broadcast %squeeze3A_682 : f32 to vector<16xf32>
        %mul3A_755 = arith.mulf %get3A_753, %mul3A_754 : vector<16xf32>
        %swap3A_756 = arith.index_cast %add3A_686 : i32 to index
        %swap3A_757 = arith.constant 128 : index
        %swap3A_758 = tpu.vector_load %arg15[%swap3A_756, %swap3A_757] {strides = array<i32>} : memref<128x144xf32, #tpu.memory_space<vmem>>, vector<16xf32>,
        tpu.vector_store %arg15[%swap3A_756, %swap3A_757], %mul3A_755 {strides = array<i32>} : memref<128x144xf32, #tpu.memory_space<vmem>>, vector<16xf32>,
        %slice3A_759 = vector.extract_strided_slice %get3A_212 {offsets = [7], sizes = [1], strides = [1]} : vector<16xf32> to vector<1xf32>
        %squeeze3A_760 = vector.extract %slice3A_759[0] : f32 from vector<1xf32>
        %mul3A_761 = arith.constant 16 : i32
        %mul3A_762 = arith.muli %scan3A_208, %mul3A_761 : i32
        %add3A_763 = arith.constant 7 : i32
        %add3A_764 = arith.addi %mul3A_762, %add3A_763 : i32
        %get3A_765 = arith.index_cast %add3A_764 : i32 to index
        %get3A_766 = arith.constant 0 : index
        %get3A_767 = tpu.vector_load %arg15[%get3A_765, %get3A_766] {strides = array<i32>} : memref<128x144xf32, #tpu.memory_space<vmem>>, vector<16xf32>,
        %mul3A_768 = vector.broadcast %squeeze3A_760 : f32 to vector<16xf32>
        %mul3A_769 = arith.mulf %get3A_767, %mul3A_768 : vector<16xf32>
        %swap3A_770 = arith.index_cast %add3A_764 : i32 to index
        %swap3A_771 = arith.constant 0 : index
        %swap3A_772 = tpu.vector_load %arg15[%swap3A_770, %swap3A_771] {strides = array<i32>} : memref<128x144xf32, #tpu.memory_space<vmem>>, vector<16xf32>,
        tpu.vector_store %arg15[%swap3A_770, %swap3A_771], %mul3A_769 {strides = array<i32>} : memref<128x144xf32, #tpu.memory_space<vmem>>, vector<16xf32>,
        %get3A_773 = arith.index_cast %add3A_764 : i32 to index
        %get3A_774 = arith.constant 16 : index
        %get3A_775 = tpu.vector_load %arg15[%get3A_773, %get3A_774] {strides = array<i32>} : memref<128x144xf32, #tpu.memory_space<vmem>>, vector<16xf32>,
        %mul3A_776 = vector.broadcast %squeeze3A_760 : f32 to vector<16xf32>
        %mul3A_777 = arith.mulf %get3A_775, %mul3A_776 : vector<16xf32>
        %swap3A_778 = arith.index_cast %add3A_764 : i32 to index
        %swap3A_779 = arith.constant 16 : index
        %swap3A_780 = tpu.vector_load %arg15[%swap3A_778, %swap3A_779] {strides = array<i32>} : memref<128x144xf32, #tpu.memory_space<vmem>>, vector<16xf32>,
        tpu.vector_store %arg15[%swap3A_778, %swap3A_779], %mul3A_777 {strides = array<i32>} : memref<128x144xf32, #tpu.memory_space<vmem>>, vector<16xf32>,
        %get3A_781 = arith.index_cast %add3A_764 : i32 to index
        %get3A_782 = arith.constant 32 : index
        %get3A_783 = tpu.vector_load %arg15[%get3A_781, %get3A_782] {strides = array<i32>} : memref<128x144xf32, #tpu.memory_space<vmem>>, vector<16xf32>,
        %mul3A_784 = vector.broadcast %squeeze3A_760 : f32 to vector<16xf32>
        %mul3A_785 = arith.mulf %get3A_783, %mul3A_784 : vector<16xf32>
        %swap3A_786 = arith.index_cast %add3A_764 : i32 to index
        %swap3A_787 = arith.constant 32 : index
        %swap3A_788 = tpu.vector_load %arg15[%swap3A_786, %swap3A_787] {strides = array<i32>} : memref<128x144xf32, #tpu.memory_space<vmem>>, vector<16xf32>,
        tpu.vector_store %arg15[%swap3A_786, %swap3A_787], %mul3A_785 {strides = array<i32>} : memref<128x144xf32, #tpu.memory_space<vmem>>, vector<16xf32>,
        %get3A_789 = arith.index_cast %add3A_764 : i32 to index
        %get3A_790 = arith.constant 48 : index
        %get3A_791 = tpu.vector_load %arg15[%get3A_789, %get3A_790] {strides = array<i32>} : memref<128x144xf32, #tpu.memory_space<vmem>>, vector<16xf32>,
        %mul3A_792 = vector.broadcast %squeeze3A_760 : f32 to vector<16xf32>
        %mul3A_793 = arith.mulf %get3A_791, %mul3A_792 : vector<16xf32>
        %swap3A_794 = arith.index_cast %add3A_764 : i32 to index
        %swap3A_795 = arith.constant 48 : index
        %swap3A_796 = tpu.vector_load %arg15[%swap3A_794, %swap3A_795] {strides = array<i32>} : memref<128x144xf32, #tpu.memory_space<vmem>>, vector<16xf32>,
        tpu.vector_store %arg15[%swap3A_794, %swap3A_795], %mul3A_793 {strides = array<i32>} : memref<128x144xf32, #tpu.memory_space<vmem>>, vector<16xf32>,
        %get3A_797 = arith.index_cast %add3A_764 : i32 to index
        %get3A_798 = arith.constant 64 : index
        %get3A_799 = tpu.vector_load %arg15[%get3A_797, %get3A_798] {strides = array<i32>} : memref<128x144xf32, #tpu.memory_space<vmem>>, vector<16xf32>,
        %mul3A_800 = vector.broadcast %squeeze3A_760 : f32 to vector<16xf32>
        %mul3A_801 = arith.mulf %get3A_799, %mul3A_800 : vector<16xf32>
        %swap3A_802 = arith.index_cast %add3A_764 : i32 to index
        %swap3A_803 = arith.constant 64 : index
        %swap3A_804 = tpu.vector_load %arg15[%swap3A_802, %swap3A_803] {strides = array<i32>} : memref<128x144xf32, #tpu.memory_space<vmem>>, vector<16xf32>,
        tpu.vector_store %arg15[%swap3A_802, %swap3A_803], %mul3A_801 {strides = array<i32>} : memref<128x144xf32, #tpu.memory_space<vmem>>, vector<16xf32>,
        %get3A_805 = arith.index_cast %add3A_764 : i32 to index
        %get3A_806 = arith.constant 80 : index
        %get3A_807 = tpu.vector_load %arg15[%get3A_805, %get3A_806] {strides = array<i32>} : memref<128x144xf32, #tpu.memory_space<vmem>>, vector<16xf32>,
        %mul3A_808 = vector.broadcast %squeeze3A_760 : f32 to vector<16xf32>
        %mul3A_809 = arith.mulf %get3A_807, %mul3A_808 : vector<16xf32>
        %swap3A_810 = arith.index_cast %add3A_764 : i32 to index
        %swap3A_811 = arith.constant 80 : index
        %swap3A_812 = tpu.vector_load %arg15[%swap3A_810, %swap3A_811] {strides = array<i32>} : memref<128x144xf32, #tpu.memory_space<vmem>>, vector<16xf32>,
        tpu.vector_store %arg15[%swap3A_810, %swap3A_811], %mul3A_809 {strides = array<i32>} : memref<128x144xf32, #tpu.memory_space<vmem>>, vector<16xf32>,
        %get3A_813 = arith.index_cast %add3A_764 : i32 to index
        %get3A_814 = arith.constant 96 : index
        %get3A_815 = tpu.vector_load %arg15[%get3A_813, %get3A_814] {strides = array<i32>} : memref<128x144xf32, #tpu.memory_space<vmem>>, vector<16xf32>,
        %mul3A_816 = vector.broadcast %squeeze3A_760 : f32 to vector<16xf32>
        %mul3A_817 = arith.mulf %get3A_815, %mul3A_816 : vector<16xf32>
        %swap3A_818 = arith.index_cast %add3A_764 : i32 to index
        %swap3A_819 = arith.constant 96 : index
        %swap3A_820 = tpu.vector_load %arg15[%swap3A_818, %swap3A_819] {strides = array<i32>} : memref<128x144xf32, #tpu.memory_space<vmem>>, vector<16xf32>,
        tpu.vector_store %arg15[%swap3A_818, %swap3A_819], %mul3A_817 {strides = array<i32>} : memref<128x144xf32, #tpu.memory_space<vmem>>, vector<16xf32>,
        %get3A_821 = arith.index_cast %add3A_764 : i32 to index
        %get3A_822 = arith.constant 112 : index
        %get3A_823 = tpu.vector_load %arg15[%get3A_821, %get3A_822] {strides = array<i32>} : memref<128x144xf32, #tpu.memory_space<vmem>>, vector<16xf32>,
        %mul3A_824 = vector.broadcast %squeeze3A_760 : f32 to vector<16xf32>
        %mul3A_825 = arith.mulf %get3A_823, %mul3A_824 : vector<16xf32>
        %swap3A_826 = arith.index_cast %add3A_764 : i32 to index
        %swap3A_827 = arith.constant 112 : index
        %swap3A_828 = tpu.vector_load %arg15[%swap3A_826, %swap3A_827] {strides = array<i32>} : memref<128x144xf32, #tpu.memory_space<vmem>>, vector<16xf32>,
        tpu.vector_store %arg15[%swap3A_826, %swap3A_827], %mul3A_825 {strides = array<i32>} : memref<128x144xf32, #tpu.memory_space<vmem>>, vector<16xf32>,
        %get3A_829 = arith.index_cast %add3A_764 : i32 to index
        %get3A_830 = arith.constant 128 : index
        %get3A_831 = tpu.vector_load %arg15[%get3A_829, %get3A_830] {strides = array<i32>} : memref<128x144xf32, #tpu.memory_space<vmem>>, vector<16xf32>,
        %mul3A_832 = vector.broadcast %squeeze3A_760 : f32 to vector<16xf32>
        %mul3A_833 = arith.mulf %get3A_831, %mul3A_832 : vector<16xf32>
        %swap3A_834 = arith.index_cast %add3A_764 : i32 to index
        %swap3A_835 = arith.constant 128 : index
        %swap3A_836 = tpu.vector_load %arg15[%swap3A_834, %swap3A_835] {strides = array<i32>} : memref<128x144xf32, #tpu.memory_space<vmem>>, vector<16xf32>,
        tpu.vector_store %arg15[%swap3A_834, %swap3A_835], %mul3A_833 {strides = array<i32>} : memref<128x144xf32, #tpu.memory_space<vmem>>, vector<16xf32>,
        %slice3A_837 = vector.extract_strided_slice %get3A_212 {offsets = [8], sizes = [1], strides = [1]} : vector<16xf32> to vector<1xf32>
        %squeeze3A_838 = vector.extract %slice3A_837[0] : f32 from vector<1xf32>
        %mul3A_839 = arith.constant 16 : i32
        %mul3A_840 = arith.muli %scan3A_208, %mul3A_839 : i32
        %add3A_841 = arith.constant 8 : i32
        %add3A_842 = arith.addi %mul3A_840, %add3A_841 : i32
        %get3A_843 = arith.index_cast %add3A_842 : i32 to index
        %get3A_844 = arith.constant 0 : index
        %get3A_845 = tpu.vector_load %arg15[%get3A_843, %get3A_844] {strides = array<i32>} : memref<128x144xf32, #tpu.memory_space<vmem>>, vector<16xf32>,
        %mul3A_846 = vector.broadcast %squeeze3A_838 : f32 to vector<16xf32>
        %mul3A_847 = arith.mulf %get3A_845, %mul3A_846 : vector<16xf32>
        %swap3A_848 = arith.index_cast %add3A_842 : i32 to index
        %swap3A_849 = arith.constant 0 : index
        %swap3A_850 = tpu.vector_load %arg15[%swap3A_848, %swap3A_849] {strides = array<i32>} : memref<128x144xf32, #tpu.memory_space<vmem>>, vector<16xf32>,
        tpu.vector_store %arg15[%swap3A_848, %swap3A_849], %mul3A_847 {strides = array<i32>} : memref<128x144xf32, #tpu.memory_space<vmem>>, vector<16xf32>,
        %get3A_851 = arith.index_cast %add3A_842 : i32 to index
        %get3A_852 = arith.constant 16 : index
        %get3A_853 = tpu.vector_load %arg15[%get3A_851, %get3A_852] {strides = array<i32>} : memref<128x144xf32, #tpu.memory_space<vmem>>, vector<16xf32>,
        %mul3A_854 = vector.broadcast %squeeze3A_838 : f32 to vector<16xf32>
        %mul3A_855 = arith.mulf %get3A_853, %mul3A_854 : vector<16xf32>
        %swap3A_856 = arith.index_cast %add3A_842 : i32 to index
        %swap3A_857 = arith.constant 16 : index
        %swap3A_858 = tpu.vector_load %arg15[%swap3A_856, %swap3A_857] {strides = array<i32>} : memref<128x144xf32, #tpu.memory_space<vmem>>, vector<16xf32>,
        tpu.vector_store %arg15[%swap3A_856, %swap3A_857], %mul3A_855 {strides = array<i32>} : memref<128x144xf32, #tpu.memory_space<vmem>>, vector<16xf32>,
        %get3A_859 = arith.index_cast %add3A_842 : i32 to index
        %get3A_860 = arith.constant 32 : index
        %get3A_861 = tpu.vector_load %arg15[%get3A_859, %get3A_860] {strides = array<i32>} : memref<128x144xf32, #tpu.memory_space<vmem>>, vector<16xf32>,
        %mul3A_862 = vector.broadcast %squeeze3A_838 : f32 to vector<16xf32>
        %mul3A_863 = arith.mulf %get3A_861, %mul3A_862 : vector<16xf32>
        %swap3A_864 = arith.index_cast %add3A_842 : i32 to index
        %swap3A_865 = arith.constant 32 : index
        %swap3A_866 = tpu.vector_load %arg15[%swap3A_864, %swap3A_865] {strides = array<i32>} : memref<128x144xf32, #tpu.memory_space<vmem>>, vector<16xf32>,
        tpu.vector_store %arg15[%swap3A_864, %swap3A_865], %mul3A_863 {strides = array<i32>} : memref<128x144xf32, #tpu.memory_space<vmem>>, vector<16xf32>,
        %get3A_867 = arith.index_cast %add3A_842 : i32 to index
        %get3A_868 = arith.constant 48 : index
        %get3A_869 = tpu.vector_load %arg15[%get3A_867, %get3A_868] {strides = array<i32>} : memref<128x144xf32, #tpu.memory_space<vmem>>, vector<16xf32>,
        %mul3A_870 = vector.broadcast %squeeze3A_838 : f32 to vector<16xf32>
        %mul3A_871 = arith.mulf %get3A_869, %mul3A_870 : vector<16xf32>
        %swap3A_872 = arith.index_cast %add3A_842 : i32 to index
        %swap3A_873 = arith.constant 48 : index
        %swap3A_874 = tpu.vector_load %arg15[%swap3A_872, %swap3A_873] {strides = array<i32>} : memref<128x144xf32, #tpu.memory_space<vmem>>, vector<16xf32>,
        tpu.vector_store %arg15[%swap3A_872, %swap3A_873], %mul3A_871 {strides = array<i32>} : memref<128x144xf32, #tpu.memory_space<vmem>>, vector<16xf32>,
        %get3A_875 = arith.index_cast %add3A_842 : i32 to index
        %get3A_876 = arith.constant 64 : index
        %get3A_877 = tpu.vector_load %arg15[%get3A_875, %get3A_876] {strides = array<i32>} : memref<128x144xf32, #tpu.memory_space<vmem>>, vector<16xf32>,
        %mul3A_878 = vector.broadcast %squeeze3A_838 : f32 to vector<16xf32>
        %mul3A_879 = arith.mulf %get3A_877, %mul3A_878 : vector<16xf32>
        %swap3A_880 = arith.index_cast %add3A_842 : i32 to index
        %swap3A_881 = arith.constant 64 : index
        %swap3A_882 = tpu.vector_load %arg15[%swap3A_880, %swap3A_881] {strides = array<i32>} : memref<128x144xf32, #tpu.memory_space<vmem>>, vector<16xf32>,
        tpu.vector_store %arg15[%swap3A_880, %swap3A_881], %mul3A_879 {strides = array<i32>} : memref<128x144xf32, #tpu.memory_space<vmem>>, vector<16xf32>,
        %get3A_883 = arith.index_cast %add3A_842 : i32 to index
        %get3A_884 = arith.constant 80 : index
        %get3A_885 = tpu.vector_load %arg15[%get3A_883, %get3A_884] {strides = array<i32>} : memref<128x144xf32, #tpu.memory_space<vmem>>, vector<16xf32>,
        %mul3A_886 = vector.broadcast %squeeze3A_838 : f32 to vector<16xf32>
        %mul3A_887 = arith.mulf %get3A_885, %mul3A_886 : vector<16xf32>
        %swap3A_888 = arith.index_cast %add3A_842 : i32 to index
        %swap3A_889 = arith.constant 80 : index
        %swap3A_890 = tpu.vector_load %arg15[%swap3A_888, %swap3A_889] {strides = array<i32>} : memref<128x144xf32, #tpu.memory_space<vmem>>, vector<16xf32>,
        tpu.vector_store %arg15[%swap3A_888, %swap3A_889], %mul3A_887 {strides = array<i32>} : memref<128x144xf32, #tpu.memory_space<vmem>>, vector<16xf32>,
        %get3A_891 = arith.index_cast %add3A_842 : i32 to index
        %get3A_892 = arith.constant 96 : index
        %get3A_893 = tpu.vector_load %arg15[%get3A_891, %get3A_892] {strides = array<i32>} : memref<128x144xf32, #tpu.memory_space<vmem>>, vector<16xf32>,
        %mul3A_894 = vector.broadcast %squeeze3A_838 : f32 to vector<16xf32>
        %mul3A_895 = arith.mulf %get3A_893, %mul3A_894 : vector<16xf32>
        %swap3A_896 = arith.index_cast %add3A_842 : i32 to index
        %swap3A_897 = arith.constant 96 : index
        %swap3A_898 = tpu.vector_load %arg15[%swap3A_896, %swap3A_897] {strides = array<i32>} : memref<128x144xf32, #tpu.memory_space<vmem>>, vector<16xf32>,
        tpu.vector_store %arg15[%swap3A_896, %swap3A_897], %mul3A_895 {strides = array<i32>} : memref<128x144xf32, #tpu.memory_space<vmem>>, vector<16xf32>,
        %get3A_899 = arith.index_cast %add3A_842 : i32 to index
        %get3A_900 = arith.constant 112 : index
        %get3A_901 = tpu.vector_load %arg15[%get3A_899, %get3A_900] {strides = array<i32>} : memref<128x144xf32, #tpu.memory_space<vmem>>, vector<16xf32>,
        %mul3A_902 = vector.broadcast %squeeze3A_838 : f32 to vector<16xf32>
        %mul3A_903 = arith.mulf %get3A_901, %mul3A_902 : vector<16xf32>
        %swap3A_904 = arith.index_cast %add3A_842 : i32 to index
        %swap3A_905 = arith.constant 112 : index
        %swap3A_906 = tpu.vector_load %arg15[%swap3A_904, %swap3A_905] {strides = array<i32>} : memref<128x144xf32, #tpu.memory_space<vmem>>, vector<16xf32>,
        tpu.vector_store %arg15[%swap3A_904, %swap3A_905], %mul3A_903 {strides = array<i32>} : memref<128x144xf32, #tpu.memory_space<vmem>>, vector<16xf32>,
        %get3A_907 = arith.index_cast %add3A_842 : i32 to index
        %get3A_908 = arith.constant 128 : index
        %get3A_909 = tpu.vector_load %arg15[%get3A_907, %get3A_908] {strides = array<i32>} : memref<128x144xf32, #tpu.memory_space<vmem>>, vector<16xf32>,
        %mul3A_910 = vector.broadcast %squeeze3A_838 : f32 to vector<16xf32>
        %mul3A_911 = arith.mulf %get3A_909, %mul3A_910 : vector<16xf32>
        %swap3A_912 = arith.index_cast %add3A_842 : i32 to index
        %swap3A_913 = arith.constant 128 : index
        %swap3A_914 = tpu.vector_load %arg15[%swap3A_912, %swap3A_913] {strides = array<i32>} : memref<128x144xf32, #tpu.memory_space<vmem>>, vector<16xf32>,
        tpu.vector_store %arg15[%swap3A_912, %swap3A_913], %mul3A_911 {strides = array<i32>} : memref<128x144xf32, #tpu.memory_space<vmem>>, vector<16xf32>,
        %slice3A_915 = vector.extract_strided_slice %get3A_212 {offsets = [9], sizes = [1], strides = [1]} : vector<16xf32> to vector<1xf32>
        %squeeze3A_916 = vector.extract %slice3A_915[0] : f32 from vector<1xf32>
        %mul3A_917 = arith.constant 16 : i32
        %mul3A_918 = arith.muli %scan3A_208, %mul3A_917 : i32
        %add3A_919 = arith.constant 9 : i32
        %add3A_920 = arith.addi %mul3A_918, %add3A_919 : i32
        %get3A_921 = arith.index_cast %add3A_920 : i32 to index
        %get3A_922 = arith.constant 0 : index
        %get3A_923 = tpu.vector_load %arg15[%get3A_921, %get3A_922] {strides = array<i32>} : memref<128x144xf32, #tpu.memory_space<vmem>>, vector<16xf32>,
        %mul3A_924 = vector.broadcast %squeeze3A_916 : f32 to vector<16xf32>
        %mul3A_925 = arith.mulf %get3A_923, %mul3A_924 : vector<16xf32>
        %swap3A_926 = arith.index_cast %add3A_920 : i32 to index
        %swap3A_927 = arith.constant 0 : index
        %swap3A_928 = tpu.vector_load %arg15[%swap3A_926, %swap3A_927] {strides = array<i32>} : memref<128x144xf32, #tpu.memory_space<vmem>>, vector<16xf32>,
        tpu.vector_store %arg15[%swap3A_926, %swap3A_927], %mul3A_925 {strides = array<i32>} : memref<128x144xf32, #tpu.memory_space<vmem>>, vector<16xf32>,
        %get3A_929 = arith.index_cast %add3A_920 : i32 to index
        %get3A_930 = arith.constant 16 : index
        %get3A_931 = tpu.vector_load %arg15[%get3A_929, %get3A_930] {strides = array<i32>} : memref<128x144xf32, #tpu.memory_space<vmem>>, vector<16xf32>,
        %mul3A_932 = vector.broadcast %squeeze3A_916 : f32 to vector<16xf32>
        %mul3A_933 = arith.mulf %get3A_931, %mul3A_932 : vector<16xf32>
        %swap3A_934 = arith.index_cast %add3A_920 : i32 to index
        %swap3A_935 = arith.constant 16 : index
        %swap3A_936 = tpu.vector_load %arg15[%swap3A_934, %swap3A_935] {strides = array<i32>} : memref<128x144xf32, #tpu.memory_space<vmem>>, vector<16xf32>,
        tpu.vector_store %arg15[%swap3A_934, %swap3A_935], %mul3A_933 {strides = array<i32>} : memref<128x144xf32, #tpu.memory_space<vmem>>, vector<16xf32>,
        %get3A_937 = arith.index_cast %add3A_920 : i32 to index
        %get3A_938 = arith.constant 32 : index
        %get3A_939 = tpu.vector_load %arg15[%get3A_937, %get3A_938] {strides = array<i32>} : memref<128x144xf32, #tpu.memory_space<vmem>>, vector<16xf32>,
        %mul3A_940 = vector.broadcast %squeeze3A_916 : f32 to vector<16xf32>
        %mul3A_941 = arith.mulf %get3A_939, %mul3A_940 : vector<16xf32>
        %swap3A_942 = arith.index_cast %add3A_920 : i32 to index
        %swap3A_943 = arith.constant 32 : index
        %swap3A_944 = tpu.vector_load %arg15[%swap3A_942, %swap3A_943] {strides = array<i32>} : memref<128x144xf32, #tpu.memory_space<vmem>>, vector<16xf32>,
        tpu.vector_store %arg15[%swap3A_942, %swap3A_943], %mul3A_941 {strides = array<i32>} : memref<128x144xf32, #tpu.memory_space<vmem>>, vector<16xf32>,
        %get3A_945 = arith.index_cast %add3A_920 : i32 to index
        %get3A_946 = arith.constant 48 : index
        %get3A_947 = tpu.vector_load %arg15[%get3A_945, %get3A_946] {strides = array<i32>} : memref<128x144xf32, #tpu.memory_space<vmem>>, vector<16xf32>,
        %mul3A_948 = vector.broadcast %squeeze3A_916 : f32 to vector<16xf32>
        %mul3A_949 = arith.mulf %get3A_947, %mul3A_948 : vector<16xf32>
        %swap3A_950 = arith.index_cast %add3A_920 : i32 to index
        %swap3A_951 = arith.constant 48 : index
        %swap3A_952 = tpu.vector_load %arg15[%swap3A_950, %swap3A_951] {strides = array<i32>} : memref<128x144xf32, #tpu.memory_space<vmem>>, vector<16xf32>,
        tpu.vector_store %arg15[%swap3A_950, %swap3A_951], %mul3A_949 {strides = array<i32>} : memref<128x144xf32, #tpu.memory_space<vmem>>, vector<16xf32>,
        %get3A_953 = arith.index_cast %add3A_920 : i32 to index
        %get3A_954 = arith.constant 64 : index
        %get3A_955 = tpu.vector_load %arg15[%get3A_953, %get3A_954] {strides = array<i32>} : memref<128x144xf32, #tpu.memory_space<vmem>>, vector<16xf32>,
        %mul3A_956 = vector.broadcast %squeeze3A_916 : f32 to vector<16xf32>
        %mul3A_957 = arith.mulf %get3A_955, %mul3A_956 : vector<16xf32>
        %swap3A_958 = arith.index_cast %add3A_920 : i32 to index
        %swap3A_959 = arith.constant 64 : index
        %swap3A_960 = tpu.vector_load %arg15[%swap3A_958, %swap3A_959] {strides = array<i32>} : memref<128x144xf32, #tpu.memory_space<vmem>>, vector<16xf32>,
        tpu.vector_store %arg15[%swap3A_958, %swap3A_959], %mul3A_957 {strides = array<i32>} : memref<128x144xf32, #tpu.memory_space<vmem>>, vector<16xf32>,
        %get3A_961 = arith.index_cast %add3A_920 : i32 to index
        %get3A_962 = arith.constant 80 : index
        %get3A_963 = tpu.vector_load %arg15[%get3A_961, %get3A_962] {strides = array<i32>} : memref<128x144xf32, #tpu.memory_space<vmem>>, vector<16xf32>,
        %mul3A_964 = vector.broadcast %squeeze3A_916 : f32 to vector<16xf32>
        %mul3A_965 = arith.mulf %get3A_963, %mul3A_964 : vector<16xf32>
        %swap3A_966 = arith.index_cast %add3A_920 : i32 to index
        %swap3A_967 = arith.constant 80 : index
        %swap3A_968 = tpu.vector_load %arg15[%swap3A_966, %swap3A_967] {strides = array<i32>} : memref<128x144xf32, #tpu.memory_space<vmem>>, vector<16xf32>,
        tpu.vector_store %arg15[%swap3A_966, %swap3A_967], %mul3A_965 {strides = array<i32>} : memref<128x144xf32, #tpu.memory_space<vmem>>, vector<16xf32>,
        %get3A_969 = arith.index_cast %add3A_920 : i32 to index
        %get3A_970 = arith.constant 96 : index
        %get3A_971 = tpu.vector_load %arg15[%get3A_969, %get3A_970] {strides = array<i32>} : memref<128x144xf32, #tpu.memory_space<vmem>>, vector<16xf32>,
        %mul3A_972 = vector.broadcast %squeeze3A_916 : f32 to vector<16xf32>
        %mul3A_973 = arith.mulf %get3A_971, %mul3A_972 : vector<16xf32>
        %swap3A_974 = arith.index_cast %add3A_920 : i32 to index
        %swap3A_975 = arith.constant 96 : index
        %swap3A_976 = tpu.vector_load %arg15[%swap3A_974, %swap3A_975] {strides = array<i32>} : memref<128x144xf32, #tpu.memory_space<vmem>>, vector<16xf32>,
        tpu.vector_store %arg15[%swap3A_974, %swap3A_975], %mul3A_973 {strides = array<i32>} : memref<128x144xf32, #tpu.memory_space<vmem>>, vector<16xf32>,
        %get3A_977 = arith.index_cast %add3A_920 : i32 to index
        %get3A_978 = arith.constant 112 : index
        %get3A_979 = tpu.vector_load %arg15[%get3A_977, %get3A_978] {strides = array<i32>} : memref<128x144xf32, #tpu.memory_space<vmem>>, vector<16xf32>,
        %mul3A_980 = vector.broadcast %squeeze3A_916 : f32 to vector<16xf32>
        %mul3A_981 = arith.mulf %get3A_979, %mul3A_980 : vector<16xf32>
        %swap3A_982 = arith.index_cast %add3A_920 : i32 to index
        %swap3A_983 = arith.constant 112 : index
        %swap3A_984 = tpu.vector_load %arg15[%swap3A_982, %swap3A_983] {strides = array<i32>} : memref<128x144xf32, #tpu.memory_space<vmem>>, vector<16xf32>,
        tpu.vector_store %arg15[%swap3A_982, %swap3A_983], %mul3A_981 {strides = array<i32>} : memref<128x144xf32, #tpu.memory_space<vmem>>, vector<16xf32>,
        %get3A_985 = arith.index_cast %add3A_920 : i32 to index
        %get3A_986 = arith.constant 128 : index
        %get3A_987 = tpu.vector_load %arg15[%get3A_985, %get3A_986] {strides = array<i32>} : memref<128x144xf32, #tpu.memory_space<vmem>>, vector<16xf32>,
        %mul3A_988 = vector.broadcast %squeeze3A_916 : f32 to vector<16xf32>
        %mul3A_989 = arith.mulf %get3A_987, %mul3A_988 : vector<16xf32>
        %swap3A_990 = arith.index_cast %add3A_920 : i32 to index
        %swap3A_991 = arith.constant 128 : index
        %swap3A_992 = tpu.vector_load %arg15[%swap3A_990, %swap3A_991] {strides = array<i32>} : memref<128x144xf32, #tpu.memory_space<vmem>>, vector<16xf32>,
        tpu.vector_store %arg15[%swap3A_990, %swap3A_991], %mul3A_989 {strides = array<i32>} : memref<128x144xf32, #tpu.memory_space<vmem>>, vector<16xf32>,
        %slice3A_993 = vector.extract_strided_slice %get3A_212 {offsets = [10], sizes = [1], strides = [1]} : vector<16xf32> to vector<1xf32>
        %squeeze3A_994 = vector.extract %slice3A_993[0] : f32 from vector<1xf32>
        %mul3A_995 = arith.constant 16 : i32
        %mul3A_996 = arith.muli %scan3A_208, %mul3A_995 : i32
        %add3A_997 = arith.constant 10 : i32
        %add3A_998 = arith.addi %mul3A_996, %add3A_997 : i32
        %get3A_999 = arith.index_cast %add3A_998 : i32 to index
        %get3A_1000 = arith.constant 0 : index
        %get3A_1001 = tpu.vector_load %arg15[%get3A_999, %get3A_1000] {strides = array<i32>} : memref<128x144xf32, #tpu.memory_space<vmem>>, vector<16xf32>,
        %mul3A_1002 = vector.broadcast %squeeze3A_994 : f32 to vector<16xf32>
        %mul3A_1003 = arith.mulf %get3A_1001, %mul3A_1002 : vector<16xf32>
        %swap3A_1004 = arith.index_cast %add3A_998 : i32 to index
        %swap3A_1005 = arith.constant 0 : index
        %swap3A_1006 = tpu.vector_load %arg15[%swap3A_1004, %swap3A_1005] {strides = array<i32>} : memref<128x144xf32, #tpu.memory_space<vmem>>, vector<16xf32>,
        tpu.vector_store %arg15[%swap3A_1004, %swap3A_1005], %mul3A_1003 {strides = array<i32>} : memref<128x144xf32, #tpu.memory_space<vmem>>, vector<16xf32>,
        %get3A_1007 = arith.index_cast %add3A_998 : i32 to index
        %get3A_1008 = arith.constant 16 : index
        %get3A_1009 = tpu.vector_load %arg15[%get3A_1007, %get3A_1008] {strides = array<i32>} : memref<128x144xf32, #tpu.memory_space<vmem>>, vector<16xf32>,
        %mul3A_1010 = vector.broadcast %squeeze3A_994 : f32 to vector<16xf32>
        %mul3A_1011 = arith.mulf %get3A_1009, %mul3A_1010 : vector<16xf32>
        %swap3A_1012 = arith.index_cast %add3A_998 : i32 to index
        %swap3A_1013 = arith.constant 16 : index
        %swap3A_1014 = tpu.vector_load %arg15[%swap3A_1012, %swap3A_1013] {strides = array<i32>} : memref<128x144xf32, #tpu.memory_space<vmem>>, vector<16xf32>,
        tpu.vector_store %arg15[%swap3A_1012, %swap3A_1013], %mul3A_1011 {strides = array<i32>} : memref<128x144xf32, #tpu.memory_space<vmem>>, vector<16xf32>,
        %get3A_1015 = arith.index_cast %add3A_998 : i32 to index
        %get3A_1016 = arith.constant 32 : index
        %get3A_1017 = tpu.vector_load %arg15[%get3A_1015, %get3A_1016] {strides = array<i32>} : memref<128x144xf32, #tpu.memory_space<vmem>>, vector<16xf32>,
        %mul3A_1018 = vector.broadcast %squeeze3A_994 : f32 to vector<16xf32>
        %mul3A_1019 = arith.mulf %get3A_1017, %mul3A_1018 : vector<16xf32>
        %swap3A_1020 = arith.index_cast %add3A_998 : i32 to index
        %swap3A_1021 = arith.constant 32 : index
        %swap3A_1022 = tpu.vector_load %arg15[%swap3A_1020, %swap3A_1021] {strides = array<i32>} : memref<128x144xf32, #tpu.memory_space<vmem>>, vector<16xf32>,
        tpu.vector_store %arg15[%swap3A_1020, %swap3A_1021], %mul3A_1019 {strides = array<i32>} : memref<128x144xf32, #tpu.memory_space<vmem>>, vector<16xf32>,
        %get3A_1023 = arith.index_cast %add3A_998 : i32 to index
        %get3A_1024 = arith.constant 48 : index
        %get3A_1025 = tpu.vector_load %arg15[%get3A_1023, %get3A_1024] {strides = array<i32>} : memref<128x144xf32, #tpu.memory_space<vmem>>, vector<16xf32>,
        %mul3A_1026 = vector.broadcast %squeeze3A_994 : f32 to vector<16xf32>
        %mul3A_1027 = arith.mulf %get3A_1025, %mul3A_1026 : vector<16xf32>
        %swap3A_1028 = arith.index_cast %add3A_998 : i32 to index
        %swap3A_1029 = arith.constant 48 : index
        %swap3A_1030 = tpu.vector_load %arg15[%swap3A_1028, %swap3A_1029] {strides = array<i32>} : memref<128x144xf32, #tpu.memory_space<vmem>>, vector<16xf32>,
        tpu.vector_store %arg15[%swap3A_1028, %swap3A_1029], %mul3A_1027 {strides = array<i32>} : memref<128x144xf32, #tpu.memory_space<vmem>>, vector<16xf32>,
        %get3A_1031 = arith.index_cast %add3A_998 : i32 to index
        %get3A_1032 = arith.constant 64 : index
        %get3A_1033 = tpu.vector_load %arg15[%get3A_1031, %get3A_1032] {strides = array<i32>} : memref<128x144xf32, #tpu.memory_space<vmem>>, vector<16xf32>,
        %mul3A_1034 = vector.broadcast %squeeze3A_994 : f32 to vector<16xf32>
        %mul3A_1035 = arith.mulf %get3A_1033, %mul3A_1034 : vector<16xf32>
        %swap3A_1036 = arith.index_cast %add3A_998 : i32 to index
        %swap3A_1037 = arith.constant 64 : index
        %swap3A_1038 = tpu.vector_load %arg15[%swap3A_1036, %swap3A_1037] {strides = array<i32>} : memref<128x144xf32, #tpu.memory_space<vmem>>, vector<16xf32>,
        tpu.vector_store %arg15[%swap3A_1036, %swap3A_1037], %mul3A_1035 {strides = array<i32>} : memref<128x144xf32, #tpu.memory_space<vmem>>, vector<16xf32>,
        %get3A_1039 = arith.index_cast %add3A_998 : i32 to index
        %get3A_1040 = arith.constant 80 : index
        %get3A_1041 = tpu.vector_load %arg15[%get3A_1039, %get3A_1040] {strides = array<i32>} : memref<128x144xf32, #tpu.memory_space<vmem>>, vector<16xf32>,
        %mul3A_1042 = vector.broadcast %squeeze3A_994 : f32 to vector<16xf32>
        %mul3A_1043 = arith.mulf %get3A_1041, %mul3A_1042 : vector<16xf32>
        %swap3A_1044 = arith.index_cast %add3A_998 : i32 to index
        %swap3A_1045 = arith.constant 80 : index
        %swap3A_1046 = tpu.vector_load %arg15[%swap3A_1044, %swap3A_1045] {strides = array<i32>} : memref<128x144xf32, #tpu.memory_space<vmem>>, vector<16xf32>,
        tpu.vector_store %arg15[%swap3A_1044, %swap3A_1045], %mul3A_1043 {strides = array<i32>} : memref<128x144xf32, #tpu.memory_space<vmem>>, vector<16xf32>,
        %get3A_1047 = arith.index_cast %add3A_998 : i32 to index
        %get3A_1048 = arith.constant 96 : index
        %get3A_1049 = tpu.vector_load %arg15[%get3A_1047, %get3A_1048] {strides = array<i32>} : memref<128x144xf32, #tpu.memory_space<vmem>>, vector<16xf32>,
        %mul3A_1050 = vector.broadcast %squeeze3A_994 : f32 to vector<16xf32>
        %mul3A_1051 = arith.mulf %get3A_1049, %mul3A_1050 : vector<16xf32>
        %swap3A_1052 = arith.index_cast %add3A_998 : i32 to index
        %swap3A_1053 = arith.constant 96 : index
        %swap3A_1054 = tpu.vector_load %arg15[%swap3A_1052, %swap3A_1053] {strides = array<i32>} : memref<128x144xf32, #tpu.memory_space<vmem>>, vector<16xf32>,
        tpu.vector_store %arg15[%swap3A_1052, %swap3A_1053], %mul3A_1051 {strides = array<i32>} : memref<128x144xf32, #tpu.memory_space<vmem>>, vector<16xf32>,
        %get3A_1055 = arith.index_cast %add3A_998 : i32 to index
        %get3A_1056 = arith.constant 112 : index
        %get3A_1057 = tpu.vector_load %arg15[%get3A_1055, %get3A_1056] {strides = array<i32>} : memref<128x144xf32, #tpu.memory_space<vmem>>, vector<16xf32>,
        %mul3A_1058 = vector.broadcast %squeeze3A_994 : f32 to vector<16xf32>
        %mul3A_1059 = arith.mulf %get3A_1057, %mul3A_1058 : vector<16xf32>
        %swap3A_1060 = arith.index_cast %add3A_998 : i32 to index
        %swap3A_1061 = arith.constant 112 : index
        %swap3A_1062 = tpu.vector_load %arg15[%swap3A_1060, %swap3A_1061] {strides = array<i32>} : memref<128x144xf32, #tpu.memory_space<vmem>>, vector<16xf32>,
        tpu.vector_store %arg15[%swap3A_1060, %swap3A_1061], %mul3A_1059 {strides = array<i32>} : memref<128x144xf32, #tpu.memory_space<vmem>>, vector<16xf32>,
        %get3A_1063 = arith.index_cast %add3A_998 : i32 to index
        %get3A_1064 = arith.constant 128 : index
        %get3A_1065 = tpu.vector_load %arg15[%get3A_1063, %get3A_1064] {strides = array<i32>} : memref<128x144xf32, #tpu.memory_space<vmem>>, vector<16xf32>,
        %mul3A_1066 = vector.broadcast %squeeze3A_994 : f32 to vector<16xf32>
        %mul3A_1067 = arith.mulf %get3A_1065, %mul3A_1066 : vector<16xf32>
        %swap3A_1068 = arith.index_cast %add3A_998 : i32 to index
        %swap3A_1069 = arith.constant 128 : index
        %swap3A_1070 = tpu.vector_load %arg15[%swap3A_1068, %swap3A_1069] {strides = array<i32>} : memref<128x144xf32, #tpu.memory_space<vmem>>, vector<16xf32>,
        tpu.vector_store %arg15[%swap3A_1068, %swap3A_1069], %mul3A_1067 {strides = array<i32>} : memref<128x144xf32, #tpu.memory_space<vmem>>, vector<16xf32>,
        %slice3A_1071 = vector.extract_strided_slice %get3A_212 {offsets = [11], sizes = [1], strides = [1]} : vector<16xf32> to vector<1xf32>
        %squeeze3A_1072 = vector.extract %slice3A_1071[0] : f32 from vector<1xf32>
        %mul3A_1073 = arith.constant 16 : i32
        %mul3A_1074 = arith.muli %scan3A_208, %mul3A_1073 : i32
        %add3A_1075 = arith.constant 11 : i32
        %add3A_1076 = arith.addi %mul3A_1074, %add3A_1075 : i32
        %get3A_1077 = arith.index_cast %add3A_1076 : i32 to index
        %get3A_1078 = arith.constant 0 : index
        %get3A_1079 = tpu.vector_load %arg15[%get3A_1077, %get3A_1078] {strides = array<i32>} : memref<128x144xf32, #tpu.memory_space<vmem>>, vector<16xf32>,
        %mul3A_1080 = vector.broadcast %squeeze3A_1072 : f32 to vector<16xf32>
        %mul3A_1081 = arith.mulf %get3A_1079, %mul3A_1080 : vector<16xf32>
        %swap3A_1082 = arith.index_cast %add3A_1076 : i32 to index
        %swap3A_1083 = arith.constant 0 : index
        %swap3A_1084 = tpu.vector_load %arg15[%swap3A_1082, %swap3A_1083] {strides = array<i32>} : memref<128x144xf32, #tpu.memory_space<vmem>>, vector<16xf32>,
        tpu.vector_store %arg15[%swap3A_1082, %swap3A_1083], %mul3A_1081 {strides = array<i32>} : memref<128x144xf32, #tpu.memory_space<vmem>>, vector<16xf32>,
        %get3A_1085 = arith.index_cast %add3A_1076 : i32 to index
        %get3A_1086 = arith.constant 16 : index
        %get3A_1087 = tpu.vector_load %arg15[%get3A_1085, %get3A_1086] {strides = array<i32>} : memref<128x144xf32, #tpu.memory_space<vmem>>, vector<16xf32>,
        %mul3A_1088 = vector.broadcast %squeeze3A_1072 : f32 to vector<16xf32>
        %mul3A_1089 = arith.mulf %get3A_1087, %mul3A_1088 : vector<16xf32>
        %swap3A_1090 = arith.index_cast %add3A_1076 : i32 to index
        %swap3A_1091 = arith.constant 16 : index
        %swap3A_1092 = tpu.vector_load %arg15[%swap3A_1090, %swap3A_1091] {strides = array<i32>} : memref<128x144xf32, #tpu.memory_space<vmem>>, vector<16xf32>,
        tpu.vector_store %arg15[%swap3A_1090, %swap3A_1091], %mul3A_1089 {strides = array<i32>} : memref<128x144xf32, #tpu.memory_space<vmem>>, vector<16xf32>,
        %get3A_1093 = arith.index_cast %add3A_1076 : i32 to index
        %get3A_1094 = arith.constant 32 : index
        %get3A_1095 = tpu.vector_load %arg15[%get3A_1093, %get3A_1094] {strides = array<i32>} : memref<128x144xf32, #tpu.memory_space<vmem>>, vector<16xf32>,
        %mul3A_1096 = vector.broadcast %squeeze3A_1072 : f32 to vector<16xf32>
        %mul3A_1097 = arith.mulf %get3A_1095, %mul3A_1096 : vector<16xf32>
        %swap3A_1098 = arith.index_cast %add3A_1076 : i32 to index
        %swap3A_1099 = arith.constant 32 : index
        %swap3A_1100 = tpu.vector_load %arg15[%swap3A_1098, %swap3A_1099] {strides = array<i32>} : memref<128x144xf32, #tpu.memory_space<vmem>>, vector<16xf32>,
        tpu.vector_store %arg15[%swap3A_1098, %swap3A_1099], %mul3A_1097 {strides = array<i32>} : memref<128x144xf32, #tpu.memory_space<vmem>>, vector<16xf32>,
        %get3A_1101 = arith.index_cast %add3A_1076 : i32 to index
        %get3A_1102 = arith.constant 48 : index
        %get3A_1103 = tpu.vector_load %arg15[%get3A_1101, %get3A_1102] {strides = array<i32>} : memref<128x144xf32, #tpu.memory_space<vmem>>, vector<16xf32>,
        %mul3A_1104 = vector.broadcast %squeeze3A_1072 : f32 to vector<16xf32>
        %mul3A_1105 = arith.mulf %get3A_1103, %mul3A_1104 : vector<16xf32>
        %swap3A_1106 = arith.index_cast %add3A_1076 : i32 to index
        %swap3A_1107 = arith.constant 48 : index
        %swap3A_1108 = tpu.vector_load %arg15[%swap3A_1106, %swap3A_1107] {strides = array<i32>} : memref<128x144xf32, #tpu.memory_space<vmem>>, vector<16xf32>,
        tpu.vector_store %arg15[%swap3A_1106, %swap3A_1107], %mul3A_1105 {strides = array<i32>} : memref<128x144xf32, #tpu.memory_space<vmem>>, vector<16xf32>,
        %get3A_1109 = arith.index_cast %add3A_1076 : i32 to index
        %get3A_1110 = arith.constant 64 : index
        %get3A_1111 = tpu.vector_load %arg15[%get3A_1109, %get3A_1110] {strides = array<i32>} : memref<128x144xf32, #tpu.memory_space<vmem>>, vector<16xf32>,
        %mul3A_1112 = vector.broadcast %squeeze3A_1072 : f32 to vector<16xf32>
        %mul3A_1113 = arith.mulf %get3A_1111, %mul3A_1112 : vector<16xf32>
        %swap3A_1114 = arith.index_cast %add3A_1076 : i32 to index
        %swap3A_1115 = arith.constant 64 : index
        %swap3A_1116 = tpu.vector_load %arg15[%swap3A_1114, %swap3A_1115] {strides = array<i32>} : memref<128x144xf32, #tpu.memory_space<vmem>>, vector<16xf32>,
        tpu.vector_store %arg15[%swap3A_1114, %swap3A_1115], %mul3A_1113 {strides = array<i32>} : memref<128x144xf32, #tpu.memory_space<vmem>>, vector<16xf32>,
        %get3A_1117 = arith.index_cast %add3A_1076 : i32 to index
        %get3A_1118 = arith.constant 80 : index
        %get3A_1119 = tpu.vector_load %arg15[%get3A_1117, %get3A_1118] {strides = array<i32>} : memref<128x144xf32, #tpu.memory_space<vmem>>, vector<16xf32>,
        %mul3A_1120 = vector.broadcast %squeeze3A_1072 : f32 to vector<16xf32>
        %mul3A_1121 = arith.mulf %get3A_1119, %mul3A_1120 : vector<16xf32>
        %swap3A_1122 = arith.index_cast %add3A_1076 : i32 to index
        %swap3A_1123 = arith.constant 80 : index
        %swap3A_1124 = tpu.vector_load %arg15[%swap3A_1122, %swap3A_1123] {strides = array<i32>} : memref<128x144xf32, #tpu.memory_space<vmem>>, vector<16xf32>,
        tpu.vector_store %arg15[%swap3A_1122, %swap3A_1123], %mul3A_1121 {strides = array<i32>} : memref<128x144xf32, #tpu.memory_space<vmem>>, vector<16xf32>,
        %get3A_1125 = arith.index_cast %add3A_1076 : i32 to index
        %get3A_1126 = arith.constant 96 : index
        %get3A_1127 = tpu.vector_load %arg15[%get3A_1125, %get3A_1126] {strides = array<i32>} : memref<128x144xf32, #tpu.memory_space<vmem>>, vector<16xf32>,
        %mul3A_1128 = vector.broadcast %squeeze3A_1072 : f32 to vector<16xf32>
        %mul3A_1129 = arith.mulf %get3A_1127, %mul3A_1128 : vector<16xf32>
        %swap3A_1130 = arith.index_cast %add3A_1076 : i32 to index
        %swap3A_1131 = arith.constant 96 : index
        %swap3A_1132 = tpu.vector_load %arg15[%swap3A_1130, %swap3A_1131] {strides = array<i32>} : memref<128x144xf32, #tpu.memory_space<vmem>>, vector<16xf32>,
        tpu.vector_store %arg15[%swap3A_1130, %swap3A_1131], %mul3A_1129 {strides = array<i32>} : memref<128x144xf32, #tpu.memory_space<vmem>>, vector<16xf32>,
        %get3A_1133 = arith.index_cast %add3A_1076 : i32 to index
        %get3A_1134 = arith.constant 112 : index
        %get3A_1135 = tpu.vector_load %arg15[%get3A_1133, %get3A_1134] {strides = array<i32>} : memref<128x144xf32, #tpu.memory_space<vmem>>, vector<16xf32>,
        %mul3A_1136 = vector.broadcast %squeeze3A_1072 : f32 to vector<16xf32>
        %mul3A_1137 = arith.mulf %get3A_1135, %mul3A_1136 : vector<16xf32>
        %swap3A_1138 = arith.index_cast %add3A_1076 : i32 to index
        %swap3A_1139 = arith.constant 112 : index
        %swap3A_1140 = tpu.vector_load %arg15[%swap3A_1138, %swap3A_1139] {strides = array<i32>} : memref<128x144xf32, #tpu.memory_space<vmem>>, vector<16xf32>,
        tpu.vector_store %arg15[%swap3A_1138, %swap3A_1139], %mul3A_1137 {strides = array<i32>} : memref<128x144xf32, #tpu.memory_space<vmem>>, vector<16xf32>,
        %get3A_1141 = arith.index_cast %add3A_1076 : i32 to index
        %get3A_1142 = arith.constant 128 : index
        %get3A_1143 = tpu.vector_load %arg15[%get3A_1141, %get3A_1142] {strides = array<i32>} : memref<128x144xf32, #tpu.memory_space<vmem>>, vector<16xf32>,
        %mul3A_1144 = vector.broadcast %squeeze3A_1072 : f32 to vector<16xf32>
        %mul3A_1145 = arith.mulf %get3A_1143, %mul3A_1144 : vector<16xf32>
        %swap3A_1146 = arith.index_cast %add3A_1076 : i32 to index
        %swap3A_1147 = arith.constant 128 : index
        %swap3A_1148 = tpu.vector_load %arg15[%swap3A_1146, %swap3A_1147] {strides = array<i32>} : memref<128x144xf32, #tpu.memory_space<vmem>>, vector<16xf32>,
        tpu.vector_store %arg15[%swap3A_1146, %swap3A_1147], %mul3A_1145 {strides = array<i32>} : memref<128x144xf32, #tpu.memory_space<vmem>>, vector<16xf32>,
        %slice3A_1149 = vector.extract_strided_slice %get3A_212 {offsets = [12], sizes = [1], strides = [1]} : vector<16xf32> to vector<1xf32>
        %squeeze3A_1150 = vector.extract %slice3A_1149[0] : f32 from vector<1xf32>
        %mul3A_1151 = arith.constant 16 : i32
        %mul3A_1152 = arith.muli %scan3A_208, %mul3A_1151 : i32
        %add3A_1153 = arith.constant 12 : i32
        %add3A_1154 = arith.addi %mul3A_1152, %add3A_1153 : i32
        %get3A_1155 = arith.index_cast %add3A_1154 : i32 to index
        %get3A_1156 = arith.constant 0 : index
        %get3A_1157 = tpu.vector_load %arg15[%get3A_1155, %get3A_1156] {strides = array<i32>} : memref<128x144xf32, #tpu.memory_space<vmem>>, vector<16xf32>,
        %mul3A_1158 = vector.broadcast %squeeze3A_1150 : f32 to vector<16xf32>
        %mul3A_1159 = arith.mulf %get3A_1157, %mul3A_1158 : vector<16xf32>
        %swap3A_1160 = arith.index_cast %add3A_1154 : i32 to index
        %swap3A_1161 = arith.constant 0 : index
        %swap3A_1162 = tpu.vector_load %arg15[%swap3A_1160, %swap3A_1161] {strides = array<i32>} : memref<128x144xf32, #tpu.memory_space<vmem>>, vector<16xf32>,
        tpu.vector_store %arg15[%swap3A_1160, %swap3A_1161], %mul3A_1159 {strides = array<i32>} : memref<128x144xf32, #tpu.memory_space<vmem>>, vector<16xf32>,
        %get3A_1163 = arith.index_cast %add3A_1154 : i32 to index
        %get3A_1164 = arith.constant 16 : index
        %get3A_1165 = tpu.vector_load %arg15[%get3A_1163, %get3A_1164] {strides = array<i32>} : memref<128x144xf32, #tpu.memory_space<vmem>>, vector<16xf32>,
        %mul3A_1166 = vector.broadcast %squeeze3A_1150 : f32 to vector<16xf32>
        %mul3A_1167 = arith.mulf %get3A_1165, %mul3A_1166 : vector<16xf32>
        %swap3A_1168 = arith.index_cast %add3A_1154 : i32 to index
        %swap3A_1169 = arith.constant 16 : index
        %swap3A_1170 = tpu.vector_load %arg15[%swap3A_1168, %swap3A_1169] {strides = array<i32>} : memref<128x144xf32, #tpu.memory_space<vmem>>, vector<16xf32>,
        tpu.vector_store %arg15[%swap3A_1168, %swap3A_1169], %mul3A_1167 {strides = array<i32>} : memref<128x144xf32, #tpu.memory_space<vmem>>, vector<16xf32>,
        %get3A_1171 = arith.index_cast %add3A_1154 : i32 to index
        %get3A_1172 = arith.constant 32 : index
        %get3A_1173 = tpu.vector_load %arg15[%get3A_1171, %get3A_1172] {strides = array<i32>} : memref<128x144xf32, #tpu.memory_space<vmem>>, vector<16xf32>,
        %mul3A_1174 = vector.broadcast %squeeze3A_1150 : f32 to vector<16xf32>
        %mul3A_1175 = arith.mulf %get3A_1173, %mul3A_1174 : vector<16xf32>
        %swap3A_1176 = arith.index_cast %add3A_1154 : i32 to index
        %swap3A_1177 = arith.constant 32 : index
        %swap3A_1178 = tpu.vector_load %arg15[%swap3A_1176, %swap3A_1177] {strides = array<i32>} : memref<128x144xf32, #tpu.memory_space<vmem>>, vector<16xf32>,
        tpu.vector_store %arg15[%swap3A_1176, %swap3A_1177], %mul3A_1175 {strides = array<i32>} : memref<128x144xf32, #tpu.memory_space<vmem>>, vector<16xf32>,
        %get3A_1179 = arith.index_cast %add3A_1154 : i32 to index
        %get3A_1180 = arith.constant 48 : index
        %get3A_1181 = tpu.vector_load %arg15[%get3A_1179, %get3A_1180] {strides = array<i32>} : memref<128x144xf32, #tpu.memory_space<vmem>>, vector<16xf32>,
        %mul3A_1182 = vector.broadcast %squeeze3A_1150 : f32 to vector<16xf32>
        %mul3A_1183 = arith.mulf %get3A_1181, %mul3A_1182 : vector<16xf32>
        %swap3A_1184 = arith.index_cast %add3A_1154 : i32 to index
        %swap3A_1185 = arith.constant 48 : index
        %swap3A_1186 = tpu.vector_load %arg15[%swap3A_1184, %swap3A_1185] {strides = array<i32>} : memref<128x144xf32, #tpu.memory_space<vmem>>, vector<16xf32>,
        tpu.vector_store %arg15[%swap3A_1184, %swap3A_1185], %mul3A_1183 {strides = array<i32>} : memref<128x144xf32, #tpu.memory_space<vmem>>, vector<16xf32>,
        %get3A_1187 = arith.index_cast %add3A_1154 : i32 to index
        %get3A_1188 = arith.constant 64 : index
        %get3A_1189 = tpu.vector_load %arg15[%get3A_1187, %get3A_1188] {strides = array<i32>} : memref<128x144xf32, #tpu.memory_space<vmem>>, vector<16xf32>,
        %mul3A_1190 = vector.broadcast %squeeze3A_1150 : f32 to vector<16xf32>
        %mul3A_1191 = arith.mulf %get3A_1189, %mul3A_1190 : vector<16xf32>
        %swap3A_1192 = arith.index_cast %add3A_1154 : i32 to index
        %swap3A_1193 = arith.constant 64 : index
        %swap3A_1194 = tpu.vector_load %arg15[%swap3A_1192, %swap3A_1193] {strides = array<i32>} : memref<128x144xf32, #tpu.memory_space<vmem>>, vector<16xf32>,
        tpu.vector_store %arg15[%swap3A_1192, %swap3A_1193], %mul3A_1191 {strides = array<i32>} : memref<128x144xf32, #tpu.memory_space<vmem>>, vector<16xf32>,
        %get3A_1195 = arith.index_cast %add3A_1154 : i32 to index
        %get3A_1196 = arith.constant 80 : index
        %get3A_1197 = tpu.vector_load %arg15[%get3A_1195, %get3A_1196] {strides = array<i32>} : memref<128x144xf32, #tpu.memory_space<vmem>>, vector<16xf32>,
        %mul3A_1198 = vector.broadcast %squeeze3A_1150 : f32 to vector<16xf32>
        %mul3A_1199 = arith.mulf %get3A_1197, %mul3A_1198 : vector<16xf32>
        %swap3A_1200 = arith.index_cast %add3A_1154 : i32 to index
        %swap3A_1201 = arith.constant 80 : index
        %swap3A_1202 = tpu.vector_load %arg15[%swap3A_1200, %swap3A_1201] {strides = array<i32>} : memref<128x144xf32, #tpu.memory_space<vmem>>, vector<16xf32>,
        tpu.vector_store %arg15[%swap3A_1200, %swap3A_1201], %mul3A_1199 {strides = array<i32>} : memref<128x144xf32, #tpu.memory_space<vmem>>, vector<16xf32>,
        %get3A_1203 = arith.index_cast %add3A_1154 : i32 to index
        %get3A_1204 = arith.constant 96 : index
        %get3A_1205 = tpu.vector_load %arg15[%get3A_1203, %get3A_1204] {strides = array<i32>} : memref<128x144xf32, #tpu.memory_space<vmem>>, vector<16xf32>,
        %mul3A_1206 = vector.broadcast %squeeze3A_1150 : f32 to vector<16xf32>
        %mul3A_1207 = arith.mulf %get3A_1205, %mul3A_1206 : vector<16xf32>
        %swap3A_1208 = arith.index_cast %add3A_1154 : i32 to index
        %swap3A_1209 = arith.constant 96 : index
        %swap3A_1210 = tpu.vector_load %arg15[%swap3A_1208, %swap3A_1209] {strides = array<i32>} : memref<128x144xf32, #tpu.memory_space<vmem>>, vector<16xf32>,
        tpu.vector_store %arg15[%swap3A_1208, %swap3A_1209], %mul3A_1207 {strides = array<i32>} : memref<128x144xf32, #tpu.memory_space<vmem>>, vector<16xf32>,
        %get3A_1211 = arith.index_cast %add3A_1154 : i32 to index
        %get3A_1212 = arith.constant 112 : index
        %get3A_1213 = tpu.vector_load %arg15[%get3A_1211, %get3A_1212] {strides = array<i32>} : memref<128x144xf32, #tpu.memory_space<vmem>>, vector<16xf32>,
        %mul3A_1214 = vector.broadcast %squeeze3A_1150 : f32 to vector<16xf32>
        %mul3A_1215 = arith.mulf %get3A_1213, %mul3A_1214 : vector<16xf32>
        %swap3A_1216 = arith.index_cast %add3A_1154 : i32 to index
        %swap3A_1217 = arith.constant 112 : index
        %swap3A_1218 = tpu.vector_load %arg15[%swap3A_1216, %swap3A_1217] {strides = array<i32>} : memref<128x144xf32, #tpu.memory_space<vmem>>, vector<16xf32>,
        tpu.vector_store %arg15[%swap3A_1216, %swap3A_1217], %mul3A_1215 {strides = array<i32>} : memref<128x144xf32, #tpu.memory_space<vmem>>, vector<16xf32>,
        %get3A_1219 = arith.index_cast %add3A_1154 : i32 to index
        %get3A_1220 = arith.constant 128 : index
        %get3A_1221 = tpu.vector_load %arg15[%get3A_1219, %get3A_1220] {strides = array<i32>} : memref<128x144xf32, #tpu.memory_space<vmem>>, vector<16xf32>,
        %mul3A_1222 = vector.broadcast %squeeze3A_1150 : f32 to vector<16xf32>
        %mul3A_1223 = arith.mulf %get3A_1221, %mul3A_1222 : vector<16xf32>
        %swap3A_1224 = arith.index_cast %add3A_1154 : i32 to index
        %swap3A_1225 = arith.constant 128 : index
        %swap3A_1226 = tpu.vector_load %arg15[%swap3A_1224, %swap3A_1225] {strides = array<i32>} : memref<128x144xf32, #tpu.memory_space<vmem>>, vector<16xf32>,
        tpu.vector_store %arg15[%swap3A_1224, %swap3A_1225], %mul3A_1223 {strides = array<i32>} : memref<128x144xf32, #tpu.memory_space<vmem>>, vector<16xf32>,
        %slice3A_1227 = vector.extract_strided_slice %get3A_212 {offsets = [13], sizes = [1], strides = [1]} : vector<16xf32> to vector<1xf32>
        %squeeze3A_1228 = vector.extract %slice3A_1227[0] : f32 from vector<1xf32>
        %mul3A_1229 = arith.constant 16 : i32
        %mul3A_1230 = arith.muli %scan3A_208, %mul3A_1229 : i32
        %add3A_1231 = arith.constant 13 : i32
        %add3A_1232 = arith.addi %mul3A_1230, %add3A_1231 : i32
        %get3A_1233 = arith.index_cast %add3A_1232 : i32 to index
        %get3A_1234 = arith.constant 0 : index
        %get3A_1235 = tpu.vector_load %arg15[%get3A_1233, %get3A_1234] {strides = array<i32>} : memref<128x144xf32, #tpu.memory_space<vmem>>, vector<16xf32>,
        %mul3A_1236 = vector.broadcast %squeeze3A_1228 : f32 to vector<16xf32>
        %mul3A_1237 = arith.mulf %get3A_1235, %mul3A_1236 : vector<16xf32>
        %swap3A_1238 = arith.index_cast %add3A_1232 : i32 to index
        %swap3A_1239 = arith.constant 0 : index
        %swap3A_1240 = tpu.vector_load %arg15[%swap3A_1238, %swap3A_1239] {strides = array<i32>} : memref<128x144xf32, #tpu.memory_space<vmem>>, vector<16xf32>,
        tpu.vector_store %arg15[%swap3A_1238, %swap3A_1239], %mul3A_1237 {strides = array<i32>} : memref<128x144xf32, #tpu.memory_space<vmem>>, vector<16xf32>,
        %get3A_1241 = arith.index_cast %add3A_1232 : i32 to index
        %get3A_1242 = arith.constant 16 : index
        %get3A_1243 = tpu.vector_load %arg15[%get3A_1241, %get3A_1242] {strides = array<i32>} : memref<128x144xf32, #tpu.memory_space<vmem>>, vector<16xf32>,
        %mul3A_1244 = vector.broadcast %squeeze3A_1228 : f32 to vector<16xf32>
        %mul3A_1245 = arith.mulf %get3A_1243, %mul3A_1244 : vector<16xf32>
        %swap3A_1246 = arith.index_cast %add3A_1232 : i32 to index
        %swap3A_1247 = arith.constant 16 : index
        %swap3A_1248 = tpu.vector_load %arg15[%swap3A_1246, %swap3A_1247] {strides = array<i32>} : memref<128x144xf32, #tpu.memory_space<vmem>>, vector<16xf32>,
        tpu.vector_store %arg15[%swap3A_1246, %swap3A_1247], %mul3A_1245 {strides = array<i32>} : memref<128x144xf32, #tpu.memory_space<vmem>>, vector<16xf32>,
        %get3A_1249 = arith.index_cast %add3A_1232 : i32 to index
        %get3A_1250 = arith.constant 32 : index
        %get3A_1251 = tpu.vector_load %arg15[%get3A_1249, %get3A_1250] {strides = array<i32>} : memref<128x144xf32, #tpu.memory_space<vmem>>, vector<16xf32>,
        %mul3A_1252 = vector.broadcast %squeeze3A_1228 : f32 to vector<16xf32>
        %mul3A_1253 = arith.mulf %get3A_1251, %mul3A_1252 : vector<16xf32>
        %swap3A_1254 = arith.index_cast %add3A_1232 : i32 to index
        %swap3A_1255 = arith.constant 32 : index
        %swap3A_1256 = tpu.vector_load %arg15[%swap3A_1254, %swap3A_1255] {strides = array<i32>} : memref<128x144xf32, #tpu.memory_space<vmem>>, vector<16xf32>,
        tpu.vector_store %arg15[%swap3A_1254, %swap3A_1255], %mul3A_1253 {strides = array<i32>} : memref<128x144xf32, #tpu.memory_space<vmem>>, vector<16xf32>,
        %get3A_1257 = arith.index_cast %add3A_1232 : i32 to index
        %get3A_1258 = arith.constant 48 : index
        %get3A_1259 = tpu.vector_load %arg15[%get3A_1257, %get3A_1258] {strides = array<i32>} : memref<128x144xf32, #tpu.memory_space<vmem>>, vector<16xf32>,
        %mul3A_1260 = vector.broadcast %squeeze3A_1228 : f32 to vector<16xf32>
        %mul3A_1261 = arith.mulf %get3A_1259, %mul3A_1260 : vector<16xf32>
        %swap3A_1262 = arith.index_cast %add3A_1232 : i32 to index
        %swap3A_1263 = arith.constant 48 : index
        %swap3A_1264 = tpu.vector_load %arg15[%swap3A_1262, %swap3A_1263] {strides = array<i32>} : memref<128x144xf32, #tpu.memory_space<vmem>>, vector<16xf32>,
        tpu.vector_store %arg15[%swap3A_1262, %swap3A_1263], %mul3A_1261 {strides = array<i32>} : memref<128x144xf32, #tpu.memory_space<vmem>>, vector<16xf32>,
        %get3A_1265 = arith.index_cast %add3A_1232 : i32 to index
        %get3A_1266 = arith.constant 64 : index
        %get3A_1267 = tpu.vector_load %arg15[%get3A_1265, %get3A_1266] {strides = array<i32>} : memref<128x144xf32, #tpu.memory_space<vmem>>, vector<16xf32>,
        %mul3A_1268 = vector.broadcast %squeeze3A_1228 : f32 to vector<16xf32>
        %mul3A_1269 = arith.mulf %get3A_1267, %mul3A_1268 : vector<16xf32>
        %swap3A_1270 = arith.index_cast %add3A_1232 : i32 to index
        %swap3A_1271 = arith.constant 64 : index
        %swap3A_1272 = tpu.vector_load %arg15[%swap3A_1270, %swap3A_1271] {strides = array<i32>} : memref<128x144xf32, #tpu.memory_space<vmem>>, vector<16xf32>,
        tpu.vector_store %arg15[%swap3A_1270, %swap3A_1271], %mul3A_1269 {strides = array<i32>} : memref<128x144xf32, #tpu.memory_space<vmem>>, vector<16xf32>,
        %get3A_1273 = arith.index_cast %add3A_1232 : i32 to index
        %get3A_1274 = arith.constant 80 : index
        %get3A_1275 = tpu.vector_load %arg15[%get3A_1273, %get3A_1274] {strides = array<i32>} : memref<128x144xf32, #tpu.memory_space<vmem>>, vector<16xf32>,
        %mul3A_1276 = vector.broadcast %squeeze3A_1228 : f32 to vector<16xf32>
        %mul3A_1277 = arith.mulf %get3A_1275, %mul3A_1276 : vector<16xf32>
        %swap3A_1278 = arith.index_cast %add3A_1232 : i32 to index
        %swap3A_1279 = arith.constant 80 : index
        %swap3A_1280 = tpu.vector_load %arg15[%swap3A_1278, %swap3A_1279] {strides = array<i32>} : memref<128x144xf32, #tpu.memory_space<vmem>>, vector<16xf32>,
        tpu.vector_store %arg15[%swap3A_1278, %swap3A_1279], %mul3A_1277 {strides = array<i32>} : memref<128x144xf32, #tpu.memory_space<vmem>>, vector<16xf32>,
        %get3A_1281 = arith.index_cast %add3A_1232 : i32 to index
        %get3A_1282 = arith.constant 96 : index
        %get3A_1283 = tpu.vector_load %arg15[%get3A_1281, %get3A_1282] {strides = array<i32>} : memref<128x144xf32, #tpu.memory_space<vmem>>, vector<16xf32>,
        %mul3A_1284 = vector.broadcast %squeeze3A_1228 : f32 to vector<16xf32>
        %mul3A_1285 = arith.mulf %get3A_1283, %mul3A_1284 : vector<16xf32>
        %swap3A_1286 = arith.index_cast %add3A_1232 : i32 to index
        %swap3A_1287 = arith.constant 96 : index
        %swap3A_1288 = tpu.vector_load %arg15[%swap3A_1286, %swap3A_1287] {strides = array<i32>} : memref<128x144xf32, #tpu.memory_space<vmem>>, vector<16xf32>,
        tpu.vector_store %arg15[%swap3A_1286, %swap3A_1287], %mul3A_1285 {strides = array<i32>} : memref<128x144xf32, #tpu.memory_space<vmem>>, vector<16xf32>,
        %get3A_1289 = arith.index_cast %add3A_1232 : i32 to index
        %get3A_1290 = arith.constant 112 : index
        %get3A_1291 = tpu.vector_load %arg15[%get3A_1289, %get3A_1290] {strides = array<i32>} : memref<128x144xf32, #tpu.memory_space<vmem>>, vector<16xf32>,
        %mul3A_1292 = vector.broadcast %squeeze3A_1228 : f32 to vector<16xf32>
        %mul3A_1293 = arith.mulf %get3A_1291, %mul3A_1292 : vector<16xf32>
        %swap3A_1294 = arith.index_cast %add3A_1232 : i32 to index
        %swap3A_1295 = arith.constant 112 : index
        %swap3A_1296 = tpu.vector_load %arg15[%swap3A_1294, %swap3A_1295] {strides = array<i32>} : memref<128x144xf32, #tpu.memory_space<vmem>>, vector<16xf32>,
        tpu.vector_store %arg15[%swap3A_1294, %swap3A_1295], %mul3A_1293 {strides = array<i32>} : memref<128x144xf32, #tpu.memory_space<vmem>>, vector<16xf32>,
        %get3A_1297 = arith.index_cast %add3A_1232 : i32 to index
        %get3A_1298 = arith.constant 128 : index
        %get3A_1299 = tpu.vector_load %arg15[%get3A_1297, %get3A_1298] {strides = array<i32>} : memref<128x144xf32, #tpu.memory_space<vmem>>, vector<16xf32>,
        %mul3A_1300 = vector.broadcast %squeeze3A_1228 : f32 to vector<16xf32>
        %mul3A_1301 = arith.mulf %get3A_1299, %mul3A_1300 : vector<16xf32>
        %swap3A_1302 = arith.index_cast %add3A_1232 : i32 to index
        %swap3A_1303 = arith.constant 128 : index
        %swap3A_1304 = tpu.vector_load %arg15[%swap3A_1302, %swap3A_1303] {strides = array<i32>} : memref<128x144xf32, #tpu.memory_space<vmem>>, vector<16xf32>,
        tpu.vector_store %arg15[%swap3A_1302, %swap3A_1303], %mul3A_1301 {strides = array<i32>} : memref<128x144xf32, #tpu.memory_space<vmem>>, vector<16xf32>,
        %slice3A_1305 = vector.extract_strided_slice %get3A_212 {offsets = [14], sizes = [1], strides = [1]} : vector<16xf32> to vector<1xf32>
        %squeeze3A_1306 = vector.extract %slice3A_1305[0] : f32 from vector<1xf32>
        %mul3A_1307 = arith.constant 16 : i32
        %mul3A_1308 = arith.muli %scan3A_208, %mul3A_1307 : i32
        %add3A_1309 = arith.constant 14 : i32
        %add3A_1310 = arith.addi %mul3A_1308, %add3A_1309 : i32
        %get3A_1311 = arith.index_cast %add3A_1310 : i32 to index
        %get3A_1312 = arith.constant 0 : index
        %get3A_1313 = tpu.vector_load %arg15[%get3A_1311, %get3A_1312] {strides = array<i32>} : memref<128x144xf32, #tpu.memory_space<vmem>>, vector<16xf32>,
        %mul3A_1314 = vector.broadcast %squeeze3A_1306 : f32 to vector<16xf32>
        %mul3A_1315 = arith.mulf %get3A_1313, %mul3A_1314 : vector<16xf32>
        %swap3A_1316 = arith.index_cast %add3A_1310 : i32 to index
        %swap3A_1317 = arith.constant 0 : index
        %swap3A_1318 = tpu.vector_load %arg15[%swap3A_1316, %swap3A_1317] {strides = array<i32>} : memref<128x144xf32, #tpu.memory_space<vmem>>, vector<16xf32>,
        tpu.vector_store %arg15[%swap3A_1316, %swap3A_1317], %mul3A_1315 {strides = array<i32>} : memref<128x144xf32, #tpu.memory_space<vmem>>, vector<16xf32>,
        %get3A_1319 = arith.index_cast %add3A_1310 : i32 to index
        %get3A_1320 = arith.constant 16 : index
        %get3A_1321 = tpu.vector_load %arg15[%get3A_1319, %get3A_1320] {strides = array<i32>} : memref<128x144xf32, #tpu.memory_space<vmem>>, vector<16xf32>,
        %mul3A_1322 = vector.broadcast %squeeze3A_1306 : f32 to vector<16xf32>
        %mul3A_1323 = arith.mulf %get3A_1321, %mul3A_1322 : vector<16xf32>
        %swap3A_1324 = arith.index_cast %add3A_1310 : i32 to index
        %swap3A_1325 = arith.constant 16 : index
        %swap3A_1326 = tpu.vector_load %arg15[%swap3A_1324, %swap3A_1325] {strides = array<i32>} : memref<128x144xf32, #tpu.memory_space<vmem>>, vector<16xf32>,
        tpu.vector_store %arg15[%swap3A_1324, %swap3A_1325], %mul3A_1323 {strides = array<i32>} : memref<128x144xf32, #tpu.memory_space<vmem>>, vector<16xf32>,
        %get3A_1327 = arith.index_cast %add3A_1310 : i32 to index
        %get3A_1328 = arith.constant 32 : index
        %get3A_1329 = tpu.vector_load %arg15[%get3A_1327, %get3A_1328] {strides = array<i32>} : memref<128x144xf32, #tpu.memory_space<vmem>>, vector<16xf32>,
        %mul3A_1330 = vector.broadcast %squeeze3A_1306 : f32 to vector<16xf32>
        %mul3A_1331 = arith.mulf %get3A_1329, %mul3A_1330 : vector<16xf32>
        %swap3A_1332 = arith.index_cast %add3A_1310 : i32 to index
        %swap3A_1333 = arith.constant 32 : index
        %swap3A_1334 = tpu.vector_load %arg15[%swap3A_1332, %swap3A_1333] {strides = array<i32>} : memref<128x144xf32, #tpu.memory_space<vmem>>, vector<16xf32>,
        tpu.vector_store %arg15[%swap3A_1332, %swap3A_1333], %mul3A_1331 {strides = array<i32>} : memref<128x144xf32, #tpu.memory_space<vmem>>, vector<16xf32>,
        %get3A_1335 = arith.index_cast %add3A_1310 : i32 to index
        %get3A_1336 = arith.constant 48 : index
        %get3A_1337 = tpu.vector_load %arg15[%get3A_1335, %get3A_1336] {strides = array<i32>} : memref<128x144xf32, #tpu.memory_space<vmem>>, vector<16xf32>,
        %mul3A_1338 = vector.broadcast %squeeze3A_1306 : f32 to vector<16xf32>
        %mul3A_1339 = arith.mulf %get3A_1337, %mul3A_1338 : vector<16xf32>
        %swap3A_1340 = arith.index_cast %add3A_1310 : i32 to index
        %swap3A_1341 = arith.constant 48 : index
        %swap3A_1342 = tpu.vector_load %arg15[%swap3A_1340, %swap3A_1341] {strides = array<i32>} : memref<128x144xf32, #tpu.memory_space<vmem>>, vector<16xf32>,
        tpu.vector_store %arg15[%swap3A_1340, %swap3A_1341], %mul3A_1339 {strides = array<i32>} : memref<128x144xf32, #tpu.memory_space<vmem>>, vector<16xf32>,
        %get3A_1343 = arith.index_cast %add3A_1310 : i32 to index
        %get3A_1344 = arith.constant 64 : index
        %get3A_1345 = tpu.vector_load %arg15[%get3A_1343, %get3A_1344] {strides = array<i32>} : memref<128x144xf32, #tpu.memory_space<vmem>>, vector<16xf32>,
        %mul3A_1346 = vector.broadcast %squeeze3A_1306 : f32 to vector<16xf32>
        %mul3A_1347 = arith.mulf %get3A_1345, %mul3A_1346 : vector<16xf32>
        %swap3A_1348 = arith.index_cast %add3A_1310 : i32 to index
        %swap3A_1349 = arith.constant 64 : index
        %swap3A_1350 = tpu.vector_load %arg15[%swap3A_1348, %swap3A_1349] {strides = array<i32>} : memref<128x144xf32, #tpu.memory_space<vmem>>, vector<16xf32>,
        tpu.vector_store %arg15[%swap3A_1348, %swap3A_1349], %mul3A_1347 {strides = array<i32>} : memref<128x144xf32, #tpu.memory_space<vmem>>, vector<16xf32>,
        %get3A_1351 = arith.index_cast %add3A_1310 : i32 to index
        %get3A_1352 = arith.constant 80 : index
        %get3A_1353 = tpu.vector_load %arg15[%get3A_1351, %get3A_1352] {strides = array<i32>} : memref<128x144xf32, #tpu.memory_space<vmem>>, vector<16xf32>,
        %mul3A_1354 = vector.broadcast %squeeze3A_1306 : f32 to vector<16xf32>
        %mul3A_1355 = arith.mulf %get3A_1353, %mul3A_1354 : vector<16xf32>
        %swap3A_1356 = arith.index_cast %add3A_1310 : i32 to index
        %swap3A_1357 = arith.constant 80 : index
        %swap3A_1358 = tpu.vector_load %arg15[%swap3A_1356, %swap3A_1357] {strides = array<i32>} : memref<128x144xf32, #tpu.memory_space<vmem>>, vector<16xf32>,
        tpu.vector_store %arg15[%swap3A_1356, %swap3A_1357], %mul3A_1355 {strides = array<i32>} : memref<128x144xf32, #tpu.memory_space<vmem>>, vector<16xf32>,
        %get3A_1359 = arith.index_cast %add3A_1310 : i32 to index
        %get3A_1360 = arith.constant 96 : index
        %get3A_1361 = tpu.vector_load %arg15[%get3A_1359, %get3A_1360] {strides = array<i32>} : memref<128x144xf32, #tpu.memory_space<vmem>>, vector<16xf32>,
        %mul3A_1362 = vector.broadcast %squeeze3A_1306 : f32 to vector<16xf32>
        %mul3A_1363 = arith.mulf %get3A_1361, %mul3A_1362 : vector<16xf32>
        %swap3A_1364 = arith.index_cast %add3A_1310 : i32 to index
        %swap3A_1365 = arith.constant 96 : index
        %swap3A_1366 = tpu.vector_load %arg15[%swap3A_1364, %swap3A_1365] {strides = array<i32>} : memref<128x144xf32, #tpu.memory_space<vmem>>, vector<16xf32>,
        tpu.vector_store %arg15[%swap3A_1364, %swap3A_1365], %mul3A_1363 {strides = array<i32>} : memref<128x144xf32, #tpu.memory_space<vmem>>, vector<16xf32>,
        %get3A_1367 = arith.index_cast %add3A_1310 : i32 to index
        %get3A_1368 = arith.constant 112 : index
        %get3A_1369 = tpu.vector_load %arg15[%get3A_1367, %get3A_1368] {strides = array<i32>} : memref<128x144xf32, #tpu.memory_space<vmem>>, vector<16xf32>,
        %mul3A_1370 = vector.broadcast %squeeze3A_1306 : f32 to vector<16xf32>
        %mul3A_1371 = arith.mulf %get3A_1369, %mul3A_1370 : vector<16xf32>
        %swap3A_1372 = arith.index_cast %add3A_1310 : i32 to index
        %swap3A_1373 = arith.constant 112 : index
        %swap3A_1374 = tpu.vector_load %arg15[%swap3A_1372, %swap3A_1373] {strides = array<i32>} : memref<128x144xf32, #tpu.memory_space<vmem>>, vector<16xf32>,
        tpu.vector_store %arg15[%swap3A_1372, %swap3A_1373], %mul3A_1371 {strides = array<i32>} : memref<128x144xf32, #tpu.memory_space<vmem>>, vector<16xf32>,
        %get3A_1375 = arith.index_cast %add3A_1310 : i32 to index
        %get3A_1376 = arith.constant 128 : index
        %get3A_1377 = tpu.vector_load %arg15[%get3A_1375, %get3A_1376] {strides = array<i32>} : memref<128x144xf32, #tpu.memory_space<vmem>>, vector<16xf32>,
        %mul3A_1378 = vector.broadcast %squeeze3A_1306 : f32 to vector<16xf32>
        %mul3A_1379 = arith.mulf %get3A_1377, %mul3A_1378 : vector<16xf32>
        %swap3A_1380 = arith.index_cast %add3A_1310 : i32 to index
        %swap3A_1381 = arith.constant 128 : index
        %swap3A_1382 = tpu.vector_load %arg15[%swap3A_1380, %swap3A_1381] {strides = array<i32>} : memref<128x144xf32, #tpu.memory_space<vmem>>, vector<16xf32>,
        tpu.vector_store %arg15[%swap3A_1380, %swap3A_1381], %mul3A_1379 {strides = array<i32>} : memref<128x144xf32, #tpu.memory_space<vmem>>, vector<16xf32>,
        %slice3A_1383 = vector.extract_strided_slice %get3A_212 {offsets = [15], sizes = [1], strides = [1]} : vector<16xf32> to vector<1xf32>
        %squeeze3A_1384 = vector.extract %slice3A_1383[0] : f32 from vector<1xf32>
        %mul3A_1385 = arith.constant 16 : i32
        %mul3A_1386 = arith.muli %scan3A_208, %mul3A_1385 : i32
        %add3A_1387 = arith.constant 15 : i32
        %add3A_1388 = arith.addi %mul3A_1386, %add3A_1387 : i32
        %get3A_1389 = arith.index_cast %add3A_1388 : i32 to index
        %get3A_1390 = arith.constant 0 : index
        %get3A_1391 = tpu.vector_load %arg15[%get3A_1389, %get3A_1390] {strides = array<i32>} : memref<128x144xf32, #tpu.memory_space<vmem>>, vector<16xf32>,
        %mul3A_1392 = vector.broadcast %squeeze3A_1384 : f32 to vector<16xf32>
        %mul3A_1393 = arith.mulf %get3A_1391, %mul3A_1392 : vector<16xf32>
        %swap3A_1394 = arith.index_cast %add3A_1388 : i32 to index
        %swap3A_1395 = arith.constant 0 : index
        %swap3A_1396 = tpu.vector_load %arg15[%swap3A_1394, %swap3A_1395] {strides = array<i32>} : memref<128x144xf32, #tpu.memory_space<vmem>>, vector<16xf32>,
        tpu.vector_store %arg15[%swap3A_1394, %swap3A_1395], %mul3A_1393 {strides = array<i32>} : memref<128x144xf32, #tpu.memory_space<vmem>>, vector<16xf32>,
        %get3A_1397 = arith.index_cast %add3A_1388 : i32 to index
        %get3A_1398 = arith.constant 16 : index
        %get3A_1399 = tpu.vector_load %arg15[%get3A_1397, %get3A_1398] {strides = array<i32>} : memref<128x144xf32, #tpu.memory_space<vmem>>, vector<16xf32>,
        %mul3A_1400 = vector.broadcast %squeeze3A_1384 : f32 to vector<16xf32>
        %mul3A_1401 = arith.mulf %get3A_1399, %mul3A_1400 : vector<16xf32>
        %swap3A_1402 = arith.index_cast %add3A_1388 : i32 to index
        %swap3A_1403 = arith.constant 16 : index
        %swap3A_1404 = tpu.vector_load %arg15[%swap3A_1402, %swap3A_1403] {strides = array<i32>} : memref<128x144xf32, #tpu.memory_space<vmem>>, vector<16xf32>,
        tpu.vector_store %arg15[%swap3A_1402, %swap3A_1403], %mul3A_1401 {strides = array<i32>} : memref<128x144xf32, #tpu.memory_space<vmem>>, vector<16xf32>,
        %get3A_1405 = arith.index_cast %add3A_1388 : i32 to index
        %get3A_1406 = arith.constant 32 : index
        %get3A_1407 = tpu.vector_load %arg15[%get3A_1405, %get3A_1406] {strides = array<i32>} : memref<128x144xf32, #tpu.memory_space<vmem>>, vector<16xf32>,
        %mul3A_1408 = vector.broadcast %squeeze3A_1384 : f32 to vector<16xf32>
        %mul3A_1409 = arith.mulf %get3A_1407, %mul3A_1408 : vector<16xf32>
        %swap3A_1410 = arith.index_cast %add3A_1388 : i32 to index
        %swap3A_1411 = arith.constant 32 : index
        %swap3A_1412 = tpu.vector_load %arg15[%swap3A_1410, %swap3A_1411] {strides = array<i32>} : memref<128x144xf32, #tpu.memory_space<vmem>>, vector<16xf32>,
        tpu.vector_store %arg15[%swap3A_1410, %swap3A_1411], %mul3A_1409 {strides = array<i32>} : memref<128x144xf32, #tpu.memory_space<vmem>>, vector<16xf32>,
        %get3A_1413 = arith.index_cast %add3A_1388 : i32 to index
        %get3A_1414 = arith.constant 48 : index
        %get3A_1415 = tpu.vector_load %arg15[%get3A_1413, %get3A_1414] {strides = array<i32>} : memref<128x144xf32, #tpu.memory_space<vmem>>, vector<16xf32>,
        %mul3A_1416 = vector.broadcast %squeeze3A_1384 : f32 to vector<16xf32>
        %mul3A_1417 = arith.mulf %get3A_1415, %mul3A_1416 : vector<16xf32>
        %swap3A_1418 = arith.index_cast %add3A_1388 : i32 to index
        %swap3A_1419 = arith.constant 48 : index
        %swap3A_1420 = tpu.vector_load %arg15[%swap3A_1418, %swap3A_1419] {strides = array<i32>} : memref<128x144xf32, #tpu.memory_space<vmem>>, vector<16xf32>,
        tpu.vector_store %arg15[%swap3A_1418, %swap3A_1419], %mul3A_1417 {strides = array<i32>} : memref<128x144xf32, #tpu.memory_space<vmem>>, vector<16xf32>,
        %get3A_1421 = arith.index_cast %add3A_1388 : i32 to index
        %get3A_1422 = arith.constant 64 : index
        %get3A_1423 = tpu.vector_load %arg15[%get3A_1421, %get3A_1422] {strides = array<i32>} : memref<128x144xf32, #tpu.memory_space<vmem>>, vector<16xf32>,
        %mul3A_1424 = vector.broadcast %squeeze3A_1384 : f32 to vector<16xf32>
        %mul3A_1425 = arith.mulf %get3A_1423, %mul3A_1424 : vector<16xf32>
        %swap3A_1426 = arith.index_cast %add3A_1388 : i32 to index
        %swap3A_1427 = arith.constant 64 : index
        %swap3A_1428 = tpu.vector_load %arg15[%swap3A_1426, %swap3A_1427] {strides = array<i32>} : memref<128x144xf32, #tpu.memory_space<vmem>>, vector<16xf32>,
        tpu.vector_store %arg15[%swap3A_1426, %swap3A_1427], %mul3A_1425 {strides = array<i32>} : memref<128x144xf32, #tpu.memory_space<vmem>>, vector<16xf32>,
        %get3A_1429 = arith.index_cast %add3A_1388 : i32 to index
        %get3A_1430 = arith.constant 80 : index
        %get3A_1431 = tpu.vector_load %arg15[%get3A_1429, %get3A_1430] {strides = array<i32>} : memref<128x144xf32, #tpu.memory_space<vmem>>, vector<16xf32>,
        %mul3A_1432 = vector.broadcast %squeeze3A_1384 : f32 to vector<16xf32>
        %mul3A_1433 = arith.mulf %get3A_1431, %mul3A_1432 : vector<16xf32>
        %swap3A_1434 = arith.index_cast %add3A_1388 : i32 to index
        %swap3A_1435 = arith.constant 80 : index
        %swap3A_1436 = tpu.vector_load %arg15[%swap3A_1434, %swap3A_1435] {strides = array<i32>} : memref<128x144xf32, #tpu.memory_space<vmem>>, vector<16xf32>,
        tpu.vector_store %arg15[%swap3A_1434, %swap3A_1435], %mul3A_1433 {strides = array<i32>} : memref<128x144xf32, #tpu.memory_space<vmem>>, vector<16xf32>,
        %get3A_1437 = arith.index_cast %add3A_1388 : i32 to index
        %get3A_1438 = arith.constant 96 : index
        %get3A_1439 = tpu.vector_load %arg15[%get3A_1437, %get3A_1438] {strides = array<i32>} : memref<128x144xf32, #tpu.memory_space<vmem>>, vector<16xf32>,
        %mul3A_1440 = vector.broadcast %squeeze3A_1384 : f32 to vector<16xf32>
        %mul3A_1441 = arith.mulf %get3A_1439, %mul3A_1440 : vector<16xf32>
        %swap3A_1442 = arith.index_cast %add3A_1388 : i32 to index
        %swap3A_1443 = arith.constant 96 : index
        %swap3A_1444 = tpu.vector_load %arg15[%swap3A_1442, %swap3A_1443] {strides = array<i32>} : memref<128x144xf32, #tpu.memory_space<vmem>>, vector<16xf32>,
        tpu.vector_store %arg15[%swap3A_1442, %swap3A_1443], %mul3A_1441 {strides = array<i32>} : memref<128x144xf32, #tpu.memory_space<vmem>>, vector<16xf32>,
        %get3A_1445 = arith.index_cast %add3A_1388 : i32 to index
        %get3A_1446 = arith.constant 112 : index
        %get3A_1447 = tpu.vector_load %arg15[%get3A_1445, %get3A_1446] {strides = array<i32>} : memref<128x144xf32, #tpu.memory_space<vmem>>, vector<16xf32>,
        %mul3A_1448 = vector.broadcast %squeeze3A_1384 : f32 to vector<16xf32>
        %mul3A_1449 = arith.mulf %get3A_1447, %mul3A_1448 : vector<16xf32>
        %swap3A_1450 = arith.index_cast %add3A_1388 : i32 to index
        %swap3A_1451 = arith.constant 112 : index
        %swap3A_1452 = tpu.vector_load %arg15[%swap3A_1450, %swap3A_1451] {strides = array<i32>} : memref<128x144xf32, #tpu.memory_space<vmem>>, vector<16xf32>,
        tpu.vector_store %arg15[%swap3A_1450, %swap3A_1451], %mul3A_1449 {strides = array<i32>} : memref<128x144xf32, #tpu.memory_space<vmem>>, vector<16xf32>,
        %get3A_1453 = arith.index_cast %add3A_1388 : i32 to index
        %get3A_1454 = arith.constant 128 : index
        %get3A_1455 = tpu.vector_load %arg15[%get3A_1453, %get3A_1454] {strides = array<i32>} : memref<128x144xf32, #tpu.memory_space<vmem>>, vector<16xf32>,
        %mul3A_1456 = vector.broadcast %squeeze3A_1384 : f32 to vector<16xf32>
        %mul3A_1457 = arith.mulf %get3A_1455, %mul3A_1456 : vector<16xf32>
        %swap3A_1458 = arith.index_cast %add3A_1388 : i32 to index
        %swap3A_1459 = arith.constant 128 : index
        %swap3A_1460 = tpu.vector_load %arg15[%swap3A_1458, %swap3A_1459] {strides = array<i32>} : memref<128x144xf32, #tpu.memory_space<vmem>>, vector<16xf32>,
        tpu.vector_store %arg15[%swap3A_1458, %swap3A_1459], %mul3A_1457 {strides = array<i32>} : memref<128x144xf32, #tpu.memory_space<vmem>>, vector<16xf32>,
      }
      %scan3A_207 = arith.constant 8 : i32
      "tpu.region"() ({
        %run_scoped3A = tpu.sem_alloc : memref<!tpu.dma_semaphore, #tpu.memory_space<semaphore_mem>>
        %dma_start3A_208 = arith.constant 0 : i32
        %dma_start3A_209 = arith.constant 0 : i32
        %dma_start3A_210 = tpu.memref_slice %arg9[%dma_start3A_208, %dma_start3A_209] : memref<10008x144xf32, #tpu.memory_space<vmem_shared>> -> memref<10008x144xf32, #tpu.memory_space<vmem_shared>>
        tpu.enqueue_indirect_dma source(%arg15 : memref<128x144xf32, #tpu.memory_space<vmem>>) target(%dma_start3A_210 : memref<10008x144xf32, #tpu.memory_space<vmem_shared>>) offsets(%arg14 : memref<128xi32, #tpu.memory_space<vmem>>) semaphore(%run_scoped3A : memref<!tpu.dma_semaphore, #tpu.memory_space<semaphore_mem>>) {add = true}
        %dma_wait3A_211 = arith.constant 0 : i32
        %dma_wait3A_212 = arith.constant 0 : i32
        %dma_wait3A_213 = tpu.memref_slice %arg9[%dma_wait3A_211, %dma_wait3A_212] : memref<10008x144xf32, #tpu.memory_space<vmem_shared>> -> memref<10008x144xf32, #tpu.memory_space<vmem_shared>>
        tpu.wait_indirect_dma semaphore(%run_scoped3A : memref<!tpu.dma_semaphore, #tpu.memory_space<semaphore_mem>>) src(%arg15 : memref<128x144xf32, #tpu.memory_space<vmem>>) dst(%dma_wait3A_213 : memref<10008x144xf32, #tpu.memory_space<vmem_shared>>)
        tpu.yield
      }) : () -> ()
    }
    %barrier3A_36 = arith.constant 0 : index
    tpu.barrier barrier_id(%barrier3A_36)
    %lt3A_37 = arith.constant 15 : i32
    %lt3A_38 = arith.cmpi slt, %arg1, %lt3A_37 : i32
    %convert_element_type3A_39 = arith.extui %lt3A_38 : i1 to i32
    %cond3A_40 = arith.constant 0 : i32
    %cond3A_41 = arith.cmpi ne, %convert_element_type3A_39, %cond3A_40 : i32
    scf.if %cond3A_41 {
      "tpu.region"() ({
        %run_scoped3A = tpu.sem_alloc : memref<!tpu.dma_semaphore, #tpu.memory_space<semaphore_mem>>
        %dma_start3A = arith.constant 0 : i32
        %dma_start3A_47 = tpu.memref_slice %arg8[%arg0, %mul3A_7, %dma_start3A] : memref<2x10008x144xf32, #tpu.memory_space<hbm>> -> memref<1x624x144xf32, #tpu.memory_space<hbm>>
        %dma_start3A_48 = tpu.memref_squeeze %dma_start3A_47 : memref<1x624x144xf32, #tpu.memory_space<hbm>> -> memref<624x144xf32, #tpu.memory_space<hbm>>
        %dma_start3A_49 = arith.constant 0 : i32
        %dma_start3A_50 = tpu.memref_slice %arg9[%mul3A_7, %dma_start3A_49] : memref<10008x144xf32, #tpu.memory_space<vmem_shared>> -> memref<624x144xf32, #tpu.memory_space<vmem_shared>>
        tpu.enqueue_dma source(%dma_start3A_50 : memref<624x144xf32, #tpu.memory_space<vmem_shared>>) target(%dma_start3A_48 : memref<624x144xf32, #tpu.memory_space<hbm>>) target_semaphore(%run_scoped3A : memref<!tpu.dma_semaphore, #tpu.memory_space<semaphore_mem>>)
        %dma_wait3A = arith.constant 0 : i32
        %dma_wait3A_51 = tpu.memref_slice %arg8[%arg0, %mul3A_7, %dma_wait3A] : memref<2x10008x144xf32, #tpu.memory_space<hbm>> -> memref<1x624x144xf32, #tpu.memory_space<hbm>>
        %dma_wait3A_52 = tpu.memref_squeeze %dma_wait3A_51 : memref<1x624x144xf32, #tpu.memory_space<hbm>> -> memref<624x144xf32, #tpu.memory_space<hbm>>
        %dma_wait3A_53 = arith.constant 0 : i32
        %dma_wait3A_54 = tpu.memref_slice %arg9[%mul3A_7, %dma_wait3A_53] : memref<10008x144xf32, #tpu.memory_space<vmem_shared>> -> memref<624x144xf32, #tpu.memory_space<vmem_shared>>
        tpu.wait_dma2 semaphore(%run_scoped3A : memref<!tpu.dma_semaphore, #tpu.memory_space<semaphore_mem>>) src(%dma_wait3A_54 : memref<624x144xf32, #tpu.memory_space<vmem_shared>>) dst(%dma_wait3A_52 : memref<624x144xf32, #tpu.memory_space<hbm>>)
        tpu.yield
      }) : () -> ()
    } else {
    }
    %eq3A_42 = arith.constant 15 : i32
    %eq3A_43 = arith.cmpi eq, %arg1, %eq3A_42 : i32
    %convert_element_type3A_44 = arith.extui %eq3A_43 : i1 to i32
    %cond3A_45 = arith.constant 0 : i32
    %cond3A_46 = arith.cmpi ne, %convert_element_type3A_44, %cond3A_45 : i32
    scf.if %cond3A_46 {
      "tpu.region"() ({
        %run_scoped3A = tpu.sem_alloc : memref<!tpu.dma_semaphore, #tpu.memory_space<semaphore_mem>>
        %dma_start3A = arith.constant 9360 : i32
        %dma_start3A_47 = arith.constant 0 : i32
        %dma_start3A_48 = tpu.memref_slice %arg8[%arg0, %dma_start3A, %dma_start3A_47] : memref<2x10008x144xf32, #tpu.memory_space<hbm>> -> memref<1x648x144xf32, #tpu.memory_space<hbm>>
        %dma_start3A_49 = tpu.memref_squeeze %dma_start3A_48 : memref<1x648x144xf32, #tpu.memory_space<hbm>> -> memref<648x144xf32, #tpu.memory_space<hbm>>
        %dma_start3A_50 = arith.constant 9360 : i32
        %dma_start3A_51 = arith.constant 0 : i32
        %dma_start3A_52 = tpu.memref_slice %arg9[%dma_start3A_50, %dma_start3A_51] : memref<10008x144xf32, #tpu.memory_space<vmem_shared>> -> memref<648x144xf32, #tpu.memory_space<vmem_shared>>
        tpu.enqueue_dma source(%dma_start3A_52 : memref<648x144xf32, #tpu.memory_space<vmem_shared>>) target(%dma_start3A_49 : memref<648x144xf32, #tpu.memory_space<hbm>>) target_semaphore(%run_scoped3A : memref<!tpu.dma_semaphore, #tpu.memory_space<semaphore_mem>>)
        %dma_wait3A = arith.constant 9360 : i32
        %dma_wait3A_53 = arith.constant 0 : i32
        %dma_wait3A_54 = tpu.memref_slice %arg8[%arg0, %dma_wait3A, %dma_wait3A_53] : memref<2x10008x144xf32, #tpu.memory_space<hbm>> -> memref<1x648x144xf32, #tpu.memory_space<hbm>>
        %dma_wait3A_55 = tpu.memref_squeeze %dma_wait3A_54 : memref<1x648x144xf32, #tpu.memory_space<hbm>> -> memref<648x144xf32, #tpu.memory_space<hbm>>
        %dma_wait3A_56 = arith.constant 9360 : i32
        %dma_wait3A_57 = arith.constant 0 : i32
        %dma_wait3A_58 = tpu.memref_slice %arg9[%dma_wait3A_56, %dma_wait3A_57] : memref<10008x144xf32, #tpu.memory_space<vmem_shared>> -> memref<648x144xf32, #tpu.memory_space<vmem_shared>>
        tpu.wait_dma2 semaphore(%run_scoped3A : memref<!tpu.dma_semaphore, #tpu.memory_space<semaphore_mem>>) src(%dma_wait3A_58 : memref<648x144xf32, #tpu.memory_space<vmem_shared>>) dst(%dma_wait3A_55 : memref<648x144xf32, #tpu.memory_space<hbm>>)
        tpu.yield
      }) : () -> ()
    } else {
    }
    return
  }
}

module attributes {stable_mosaic.version = 14 : i64} {
  func.func @_pre_body(%arg0: i32, %arg1: memref<1112x128xf32, #tpu.memory_space<vmem>>, %arg2: memref<128x128xf32, #tpu.memory_space<vmem>>, %arg3: memref<1x128xf32, #tpu.memory_space<vmem>>, %arg4: memref<1x128xf32, #tpu.memory_space<vmem>>, %arg5: memref<1112x144xf32, #tpu.memory_space<vmem>>, %arg6: memref<1112x1xf32, #tpu.memory_space<vmem>>, %arg7: memref<1112x1xf32, #tpu.memory_space<vmem>>, %arg8: memref<1x128xf32, #tpu.memory_space<vmem>>, %arg9: memref<2xf32, #tpu.memory_space<smem>>) attributes {dimension_semantics = [#tpu.dimension_semantics<arbitrary>], iteration_bounds = array<i64: 9>, scalar_prefetch = 0 : i64, scratch_operands = 1 : i64, tpu.core_type = #tpu.core_type<tc>, window_params = [{transform_indices = @transform_0, window_bounds = array<i64: 1112, 128>}, {pipeline_mode = #tpu.pipeline_mode<synchronous>, transform_indices = @transform_1, window_bounds = array<i64: 128, 128>}, {pipeline_mode = #tpu.pipeline_mode<synchronous>, transform_indices = @transform_2, window_bounds = array<i64: 1, 128>}, {pipeline_mode = #tpu.pipeline_mode<synchronous>, transform_indices = @transform_3, window_bounds = array<i64: 1, 128>}, {transform_indices = @transform_4, window_bounds = array<i64: 1112, 144>}, {transform_indices = @transform_5, window_bounds = array<i64: 1112, 1>}, {transform_indices = @transform_6, window_bounds = array<i64: 1112, 1>}, {pipeline_mode = #tpu.pipeline_mode<synchronous>, transform_indices = @transform_7, window_bounds = array<i64: 1, 128>}]} {
    %get3A = arith.constant 0 : index
    %get3A_0 = arith.constant 0 : index
    %get3A_1 = vector.load %arg1[%get3A, %get3A_0] : memref<1112x128xf32, #tpu.memory_space<vmem>>, vector<1112x128xf32>
    %get3A_2 = arith.constant 0 : index
    %get3A_3 = arith.constant 0 : index
    %get3A_4 = vector.load %arg2[%get3A_2, %get3A_3] : memref<128x128xf32, #tpu.memory_space<vmem>>, vector<128x128xf32>
    %dot_general3A = arith.constant dense<0.000000e+00> : vector<1112x128xf32>
    %dot_general3A_5 = tpu.matmul %get3A_1, %get3A_4, %dot_general3A {dimension_numbers = #tpu.dot_dimension_numbers<[1], [0], [0], [1], [0, 0, 1, 1], [], []>, transpose_lhs_hint = false} : vector<1112x128xf32>, vector<128x128xf32>, vector<1112x128xf32> -> vector<1112x128xf32>
    %swap3A = arith.constant 0 : index
    %swap3A_6 = arith.constant 0 : index
    %swap3A_7 = vector.load %arg5[%swap3A, %swap3A_6] : memref<1112x144xf32, #tpu.memory_space<vmem>>, vector<1112x128xf32>
    tpu.vector_store %arg5[%swap3A, %swap3A_6], %dot_general3A_5 {strides = array<i32>} : memref<1112x144xf32, #tpu.memory_space<vmem>>, vector<1112x128xf32>,
    %iota3A = tpu.iota {dimensions = array<i32: 1>} : vector<1112x16xi32>
    %eq3A = arith.constant 0 : i32
    %eq3A_8 = vector.broadcast %eq3A : i32 to vector<1112x16xi32>
    %eq3A_9 = arith.cmpi eq, %iota3A, %eq3A_8 : vector<1112x16xi32>
    %jit3A = arith.constant 1.000000e+00 : f32
    %jit3A_10 = arith.constant 0.000000e+00 : f32
    %broadcast_in_dim3A = vector.broadcast %jit3A : f32 to vector<1112x16xf32>
    %broadcast_in_dim3A_11 = vector.broadcast %jit3A_10 : f32 to vector<1112x16xf32>
    %select_n3A = arith.select %eq3A_9, %broadcast_in_dim3A, %broadcast_in_dim3A_11 : vector<1112x16xi1>, vector<1112x16xf32>
    %swap3A_12 = arith.constant 0 : index
    %swap3A_13 = arith.constant 128 : index
    %swap3A_14 = vector.load %arg5[%swap3A_12, %swap3A_13] : memref<1112x144xf32, #tpu.memory_space<vmem>>, vector<1112x16xf32>
    tpu.vector_store %arg5[%swap3A_12, %swap3A_13], %select_n3A {strides = array<i32>} : memref<1112x144xf32, #tpu.memory_space<vmem>>, vector<1112x16xf32>,
    %get3A_15 = arith.constant 0 : index
    %get3A_16 = arith.constant 0 : index
    %get3A_17 = vector.load %arg3[%get3A_15, %get3A_16] : memref<1x128xf32, #tpu.memory_space<vmem>>, vector<1x128xf32>
    %mul3A = vector.broadcast %get3A_17 : vector<1x128xf32> to vector<1112x128xf32>
    %mul3A_18 = arith.mulf %dot_general3A_5, %mul3A : vector<1112x128xf32>
    %reduce_sum3A = arith.constant dense<0.000000e+00> : vector<1112xf32>
    %reduce_sum3A_19 = vector.multi_reduction <add>, %mul3A_18, %reduce_sum3A [1] : vector<1112x128xf32> to vector<1112xf32>
    %broadcast_in_dim3A_20 = vector.shape_cast %reduce_sum3A_19 : vector<1112xf32> to vector<1112x1xf32>
    %get3A_21 = arith.constant 0 : index
    %get3A_22 = arith.constant 0 : index
    %get3A_23 = vector.load %arg4[%get3A_21, %get3A_22] : memref<1x128xf32, #tpu.memory_space<vmem>>, vector<1x128xf32>
    %mul3A_24 = vector.broadcast %get3A_23 : vector<1x128xf32> to vector<1112x128xf32>
    %mul3A_25 = arith.mulf %dot_general3A_5, %mul3A_24 : vector<1112x128xf32>
    %reduce_sum3A_26 = arith.constant dense<0.000000e+00> : vector<1112xf32>
    %reduce_sum3A_27 = vector.multi_reduction <add>, %mul3A_25, %reduce_sum3A_26 [1] : vector<1112x128xf32> to vector<1112xf32>
    %broadcast_in_dim3A_28 = vector.shape_cast %reduce_sum3A_27 : vector<1112xf32> to vector<1112x1xf32>
    %mul3A_29 = arith.constant 1112 : i32
    %mul3A_30 = arith.muli %arg0, %mul3A_29 : i32
    %iota3A_31 = tpu.iota {dimensions = array<i32: 0>} : vector<1112x1xi32>
    %add3A = vector.broadcast %mul3A_30 : i32 to vector<1112x1xi32>
    %add3A_32 = arith.addi %add3A, %iota3A_31 : vector<1112x1xi32>
    %lt3A = arith.constant 10000 : i32
    %lt3A_33 = vector.broadcast %lt3A : i32 to vector<1112x1xi32>
    %lt3A_34 = arith.cmpi slt, %add3A_32, %lt3A_33 : vector<1112x1xi32>
    %jit3A_35 = arith.constant -1.000000e+30 : f32
    %broadcast_in_dim3A_36 = vector.broadcast %jit3A_35 : f32 to vector<1112x1xf32>
    %select_n3A_37 = arith.select %lt3A_34, %broadcast_in_dim3A_20, %broadcast_in_dim3A_36 : vector<1112x1xi1>, vector<1112x1xf32>
    %lt3A_38 = arith.constant 10000 : i32
    %lt3A_39 = vector.broadcast %lt3A_38 : i32 to vector<1112x1xi32>
    %lt3A_40 = arith.cmpi slt, %add3A_32, %lt3A_39 : vector<1112x1xi32>
    %jit3A_41 = arith.constant -1.000000e+30 : f32
    %broadcast_in_dim3A_42 = vector.broadcast %jit3A_41 : f32 to vector<1112x1xf32>
    %select_n3A_43 = arith.select %lt3A_40, %broadcast_in_dim3A_28, %broadcast_in_dim3A_42 : vector<1112x1xi1>, vector<1112x1xf32>
    %swap3A_44 = arith.constant 0 : index
    %swap3A_45 = arith.constant 0 : index
    %swap3A_46 = vector.load %arg6[%swap3A_44, %swap3A_45] : memref<1112x1xf32, #tpu.memory_space<vmem>>, vector<1112x1xf32>
    tpu.vector_store %arg6[%swap3A_44, %swap3A_45], %select_n3A_37 {strides = array<i32>} : memref<1112x1xf32, #tpu.memory_space<vmem>>, vector<1112x1xf32>,
    %swap3A_47 = arith.constant 0 : index
    %swap3A_48 = arith.constant 0 : index
    %swap3A_49 = vector.load %arg7[%swap3A_47, %swap3A_48] : memref<1112x1xf32, #tpu.memory_space<vmem>>, vector<1112x1xf32>
    tpu.vector_store %arg7[%swap3A_47, %swap3A_48], %select_n3A_43 {strides = array<i32>} : memref<1112x1xf32, #tpu.memory_space<vmem>>, vector<1112x1xf32>,
    %eq3A_50 = arith.constant 0 : i32
    %eq3A_51 = arith.cmpi eq, %arg0, %eq3A_50 : i32
    %get3A_52 = arith.constant 0 : index
    %get3A_53 = memref.load %arg9[%get3A_52] : memref<2xf32, #tpu.memory_space<smem>>
    %jit3A_54 = arith.constant -1.000000e+30 : f32
    %select_n3A_55 = arith.select %eq3A_51, %jit3A_54, %get3A_53 : f32
    %eq3A_56 = arith.constant 0 : i32
    %eq3A_57 = arith.cmpi eq, %arg0, %eq3A_56 : i32
    %get3A_58 = arith.constant 1 : index
    %get3A_59 = memref.load %arg9[%get3A_58] : memref<2xf32, #tpu.memory_space<smem>>
    %jit3A_60 = arith.constant -1.000000e+30 : f32
    %select_n3A_61 = arith.select %eq3A_57, %jit3A_60, %get3A_59 : f32
    %reduce_max3A = vector.shape_cast %select_n3A_37 : vector<1112x1xf32> to vector<1x1112x1xf32>
    %reduce_max3A_62 = arith.constant dense<0xFF800000> : vector<1xf32>
    %reduce_max3A_63 = vector.multi_reduction <maximumf>, %reduce_max3A, %reduce_max3A_62 [1, 2] : vector<1x1112x1xf32> to vector<1xf32>
    %reduce_max3A_64 = vector.shape_cast %reduce_max3A_63 : vector<1xf32> to vector<1x1x1xf32>
    %reduce_max3A_65 = vector.extract %reduce_max3A_64[0, 0, 0] : f32 from vector<1x1x1xf32>
    %max3A = arith.maximumf %select_n3A_55, %reduce_max3A_65 : f32
    %swap3A_66 = arith.constant 0 : index
    %swap3A_67 = memref.load %arg9[%swap3A_66] : memref<2xf32, #tpu.memory_space<smem>>
    memref.store %max3A, %arg9[%swap3A_66] : memref<2xf32, #tpu.memory_space<smem>>
    %reduce_max3A_68 = vector.shape_cast %select_n3A_43 : vector<1112x1xf32> to vector<1x1112x1xf32>
    %reduce_max3A_69 = arith.constant dense<0xFF800000> : vector<1xf32>
    %reduce_max3A_70 = vector.multi_reduction <maximumf>, %reduce_max3A_68, %reduce_max3A_69 [1, 2] : vector<1x1112x1xf32> to vector<1xf32>
    %reduce_max3A_71 = vector.shape_cast %reduce_max3A_70 : vector<1xf32> to vector<1x1x1xf32>
    %reduce_max3A_72 = vector.extract %reduce_max3A_71[0, 0, 0] : f32 from vector<1x1x1xf32>
    %max3A_73 = arith.maximumf %select_n3A_61, %reduce_max3A_72 : f32
    %swap3A_74 = arith.constant 1 : index
    %swap3A_75 = memref.load %arg9[%swap3A_74] : memref<2xf32, #tpu.memory_space<smem>>
    memref.store %max3A_73, %arg9[%swap3A_74] : memref<2xf32, #tpu.memory_space<smem>>
    %eq3A_76 = arith.constant 8 : i32
    %eq3A_77 = arith.cmpi eq, %arg0, %eq3A_76 : i32
    %convert_element_type3A = arith.extui %eq3A_77 : i1 to i32
    %cond3A = arith.constant 0 : i32
    %cond3A_78 = arith.cmpi ne, %convert_element_type3A, %cond3A : i32
    scf.if %cond3A_78 {
      %get3A_79 = arith.constant 0 : index
      %get3A_80 = memref.load %arg9[%get3A_79] : memref<2xf32, #tpu.memory_space<smem>>
      %get3A_81 = arith.constant 1 : index
      %get3A_82 = memref.load %arg9[%get3A_81] : memref<2xf32, #tpu.memory_space<smem>>
      %add3A_83 = arith.addf %get3A_80, %get3A_82 : f32
      %gt3A = arith.constant 0.000000e+00 : f32
      %gt3A_84 = arith.cmpf ogt, %add3A_83, %gt3A : f32
      %mul3A_85 = arith.constant 2.000000e-01 : f32
      %mul3A_86 = arith.mulf %mul3A_85, %add3A_83 : f32
      %select_n3A_87 = arith.select %gt3A_84, %add3A_83, %mul3A_86 : f32
      %broadcast_in_dim3A_88 = vector.broadcast %select_n3A_87 : f32 to vector<1x128xf32>
      %swap3A_89 = arith.constant 0 : index
      %swap3A_90 = arith.constant 0 : index
      %swap3A_91 = vector.load %arg8[%swap3A_89, %swap3A_90] : memref<1x128xf32, #tpu.memory_space<vmem>>, vector<1x128xf32>
      tpu.vector_store %arg8[%swap3A_89, %swap3A_90], %broadcast_in_dim3A_88 {strides = array<i32>} : memref<1x128xf32, #tpu.memory_space<vmem>>, vector<1x128xf32>,
    } else {
    }
    return
  }
  func.func @transform_0(%arg0: i32) -> (i32, i32) {
    %c0_i32 = arith.constant 0 : i32
    %c0_i32_0 = arith.constant 0 : i32
    return %arg0, %c0_i32 : i32, i32
  }
  func.func @transform_1(%arg0: i32) -> (i32, i32) {
    %c0_i32 = arith.constant 0 : i32
    %c0_i32_0 = arith.constant 0 : i32
    %c0_i32_1 = arith.constant 0 : i32
    return %c0_i32, %c0_i32_0 : i32, i32
  }
  func.func @transform_2(%arg0: i32) -> (i32, i32) {
    %c0_i32 = arith.constant 0 : i32
    %c0_i32_0 = arith.constant 0 : i32
    %c0_i32_1 = arith.constant 0 : i32
    return %c0_i32, %c0_i32_0 : i32, i32
  }
  func.func @transform_3(%arg0: i32) -> (i32, i32) {
    %c0_i32 = arith.constant 0 : i32
    %c0_i32_0 = arith.constant 0 : i32
    %c0_i32_1 = arith.constant 0 : i32
    return %c0_i32, %c0_i32_0 : i32, i32
  }
  func.func @transform_4(%arg0: i32) -> (i32, i32) {
    %c0_i32 = arith.constant 0 : i32
    %c0_i32_0 = arith.constant 0 : i32
    return %arg0, %c0_i32 : i32, i32
  }
  func.func @transform_5(%arg0: i32) -> (i32, i32) {
    %c0_i32 = arith.constant 0 : i32
    %c0_i32_0 = arith.constant 0 : i32
    return %arg0, %c0_i32 : i32, i32
  }
  func.func @transform_6(%arg0: i32) -> (i32, i32) {
    %c0_i32 = arith.constant 0 : i32
    %c0_i32_0 = arith.constant 0 : i32
    return %arg0, %c0_i32 : i32, i32
  }
  func.func @transform_7(%arg0: i32) -> (i32, i32) {
    %c0_i32 = arith.constant 0 : i32
    %c0_i32_0 = arith.constant 0 : i32
    %c0_i32_1 = arith.constant 0 : i32
    return %c0_i32, %c0_i32_0 : i32, i32
  }
}

module attributes {stable_mosaic.version = 14 : i64} {
  func.func @_epi_body(%arg0: i32, %arg1: memref<2x1112x144xf32, #tpu.memory_space<vmem>>, %arg2: memref<1112x144xf32, #tpu.memory_space<vmem>>, %arg3: memref<1112x1xf32, #tpu.memory_space<vmem>>, %arg4: memref<1112x1xf32, #tpu.memory_space<vmem>>, %arg5: memref<1x128xf32, #tpu.memory_space<vmem>>, %arg6: memref<1x128xf32, #tpu.memory_space<vmem>>, %arg7: memref<1112x1xi32, #tpu.memory_space<vmem>>, %arg8: memref<16x128xf32, #tpu.memory_space<vmem>>) attributes {dimension_semantics = [#tpu.dimension_semantics<arbitrary>], iteration_bounds = array<i64: 9>, scalar_prefetch = 0 : i64, scratch_operands = 0 : i64, tpu.core_type = #tpu.core_type<tc>, window_params = [{transform_indices = @transform_0, window_bounds = array<i64: 2, 1112, 144>}, {transform_indices = @transform_1, window_bounds = array<i64: 1112, 144>}, {transform_indices = @transform_2, window_bounds = array<i64: 1112, 1>}, {transform_indices = @transform_3, window_bounds = array<i64: 1112, 1>}, {pipeline_mode = #tpu.pipeline_mode<synchronous>, transform_indices = @transform_4, window_bounds = array<i64: 1, 128>}, {pipeline_mode = #tpu.pipeline_mode<synchronous>, transform_indices = @transform_5, window_bounds = array<i64: 1, 128>}, {transform_indices = @transform_6, window_bounds = array<i64: 1112, 1>}, {pipeline_mode = #tpu.pipeline_mode<synchronous>, transform_indices = @transform_7, window_bounds = array<i64: 16, 128>}]} {
    %get3A = arith.constant 0 : index
    %get3A_0 = arith.constant 0 : index
    %get3A_1 = arith.constant 0 : index
    %get3A_2 = vector.load %arg1[%get3A, %get3A_0, %get3A_1] : memref<2x1112x144xf32, #tpu.memory_space<vmem>>, vector<1x1112x128xf32>
    %get3A_3 = vector.shape_cast %get3A_2 : vector<1x1112x128xf32> to vector<1112x128xf32>
    %get3A_4 = arith.constant 1 : index
    %get3A_5 = arith.constant 0 : index
    %get3A_6 = arith.constant 0 : index
    %get3A_7 = vector.load %arg1[%get3A_4, %get3A_5, %get3A_6] : memref<2x1112x144xf32, #tpu.memory_space<vmem>>, vector<1x1112x128xf32>
    %get3A_8 = vector.shape_cast %get3A_7 : vector<1x1112x128xf32> to vector<1112x128xf32>
    %add3A = arith.addf %get3A_3, %get3A_8 : vector<1112x128xf32>
    %get3A_9 = arith.constant 0 : index
    %get3A_10 = arith.constant 0 : index
    %get3A_11 = arith.constant 128 : index
    %get3A_12 = vector.load %arg1[%get3A_9, %get3A_10, %get3A_11] : memref<2x1112x144xf32, #tpu.memory_space<vmem>>, vector<1x1112x1xf32>
    %get3A_13 = vector.shape_cast %get3A_12 : vector<1x1112x1xf32> to vector<1112x1xf32>
    %get3A_14 = arith.constant 1 : index
    %get3A_15 = arith.constant 0 : index
    %get3A_16 = arith.constant 128 : index
    %get3A_17 = vector.load %arg1[%get3A_14, %get3A_15, %get3A_16] : memref<2x1112x144xf32, #tpu.memory_space<vmem>>, vector<1x1112x1xf32>
    %get3A_18 = vector.shape_cast %get3A_17 : vector<1x1112x1xf32> to vector<1112x1xf32>
    %add3A_19 = arith.addf %get3A_13, %get3A_18 : vector<1112x1xf32>
    %get3A_20 = arith.constant 0 : index
    %get3A_21 = arith.constant 0 : index
    %get3A_22 = vector.load %arg3[%get3A_20, %get3A_21] : memref<1112x1xf32, #tpu.memory_space<vmem>>, vector<1112x1xf32>
    %get3A_23 = arith.constant 0 : index
    %get3A_24 = arith.constant 0 : index
    %get3A_25 = vector.load %arg4[%get3A_23, %get3A_24] : memref<1112x1xf32, #tpu.memory_space<vmem>>, vector<1112x1xf32>
    %add3A_26 = arith.addf %get3A_22, %get3A_25 : vector<1112x1xf32>
    %gt3A = arith.constant 0.000000e+00 : f32
    %gt3A_27 = vector.broadcast %gt3A : f32 to vector<1112x1xf32>
    %gt3A_28 = arith.cmpf ogt, %add3A_26, %gt3A_27 : vector<1112x1xf32>
    %mul3A = arith.constant 2.000000e-01 : f32
    %mul3A_29 = vector.broadcast %mul3A : f32 to vector<1112x1xf32>
    %mul3A_30 = arith.mulf %add3A_26, %mul3A_29 : vector<1112x1xf32>
    %select_n3A = arith.select %gt3A_28, %add3A_26, %mul3A_30 : vector<1112x1xi1>, vector<1112x1xf32>
    %get3A_31 = arith.constant 0 : index
    %get3A_32 = arith.constant 0 : index
    %get3A_33 = vector.load %arg5[%get3A_31, %get3A_32] : memref<1x128xf32, #tpu.memory_space<vmem>>, vector<1x1xf32>
    %get3A_34 = vector.extract %get3A_33[0, 0] : f32 from vector<1x1xf32>
    %sub3A = vector.broadcast %get3A_34 : f32 to vector<1112x1xf32>
    %sub3A_35 = arith.subf %select_n3A, %sub3A : vector<1112x1xf32>
    %exp3A = math.exp %sub3A_35 : vector<1112x1xf32>
    %get3A_36 = arith.constant 0 : index
    %get3A_37 = arith.constant 0 : index
    %get3A_38 = vector.load %arg2[%get3A_36, %get3A_37] : memref<1112x144xf32, #tpu.memory_space<vmem>>, vector<1112x128xf32>
    %mul3A_39 = vector.broadcast %exp3A : vector<1112x1xf32> to vector<1112x128xf32>
    %mul3A_40 = arith.mulf %mul3A_39, %get3A_38 : vector<1112x128xf32>
    %add3A_41 = arith.addf %add3A, %mul3A_40 : vector<1112x128xf32>
    %add3A_42 = arith.addf %add3A_19, %exp3A : vector<1112x1xf32>
    %add3A_43 = arith.constant 1.000000e-16 : f32
    %add3A_44 = vector.broadcast %add3A_43 : f32 to vector<1112x1xf32>
    %add3A_45 = arith.addf %add3A_42, %add3A_44 : vector<1112x1xf32>
    %div3A = vector.broadcast %add3A_45 : vector<1112x1xf32> to vector<1112x128xf32>
    %div3A_46 = arith.divf %add3A_41, %div3A : vector<1112x128xf32>
    %get3A_47 = arith.constant 0 : index
    %get3A_48 = arith.constant 0 : index
    %get3A_49 = vector.load %arg6[%get3A_47, %get3A_48] : memref<1x128xf32, #tpu.memory_space<vmem>>, vector<1x128xf32>
    %add3A_50 = vector.broadcast %get3A_49 : vector<1x128xf32> to vector<1112x128xf32>
    %add3A_51 = arith.addf %div3A_46, %add3A_50 : vector<1112x128xf32>
    %max3A = arith.constant 0.000000e+00 : f32
    %max3A_52 = vector.broadcast %max3A : f32 to vector<1112x128xf32>
    %max3A_53 = arith.maximumf %add3A_51, %max3A_52 : vector<1112x128xf32>
    %eq3A = arith.constant 0 : i32
    %eq3A_54 = arith.cmpi eq, %arg0, %eq3A : i32
    %broadcast_in_dim3A = arith.constant 0xFF800000 : f32
    %broadcast_in_dim3A_55 = vector.broadcast %broadcast_in_dim3A : f32 to vector<16x128xf32>
    %get3A_56 = arith.constant 0 : index
    %get3A_57 = arith.constant 0 : index
    %get3A_58 = vector.load %arg8[%get3A_56, %get3A_57] : memref<16x128xf32, #tpu.memory_space<vmem>>, vector<16x128xf32>
    %select_n3A_59 = arith.select %eq3A_54, %broadcast_in_dim3A_55, %get3A_58 : vector<16x128xf32>
    %get3A_60 = arith.constant 0 : index
    %get3A_61 = arith.constant 0 : index
    %get3A_62 = vector.load %arg7[%get3A_60, %get3A_61] : memref<1112x1xi32, #tpu.memory_space<vmem>>, vector<1112x1xi32>
    %eq3A_63 = arith.constant 0 : i32
    %eq3A_64 = vector.broadcast %eq3A_63 : i32 to vector<1112x1xi32>
    %eq3A_65 = arith.cmpi eq, %get3A_62, %eq3A_64 : vector<1112x1xi32>
    %jit3A = arith.constant 0xFF800000 : f32
    %broadcast_in_dim3A_66 = vector.shape_cast %eq3A_65 : vector<1112x1xi1> to vector<1112x1xi1>
    %broadcast_in_dim3A_67 = vector.broadcast %broadcast_in_dim3A_66 : vector<1112x1xi1> to vector<1112x128xi1>
    %broadcast_in_dim3A_68 = vector.broadcast %jit3A : f32 to vector<1112x128xf32>
    %select_n3A_69 = arith.select %broadcast_in_dim3A_67, %max3A_53, %broadcast_in_dim3A_68 : vector<1112x128xi1>, vector<1112x128xf32>
    %reduce_max3A = arith.constant dense<0xFF800000> : vector<128xf32>
    %reduce_max3A_70 = vector.multi_reduction <maximumf>, %select_n3A_69, %reduce_max3A [0] : vector<1112x128xf32> to vector<128xf32>
    %broadcast_in_dim3A_71 = vector.shape_cast %reduce_max3A_70 : vector<128xf32> to vector<1x128xf32>
    %get3A_72 = arith.constant 0 : index
    %get3A_73 = arith.constant 0 : index
    %get3A_74 = vector.load %arg7[%get3A_72, %get3A_73] : memref<1112x1xi32, #tpu.memory_space<vmem>>, vector<1112x1xi32>
    %eq3A_75 = arith.constant 1 : i32
    %eq3A_76 = vector.broadcast %eq3A_75 : i32 to vector<1112x1xi32>
    %eq3A_77 = arith.cmpi eq, %get3A_74, %eq3A_76 : vector<1112x1xi32>
    %jit3A_78 = arith.constant 0xFF800000 : f32
    %broadcast_in_dim3A_79 = vector.shape_cast %eq3A_77 : vector<1112x1xi1> to vector<1112x1xi1>
    %broadcast_in_dim3A_80 = vector.broadcast %broadcast_in_dim3A_79 : vector<1112x1xi1> to vector<1112x128xi1>
    %broadcast_in_dim3A_81 = vector.broadcast %jit3A_78 : f32 to vector<1112x128xf32>
    %select_n3A_82 = arith.select %broadcast_in_dim3A_80, %max3A_53, %broadcast_in_dim3A_81 : vector<1112x128xi1>, vector<1112x128xf32>
    %reduce_max3A_83 = arith.constant dense<0xFF800000> : vector<128xf32>
    %reduce_max3A_84 = vector.multi_reduction <maximumf>, %select_n3A_82, %reduce_max3A_83 [0] : vector<1112x128xf32> to vector<128xf32>
    %broadcast_in_dim3A_85 = vector.shape_cast %reduce_max3A_84 : vector<128xf32> to vector<1x128xf32>
    %get3A_86 = arith.constant 0 : index
    %get3A_87 = arith.constant 0 : index
    %get3A_88 = vector.load %arg7[%get3A_86, %get3A_87] : memref<1112x1xi32, #tpu.memory_space<vmem>>, vector<1112x1xi32>
    %eq3A_89 = arith.constant 2 : i32
    %eq3A_90 = vector.broadcast %eq3A_89 : i32 to vector<1112x1xi32>
    %eq3A_91 = arith.cmpi eq, %get3A_88, %eq3A_90 : vector<1112x1xi32>
    %jit3A_92 = arith.constant 0xFF800000 : f32
    %broadcast_in_dim3A_93 = vector.shape_cast %eq3A_91 : vector<1112x1xi1> to vector<1112x1xi1>
    %broadcast_in_dim3A_94 = vector.broadcast %broadcast_in_dim3A_93 : vector<1112x1xi1> to vector<1112x128xi1>
    %broadcast_in_dim3A_95 = vector.broadcast %jit3A_92 : f32 to vector<1112x128xf32>
    %select_n3A_96 = arith.select %broadcast_in_dim3A_94, %max3A_53, %broadcast_in_dim3A_95 : vector<1112x128xi1>, vector<1112x128xf32>
    %reduce_max3A_97 = arith.constant dense<0xFF800000> : vector<128xf32>
    %reduce_max3A_98 = vector.multi_reduction <maximumf>, %select_n3A_96, %reduce_max3A_97 [0] : vector<1112x128xf32> to vector<128xf32>
    %broadcast_in_dim3A_99 = vector.shape_cast %reduce_max3A_98 : vector<128xf32> to vector<1x128xf32>
    %get3A_100 = arith.constant 0 : index
    %get3A_101 = arith.constant 0 : index
    %get3A_102 = vector.load %arg7[%get3A_100, %get3A_101] : memref<1112x1xi32, #tpu.memory_space<vmem>>, vector<1112x1xi32>
    %eq3A_103 = arith.constant 3 : i32
    %eq3A_104 = vector.broadcast %eq3A_103 : i32 to vector<1112x1xi32>
    %eq3A_105 = arith.cmpi eq, %get3A_102, %eq3A_104 : vector<1112x1xi32>
    %jit3A_106 = arith.constant 0xFF800000 : f32
    %broadcast_in_dim3A_107 = vector.shape_cast %eq3A_105 : vector<1112x1xi1> to vector<1112x1xi1>
    %broadcast_in_dim3A_108 = vector.broadcast %broadcast_in_dim3A_107 : vector<1112x1xi1> to vector<1112x128xi1>
    %broadcast_in_dim3A_109 = vector.broadcast %jit3A_106 : f32 to vector<1112x128xf32>
    %select_n3A_110 = arith.select %broadcast_in_dim3A_108, %max3A_53, %broadcast_in_dim3A_109 : vector<1112x128xi1>, vector<1112x128xf32>
    %reduce_max3A_111 = arith.constant dense<0xFF800000> : vector<128xf32>
    %reduce_max3A_112 = vector.multi_reduction <maximumf>, %select_n3A_110, %reduce_max3A_111 [0] : vector<1112x128xf32> to vector<128xf32>
    %broadcast_in_dim3A_113 = vector.shape_cast %reduce_max3A_112 : vector<128xf32> to vector<1x128xf32>
    %get3A_114 = arith.constant 0 : index
    %get3A_115 = arith.constant 0 : index
    %get3A_116 = vector.load %arg7[%get3A_114, %get3A_115] : memref<1112x1xi32, #tpu.memory_space<vmem>>, vector<1112x1xi32>
    %eq3A_117 = arith.constant 4 : i32
    %eq3A_118 = vector.broadcast %eq3A_117 : i32 to vector<1112x1xi32>
    %eq3A_119 = arith.cmpi eq, %get3A_116, %eq3A_118 : vector<1112x1xi32>
    %jit3A_120 = arith.constant 0xFF800000 : f32
    %broadcast_in_dim3A_121 = vector.shape_cast %eq3A_119 : vector<1112x1xi1> to vector<1112x1xi1>
    %broadcast_in_dim3A_122 = vector.broadcast %broadcast_in_dim3A_121 : vector<1112x1xi1> to vector<1112x128xi1>
    %broadcast_in_dim3A_123 = vector.broadcast %jit3A_120 : f32 to vector<1112x128xf32>
    %select_n3A_124 = arith.select %broadcast_in_dim3A_122, %max3A_53, %broadcast_in_dim3A_123 : vector<1112x128xi1>, vector<1112x128xf32>
    %reduce_max3A_125 = arith.constant dense<0xFF800000> : vector<128xf32>
    %reduce_max3A_126 = vector.multi_reduction <maximumf>, %select_n3A_124, %reduce_max3A_125 [0] : vector<1112x128xf32> to vector<128xf32>
    %broadcast_in_dim3A_127 = vector.shape_cast %reduce_max3A_126 : vector<128xf32> to vector<1x128xf32>
    %get3A_128 = arith.constant 0 : index
    %get3A_129 = arith.constant 0 : index
    %get3A_130 = vector.load %arg7[%get3A_128, %get3A_129] : memref<1112x1xi32, #tpu.memory_space<vmem>>, vector<1112x1xi32>
    %eq3A_131 = arith.constant 5 : i32
    %eq3A_132 = vector.broadcast %eq3A_131 : i32 to vector<1112x1xi32>
    %eq3A_133 = arith.cmpi eq, %get3A_130, %eq3A_132 : vector<1112x1xi32>
    %jit3A_134 = arith.constant 0xFF800000 : f32
    %broadcast_in_dim3A_135 = vector.shape_cast %eq3A_133 : vector<1112x1xi1> to vector<1112x1xi1>
    %broadcast_in_dim3A_136 = vector.broadcast %broadcast_in_dim3A_135 : vector<1112x1xi1> to vector<1112x128xi1>
    %broadcast_in_dim3A_137 = vector.broadcast %jit3A_134 : f32 to vector<1112x128xf32>
    %select_n3A_138 = arith.select %broadcast_in_dim3A_136, %max3A_53, %broadcast_in_dim3A_137 : vector<1112x128xi1>, vector<1112x128xf32>
    %reduce_max3A_139 = arith.constant dense<0xFF800000> : vector<128xf32>
    %reduce_max3A_140 = vector.multi_reduction <maximumf>, %select_n3A_138, %reduce_max3A_139 [0] : vector<1112x128xf32> to vector<128xf32>
    %broadcast_in_dim3A_141 = vector.shape_cast %reduce_max3A_140 : vector<128xf32> to vector<1x128xf32>
    %get3A_142 = arith.constant 0 : index
    %get3A_143 = arith.constant 0 : index
    %get3A_144 = vector.load %arg7[%get3A_142, %get3A_143] : memref<1112x1xi32, #tpu.memory_space<vmem>>, vector<1112x1xi32>
    %eq3A_145 = arith.constant 6 : i32
    %eq3A_146 = vector.broadcast %eq3A_145 : i32 to vector<1112x1xi32>
    %eq3A_147 = arith.cmpi eq, %get3A_144, %eq3A_146 : vector<1112x1xi32>
    %jit3A_148 = arith.constant 0xFF800000 : f32
    %broadcast_in_dim3A_149 = vector.shape_cast %eq3A_147 : vector<1112x1xi1> to vector<1112x1xi1>
    %broadcast_in_dim3A_150 = vector.broadcast %broadcast_in_dim3A_149 : vector<1112x1xi1> to vector<1112x128xi1>
    %broadcast_in_dim3A_151 = vector.broadcast %jit3A_148 : f32 to vector<1112x128xf32>
    %select_n3A_152 = arith.select %broadcast_in_dim3A_150, %max3A_53, %broadcast_in_dim3A_151 : vector<1112x128xi1>, vector<1112x128xf32>
    %reduce_max3A_153 = arith.constant dense<0xFF800000> : vector<128xf32>
    %reduce_max3A_154 = vector.multi_reduction <maximumf>, %select_n3A_152, %reduce_max3A_153 [0] : vector<1112x128xf32> to vector<128xf32>
    %broadcast_in_dim3A_155 = vector.shape_cast %reduce_max3A_154 : vector<128xf32> to vector<1x128xf32>
    %get3A_156 = arith.constant 0 : index
    %get3A_157 = arith.constant 0 : index
    %get3A_158 = vector.load %arg7[%get3A_156, %get3A_157] : memref<1112x1xi32, #tpu.memory_space<vmem>>, vector<1112x1xi32>
    %eq3A_159 = arith.constant 7 : i32
    %eq3A_160 = vector.broadcast %eq3A_159 : i32 to vector<1112x1xi32>
    %eq3A_161 = arith.cmpi eq, %get3A_158, %eq3A_160 : vector<1112x1xi32>
    %jit3A_162 = arith.constant 0xFF800000 : f32
    %broadcast_in_dim3A_163 = vector.shape_cast %eq3A_161 : vector<1112x1xi1> to vector<1112x1xi1>
    %broadcast_in_dim3A_164 = vector.broadcast %broadcast_in_dim3A_163 : vector<1112x1xi1> to vector<1112x128xi1>
    %broadcast_in_dim3A_165 = vector.broadcast %jit3A_162 : f32 to vector<1112x128xf32>
    %select_n3A_166 = arith.select %broadcast_in_dim3A_164, %max3A_53, %broadcast_in_dim3A_165 : vector<1112x128xi1>, vector<1112x128xf32>
    %reduce_max3A_167 = arith.constant dense<0xFF800000> : vector<128xf32>
    %reduce_max3A_168 = vector.multi_reduction <maximumf>, %select_n3A_166, %reduce_max3A_167 [0] : vector<1112x128xf32> to vector<128xf32>
    %broadcast_in_dim3A_169 = vector.shape_cast %reduce_max3A_168 : vector<128xf32> to vector<1x128xf32>
    %get3A_170 = arith.constant 0 : index
    %get3A_171 = arith.constant 0 : index
    %get3A_172 = vector.load %arg7[%get3A_170, %get3A_171] : memref<1112x1xi32, #tpu.memory_space<vmem>>, vector<1112x1xi32>
    %eq3A_173 = arith.constant 8 : i32
    %eq3A_174 = vector.broadcast %eq3A_173 : i32 to vector<1112x1xi32>
    %eq3A_175 = arith.cmpi eq, %get3A_172, %eq3A_174 : vector<1112x1xi32>
    %jit3A_176 = arith.constant 0xFF800000 : f32
    %broadcast_in_dim3A_177 = vector.shape_cast %eq3A_175 : vector<1112x1xi1> to vector<1112x1xi1>
    %broadcast_in_dim3A_178 = vector.broadcast %broadcast_in_dim3A_177 : vector<1112x1xi1> to vector<1112x128xi1>
    %broadcast_in_dim3A_179 = vector.broadcast %jit3A_176 : f32 to vector<1112x128xf32>
    %select_n3A_180 = arith.select %broadcast_in_dim3A_178, %max3A_53, %broadcast_in_dim3A_179 : vector<1112x128xi1>, vector<1112x128xf32>
    %reduce_max3A_181 = arith.constant dense<0xFF800000> : vector<128xf32>
    %reduce_max3A_182 = vector.multi_reduction <maximumf>, %select_n3A_180, %reduce_max3A_181 [0] : vector<1112x128xf32> to vector<128xf32>
    %broadcast_in_dim3A_183 = vector.shape_cast %reduce_max3A_182 : vector<128xf32> to vector<1x128xf32>
    %get3A_184 = arith.constant 0 : index
    %get3A_185 = arith.constant 0 : index
    %get3A_186 = vector.load %arg7[%get3A_184, %get3A_185] : memref<1112x1xi32, #tpu.memory_space<vmem>>, vector<1112x1xi32>
    %eq3A_187 = arith.constant 9 : i32
    %eq3A_188 = vector.broadcast %eq3A_187 : i32 to vector<1112x1xi32>
    %eq3A_189 = arith.cmpi eq, %get3A_186, %eq3A_188 : vector<1112x1xi32>
    %jit3A_190 = arith.constant 0xFF800000 : f32
    %broadcast_in_dim3A_191 = vector.shape_cast %eq3A_189 : vector<1112x1xi1> to vector<1112x1xi1>
    %broadcast_in_dim3A_192 = vector.broadcast %broadcast_in_dim3A_191 : vector<1112x1xi1> to vector<1112x128xi1>
    %broadcast_in_dim3A_193 = vector.broadcast %jit3A_190 : f32 to vector<1112x128xf32>
    %select_n3A_194 = arith.select %broadcast_in_dim3A_192, %max3A_53, %broadcast_in_dim3A_193 : vector<1112x128xi1>, vector<1112x128xf32>
    %reduce_max3A_195 = arith.constant dense<0xFF800000> : vector<128xf32>
    %reduce_max3A_196 = vector.multi_reduction <maximumf>, %select_n3A_194, %reduce_max3A_195 [0] : vector<1112x128xf32> to vector<128xf32>
    %broadcast_in_dim3A_197 = vector.shape_cast %reduce_max3A_196 : vector<128xf32> to vector<1x128xf32>
    %get3A_198 = arith.constant 0 : index
    %get3A_199 = arith.constant 0 : index
    %get3A_200 = vector.load %arg7[%get3A_198, %get3A_199] : memref<1112x1xi32, #tpu.memory_space<vmem>>, vector<1112x1xi32>
    %eq3A_201 = arith.constant 10 : i32
    %eq3A_202 = vector.broadcast %eq3A_201 : i32 to vector<1112x1xi32>
    %eq3A_203 = arith.cmpi eq, %get3A_200, %eq3A_202 : vector<1112x1xi32>
    %jit3A_204 = arith.constant 0xFF800000 : f32
    %broadcast_in_dim3A_205 = vector.shape_cast %eq3A_203 : vector<1112x1xi1> to vector<1112x1xi1>
    %broadcast_in_dim3A_206 = vector.broadcast %broadcast_in_dim3A_205 : vector<1112x1xi1> to vector<1112x128xi1>
    %broadcast_in_dim3A_207 = vector.broadcast %jit3A_204 : f32 to vector<1112x128xf32>
    %select_n3A_208 = arith.select %broadcast_in_dim3A_206, %max3A_53, %broadcast_in_dim3A_207 : vector<1112x128xi1>, vector<1112x128xf32>
    %reduce_max3A_209 = arith.constant dense<0xFF800000> : vector<128xf32>
    %reduce_max3A_210 = vector.multi_reduction <maximumf>, %select_n3A_208, %reduce_max3A_209 [0] : vector<1112x128xf32> to vector<128xf32>
    %broadcast_in_dim3A_211 = vector.shape_cast %reduce_max3A_210 : vector<128xf32> to vector<1x128xf32>
    %get3A_212 = arith.constant 0 : index
    %get3A_213 = arith.constant 0 : index
    %get3A_214 = vector.load %arg7[%get3A_212, %get3A_213] : memref<1112x1xi32, #tpu.memory_space<vmem>>, vector<1112x1xi32>
    %eq3A_215 = arith.constant 11 : i32
    %eq3A_216 = vector.broadcast %eq3A_215 : i32 to vector<1112x1xi32>
    %eq3A_217 = arith.cmpi eq, %get3A_214, %eq3A_216 : vector<1112x1xi32>
    %jit3A_218 = arith.constant 0xFF800000 : f32
    %broadcast_in_dim3A_219 = vector.shape_cast %eq3A_217 : vector<1112x1xi1> to vector<1112x1xi1>
    %broadcast_in_dim3A_220 = vector.broadcast %broadcast_in_dim3A_219 : vector<1112x1xi1> to vector<1112x128xi1>
    %broadcast_in_dim3A_221 = vector.broadcast %jit3A_218 : f32 to vector<1112x128xf32>
    %select_n3A_222 = arith.select %broadcast_in_dim3A_220, %max3A_53, %broadcast_in_dim3A_221 : vector<1112x128xi1>, vector<1112x128xf32>
    %reduce_max3A_223 = arith.constant dense<0xFF800000> : vector<128xf32>
    %reduce_max3A_224 = vector.multi_reduction <maximumf>, %select_n3A_222, %reduce_max3A_223 [0] : vector<1112x128xf32> to vector<128xf32>
    %broadcast_in_dim3A_225 = vector.shape_cast %reduce_max3A_224 : vector<128xf32> to vector<1x128xf32>
    %get3A_226 = arith.constant 0 : index
    %get3A_227 = arith.constant 0 : index
    %get3A_228 = vector.load %arg7[%get3A_226, %get3A_227] : memref<1112x1xi32, #tpu.memory_space<vmem>>, vector<1112x1xi32>
    %eq3A_229 = arith.constant 12 : i32
    %eq3A_230 = vector.broadcast %eq3A_229 : i32 to vector<1112x1xi32>
    %eq3A_231 = arith.cmpi eq, %get3A_228, %eq3A_230 : vector<1112x1xi32>
    %jit3A_232 = arith.constant 0xFF800000 : f32
    %broadcast_in_dim3A_233 = vector.shape_cast %eq3A_231 : vector<1112x1xi1> to vector<1112x1xi1>
    %broadcast_in_dim3A_234 = vector.broadcast %broadcast_in_dim3A_233 : vector<1112x1xi1> to vector<1112x128xi1>
    %broadcast_in_dim3A_235 = vector.broadcast %jit3A_232 : f32 to vector<1112x128xf32>
    %select_n3A_236 = arith.select %broadcast_in_dim3A_234, %max3A_53, %broadcast_in_dim3A_235 : vector<1112x128xi1>, vector<1112x128xf32>
    %reduce_max3A_237 = arith.constant dense<0xFF800000> : vector<128xf32>
    %reduce_max3A_238 = vector.multi_reduction <maximumf>, %select_n3A_236, %reduce_max3A_237 [0] : vector<1112x128xf32> to vector<128xf32>
    %broadcast_in_dim3A_239 = vector.shape_cast %reduce_max3A_238 : vector<128xf32> to vector<1x128xf32>
    %get3A_240 = arith.constant 0 : index
    %get3A_241 = arith.constant 0 : index
    %get3A_242 = vector.load %arg7[%get3A_240, %get3A_241] : memref<1112x1xi32, #tpu.memory_space<vmem>>, vector<1112x1xi32>
    %eq3A_243 = arith.constant 13 : i32
    %eq3A_244 = vector.broadcast %eq3A_243 : i32 to vector<1112x1xi32>
    %eq3A_245 = arith.cmpi eq, %get3A_242, %eq3A_244 : vector<1112x1xi32>
    %jit3A_246 = arith.constant 0xFF800000 : f32
    %broadcast_in_dim3A_247 = vector.shape_cast %eq3A_245 : vector<1112x1xi1> to vector<1112x1xi1>
    %broadcast_in_dim3A_248 = vector.broadcast %broadcast_in_dim3A_247 : vector<1112x1xi1> to vector<1112x128xi1>
    %broadcast_in_dim3A_249 = vector.broadcast %jit3A_246 : f32 to vector<1112x128xf32>
    %select_n3A_250 = arith.select %broadcast_in_dim3A_248, %max3A_53, %broadcast_in_dim3A_249 : vector<1112x128xi1>, vector<1112x128xf32>
    %reduce_max3A_251 = arith.constant dense<0xFF800000> : vector<128xf32>
    %reduce_max3A_252 = vector.multi_reduction <maximumf>, %select_n3A_250, %reduce_max3A_251 [0] : vector<1112x128xf32> to vector<128xf32>
    %broadcast_in_dim3A_253 = vector.shape_cast %reduce_max3A_252 : vector<128xf32> to vector<1x128xf32>
    %get3A_254 = arith.constant 0 : index
    %get3A_255 = arith.constant 0 : index
    %get3A_256 = vector.load %arg7[%get3A_254, %get3A_255] : memref<1112x1xi32, #tpu.memory_space<vmem>>, vector<1112x1xi32>
    %eq3A_257 = arith.constant 14 : i32
    %eq3A_258 = vector.broadcast %eq3A_257 : i32 to vector<1112x1xi32>
    %eq3A_259 = arith.cmpi eq, %get3A_256, %eq3A_258 : vector<1112x1xi32>
    %jit3A_260 = arith.constant 0xFF800000 : f32
    %broadcast_in_dim3A_261 = vector.shape_cast %eq3A_259 : vector<1112x1xi1> to vector<1112x1xi1>
    %broadcast_in_dim3A_262 = vector.broadcast %broadcast_in_dim3A_261 : vector<1112x1xi1> to vector<1112x128xi1>
    %broadcast_in_dim3A_263 = vector.broadcast %jit3A_260 : f32 to vector<1112x128xf32>
    %select_n3A_264 = arith.select %broadcast_in_dim3A_262, %max3A_53, %broadcast_in_dim3A_263 : vector<1112x128xi1>, vector<1112x128xf32>
    %reduce_max3A_265 = arith.constant dense<0xFF800000> : vector<128xf32>
    %reduce_max3A_266 = vector.multi_reduction <maximumf>, %select_n3A_264, %reduce_max3A_265 [0] : vector<1112x128xf32> to vector<128xf32>
    %broadcast_in_dim3A_267 = vector.shape_cast %reduce_max3A_266 : vector<128xf32> to vector<1x128xf32>
    %get3A_268 = arith.constant 0 : index
    %get3A_269 = arith.constant 0 : index
    %get3A_270 = vector.load %arg7[%get3A_268, %get3A_269] : memref<1112x1xi32, #tpu.memory_space<vmem>>, vector<1112x1xi32>
    %eq3A_271 = arith.constant 15 : i32
    %eq3A_272 = vector.broadcast %eq3A_271 : i32 to vector<1112x1xi32>
    %eq3A_273 = arith.cmpi eq, %get3A_270, %eq3A_272 : vector<1112x1xi32>
    %jit3A_274 = arith.constant 0xFF800000 : f32
    %broadcast_in_dim3A_275 = vector.shape_cast %eq3A_273 : vector<1112x1xi1> to vector<1112x1xi1>
    %broadcast_in_dim3A_276 = vector.broadcast %broadcast_in_dim3A_275 : vector<1112x1xi1> to vector<1112x128xi1>
    %broadcast_in_dim3A_277 = vector.broadcast %jit3A_274 : f32 to vector<1112x128xf32>
    %select_n3A_278 = arith.select %broadcast_in_dim3A_276, %max3A_53, %broadcast_in_dim3A_277 : vector<1112x128xi1>, vector<1112x128xf32>
    %reduce_max3A_279 = arith.constant dense<0xFF800000> : vector<128xf32>
    %reduce_max3A_280 = vector.multi_reduction <maximumf>, %select_n3A_278, %reduce_max3A_279 [0] : vector<1112x128xf32> to vector<128xf32>
    %broadcast_in_dim3A_281 = vector.shape_cast %reduce_max3A_280 : vector<128xf32> to vector<1x128xf32>
    %concatenate3A = tpu.concatenate %broadcast_in_dim3A_71, %broadcast_in_dim3A_85, %broadcast_in_dim3A_99, %broadcast_in_dim3A_113, %broadcast_in_dim3A_127, %broadcast_in_dim3A_141, %broadcast_in_dim3A_155, %broadcast_in_dim3A_169, %broadcast_in_dim3A_183, %broadcast_in_dim3A_197, %broadcast_in_dim3A_211, %broadcast_in_dim3A_225, %broadcast_in_dim3A_239, %broadcast_in_dim3A_253, %broadcast_in_dim3A_267, %broadcast_in_dim3A_281 in 0 : vector<1x128xf32>, vector<1x128xf32>, vector<1x128xf32>, vector<1x128xf32>, vector<1x128xf32>, vector<1x128xf32>, vector<1x128xf32>, vector<1x128xf32>, vector<1x128xf32>, vector<1x128xf32>, vector<1x128xf32>, vector<1x128xf32>, vector<1x128xf32>, vector<1x128xf32>, vector<1x128xf32>, vector<1x128xf32> -> vector<16x128xf32>
    %max3A_282 = arith.maximumf %select_n3A_59, %concatenate3A : vector<16x128xf32>
    %lt3A = arith.constant 8 : i32
    %lt3A_283 = arith.cmpi slt, %arg0, %lt3A : i32
    %convert_element_type3A = arith.extui %lt3A_283 : i1 to i32
    %cond3A = arith.constant 0 : i32
    %cond3A_284 = arith.cmpi ne, %convert_element_type3A, %cond3A : i32
    scf.if %cond3A_284 {
      %swap3A = arith.constant 0 : index
      %swap3A_290 = arith.constant 0 : index
      %swap3A_291 = vector.load %arg8[%swap3A, %swap3A_290] : memref<16x128xf32, #tpu.memory_space<vmem>>, vector<16x128xf32>
      tpu.vector_store %arg8[%swap3A, %swap3A_290], %max3A_282 {strides = array<i32>} : memref<16x128xf32, #tpu.memory_space<vmem>>, vector<16x128xf32>,
    } else {
    }
    %eq3A_285 = arith.constant 8 : i32
    %eq3A_286 = arith.cmpi eq, %arg0, %eq3A_285 : i32
    %convert_element_type3A_287 = arith.extui %eq3A_286 : i1 to i32
    %cond3A_288 = arith.constant 0 : i32
    %cond3A_289 = arith.cmpi ne, %convert_element_type3A_287, %cond3A_288 : i32
    scf.if %cond3A_289 {
      %is_finite3A = tpu.weird %max3A_282 : vector<16x128xf32> -> vector<16x128xi1>
      %is_finite3A_290 = arith.constant dense<true> : vector<16x128xi1>
      %is_finite3A_291 = arith.xori %is_finite3A, %is_finite3A_290 : vector<16x128xi1>
      %jit3A_292 = arith.constant 0.000000e+00 : f32
      %broadcast_in_dim3A_293 = vector.broadcast %jit3A_292 : f32 to vector<16x128xf32>
      %select_n3A_294 = arith.select %is_finite3A_291, %max3A_282, %broadcast_in_dim3A_293 : vector<16x128xi1>, vector<16x128xf32>
      %swap3A = arith.constant 0 : index
      %swap3A_295 = arith.constant 0 : index
      %swap3A_296 = vector.load %arg8[%swap3A, %swap3A_295] : memref<16x128xf32, #tpu.memory_space<vmem>>, vector<16x128xf32>
      tpu.vector_store %arg8[%swap3A, %swap3A_295], %select_n3A_294 {strides = array<i32>} : memref<16x128xf32, #tpu.memory_space<vmem>>, vector<16x128xf32>,
    } else {
    }
    return
  }
  func.func @transform_0(%arg0: i32) -> (i32, i32, i32) {
    %c0_i32 = arith.constant 0 : i32
    %c0_i32_0 = arith.constant 0 : i32
    %c0_i32_1 = arith.constant 0 : i32
    return %c0_i32, %arg0, %c0_i32_0 : i32, i32, i32
  }
  func.func @transform_1(%arg0: i32) -> (i32, i32) {
    %c0_i32 = arith.constant 0 : i32
    %c0_i32_0 = arith.constant 0 : i32
    return %arg0, %c0_i32 : i32, i32
  }
  func.func @transform_2(%arg0: i32) -> (i32, i32) {
    %c0_i32 = arith.constant 0 : i32
    %c0_i32_0 = arith.constant 0 : i32
    return %arg0, %c0_i32 : i32, i32
  }
  func.func @transform_3(%arg0: i32) -> (i32, i32) {
    %c0_i32 = arith.constant 0 : i32
    %c0_i32_0 = arith.constant 0 : i32
    return %arg0, %c0_i32 : i32, i32
  }
  func.func @transform_4(%arg0: i32) -> (i32, i32) {
    %c0_i32 = arith.constant 0 : i32
    %c0_i32_0 = arith.constant 0 : i32
    %c0_i32_1 = arith.constant 0 : i32
    return %c0_i32, %c0_i32_0 : i32, i32
  }
  func.func @transform_5(%arg0: i32) -> (i32, i32) {
    %c0_i32 = arith.constant 0 : i32
    %c0_i32_0 = arith.constant 0 : i32
    %c0_i32_1 = arith.constant 0 : i32
    return %c0_i32, %c0_i32_0 : i32, i32
  }
  func.func @transform_6(%arg0: i32) -> (i32, i32) {
    %c0_i32 = arith.constant 0 : i32
    %c0_i32_0 = arith.constant 0 : i32
    return %arg0, %c0_i32 : i32, i32
  }
  func.func @transform_7(%arg0: i32) -> (i32, i32) {
    %c0_i32 = arith.constant 0 : i32
    %c0_i32_0 = arith.constant 0 : i32
    %c0_i32_1 = arith.constant 0 : i32
    return %c0_i32, %c0_i32_0 : i32, i32
  }
}

</mosaic_0001>

<sc_bundles>
// kernel: kernel.5.cloned.1.call-start
scs
__scs_entry_jumppad:
0x0: {  	(pc) =	sbr.rel $0x88, $3  }
0x1: {  	(tag) =	ssettag $0x0;
	lr =	simm.s32 $0x1  }
0x2: {  	[smem:$0x3F9A] =	sst lr;
	_ =	strace $0xD0000000  }
0x3: {  	_ = 	snop  }
0x4: {  	_ = 	snop  }
0x5: {  	_ = 	snop  }
0x6: {  	_ = 	snop  }
0x7: {  	_ = 	snop  }
__scs_overlays_trampoline_lowered:
0x8: {  	[smem:$0x3FA9] =	sst s0  }
0x9: {  	[smem:$0x3FAA] =	sst s1  }
0xa: {  	[smem:$0x3FAB] =	sst s2  }
0xb: {  	[smem:$0x3FAC] =	sst s3  }
0xc: {  	[smem:$0x3FAD] =	sst s4  }
0xd: {  	[smem:$0x3FAE] =	sst s5  }
0xe: {  	[smem:$0x3FAF] =	sst s6  }
0xf: {  	[smem:$0x3FB0] =	sst s7  }
0x10: {  	[smem:$0x3FB1] =	sst s8  }
0x11: {  	[smem:$0x3FB2] =	sst s9;
	s0 =	simm.s32 @!p0 $0x0  }
0x12: {  	s1 =	sld [smem:$0x3F98];
	s0 =	simm.s32 @p0 $0x1  }
0x13: {  	[smem:$0x3FB3] =	sst s0;
	s0 =	simm.s32 @!p1 $0x0  }
0x14: {  	s2 =	sld [smem:$0x3F97];
	s0 =	simm.s32 @p1 $0x1  }
0x15: {  	[smem:$0x3FB4] =	sst s0;
	s0 =	simm.s32 @!p2 $0x0  }
0x16: {  	s3 =	sld [smem:$0x3FDB];
	s0 =	simm.s32 @p2 $0x1  }
0x17: {  	s4 =	simm.s32 $0x1BF5;
	[smem:$0x3FB6] =	sst s0  }
0x18: {  	s0 =	sld [smem:$0x3F99];
	_ =	swait.ge [sflag:s4], $0x0  }
0x19: {  	s7 =	sld [smem:$0x3F9A]  }
0x1a: {  	s8 =	sadd.s32 $0xFFFFE003, lr  }
0x1b: {  	s9 =	sadd.s32 $0xFFFFFEF7, lr;
	s5 =	simm.s32 $0xFFFFFFFF;
	p2 =	slt.u32 s8, $0xFFFFF086  }
0x1c: {  	p1 =	slt.u32 s9, $0xF7A;
	s5 =	simm.s32 @!p2 $0x0  }
0x1d: {  	s5 =	simm.s32 @p1 $0x1;
	p0 =	seq.s32 s7, s2  }
0x1e: {  	s7 =	smul.u32 @!p0 $0xF7A, s2;
	p2 =	seq.s32 @!p0 s5, $0x0  }
0x1f: {  	s9 =	smul.u32 $0xF7A, s1;
	s8 =	simm.s32 @!p0 $0x1BF5;
	p2 =	por !p2, p0  }
0x20: {  	[sflag:s8] =	ssyncset.s32 @!p0 $0xFFFFF086;
	s6 =	sadd.s32 @!p0 s3, s7;
	s7 =	simm.s32 @!p0 $0x108  }
0x21: {  	s3 =	sadd.s32 s3, s9;
	s6 =	sadd.s32 @!p0 $0x88, s6;
	s7 =	simm.s32 @p2 $0x1082  }
0x22: {  	[simem:s7], [sflag:s8] =	dma.local @!p0 [hbm:s6], $0xF7A  }
0x23: {  	s9 =	sor.u32 $0xD0000000, s2;
	s6 =	simm.s32 $0x108;
	_ =	swait.ge @!p0 [sflag:s8], $0x0  }
0x24: {  	s3 =	sadd.s32 $0x88, s3;
	s6 =	simm.s32 @!p1 $0x1082;
	[sflag:s4] =	ssyncset.s32 $0xFFFFF086  }
0x25: {  	[simem:s6], [sflag:s4] =	dma.local [hbm:s3], $0xF7A  }
0x26: {  	[smem:$0x3F9A] =	sst s1;
	(tag) =	ssettag s2;
	_ =	strace s9  }
0x27: {  	s1 =	sld [smem:$0x3FAA]  }
0x28: {  	s2 =	sld [smem:$0x3FAB]  }
0x29: {  	s4 =	sld [smem:$0x3FAD]  }
0x2a: {  	p0 =	seq.s32 s5, $0x0;
	s5 =	sld [smem:$0x3FAE]  }
0x2b: {  	s6 =	sld [smem:$0x3FAF]  }
0x2c: {  	s7 =	sld [smem:$0x3FB0]  }
0x2d: {  	s3 =	simm.s32 $0x108;
	s8 =	sld [smem:$0x3FB1]  }
0x2e: {  	s3 =	simm.s32 @!p0 $0x1082;
	s9 =	sld [smem:$0x3FB2]  }
0x2f: {  	lr =	sadd.s32 s0, s3;
	s0 =	sld [smem:$0x3FA9]  }
0x30: {  	s3 =	sld [smem:$0x3FAC]  }
0x31: {  	[smem:$0x3FB5] =	sst s10  }
0x32: {  	s10 =	sld [smem:$0x3FB3];
	_ =	sdelay $0x3  }
0x33: {  	p0 =	seq.s32 s10, $0x1;
	s10 =	sld [smem:$0x3FB5];
	_ =	sdelay $0x3  }
0x34: {  	[smem:$0x3FB5] =	sst s10  }
0x35: {  	s10 =	sld [smem:$0x3FB4];
	_ =	sdelay $0x3  }
0x36: {  	p1 =	seq.s32 s10, $0x1;
	s10 =	sld [smem:$0x3FB5];
	_ =	sdelay $0x3  }
0x37: {  	[smem:$0x3FB5] =	sst s10  }
0x38: {  	s10 =	sld [smem:$0x3FB6]  }
0x39: {  	_ = 	snop;
	(pc) =	sbr.ind lr, $3  }
0x3a: {  	_ = 	snop  }
0x3b: {  	_ = 	snop  }
0x3c: {  	p2 =	seq.s32 s10, $0x1;
	s10 =	sld [smem:$0x3FB5]  }
0x3d: {  	_ =	shalt  }
0x3e: {  	_ =	shalt  }
0x3f: {  	_ =	shalt  }
0x40: {  	_ =	shalt  }
0x41: {  	_ =	shalt  }
0x42: {  	_ =	shalt  }
0x43: {  	_ =	shalt  }
0x44: {  	_ =	shalt  }
0x45: {  	_ =	shalt  }
0x46: {  	_ =	shalt  }
0x47: {  	_ =	shalt  }
0x48: {  	_ =	shalt  }
0x49: {  	_ =	shalt  }
0x4a: {  	_ =	shalt  }
0x4b: {  	_ =	shalt  }
0x4c: {  	_ =	shalt  }
0x4d: {  	_ =	shalt  }
0x4e: {  	_ =	shalt  }
0x4f: {  	_ =	shalt  }
0x50: {  	_ =	shalt  }
0x51: {  	_ =	shalt  }
0x52: {  	_ =	shalt  }
0x53: {  	_ =	shalt  }
0x54: {  	_ =	shalt  }
0x55: {  	_ =	shalt  }
0x56: {  	_ =	shalt  }
0x57: {  	_ =	shalt  }
0x58: {  	_ =	shalt  }
0x59: {  	_ =	shalt  }
0x5a: {  	_ =	shalt  }
0x5b: {  	_ =	shalt  }
0x5c: {  	_ =	shalt  }
0x5d: {  	_ =	shalt  }
0x5e: {  	_ =	shalt  }
0x5f: {  	_ =	shalt  }
0x60: {  	_ =	shalt  }
0x61: {  	_ =	shalt  }
0x62: {  	_ =	shalt  }
0x63: {  	_ =	shalt  }
0x64: {  	_ =	shalt  }
0x65: {  	_ =	shalt  }
0x66: {  	_ =	shalt  }
0x67: {  	_ =	shalt  }
0x68: {  	_ =	shalt  }
0x69: {  	_ =	shalt  }
0x6a: {  	_ =	shalt  }
0x6b: {  	_ =	shalt  }
0x6c: {  	_ =	shalt  }
0x6d: {  	_ =	shalt  }
0x6e: {  	_ =	shalt  }
0x6f: {  	_ =	shalt  }
0x70: {  	_ =	shalt  }
0x71: {  	_ =	shalt  }
0x72: {  	_ =	shalt  }
0x73: {  	_ =	shalt  }
0x74: {  	_ =	shalt  }
0x75: {  	_ =	shalt  }
0x76: {  	_ =	shalt  }
0x77: {  	_ =	shalt  }
0x78: {  	_ =	shalt  }
0x79: {  	_ =	shalt  }
0x7a: {  	_ =	shalt  }
0x7b: {  	_ =	shalt  }
0x7c: {  	_ =	shalt  }
0x7d: {  	_ =	shalt  }
0x7e: {  	_ =	shalt  }
0x7f: {  	_ =	shalt  }
0x80: {  	_ =	shalt  }
0x81: {  	_ =	shalt  }
0x82: {  	_ =	shalt  }
0x83: {  	_ =	shalt  }
0x84: {  	_ =	shalt  }
0x85: {  	_ =	shalt  }
0x86: {  	_ =	shalt  }
0x87: {  	_ =	shalt  }
.Lfunc_end0:
.L_simem_size_0:
called_computation_lowered:
.L_overlay_start_0:
0x88: {  	s2 =	sld [smem:$0x3FD9]  }
0x89: {  	s3 =	sld [smem:$0x3FFE];
	_ =	sdelay $0x1  }
0x8a: {  	s1 =	srdreg.scid  }
0x8b: {  	s0 =	sand.u32 $0x1, s1  }
0x8c: {  	s17 =	sshll.u32 s0, $0xA;
	s2 =	sadd.s32 s3, s2  }
0x8d: {  	s2 =	sadd.s32 s2, s17  }
0x8e: {  	[smem:$0x3FC1] =	sst s2  }
0x8f: {  	_ = 	snop  }
0x90: {  	s2 =	sld [smem:$0x3FD0];
	(tm) =	ssettm $0x1  }
0x91: {  	s18 =	sld [smem:$0x3FFB];
	_ =	sdelay $0x3  }
0x92: {  	_ =	strace s18  }
0x93: {  	s3 =	sld [smem:$0x3FFC];
	_ =	sdelay $0x3  }
0x94: {  	_ =	strace s3  }
0x95: {  	s3 =	sld [smem:$0x3FFD];
	_ =	sdelay $0x3  }
0x96: {  	_ =	strace s3  }
0x97: {  	_ =	strace $0x8FFFFFFF  }
0x98: {  	s19 =	sld [smem:$0x3FDB];
	_ =	sdelay $0x1  }
0x99: {  	s4 =	simm.s32 $_scs_section_size  }
0x9a: {  	s5 =	simm.s32 $_size__tile_overlayer_lowered;
	s6 =	simm.s32 $_tile_overlayer_lowered  }
0x9b: {  	s22 =	simm.s32 $0x1BFF;
	s21 =	sshll.u32 s6, $0x1;
	s3 =	sadd.s32 s4, s19  }
0x9c: {  	s7 =	simm.s32 $0x0;
	s20 =	sshll.u32 s5, $0x1;
	s5 =	sadd.s32 s21, s3  }
0x9d: {  	[timem:s7], [sflag:s22] =	dma.local [hbm:s5], s20  }
0x9e: {  	_ =	swait.ge [sflag:s22], s20  }
0x9f: {  	s4 =	ssub.s32 $0x0, s20;
	[sflag:s22] =	ssyncset.done $0x0  }
0xa0: {  	[sflag:s22] =	ssyncadd.s32 s4;
	_ =	sdelay $0x1  }
0xa1: {  	s23 =	simm.s32 $0x1B8B  }
0xa2: {  	_ =	swait.ge [sflag:s23], $0x1  }
0xa3: {  	[sflag:s23] =	ssyncset.done $0x0  }
0xa4: {  	s25 =	simm.s32 $0x1B8E;
	s24 =	sld [smem:$0x3FFE];
	[sflag:s23] =	ssyncadd.s32 $0xFFFFFFFF  }
0xa5: {  	s26 =	simm.s32 $execute0_lowered;
	[smem:$0x3FD2] =	sst s25  }
0xa6: {  	s5 =	sshll.u32 s26, $0x1;
	_ =	strace $0x80000046;
	[dreg:$0x1] =	wrdreg $0xFFFFFFFF  }
0xa7: {  	s28 =	simm.s32 $_size_execute0_lowered;
	s3 =	sadd.s32 s3, s5;
	[dreg:$0x0] =	wrdreg $0x0  }
0xa8: {  	s5 =	sshll.u32 s28, $0x1;
	[dreg:$0x2] =	wrdreg s3  }
0xa9: {  	[dreg:$0x3] =	wrdreg s5  }
0xaa: {  	[dreg:$0x4] =	wrdreg $0xC0  }
0xab: {  	_ =	task [dreg:s7], $0x5FFFF  }
0xac: {  	[dreg:$0x1] =	wrdreg $0xFFFFFFFF  }
0xad: {  	[dreg:$0x0] =	wrdreg $0x60  }
0xae: {  	[dreg:$0x2] =	wrdreg s24  }
0xaf: {  	[dreg:$0x3] =	wrdreg s2  }
0xb0: {  	[dreg:$0x4] =	wrdreg $0x0  }
0xb1: {  	[dreg:$0x5] =	wrdreg $0x9  }
0xb2: {  	_ =	task.clear_ibuf [dreg:s7], $0x6FFFF;
	_ =	strace $0x90000046  }
0xb3: {  	s29 =	simm.s32 $0x9;
	_ =	strace $0x80000048  }
0xb4: {  	_ =	swait.ge [sflag:s29], $0x1  }
0xb5: {  	[sflag:s29] =	ssyncadd.s32 $0xFFFFFFFF  }
0xb6: {  	_ =	strace $0x90000048  }
0xb7: {  	_ =	sfence  }
0xb8: {  	s30 =	sld [smem:$0x0];
	_ =	sdelay $0x2  }
0xb9: {  	s31 =	sshll.u32 s1, $0xD;
	s1 =	sshrl.u32 s1, $0x2  }
0xba: {  	s3 =	sand.u32 $0x4000, s31;
	s1 =	sadd.s32 s1, s30  }
0xbb: {  	s0 =	sor.u32 s3, s0;
	s1 =	sshll.u32 s1, $0x11  }
0xbc: {  	s0 =	sor.u32 s1, s0  }
0xbd: {  	s0 =	sadd.s32 $0x8F2B, s0  }
0xbe: {  	[sflag:s0] =	ssyncadd.remote.s32 $0x1  }
0xbf: {  	_ =	sfence.sel $0xFFFF  }
0xc0: {  	[dreg:$0x0] =	wrdreg $0xFFFFFFFF;
	(pc) =	sbr.abs _section_cstart, $3  }
0xc1: {  	[dreg:$0x1] =	wrdreg $0xFFFFFFFF  }
0xc2: {  	_ =	task.clear_ibuf [dreg:s7], $0x2FFFF;
	_ =	strace $0x9FFFFFFF  }
0xc3: {  	(tm) =	ssettm $0x7FFFFFFF  }
tec
execute0_lowered:
.L_overlay_start_1:
0x0: {  	(tag) =	ssettag $0x1  }
0x1: {  	s0 =	rddreg [dreg:$0x0]  }
0x2: {  	s3 =	rddreg [dreg:$0x2];
	s4 =	simm.s32 $0x0  }
0x3: {  	s13 =	stileid.u32;
	s17 =	srdreg.scid;
	s28 =	simm.s32 $0x15FD8  }
0x4: {  	s29 =	simm.s32 $0x2;
	s30 =	simm.s32 $0x186F0;
	s31 =	simm.s32 $0x80  }
0x5: {  	[smem:$0x7FF] =	sst s4;
	s5 =	sadd.s32 $0x4E600, s0;
	s1 =	smul.u32 $0x57C00, s13  }
0x6: {  	s2 =	sadd.s32 $0x7AC00, s0;
	s16 =	sadd.s32 $0x7A600, s0;
	s8 =	sadd.s32 $0x85000, s0  }
0x7: {  	s9 =	sadd.s32 $0x7B200, s0;
	s0 =	sadd.s32 $0x8EE00, s0;
	s14 =	sadd.s32 $0x149100, s3  }
0x8: {  	s21 =	sadd.s32 $0x14D900, s3;
	_ =	strace $0x80000047;
	[dreg:$0x4] =	wrdreg s2  }
0x9: {  	s24 =	sadd.s32 $0x152100, s3;
	s25 =	smul.u32 $0x15F00, s13;
	[dreg:$0x5] =	wrdreg s16  }
0xa: {  	s11 =	smul.u32 $0x2F00, s13;
	s12 =	sshll.u32 s13, $0xD;
	[dreg:$0x9] =	wrdreg s21  }
0xb: {  	s2 =	sand.u32 $0x1, s17;
	[dreg:$0xb] =	wrdreg s24;
	s1 =	sshrl.u32 s1, $0x2  }
0xc: {  	s6 =	ssub.s32 $0x2, s2;
	s22 =	smul.u32 $0x15FD80, s2;
	s10 =	sadd.s32 s1, s3  }
0xd: {  	p0 =	seq.s32 s2, $0x0;
	s18 =	sshrl.u32 s6, $0x1;
	s7 =	sadd.s32 $0x4800, s10  }
0xe: {  	s19 =	sadd.s32 $0x9000, s10;
	s20 =	sadd.s32 $0xD800, s10;
	[dreg:$0x6] =	wrdreg s7  }
0xf: {  	s1 =	ssub.s32 s6, s18;
	s23 =	sadd.s32 $0x12000, s10;
	[dreg:$0x7] =	wrdreg s19  }
0x10: {  	s18 =	sadd.s32 $0x156900, s3;
	s26 =	sadd.s32 s25, s22;
	[dreg:$0x8] =	wrdreg s20  }
0x11: {  	s6 =	sshrl.u32 s22, $0x3;
	s22 =	sadd.s32 $0x15B100, s3;
	[dreg:$0xa] =	wrdreg s23  }
0x12: {  	s19 =	sadd.s32 $0x2F000, s12;
	s2 =	sshrl.u32 s26, $0x3;
	s20 =	simm.s32 $0x5E  }
0x13: {  	s24 =	smax.u32 s1, $0x1;
	s26 =	sadd.s32 $0x15F900, s3;
	s1 =	simm.s32 $0x1AE98  }
0x14: {  	s7 =	simm.s32 $0x0;
	s19 =	smov.u32 @p0 s11;
	s21 =	sadd.s32 s0, s2  }
0x15: {  	s0 =	sadd.s32 s0, s6;
	s20 =	simm.s32 @!p0 $0x40;
	s2 =	sadd.s32 s25, s3  }
0x16: {  	p0 =	seq.s32 s13, $0xF;
	s6 =	simm.s32 $0x1;
	s23 =	sadd.s32 $0x29220, s0  }
0x17: {  	v0 =	vimm.f32 $0.0e+00;
	s25 =	sshrl.u32 @!p0 s2, $0x3;
	s0 =	simm.s32 $0x1AE18;
	s2 =	simm.s32 $0x1AF18  }
.LBB2_1:
0x18: {  	s11 =	rddreg [dreg:$0x4]  }
0x19: {  	[tilespmem:s28], [sflag:$0x2] =	stream.linear.gather [hbm4b:s11+s4], $0x2718, $0x38;
	[tilespmem:$0x1F798] =	vst v63  }
0x1a: {  	_ =	swait.ge [sflag:s29], $0x2718  }
0x1b: {  	[sflag:s29] =	ssyncset.done $0x0  }
0x1c: {  	s16 =	rddreg [dreg:$0x5];
	[sflag:s29] =	ssyncadd.s32 $0xFFFFD8E8  }
0x1d: {  	[tilespmem:s30], [sflag:$0x2] =	stream.linear.gather [hbm4b:s16+s4], $0x2718, $0x38;
	[tilespmem:$0x1F798] =	vst v63  }
0x1e: {  	_ =	swait.ge [sflag:s29], $0x2718  }
0x1f: {  	[sflag:s29] =	ssyncset.done $0x0  }
0x20: {  	[sflag:s29] =	ssyncadd.s32 $0xFFFFD8E8  }
0x21: {  	s12 =	simm.s32 $0x1AE08;
	s17 =	rddreg [dreg:$0x1]  }
0x22: {  	[tilespmem:s12], [sflag:$0x2] =	stream.linear.gather [hbm4b:s17+s4], $0x10, $0x38;
	[tilespmem:$0x1F798] =	vst v63  }
0x23: {  	_ =	swait.ge [sflag:s29], $0x10  }
0x24: {  	[sflag:s29] =	ssyncset.done $0x0  }
0x25: {  	s11 =	simm.s32 $0x0;
	s12 =	simm.s32 $0x240;
	[sflag:s29] =	ssyncadd.s32 $0xFFFFFFF0  }
.LBB2_2:
0x26: {  	p1 =	sne.s32 s12, $0x11DC0;
	[tilespmem:s11+$0x1AF98] =	vst v0  }
0x27: {  	[tilespmem:s11+$0x1AF18] =	vst v0  }
0x28: {  	[tilespmem:s11+$0x1AF28] =	vst v0  }
0x29: {  	[tilespmem:s11+$0x1AF38] =	vst v0  }
.Ltmp0:
0x2a: {  	[tilespmem:s11+$0x1AF48] =	vst v0;
	(pc) =	sbr.rel @p1 .LBB2_2-.Ltmp0, $4  }
0x2b: {  	[tilespmem:s11+$0x1AF58] =	vst v0  }
0x2c: {  	[tilespmem:s11+$0x1AF68] =	vst v0  }
0x2d: {  	[tilespmem:s11+$0x1AF78] =	vst v0  }
0x2e: {  	[tilespmem:s11+$0x1AF88] =	vst v0;
	s11 =	sshra.s32 s12, $0x2;
	s12 =	sadd.s32 $0x240, s12  }
0x2f: {  	[tilespmem:s11+$0x1AF98] =	vst v0  }
0x30: {  	[tilespmem:s11+$0x1AF18] =	vst v0  }
0x31: {  	[tilespmem:s11+$0x1AF28] =	vst v0  }
0x32: {  	[tilespmem:s11+$0x1AF38] =	vst v0  }
0x33: {  	[tilespmem:s11+$0x1AF48] =	vst v0  }
0x34: {  	[tilespmem:s11+$0x1AF58] =	vst v0  }
0x35: {  	[tilespmem:s11+$0x1AF68] =	vst v0  }
0x36: {  	[tilespmem:s11+$0x1AF78] =	vst v0  }
0x37: {  	[tilespmem:s11+$0x1AF88] =	vst v0;
	s11 =	simm.s32 @p0 $0x1AF18;
	s12 =	simm.s32 @p0 $0x2  }
0x38: {  	[spmem:s14] =	stream.linear.scatter @p0 [tilespmem:s11], [sflag:$0x2], $0x4800, $0x38;
	[tilespmem:$0x1F798] =	vst v63  }
0x39: {  	_ =	swait.ge @p0 [sflag:s12], $0x4800  }
0x3a: {  	[sflag:s12] =	ssyncset.done @p0 $0x0  }
0x3b: {  	s13 =	rddreg [dreg:$0x9];
	[sflag:s12] =	ssyncadd.s32 @p0 $0xFFFFB800  }
0x3c: {  	[spmem:s13] =	stream.linear.scatter @p0 [tilespmem:s11], [sflag:$0x2], $0x4800, $0x38;
	[tilespmem:$0x1F798] =	vst v63  }
0x3d: {  	_ =	swait.ge @p0 [sflag:s12], $0x4800  }
0x3e: {  	[sflag:s12] =	ssyncset.done @p0 $0x0  }
0x3f: {  	s13 =	rddreg [dreg:$0xb];
	[sflag:s12] =	ssyncadd.s32 @p0 $0xFFFFB800  }
0x40: {  	[spmem:s13] =	stream.linear.scatter @p0 [tilespmem:s11], [sflag:$0x2], $0x4800, $0x38;
	[tilespmem:$0x1F798] =	vst v63  }
0x41: {  	_ =	swait.ge @p0 [sflag:s12], $0x4800  }
0x42: {  	[sflag:s12] =	ssyncset.done @p0 $0x0  }
0x43: {  	[sflag:s12] =	ssyncadd.s32 @p0 $0xFFFFB800  }
0x44: {  	[spmem:s18] =	stream.linear.scatter @p0 [tilespmem:s11], [sflag:$0x2], $0x4800, $0x38;
	[tilespmem:$0x1F798] =	vst v63  }
0x45: {  	_ =	swait.ge @p0 [sflag:s12], $0x4800  }
0x46: {  	[sflag:s12] =	ssyncset.done @p0 $0x0  }
0x47: {  	[sflag:s12] =	ssyncadd.s32 @p0 $0xFFFFB800  }
0x48: {  	[spmem:s22] =	stream.linear.scatter @p0 [tilespmem:s11], [sflag:$0x2], $0x4800, $0x38;
	[tilespmem:$0x1F798] =	vst v63  }
0x49: {  	_ =	swait.ge @p0 [sflag:s12], $0x4800  }
0x4a: {  	[sflag:s12] =	ssyncset.done @p0 $0x0  }
0x4b: {  	[sflag:s12] =	ssyncadd.s32 @p0 $0xFFFFB800  }
0x4c: {  	[spmem:s26] =	stream.linear.scatter @p0 [tilespmem:s11], [sflag:$0x2], $0x480, $0x38;
	[tilespmem:$0x1F798] =	vst v63  }
0x4d: {  	_ =	swait.ge @p0 [sflag:s12], $0x480  }
0x4e: {  	[sflag:s12] =	ssyncset.done @p0 $0x0  }
0x4f: {  	s11 =	simm.s32 @!p0 $0x1AF18;
	[sflag:s12] =	ssyncadd.s32 @p0 $0xFFFFFB80;
	s12 =	simm.s32 @!p0 $0x2  }
0x50: {  	[spmem:s10] =	stream.linear.scatter @!p0 [tilespmem:s11], [sflag:$0x2], $0x4800, $0x38;
	[tilespmem:$0x1F798] =	vst v63  }
0x51: {  	_ =	swait.ge @!p0 [sflag:s12], $0x4800  }
0x52: {  	[sflag:s12] =	ssyncset.done @!p0 $0x0  }
0x53: {  	s13 =	rddreg [dreg:$0x6];
	[sflag:s12] =	ssyncadd.s32 @!p0 $0xFFFFB800  }
0x54: {  	[spmem:s13] =	stream.linear.scatter @!p0 [tilespmem:s11], [sflag:$0x2], $0x4800, $0x38;
	[tilespmem:$0x1F798] =	vst v63  }
0x55: {  	_ =	swait.ge @!p0 [sflag:s12], $0x4800  }
0x56: {  	[sflag:s12] =	ssyncset.done @!p0 $0x0  }
0x57: {  	s13 =	rddreg [dreg:$0x7];
	[sflag:s12] =	ssyncadd.s32 @!p0 $0xFFFFB800  }
0x58: {  	[spmem:s13] =	stream.linear.scatter @!p0 [tilespmem:s11], [sflag:$0x2], $0x4800, $0x38;
	[tilespmem:$0x1F798] =	vst v63  }
0x59: {  	_ =	swait.ge @!p0 [sflag:s12], $0x4800  }
0x5a: {  	[sflag:s12] =	ssyncset.done @!p0 $0x0  }
0x5b: {  	s13 =	rddreg [dreg:$0x8];
	[sflag:s12] =	ssyncadd.s32 @!p0 $0xFFFFB800  }
0x5c: {  	[spmem:s13] =	stream.linear.scatter @!p0 [tilespmem:s11], [sflag:$0x2], $0x4800, $0x38;
	[tilespmem:$0x1F798] =	vst v63  }
0x5d: {  	_ =	swait.ge @!p0 [sflag:s12], $0x4800  }
0x5e: {  	[sflag:s12] =	ssyncset.done @!p0 $0x0  }
0x5f: {  	s13 =	rddreg [dreg:$0xa];
	[sflag:s12] =	ssyncadd.s32 @!p0 $0xFFFFB800  }
0x60: {  	[spmem:s13] =	stream.linear.scatter @!p0 [tilespmem:s11], [sflag:$0x2], $0x3F00, $0x38;
	[tilespmem:$0x1F798] =	vst v63  }
0x61: {  	_ =	swait.ge @!p0 [sflag:s12], $0x3F00  }
0x62: {  	[sflag:s12] =	ssyncset.done @!p0 $0x0  }
0x63: {  	[sflag:s12] =	ssyncadd.s32 @!p0 $0xFFFFC100  }
0x64: {  	[bflag:$0x0] =	sbarrier.arrive $0xFFFF  }
0x65: {  	s11 =	simm.s32 $0x0;
	s12 =	simm.s32 $0x0;
	v1 =	vld.msk [tilespmem:$0x1AE08 ss:$0x0], $0xffff  }
.LBB2_4:
0x66: {  	s13 =	sshll.u32 s12, $0x7  }
0x67: {  	s13 =	sadd.s32 s19, s13  }
0x68: {  	s13 =	sshrl.u32 s13, $0x3  }
0x69: {  	s15 =	sadd.s32 s8, s13  }
0x6a: {  	[tilespmem:s0], [sflag:$0x2] =	stream.linear.gather [hbm4b:s15+s11], $0x80, $0x38;
	[tilespmem:$0x1F798] =	vst v63  }
0x6b: {  	_ =	swait.ge [sflag:s29], $0x80  }
0x6c: {  	[sflag:s29] =	ssyncset.done $0x0  }
0x6d: {  	s13 =	sadd.s32 s9, s13;
	[sflag:s29] =	ssyncadd.s32 $0xFFFFFF80  }
0x6e: {  	[tilespmem:s1], [sflag:$0x2] =	stream.linear.gather [hbm4b:s13+s11], $0x80, $0x38;
	[tilespmem:$0x1F798] =	vst v63  }
0x6f: {  	_ =	swait.ge [sflag:s29], $0x80  }
0x70: {  	[sflag:s29] =	ssyncset.done $0x0  }
0x71: {  	[sflag:s29] =	ssyncadd.s32 $0xFFFFFF80  }
0x72: {  	[tilespmem:s2], [sflag:$0x1] =	stream.indirect.gather [hbm4b:s5+s31], $0x90, s0, s31, $0xb8;
	[tilespmem:$0x1F798] =	vst v63  }
0x73: {  	v2 =	vld [tilespmem:$0x1AE18]  }
0x74: {  	v3 =	vld [tilespmem:$0x1AE98];
	_ =	sdelay $0x6  }
0x75: {  	v2 =	vld.idx.msk [tilespmem:v2+s28+$0x0], $0xffff  }
0x76: {  	v3 =	vld.idx.msk [tilespmem:v3+s30+$0x0], $0xffff;
	_ =	sdelay $0x4  }
0x77: {  	v2 =	vadd.f32 v3, v2;
	_ =	sdelay $0x1  }
0x78: {  	v3 =	vmul.f32 $2.000000030e-01, v2  }
0x79: {  	vm0 =	vgt.f32 v2, $0.0e+00  }
0x7a: {  	v2 =	vsel vm0, v2, v3  }
0x7b: {  	v2 =	vsub.f32 v2, v1;
	_ =	sdelay $0x1  }
0x7c: {  	v2 =	vmul.f32 $1.442695020e+00, v2;
	_ =	sdelay $0x1  }
0x7d: {  	(erf) = vpow2.f32 v2;
	_ =	sdelay $0x2  }
0x7e: {  	v2 =	vld [tilespmem:$0x1AE28]  }
0x7f: {  	v3 =	vld [tilespmem:$0x1AEA8];
	_ =	sdelay $0x4  }
0x80: {  	v4 =	vpop (erf)  }
0x81: {  	[tilespmem:$0x1F718] =	vst v4  }
0x82: {  	v2 =	vld.idx.msk [tilespmem:v2+s28+$0x0], $0xffff  }
0x83: {  	v3 =	vld.idx.msk [tilespmem:v3+s30+$0x0], $0xffff;
	_ =	sdelay $0x4  }
0x84: {  	v2 =	vadd.f32 v3, v2;
	_ =	sdelay $0x1  }
0x85: {  	v3 =	vmul.f32 $2.000000030e-01, v2  }
0x86: {  	vm9 =	vgt.f32 v2, $0.0e+00  }
0x87: {  	v2 =	vsel vm9, v2, v3  }
0x88: {  	v2 =	vsub.f32 v2, v1;
	_ =	sdelay $0x1  }
0x89: {  	v2 =	vmul.f32 $1.442695020e+00, v2;
	_ =	sdelay $0x1  }
0x8a: {  	(erf) = vpow2.f32 v2;
	_ =	sdelay $0x2  }
0x8b: {  	v2 =	vld [tilespmem:$0x1AE38]  }
0x8c: {  	v3 =	vld [tilespmem:$0x1AEB8];
	_ =	sdelay $0x4  }
0x8d: {  	v4 =	vpop (erf)  }
0x8e: {  	[tilespmem:$0x1F728] =	vst v4  }
0x8f: {  	v2 =	vld.idx.msk [tilespmem:v2+s28+$0x0], $0xffff  }
0x90: {  	v3 =	vld.idx.msk [tilespmem:v3+s30+$0x0], $0xffff;
	_ =	sdelay $0x4  }
0x91: {  	v2 =	vadd.f32 v3, v2;
	_ =	sdelay $0x1  }
0x92: {  	v3 =	vmul.f32 $2.000000030e-01, v2  }
0x93: {  	vm10 =	vgt.f32 v2, $0.0e+00  }
0x94: {  	v2 =	vsel vm10, v2, v3  }
0x95: {  	v2 =	vsub.f32 v2, v1;
	_ =	sdelay $0x1  }
0x96: {  	v2 =	vmul.f32 $1.442695020e+00, v2;
	_ =	sdelay $0x1  }
0x97: {  	(erf) = vpow2.f32 v2;
	_ =	sdelay $0x2  }
0x98: {  	v2 =	vld [tilespmem:$0x1AE48]  }
0x99: {  	v3 =	vld [tilespmem:$0x1AEC8];
	_ =	sdelay $0x4  }
0x9a: {  	v4 =	vpop (erf)  }
0x9b: {  	[tilespmem:$0x1F738] =	vst v4  }
0x9c: {  	v2 =	vld.idx.msk [tilespmem:v2+s28+$0x0], $0xffff  }
0x9d: {  	v3 =	vld.idx.msk [tilespmem:v3+s30+$0x0], $0xffff;
	_ =	sdelay $0x4  }
0x9e: {  	v2 =	vadd.f32 v3, v2;
	_ =	sdelay $0x1  }
0x9f: {  	v3 =	vmul.f32 $2.000000030e-01, v2  }
0xa0: {  	vm11 =	vgt.f32 v2, $0.0e+00  }
0xa1: {  	v2 =	vsel vm11, v2, v3  }
0xa2: {  	v2 =	vsub.f32 v2, v1;
	_ =	sdelay $0x1  }
0xa3: {  	v2 =	vmul.f32 $1.442695020e+00, v2;
	_ =	sdelay $0x1  }
0xa4: {  	(erf) = vpow2.f32 v2;
	_ =	sdelay $0x2  }
0xa5: {  	v2 =	vld [tilespmem:$0x1AE58]  }
0xa6: {  	v3 =	vld [tilespmem:$0x1AED8];
	_ =	sdelay $0x4  }
0xa7: {  	v4 =	vpop (erf)  }
0xa8: {  	[tilespmem:$0x1F748] =	vst v4  }
0xa9: {  	v2 =	vld.idx.msk [tilespmem:v2+s28+$0x0], $0xffff  }
0xaa: {  	v3 =	vld.idx.msk [tilespmem:v3+s30+$0x0], $0xffff;
	_ =	sdelay $0x4  }
0xab: {  	v2 =	vadd.f32 v3, v2;
	_ =	sdelay $0x1  }
0xac: {  	v3 =	vmul.f32 $2.000000030e-01, v2  }
0xad: {  	vm12 =	vgt.f32 v2, $0.0e+00  }
0xae: {  	v2 =	vsel vm12, v2, v3  }
0xaf: {  	v2 =	vsub.f32 v2, v1;
	_ =	sdelay $0x1  }
0xb0: {  	v2 =	vmul.f32 $1.442695020e+00, v2;
	_ =	sdelay $0x1  }
0xb1: {  	(erf) = vpow2.f32 v2;
	_ =	sdelay $0x2  }
0xb2: {  	v2 =	vld [tilespmem:$0x1AE68]  }
0xb3: {  	v3 =	vld [tilespmem:$0x1AEE8];
	_ =	sdelay $0x4  }
0xb4: {  	v4 =	vpop (erf)  }
0xb5: {  	[tilespmem:$0x1F758] =	vst v4  }
0xb6: {  	v2 =	vld.idx.msk [tilespmem:v2+s28+$0x0], $0xffff  }
0xb7: {  	v3 =	vld.idx.msk [tilespmem:v3+s30+$0x0], $0xffff;
	_ =	sdelay $0x4  }
0xb8: {  	v2 =	vadd.f32 v3, v2;
	_ =	sdelay $0x1  }
0xb9: {  	v3 =	vmul.f32 $2.000000030e-01, v2  }
0xba: {  	vm13 =	vgt.f32 v2, $0.0e+00  }
0xbb: {  	v2 =	vsel vm13, v2, v3  }
0xbc: {  	v2 =	vsub.f32 v2, v1;
	_ =	sdelay $0x1  }
0xbd: {  	v2 =	vmul.f32 $1.442695020e+00, v2;
	_ =	sdelay $0x1  }
0xbe: {  	(erf) = vpow2.f32 v2;
	_ =	sdelay $0x2  }
0xbf: {  	v2 =	vld [tilespmem:$0x1AE78]  }
0xc0: {  	v3 =	vld [tilespmem:$0x1AEF8];
	_ =	sdelay $0x4  }
0xc1: {  	v4 =	vpop (erf)  }
0xc2: {  	[tilespmem:$0x1F768] =	vst v4  }
0xc3: {  	v2 =	vld.idx.msk [tilespmem:v2+s28+$0x0], $0xffff  }
0xc4: {  	v3 =	vld.idx.msk [tilespmem:v3+s30+$0x0], $0xffff;
	_ =	sdelay $0x4  }
0xc5: {  	v2 =	vadd.f32 v3, v2;
	_ =	sdelay $0x1  }
0xc6: {  	v3 =	vmul.f32 $2.000000030e-01, v2  }
0xc7: {  	vm14 =	vgt.f32 v2, $0.0e+00  }
0xc8: {  	v2 =	vsel vm14, v2, v3  }
0xc9: {  	v2 =	vsub.f32 v2, v1;
	_ =	sdelay $0x1  }
0xca: {  	v2 =	vmul.f32 $1.442695020e+00, v2;
	_ =	sdelay $0x1  }
0xcb: {  	(erf) = vpow2.f32 v2;
	_ =	sdelay $0x2  }
0xcc: {  	v2 =	vld [tilespmem:$0x1AE88]  }
0xcd: {  	v3 =	vld [tilespmem:$0x1AF08];
	_ =	sdelay $0x4  }
0xce: {  	v4 =	vpop (erf)  }
0xcf: {  	[tilespmem:$0x1F778] =	vst v4  }
0xd0: {  	v2 =	vld.idx.msk [tilespmem:v2+s28+$0x0], $0xffff  }
0xd1: {  	v3 =	vld.idx.msk [tilespmem:v3+s30+$0x0], $0xffff;
	_ =	sdelay $0x4  }
0xd2: {  	v2 =	vadd.f32 v3, v2;
	_ =	sdelay $0x1  }
0xd3: {  	v3 =	vmul.f32 $2.000000030e-01, v2  }
0xd4: {  	vm15 =	vgt.f32 v2, $0.0e+00  }
0xd5: {  	v2 =	vsel vm15, v2, v3  }
0xd6: {  	v2 =	vsub.f32 v2, v1;
	_ =	sdelay $0x1  }
0xd7: {  	v2 =	vmul.f32 $1.442695020e+00, v2;
	_ =	sdelay $0x1  }
0xd8: {  	(erf) = vpow2.f32 v2;
	_ =	sdelay $0x8  }
0xd9: {  	v2 =	vpop (erf)  }
0xda: {  	[tilespmem:$0x1F788] =	vst v2  }
0xdb: {  	_ =	swait.ge [sflag:s6], $0x4800  }
0xdc: {  	s16 =	simm.s32 $0x0;
	s17 =	smul.u32 $0x2400, s11;
	[sflag:s6] =	ssyncset.done $0x0  }
0xdd: {  	s13 =	sand.u32 $0x3FFFFFF0, s16;
	[sflag:s6] =	ssyncadd.s32 $0xFFFFB800  }
0xde: {  	v2 =	vld [tilespmem:s13+$0x1F718];
	s13 =	sshra.s32 s17, $0x2  }
0xdf: {  	v5 =	vld [tilespmem:s13+$0x1AF28]  }
0xe0: {  	v6 =	vld [tilespmem:s13+$0x1AF68]  }
0xe1: {  	v7 =	vld [tilespmem:s13+$0x1AF38]  }
0xe2: {  	v8 =	vld [tilespmem:s13+$0x1AF48]  }
0xe3: {  	v9 =	vld [tilespmem:s13+$0x1AF58];
	v3 =	vbroadcast v2, $0x0  }
0xe4: {  	v4 =	vld [tilespmem:s13+$0x1B6A8]  }
0xe5: {  	v10 =	vld [tilespmem:s13+$0x1AF78];
	v5 =	vmul.f32 v5, v3  }
0xe6: {  	v11 =	vld [tilespmem:s13+$0x1AF88];
	v7 =	vmul.f32 v7, v3  }
0xe7: {  	v39 =	vld [tilespmem:s13+$0x1AFA8];
	v8 =	vmul.f32 v8, v3;
	[tilespmem:s13+$0x1AF28] =	vst v5  }
0xe8: {  	v40 =	vld [tilespmem:s13+$0x1AFB8];
	v9 =	vmul.f32 v9, v3;
	[tilespmem:s13+$0x1AF38] =	vst v7  }
0xe9: {  	v41 =	vld [tilespmem:s13+$0x1AFC8];
	v6 =	vmul.f32 v6, v3;
	[tilespmem:s13+$0x1AF48] =	vst v8  }
0xea: {  	v12 =	vbroadcast v2, $0x1;
	v10 =	vmul.f32 v10, v3;
	v5 =	vld [tilespmem:s13+$0x1AF98];
	[tilespmem:s13+$0x1AF58] =	vst v9  }
0xeb: {  	v42 =	vld [tilespmem:s13+$0x1AFD8];
	v11 =	vmul.f32 v11, v3;
	[tilespmem:s13+$0x1AF68] =	vst v6  }
0xec: {  	v43 =	vld [tilespmem:s13+$0x1AFE8];
	[tilespmem:s13+$0x1AF78] =	vst v10;
	v7 =	vmul.f32 v39, v12  }
0xed: {  	v44 =	vld [tilespmem:s13+$0x1AFF8];
	[tilespmem:s13+$0x1AF88] =	vst v11;
	v8 =	vmul.f32 v40, v12  }
0xee: {  	v45 =	vld [tilespmem:s13+$0x1B018];
	v9 =	vmul.f32 v41, v12;
	[tilespmem:s13+$0x1AFA8] =	vst v7  }
0xef: {  	v46 =	vld [tilespmem:s13+$0x1B028];
	[tilespmem:s13+$0x1AFB8] =	vst v8;
	v5 =	vmul.f32 v5, v3  }
0xf0: {  	v47 =	vld [tilespmem:s13+$0x1B038];
	v6 =	vmul.f32 v42, v12;
	[tilespmem:s13+$0x1AFC8] =	vst v9  }
0xf1: {  	v10 =	vmul.f32 v43, v12;
	[tilespmem:s13+$0x1AF98] =	vst v5;
	v5 =	vld [tilespmem:s13+$0x1B008]  }
0xf2: {  	v48 =	vld [tilespmem:s13+$0x1B048];
	v11 =	vmul.f32 v44, v12;
	[tilespmem:s13+$0x1AFD8] =	vst v6  }
0xf3: {  	v49 =	vld [tilespmem:s13+$0x1B058];
	v13 =	vbroadcast v2, $0x2;
	[tilespmem:s13+$0x1AFE8] =	vst v10;
	v7 =	vmul.f32 v45, v12  }
0xf4: {  	v50 =	vld [tilespmem:s13+$0x1B068];
	[tilespmem:s13+$0x1AFF8] =	vst v11;
	v8 =	vmul.f32 v46, v12  }
0xf5: {  	v51 =	vld [tilespmem:s13+$0x1B088];
	v9 =	vmul.f32 v47, v13;
	[tilespmem:s13+$0x1B018] =	vst v7  }
0xf6: {  	v52 =	vld [tilespmem:s13+$0x1B098];
	[tilespmem:s13+$0x1B028] =	vst v8;
	v5 =	vmul.f32 v5, v12  }
0xf7: {  	v53 =	vld [tilespmem:s13+$0x1B0A8];
	v6 =	vmul.f32 v48, v13;
	[tilespmem:s13+$0x1B038] =	vst v9  }
0xf8: {  	v10 =	vmul.f32 v49, v13;
	[tilespmem:s13+$0x1B008] =	vst v5;
	v5 =	vld [tilespmem:s13+$0x1B078]  }
0xf9: {  	v54 =	vld [tilespmem:s13+$0x1B0B8];
	v11 =	vmul.f32 v50, v13;
	[tilespmem:s13+$0x1B048] =	vst v6  }
0xfa: {  	v55 =	vld [tilespmem:s13+$0x1B0C8];
	[tilespmem:s13+$0x1B058] =	vst v10;
	v7 =	vmul.f32 v51, v13  }
0xfb: {  	v56 =	vld [tilespmem:s13+$0x1B0D8];
	[tilespmem:s13+$0x1B068] =	vst v11;
	v8 =	vmul.f32 v52, v13  }
0xfc: {  	v57 =	vld [tilespmem:s13+$0x1B0F8];
	v9 =	vmul.f32 v53, v13;
	[tilespmem:s13+$0x1B088] =	vst v7  }
0xfd: {  	v58 =	vld [tilespmem:s13+$0x1B108];
	v59 =	vbroadcast v2, $0x3;
	[tilespmem:s13+$0x1B098] =	vst v8;
	v5 =	vmul.f32 v5, v13  }
0xfe: {  	v60 =	vld [tilespmem:s13+$0x1B118];
	v6 =	vmul.f32 v54, v13;
	[tilespmem:s13+$0x1B0A8] =	vst v9  }
0xff: {  	v10 =	vmul.f32 v55, v59;
	[tilespmem:s13+$0x1B078] =	vst v5;
	v5 =	vld [tilespmem:s13+$0x1B0E8]  }
0x100: {  	v61 =	vld [tilespmem:s13+$0x1B128];
	v11 =	vmul.f32 v56, v59;
	[tilespmem:s13+$0x1B0B8] =	vst v6  }
0x101: {  	v62 =	vld [tilespmem:s13+$0x1B138];
	[tilespmem:s13+$0x1B0C8] =	vst v10;
	v7 =	vmul.f32 v57, v59  }
0x102: {  	v63 =	vld [tilespmem:s13+$0x1B148];
	[tilespmem:s13+$0x1B0D8] =	vst v11;
	v8 =	vmul.f32 v58, v59  }
0x103: {  	v16 =	vld [tilespmem:s13+$0x1B168];
	v9 =	vmul.f32 v60, v59;
	[tilespmem:s13+$0x1B0F8] =	vst v7  }
0x104: {  	v17 =	vld [tilespmem:s13+$0x1B178];
	[tilespmem:s13+$0x1B108] =	vst v8;
	v5 =	vmul.f32 v5, v59  }
0x105: {  	v18 =	vld [tilespmem:s13+$0x1B188];
	v6 =	vmul.f32 v61, v59;
	[tilespmem:s13+$0x1B118] =	vst v9  }
0x106: {  	v20 =	vbroadcast v2, $0x4;
	v10 =	vmul.f32 v62, v59;
	[tilespmem:s13+$0x1B0E8] =	vst v5;
	v5 =	vld [tilespmem:s13+$0x1B158]  }
0x107: {  	v19 =	vld [tilespmem:s13+$0x1B198];
	v11 =	vmul.f32 v63, v59;
	[tilespmem:s13+$0x1B128] =	vst v6  }
0x108: {  	v21 =	vld [tilespmem:s13+$0x1B1A8];
	[tilespmem:s13+$0x1B138] =	vst v10;
	v7 =	vmul.f32 v16, v20  }
0x109: {  	v22 =	vld [tilespmem:s13+$0x1B1B8];
	[tilespmem:s13+$0x1B148] =	vst v11;
	v8 =	vmul.f32 v17, v20  }
0x10a: {  	v23 =	vld [tilespmem:s13+$0x1B1D8];
	v9 =	vmul.f32 v18, v20;
	[tilespmem:s13+$0x1B168] =	vst v7  }
0x10b: {  	v24 =	vld [tilespmem:s13+$0x1B1E8];
	[tilespmem:s13+$0x1B178] =	vst v8;
	v5 =	vmul.f32 v5, v20  }
0x10c: {  	v25 =	vld [tilespmem:s13+$0x1B1F8];
	v6 =	vmul.f32 v19, v20;
	[tilespmem:s13+$0x1B188] =	vst v9  }
0x10d: {  	v10 =	vmul.f32 v21, v20;
	[tilespmem:s13+$0x1B158] =	vst v5;
	v5 =	vld [tilespmem:s13+$0x1B1C8]  }
0x10e: {  	v26 =	vld [tilespmem:s13+$0x1B208];
	v29 =	vbroadcast v2, $0x5;
	v11 =	vmul.f32 v22, v20;
	[tilespmem:s13+$0x1B198] =	vst v6  }
0x10f: {  	v27 =	vld [tilespmem:s13+$0x1B218];
	[tilespmem:s13+$0x1B1A8] =	vst v10;
	v7 =	vmul.f32 v23, v20  }
0x110: {  	v28 =	vld [tilespmem:s13+$0x1B228];
	[tilespmem:s13+$0x1B1B8] =	vst v11;
	v8 =	vmul.f32 v24, v29  }
0x111: {  	v30 =	vld [tilespmem:s13+$0x1B248];
	v9 =	vmul.f32 v25, v29;
	[tilespmem:s13+$0x1B1D8] =	vst v7  }
0x112: {  	v31 =	vld [tilespmem:s13+$0x1B258];
	[tilespmem:s13+$0x1B1E8] =	vst v8;
	v5 =	vmul.f32 v5, v20  }
0x113: {  	v32 =	vld [tilespmem:s13+$0x1B268];
	v6 =	vmul.f32 v26, v29;
	[tilespmem:s13+$0x1B1F8] =	vst v9  }
0x114: {  	v10 =	vmul.f32 v27, v29;
	[tilespmem:s13+$0x1B1C8] =	vst v5;
	v5 =	vld [tilespmem:s13+$0x1B238]  }
0x115: {  	v33 =	vld [tilespmem:s13+$0x1B278];
	v11 =	vmul.f32 v28, v29;
	[tilespmem:s13+$0x1B208] =	vst v6  }
0x116: {  	v34 =	vld [tilespmem:s13+$0x1B288];
	[tilespmem:s13+$0x1B218] =	vst v10;
	v7 =	vmul.f32 v30, v29  }
0x117: {  	v35 =	vld [tilespmem:s13+$0x1B298];
	[tilespmem:s13+$0x1B228] =	vst v11;
	v8 =	vmul.f32 v31, v29  }
0x118: {  	v36 =	vld [tilespmem:s13+$0x1B2B8];
	v37 =	vbroadcast v2, $0x6;
	v9 =	vmul.f32 v32, v29;
	[tilespmem:s13+$0x1B248] =	vst v7  }
0x119: {  	v38 =	vld [tilespmem:s13+$0x1B2C8];
	[tilespmem:s13+$0x1B258] =	vst v8;
	v5 =	vmul.f32 v5, v29  }
0x11a: {  	v39 =	vld [tilespmem:s13+$0x1B2D8];
	v6 =	vmul.f32 v33, v37;
	[tilespmem:s13+$0x1B268] =	vst v9  }
0x11b: {  	v10 =	vmul.f32 v34, v37;
	[tilespmem:s13+$0x1B238] =	vst v5;
	v5 =	vld [tilespmem:s13+$0x1B2A8]  }
0x11c: {  	v40 =	vld [tilespmem:s13+$0x1B2E8];
	v11 =	vmul.f32 v35, v37;
	[tilespmem:s13+$0x1B278] =	vst v6  }
0x11d: {  	v41 =	vld [tilespmem:s13+$0x1B2F8];
	[tilespmem:s13+$0x1B288] =	vst v10;
	v7 =	vmul.f32 v36, v37  }
0x11e: {  	v42 =	vld [tilespmem:s13+$0x1B308];
	[tilespmem:s13+$0x1B298] =	vst v11;
	v8 =	vmul.f32 v38, v37  }
0x11f: {  	v43 =	vld [tilespmem:s13+$0x1B328];
	v9 =	vmul.f32 v39, v37;
	[tilespmem:s13+$0x1B2B8] =	vst v7  }
0x120: {  	v44 =	vld [tilespmem:s13+$0x1B338];
	[tilespmem:s13+$0x1B2C8] =	vst v8;
	v5 =	vmul.f32 v5, v37  }
0x121: {  	v45 =	vld [tilespmem:s13+$0x1B348];
	v46 =	vbroadcast v2, $0x7;
	v6 =	vmul.f32 v40, v37;
	[tilespmem:s13+$0x1B2D8] =	vst v9  }
0x122: {  	v10 =	vmul.f32 v41, v37;
	[tilespmem:s13+$0x1B2A8] =	vst v5;
	v5 =	vld [tilespmem:s13+$0x1B318]  }
0x123: {  	v47 =	vld [tilespmem:s13+$0x1B358];
	v11 =	vmul.f32 v42, v46;
	[tilespmem:s13+$0x1B2E8] =	vst v6  }
0x124: {  	v48 =	vld [tilespmem:s13+$0x1B368];
	[tilespmem:s13+$0x1B2F8] =	vst v10;
	v7 =	vmul.f32 v43, v46  }
0x125: {  	v49 =	vld [tilespmem:s13+$0x1B378];
	[tilespmem:s13+$0x1B308] =	vst v11;
	v8 =	vmul.f32 v44, v46  }
0x126: {  	v50 =	vld [tilespmem:s13+$0x1B398];
	v9 =	vmul.f32 v45, v46;
	[tilespmem:s13+$0x1B328] =	vst v7  }
0x127: {  	v51 =	vld [tilespmem:s13+$0x1B3A8];
	[tilespmem:s13+$0x1B338] =	vst v8;
	v5 =	vmul.f32 v5, v46  }
0x128: {  	v52 =	vld [tilespmem:s13+$0x1B3B8];
	v6 =	vmul.f32 v47, v46;
	[tilespmem:s13+$0x1B348] =	vst v9  }
0x129: {  	v55 =	vbroadcast v2, $0x8;
	v10 =	vmul.f32 v48, v46;
	[tilespmem:s13+$0x1B318] =	vst v5;
	v5 =	vld [tilespmem:s13+$0x1B388]  }
0x12a: {  	v53 =	vld [tilespmem:s13+$0x1B3C8];
	v11 =	vmul.f32 v49, v46;
	[tilespmem:s13+$0x1B358] =	vst v6  }
0x12b: {  	v54 =	vld [tilespmem:s13+$0x1B3D8];
	[tilespmem:s13+$0x1B368] =	vst v10;
	v7 =	vmul.f32 v50, v55  }
0x12c: {  	v56 =	vld [tilespmem:s13+$0x1B3E8];
	[tilespmem:s13+$0x1B378] =	vst v11;
	v8 =	vmul.f32 v51, v55  }
0x12d: {  	v57 =	vld [tilespmem:s13+$0x1B408];
	v9 =	vmul.f32 v52, v55;
	[tilespmem:s13+$0x1B398] =	vst v7  }
0x12e: {  	v58 =	vld [tilespmem:s13+$0x1B418];
	[tilespmem:s13+$0x1B3A8] =	vst v8;
	v5 =	vmul.f32 v5, v46  }
0x12f: {  	v60 =	vld [tilespmem:s13+$0x1B438];
	v6 =	vmul.f32 v53, v55;
	[tilespmem:s13+$0x1B3B8] =	vst v9  }
0x130: {  	v10 =	vmul.f32 v54, v55;
	[tilespmem:s13+$0x1B388] =	vst v5;
	v5 =	vld [tilespmem:s13+$0x1B3F8]  }
0x131: {  	v61 =	vld [tilespmem:s13+$0x1B448];
	v11 =	vmul.f32 v56, v55;
	[tilespmem:s13+$0x1B3C8] =	vst v6  }
0x132: {  	v62 =	vld [tilespmem:s13+$0x1B458];
	v63 =	vbroadcast v2, $0x9;
	[tilespmem:s13+$0x1B3D8] =	vst v10;
	v7 =	vmul.f32 v57, v55  }
0x133: {  	v32 =	vld [tilespmem:s13+$0x1AF18];
	[tilespmem:s13+$0x1B3E8] =	vst v11;
	v8 =	vmul.f32 v58, v55  }
0x134: {  	v35 =	vld [tilespmem:s13+$0x1B598];
	v6 =	vmul.f32 v60, v63;
	[tilespmem:s13+$0x1B408] =	vst v7  }
0x135: {  	v16 =	vld [tilespmem:s13+$0x1B478];
	[tilespmem:s13+$0x1B418] =	vst v8;
	v5 =	vmul.f32 v5, v55  }
0x136: {  	v17 =	vld [tilespmem:s13+$0x1B488];
	v10 =	vmul.f32 v61, v63;
	[tilespmem:s13+$0x1B438] =	vst v6  }
0x137: {  	v33 =	vbroadcast v2, $0xB;
	v11 =	vmul.f32 v62, v63;
	[tilespmem:s13+$0x1B3F8] =	vst v5;
	v5 =	vld [tilespmem:s13+$0x1B468]  }
0x138: {  	v19 =	vld [tilespmem:s13+$0x1B4A8];
	v3 =	vmul.f32 v3, v32;
	[tilespmem:s13+$0x1B448] =	vst v10  }
0x139: {  	v21 =	vld [tilespmem:s13+$0x1B4C8];
	v40 =	vmul.f32 v35, v33;
	[tilespmem:s13+$0x1B458] =	vst v11  }
0x13a: {  	v22 =	vld [tilespmem:s13+$0x1B4E8];
	v7 =	vmul.f32 v16, v63;
	[tilespmem:s13+$0x1AF18] =	vst v3  }
0x13b: {  	v23 =	vld [tilespmem:s13+$0x1B4F8];
	v8 =	vmul.f32 v17, v63;
	[tilespmem:s13+$0x1B598] =	vst v40  }
0x13c: {  	v24 =	vbroadcast v2, $0xA;
	v26 =	vld [tilespmem:s13+$0x1B518];
	[tilespmem:s13+$0x1B478] =	vst v7;
	v5 =	vmul.f32 v5, v63  }
0x13d: {  	v6 =	vmul.f32 v19, v63;
	[tilespmem:s13+$0x1B488] =	vst v8;
	v59 =	vld [tilespmem:s13+$0x1B428]  }
0x13e: {  	v11 =	vmul.f32 v21, v24;
	[tilespmem:s13+$0x1B468] =	vst v5;
	v5 =	vld [tilespmem:s13+$0x1B4D8]  }
0x13f: {  	v28 =	vld [tilespmem:s13+$0x1B538];
	[tilespmem:s13+$0x1B4A8] =	vst v6;
	v7 =	vmul.f32 v22, v24  }
0x140: {  	v18 =	vld [tilespmem:s13+$0x1B498];
	[tilespmem:s13+$0x1B4C8] =	vst v11;
	v8 =	vmul.f32 v23, v24  }
0x141: {  	v30 =	vld [tilespmem:s13+$0x1B568];
	v6 =	vmul.f32 v26, v24;
	[tilespmem:s13+$0x1B4E8] =	vst v7  }
0x142: {  	v25 =	vld [tilespmem:s13+$0x1B508];
	[tilespmem:s13+$0x1B4F8] =	vst v8;
	v9 =	vmul.f32 v59, v63  }
0x143: {  	v38 =	vld [tilespmem:s13+$0x1B5C8];
	[tilespmem:s13+$0x1B518] =	vst v6;
	v5 =	vmul.f32 v5, v24  }
0x144: {  	v31 =	vld [tilespmem:s13+$0x1B578];
	v11 =	vmul.f32 v28, v24;
	[tilespmem:s13+$0x1B428] =	vst v9  }
0x145: {  	v9 =	vmul.f32 v18, v63;
	[tilespmem:s13+$0x1B4D8] =	vst v5;
	v5 =	vld [tilespmem:s13+$0x1B548]  }
0x146: {  	v3 =	vld [tilespmem:s13+$0x1B608];
	[tilespmem:s13+$0x1B538] =	vst v11;
	v8 =	vmul.f32 v30, v33  }
0x147: {  	v39 =	vld [tilespmem:s13+$0x1B5D8];
	[tilespmem:s13+$0x1B498] =	vst v9;
	v9 =	vmul.f32 v25, v24  }
0x148: {  	v6 =	vmul.f32 v38, v33;
	[tilespmem:s13+$0x1B568] =	vst v8  }
0x149: {  	v42 =	vbroadcast v2, $0xC;
	v45 =	vld [tilespmem:s13+$0x1B658];
	[tilespmem:s13+$0x1B508] =	vst v9;
	v9 =	vmul.f32 v31, v33  }
0x14a: {  	v44 =	vld [tilespmem:s13+$0x1B648];
	[tilespmem:s13+$0x1B5C8] =	vst v6;
	v5 =	vmul.f32 v5, v33  }
0x14b: {  	v3 =	vmul.f32 v3, v42;
	[tilespmem:s13+$0x1B578] =	vst v9;
	v20 =	vld [tilespmem:s13+$0x1B4B8];
	v37 =	vbroadcast v2, $0xD  }
0x14c: {  	v9 =	vmul.f32 v39, v42;
	[tilespmem:s13+$0x1B548] =	vst v5;
	v5 =	vld [tilespmem:s13+$0x1B5A8]  }
0x14d: {  	v14 =	vld [tilespmem:s13+$0x1B5E8];
	[tilespmem:s13+$0x1B608] =	vst v3;
	v4 =	vmul.f32 v4, v37  }
0x14e: {  	v27 =	vld [tilespmem:s13+$0x1B528];
	v6 =	vmul.f32 v45, v42;
	[tilespmem:s13+$0x1B5D8] =	vst v9  }
0x14f: {  	v9 =	vmul.f32 v44, v42;
	[tilespmem:s13+$0x1B6A8] =	vst v4;
	v4 =	vld [tilespmem:s13+$0x1B5F8]  }
0x150: {  	[tilespmem:s13+$0x1B658] =	vst v6;
	v56 =	vld [tilespmem:s13+$0x1B778];
	v10 =	vmul.f32 v20, v24  }
0x151: {  	v34 =	vld [tilespmem:s13+$0x1B588];
	[tilespmem:s13+$0x1B648] =	vst v9;
	v5 =	vmul.f32 v5, v33  }
0x152: {  	v57 =	vmul.f32 v14, v42;
	[tilespmem:s13+$0x1B4B8] =	vst v10;
	v29 =	vld [tilespmem:s13+$0x1B558]  }
0x153: {  	v53 =	vbroadcast v2, $0xE;
	v10 =	vmul.f32 v27, v24;
	[tilespmem:s13+$0x1B5A8] =	vst v5;
	v5 =	vld [tilespmem:s13+$0x1B628]  }
0x154: {  	v36 =	vld [tilespmem:s13+$0x1B5B8];
	[tilespmem:s13+$0x1B5E8] =	vst v57;
	v4 =	vmul.f32 v4, v42  }
0x155: {  	v3 =	vld [tilespmem:s13+$0x1B678];
	v8 =	vmul.f32 v56, v53;
	[tilespmem:s13+$0x1B528] =	vst v10  }
0x156: {  	v10 =	vmul.f32 v34, v33;
	[tilespmem:s13+$0x1B5F8] =	vst v4;
	v4 =	vld [tilespmem:s13+$0x1B668]  }
0x157: {  	v41 =	vld [tilespmem:s13+$0x1B618];
	[tilespmem:s13+$0x1B778] =	vst v8;
	v7 =	vmul.f32 v29, v33  }
0x158: {  	v43 =	vld [tilespmem:s13+$0x1B638];
	[tilespmem:s13+$0x1B588] =	vst v10;
	v5 =	vmul.f32 v5, v42  }
0x159: {  	v48 =	vld [tilespmem:s13+$0x1B6C8];
	[tilespmem:s13+$0x1B558] =	vst v7;
	v7 =	vmul.f32 v36, v33  }
0x15a: {  	v3 =	vmul.f32 v3, v37;
	[tilespmem:s13+$0x1B628] =	vst v5;
	v5 =	vld [tilespmem:s13+$0x1B698]  }
0x15b: {  	v49 =	vld [tilespmem:s13+$0x1B6D8];
	[tilespmem:s13+$0x1B5B8] =	vst v7;
	v4 =	vmul.f32 v4, v37  }
0x15c: {  	v10 =	vmul.f32 v41, v42;
	[tilespmem:s13+$0x1B678] =	vst v3;
	v3 =	vld [tilespmem:s13+$0x1B6F8]  }
0x15d: {  	v7 =	vmul.f32 v43, v42;
	[tilespmem:s13+$0x1B668] =	vst v4;
	v4 =	vld [tilespmem:s13+$0x1B6E8]  }
0x15e: {  	v47 =	vld [tilespmem:s13+$0x1B6B8];
	[tilespmem:s13+$0x1B618] =	vst v10;
	v9 =	vmul.f32 v48, v37  }
0x15f: {  	v54 =	vld [tilespmem:s13+$0x1B748];
	[tilespmem:s13+$0x1B638] =	vst v7;
	v5 =	vmul.f32 v5, v37  }
0x160: {  	v51 =	vld [tilespmem:s13+$0x1B728];
	v6 =	vmul.f32 v49, v37;
	[tilespmem:s13+$0x1B6C8] =	vst v9  }
0x161: {  	v3 =	vmul.f32 v3, v53;
	[tilespmem:s13+$0x1B698] =	vst v5;
	v5 =	vld [tilespmem:s13+$0x1B718]  }
0x162: {  	v60 =	vld [tilespmem:s13+$0x1B7B8];
	[tilespmem:s13+$0x1B6D8] =	vst v6;
	v4 =	vmul.f32 v4, v37  }
0x163: {  	v7 =	vmul.f32 v47, v37;
	[tilespmem:s13+$0x1B6F8] =	vst v3;
	v3 =	vld [tilespmem:s13+$0x1B768]  }
0x164: {  	v6 =	vmul.f32 v54, v53;
	[tilespmem:s13+$0x1B6E8] =	vst v4;
	v4 =	vld [tilespmem:s13+$0x1B758]  }
0x165: {  	v58 =	vld [tilespmem:s13+$0x1B798];
	v2 =	vbroadcast v2, $0xF;
	[tilespmem:s13+$0x1B6B8] =	vst v7;
	v7 =	vmul.f32 v51, v53  }
0x166: {  	[tilespmem:s13+$0x1B748] =	vst v6;
	v46 =	vld [tilespmem:s13+$0x1B688];
	v5 =	vmul.f32 v5, v53  }
0x167: {  	v50 =	vld [tilespmem:s13+$0x1B708];
	v6 =	vmul.f32 v60, v2;
	[tilespmem:s13+$0x1B728] =	vst v7  }
0x168: {  	v3 =	vmul.f32 v3, v53;
	[tilespmem:s13+$0x1B718] =	vst v5;
	v5 =	vld [tilespmem:s13+$0x1B788]  }
0x169: {  	v59 =	vld [tilespmem:s13+$0x1B7A8];
	[tilespmem:s13+$0x1B7B8] =	vst v6;
	v4 =	vmul.f32 v4, v53  }
0x16a: {  	v7 =	vmul.f32 v58, v2;
	[tilespmem:s13+$0x1B768] =	vst v3;
	v3 =	vld [tilespmem:s13+$0x1B7D8]  }
0x16b: {  	v10 =	vmul.f32 v46, v37;
	[tilespmem:s13+$0x1B758] =	vst v4;
	v4 =	vld [tilespmem:s13+$0x1B7C8]  }
0x16c: {  	v52 =	vld [tilespmem:s13+$0x1B738];
	[tilespmem:s13+$0x1B798] =	vst v7;
	v55 =	vmul.f32 v50, v53  }
0x16d: {  	v61 =	vld [tilespmem:s13+$0x1B7E8];
	[tilespmem:s13+$0x1B688] =	vst v10;
	v5 =	vmul.f32 v5, v2  }
0x16e: {  	v62 =	vld [tilespmem:s13+$0x1B808];
	v10 =	vmul.f32 v59, v2;
	[tilespmem:s13+$0x1B708] =	vst v55  }
0x16f: {  	v3 =	vmul.f32 v3, v2;
	[tilespmem:s13+$0x1B788] =	vst v5;
	v5 =	vld [tilespmem:s13+$0x1B7F8]  }
0x170: {  	[tilespmem:s13+$0x1B7A8] =	vst v10;
	v4 =	vmul.f32 v4, v2  }
0x171: {  	[tilespmem:s13+$0x1B7D8] =	vst v3;
	v63 =	vmul.f32 v52, v53  }
0x172: {  	[tilespmem:s13+$0x1B7C8] =	vst v4;
	v4 =	vmul.f32 v61, v2  }
0x173: {  	[tilespmem:s13+$0x1B738] =	vst v63  }
0x174: {  	s15 =	simm.s32 $0x1;
	[tilespmem:s13+$0x1B7E8] =	vst v4;
	v3 =	vmul.f32 v5, v2;
	v2 =	vmul.f32 v62, v2  }
.LBB2_5:
0x175: {  	s16 =	sshll.u32 s15, $0x4  }
0x176: {  	p1 =	sne.s32 s15, $0x7;
	[tilespmem:s13+$0x1B7F8] =	vst v3;
	s17 =	smov.u32 s15;
	s15 =	sadd.s32 $0x1, s15  }
0x177: {  	s16 =	sand.u32 $0x3FFFFFF0, s16;
	s17 =	smul.u32 $0x2400, s17;
	[tilespmem:s13+$0x1B808] =	vst v2  }
0x178: {  	v2 =	vld [tilespmem:s16+$0x1F718]  }
0x179: {  	s13 =	sshra.s32 s17, $0x2  }
0x17a: {  	v6 =	vld [tilespmem:s13+$0x1AF28]  }
0x17b: {  	v7 =	vld [tilespmem:s13+$0x1AF68]  }
0x17c: {  	v8 =	vld [tilespmem:s13+$0x1AF38]  }
0x17d: {  	v3 =	vbroadcast v2, $0x0;
	v9 =	vld [tilespmem:s13+$0x1AF48];
	v5 =	vbroadcast v2, $0x4  }
0x17e: {  	v11 =	vbroadcast v2, $0x2;
	v10 =	vld [tilespmem:s13+$0x1AF58]  }
0x17f: {  	v4 =	vld [tilespmem:s13+$0x1B6A8]  }
0x180: {  	v6 =	vmul.f32 v6, v3;
	v7 =	vmul.f32 v7, v3;
	v12 =	vld [tilespmem:s13+$0x1AF78]  }
0x181: {  	v8 =	vmul.f32 v8, v3;
	v13 =	vld [tilespmem:s13+$0x1AF88]  }
0x182: {  	[tilespmem:s13+$0x1AF28] =	vst v6;
	v6 =	vmul.f32 v9, v3;
	v9 =	vld [tilespmem:s13+$0x1AF98]  }
0x183: {  	[tilespmem:s13+$0x1AF38] =	vst v8;
	v8 =	vmul.f32 v10, v3;
	v10 =	vld [tilespmem:s13+$0x1AFA8]  }
0x184: {  	[tilespmem:s13+$0x1AF48] =	vst v6;
	v6 =	vld [tilespmem:s13+$0x1AFB8]  }
0x185: {  	[tilespmem:s13+$0x1AF58] =	vst v8;
	v8 =	vmul.f32 v12, v3;
	v12 =	vld [tilespmem:s13+$0x1AFC8]  }
0x186: {  	[tilespmem:s13+$0x1AF68] =	vst v7;
	v7 =	vmul.f32 v13, v3;
	v13 =	vbroadcast v2, $0x1;
	v14 =	vld [tilespmem:s13+$0x1AFD8]  }
0x187: {  	[tilespmem:s13+$0x1AF78] =	vst v8;
	v8 =	vmul.f32 v9, v3;
	v9 =	vld [tilespmem:s13+$0x1AFE8]  }
0x188: {  	[tilespmem:s13+$0x1AF88] =	vst v7;
	v7 =	vmul.f32 v10, v13;
	v10 =	vld [tilespmem:s13+$0x1AFF8]  }
0x189: {  	[tilespmem:s13+$0x1AF98] =	vst v8;
	v6 =	vmul.f32 v6, v13;
	v8 =	vld [tilespmem:s13+$0x1B008]  }
0x18a: {  	[tilespmem:s13+$0x1AFA8] =	vst v7;
	v7 =	vmul.f32 v12, v13;
	v12 =	vld [tilespmem:s13+$0x1B018]  }
0x18b: {  	[tilespmem:s13+$0x1AFB8] =	vst v6;
	v6 =	vmul.f32 v14, v13;
	v14 =	vld [tilespmem:s13+$0x1B028]  }
0x18c: {  	[tilespmem:s13+$0x1AFC8] =	vst v7;
	v7 =	vmul.f32 v9, v13;
	v9 =	vld [tilespmem:s13+$0x1B038]  }
0x18d: {  	[tilespmem:s13+$0x1AFD8] =	vst v6;
	v6 =	vmul.f32 v10, v13;
	v10 =	vld [tilespmem:s13+$0x1B048]  }
0x18e: {  	[tilespmem:s13+$0x1AFE8] =	vst v7;
	v7 =	vmul.f32 v8, v13;
	v8 =	vld [tilespmem:s13+$0x1B058]  }
0x18f: {  	[tilespmem:s13+$0x1AFF8] =	vst v6;
	v6 =	vmul.f32 v12, v13;
	v12 =	vld [tilespmem:s13+$0x1B068]  }
0x190: {  	[tilespmem:s13+$0x1B008] =	vst v7;
	v7 =	vmul.f32 v14, v13;
	v13 =	vld [tilespmem:s13+$0x1B078]  }
0x191: {  	[tilespmem:s13+$0x1B018] =	vst v6;
	v6 =	vmul.f32 v9, v11;
	v9 =	vld [tilespmem:s13+$0x1B088]  }
0x192: {  	[tilespmem:s13+$0x1B028] =	vst v7;
	v7 =	vmul.f32 v10, v11;
	v10 =	vld [tilespmem:s13+$0x1B098]  }
0x193: {  	[tilespmem:s13+$0x1B038] =	vst v6;
	v6 =	vmul.f32 v8, v11;
	v8 =	vld [tilespmem:s13+$0x1B0A8]  }
0x194: {  	[tilespmem:s13+$0x1B048] =	vst v7;
	v7 =	vmul.f32 v12, v11;
	v12 =	vld [tilespmem:s13+$0x1B0B8]  }
0x195: {  	[tilespmem:s13+$0x1B058] =	vst v6;
	v6 =	vmul.f32 v13, v11;
	v13 =	vld [tilespmem:s13+$0x1B0C8]  }
0x196: {  	[tilespmem:s13+$0x1B068] =	vst v7;
	v7 =	vmul.f32 v9, v11;
	v9 =	vld [tilespmem:s13+$0x1B0D8]  }
0x197: {  	[tilespmem:s13+$0x1B078] =	vst v6;
	v6 =	vmul.f32 v10, v11;
	v10 =	vld [tilespmem:s13+$0x1B0E8]  }
0x198: {  	[tilespmem:s13+$0x1B088] =	vst v7;
	v7 =	vmul.f32 v8, v11;
	v8 =	vbroadcast v2, $0x3;
	v14 =	vld [tilespmem:s13+$0x1B0F8]  }
0x199: {  	[tilespmem:s13+$0x1B098] =	vst v6;
	v6 =	vmul.f32 v12, v11;
	v11 =	vld [tilespmem:s13+$0x1B108]  }
0x19a: {  	[tilespmem:s13+$0x1B0A8] =	vst v7;
	v7 =	vmul.f32 v13, v8;
	v12 =	vld [tilespmem:s13+$0x1B118]  }
0x19b: {  	[tilespmem:s13+$0x1B0B8] =	vst v6;
	v6 =	vmul.f32 v9, v8;
	v9 =	vld [tilespmem:s13+$0x1B128]  }
0x19c: {  	[tilespmem:s13+$0x1B0C8] =	vst v7;
	v7 =	vmul.f32 v10, v8;
	v10 =	vld [tilespmem:s13+$0x1B138]  }
0x19d: {  	[tilespmem:s13+$0x1B0D8] =	vst v6;
	v6 =	vmul.f32 v14, v8;
	v13 =	vld [tilespmem:s13+$0x1B148]  }
0x19e: {  	[tilespmem:s13+$0x1B0E8] =	vst v7;
	v7 =	vmul.f32 v11, v8;
	v11 =	vld [tilespmem:s13+$0x1B158]  }
0x19f: {  	[tilespmem:s13+$0x1B0F8] =	vst v6;
	v6 =	vmul.f32 v12, v8;
	v12 =	vld [tilespmem:s13+$0x1B168]  }
0x1a0: {  	[tilespmem:s13+$0x1B108] =	vst v7;
	v7 =	vmul.f32 v9, v8;
	v9 =	vld [tilespmem:s13+$0x1B178]  }
0x1a1: {  	[tilespmem:s13+$0x1B118] =	vst v6;
	v6 =	vmul.f32 v10, v8;
	v10 =	vld [tilespmem:s13+$0x1B188]  }
0x1a2: {  	[tilespmem:s13+$0x1B128] =	vst v7;
	v7 =	vmul.f32 v13, v8;
	v8 =	vld [tilespmem:s13+$0x1B198]  }
0x1a3: {  	[tilespmem:s13+$0x1B138] =	vst v6;
	v6 =	vmul.f32 v11, v5;
	v11 =	vld [tilespmem:s13+$0x1B1A8]  }
0x1a4: {  	[tilespmem:s13+$0x1B148] =	vst v7;
	v7 =	vmul.f32 v12, v5;
	v12 =	vld [tilespmem:s13+$0x1B1B8]  }
0x1a5: {  	[tilespmem:s13+$0x1B158] =	vst v6;
	v6 =	vmul.f32 v9, v5;
	v9 =	vld [tilespmem:s13+$0x1B1C8]  }
0x1a6: {  	[tilespmem:s13+$0x1B168] =	vst v7;
	v7 =	vmul.f32 v10, v5;
	v10 =	vld [tilespmem:s13+$0x1B1D8]  }
0x1a7: {  	[tilespmem:s13+$0x1B178] =	vst v6;
	v6 =	vmul.f32 v8, v5;
	v8 =	vld [tilespmem:s13+$0x1B1E8]  }
0x1a8: {  	[tilespmem:s13+$0x1B188] =	vst v7;
	v7 =	vmul.f32 v11, v5;
	v11 =	vld [tilespmem:s13+$0x1B1F8]  }
0x1a9: {  	[tilespmem:s13+$0x1B198] =	vst v6;
	v6 =	vmul.f32 v12, v5;
	v12 =	vld [tilespmem:s13+$0x1B208]  }
0x1aa: {  	[tilespmem:s13+$0x1B1A8] =	vst v7;
	v7 =	vmul.f32 v9, v5;
	v9 =	vbroadcast v2, $0x5;
	v13 =	vld [tilespmem:s13+$0x1B218]  }
0x1ab: {  	[tilespmem:s13+$0x1B1B8] =	vst v6;
	v5 =	vmul.f32 v10, v5;
	v6 =	vld [tilespmem:s13+$0x1B228]  }
0x1ac: {  	[tilespmem:s13+$0x1B1C8] =	vst v7;
	v7 =	vmul.f32 v8, v9;
	v8 =	vld [tilespmem:s13+$0x1B238]  }
0x1ad: {  	[tilespmem:s13+$0x1B1D8] =	vst v5;
	v5 =	vmul.f32 v11, v9;
	v10 =	vld [tilespmem:s13+$0x1B248]  }
0x1ae: {  	[tilespmem:s13+$0x1B1E8] =	vst v7;
	v7 =	vmul.f32 v12, v9;
	v11 =	vld [tilespmem:s13+$0x1B258]  }
0x1af: {  	[tilespmem:s13+$0x1B1F8] =	vst v5;
	v5 =	vmul.f32 v13, v9;
	v12 =	vld [tilespmem:s13+$0x1B268]  }
0x1b0: {  	[tilespmem:s13+$0x1B208] =	vst v7;
	v6 =	vmul.f32 v6, v9;
	v7 =	vld [tilespmem:s13+$0x1B278]  }
0x1b1: {  	[tilespmem:s13+$0x1B218] =	vst v5;
	v5 =	vmul.f32 v8, v9;
	v8 =	vld [tilespmem:s13+$0x1B288]  }
0x1b2: {  	[tilespmem:s13+$0x1B228] =	vst v6;
	v6 =	vmul.f32 v10, v9;
	v10 =	vld [tilespmem:s13+$0x1B298]  }
0x1b3: {  	[tilespmem:s13+$0x1B238] =	vst v5;
	v5 =	vmul.f32 v11, v9;
	v11 =	vbroadcast v2, $0x6;
	v13 =	vld [tilespmem:s13+$0x1B2A8]  }
0x1b4: {  	[tilespmem:s13+$0x1B248] =	vst v6;
	v6 =	vmul.f32 v12, v9;
	v9 =	vld [tilespmem:s13+$0x1B2B8]  }
0x1b5: {  	[tilespmem:s13+$0x1B258] =	vst v5;
	v5 =	vmul.f32 v7, v11;
	v7 =	vld [tilespmem:s13+$0x1B2C8]  }
0x1b6: {  	[tilespmem:s13+$0x1B268] =	vst v6;
	v6 =	vmul.f32 v8, v11;
	v8 =	vld [tilespmem:s13+$0x1B2D8]  }
0x1b7: {  	[tilespmem:s13+$0x1B278] =	vst v5;
	v5 =	vmul.f32 v10, v11;
	v10 =	vld [tilespmem:s13+$0x1B2E8]  }
0x1b8: {  	[tilespmem:s13+$0x1B288] =	vst v6;
	v6 =	vmul.f32 v13, v11;
	v12 =	vld [tilespmem:s13+$0x1B2F8]  }
0x1b9: {  	[tilespmem:s13+$0x1B298] =	vst v5;
	v5 =	vmul.f32 v9, v11;
	v9 =	vld [tilespmem:s13+$0x1B308]  }
0x1ba: {  	[tilespmem:s13+$0x1B2A8] =	vst v6;
	v6 =	vmul.f32 v7, v11;
	v7 =	vld [tilespmem:s13+$0x1B318]  }
0x1bb: {  	[tilespmem:s13+$0x1B2B8] =	vst v5;
	v5 =	vmul.f32 v8, v11;
	v8 =	vld [tilespmem:s13+$0x1B328]  }
0x1bc: {  	[tilespmem:s13+$0x1B2C8] =	vst v6;
	v6 =	vmul.f32 v10, v11;
	v10 =	vbroadcast v2, $0x7;
	v13 =	vld [tilespmem:s13+$0x1B338]  }
0x1bd: {  	[tilespmem:s13+$0x1B2D8] =	vst v5;
	v5 =	vmul.f32 v12, v11;
	v11 =	vld [tilespmem:s13+$0x1B348]  }
0x1be: {  	[tilespmem:s13+$0x1B2E8] =	vst v6;
	v6 =	vmul.f32 v9, v10;
	v9 =	vld [tilespmem:s13+$0x1B358]  }
0x1bf: {  	[tilespmem:s13+$0x1B2F8] =	vst v5;
	v5 =	vmul.f32 v7, v10;
	v7 =	vld [tilespmem:s13+$0x1B368]  }
0x1c0: {  	[tilespmem:s13+$0x1B308] =	vst v6;
	v6 =	vmul.f32 v8, v10;
	v8 =	vld [tilespmem:s13+$0x1B378]  }
0x1c1: {  	[tilespmem:s13+$0x1B318] =	vst v5;
	v5 =	vmul.f32 v13, v10;
	v12 =	vld [tilespmem:s13+$0x1B388]  }
0x1c2: {  	[tilespmem:s13+$0x1B328] =	vst v6;
	v6 =	vmul.f32 v11, v10;
	v11 =	vld [tilespmem:s13+$0x1B398]  }
0x1c3: {  	[tilespmem:s13+$0x1B338] =	vst v5;
	v5 =	vmul.f32 v9, v10;
	v9 =	vld [tilespmem:s13+$0x1B3A8]  }
0x1c4: {  	[tilespmem:s13+$0x1B348] =	vst v6;
	v6 =	vmul.f32 v7, v10;
	v7 =	vld [tilespmem:s13+$0x1B3B8]  }
0x1c5: {  	[tilespmem:s13+$0x1B358] =	vst v5;
	v5 =	vmul.f32 v8, v10;
	v8 =	vbroadcast v2, $0x8;
	v13 =	vld [tilespmem:s13+$0x1B3C8]  }
0x1c6: {  	[tilespmem:s13+$0x1B368] =	vst v6;
	v6 =	vmul.f32 v12, v10;
	v10 =	vld [tilespmem:s13+$0x1B3D8]  }
0x1c7: {  	[tilespmem:s13+$0x1B378] =	vst v5;
	v5 =	vmul.f32 v11, v8;
	v11 =	vld [tilespmem:s13+$0x1B3E8]  }
0x1c8: {  	[tilespmem:s13+$0x1B388] =	vst v6;
	v6 =	vmul.f32 v9, v8;
	v9 =	vld [tilespmem:s13+$0x1B3F8]  }
0x1c9: {  	[tilespmem:s13+$0x1B398] =	vst v5;
	v5 =	vmul.f32 v7, v8;
	v7 =	vld [tilespmem:s13+$0x1B408]  }
0x1ca: {  	[tilespmem:s13+$0x1B3A8] =	vst v6;
	v6 =	vmul.f32 v13, v8;
	v12 =	vld [tilespmem:s13+$0x1B418]  }
0x1cb: {  	[tilespmem:s13+$0x1B3B8] =	vst v5;
	v5 =	vmul.f32 v10, v8;
	v10 =	vld [tilespmem:s13+$0x1B428]  }
0x1cc: {  	[tilespmem:s13+$0x1B3C8] =	vst v6;
	v6 =	vmul.f32 v11, v8;
	v11 =	vld [tilespmem:s13+$0x1B438]  }
0x1cd: {  	[tilespmem:s13+$0x1B3D8] =	vst v5;
	v5 =	vmul.f32 v9, v8;
	v9 =	vld [tilespmem:s13+$0x1B448]  }
0x1ce: {  	[tilespmem:s13+$0x1B3E8] =	vst v6;
	v6 =	vmul.f32 v7, v8;
	v7 =	vbroadcast v2, $0x9;
	v13 =	vld [tilespmem:s13+$0x1B458]  }
0x1cf: {  	[tilespmem:s13+$0x1B3F8] =	vst v5;
	v5 =	vmul.f32 v12, v8;
	v8 =	vld [tilespmem:s13+$0x1B468]  }
0x1d0: {  	[tilespmem:s13+$0x1B408] =	vst v6;
	v6 =	vmul.f32 v10, v7;
	v10 =	vld [tilespmem:s13+$0x1B478]  }
0x1d1: {  	[tilespmem:s13+$0x1B418] =	vst v5;
	v5 =	vmul.f32 v11, v7;
	v11 =	vld [tilespmem:s13+$0x1B488]  }
0x1d2: {  	[tilespmem:s13+$0x1B428] =	vst v6;
	v6 =	vmul.f32 v9, v7;
	v9 =	vld [tilespmem:s13+$0x1B498]  }
0x1d3: {  	[tilespmem:s13+$0x1B438] =	vst v5;
	v5 =	vmul.f32 v13, v7;
	v12 =	vld [tilespmem:s13+$0x1B4A8]  }
0x1d4: {  	[tilespmem:s13+$0x1B448] =	vst v6;
	v6 =	vmul.f32 v8, v7;
	v8 =	vld [tilespmem:s13+$0x1B4B8]  }
0x1d5: {  	[tilespmem:s13+$0x1B458] =	vst v5;
	v5 =	vmul.f32 v10, v7;
	v10 =	vld [tilespmem:s13+$0x1B4C8]  }
0x1d6: {  	[tilespmem:s13+$0x1B468] =	vst v6;
	v6 =	vmul.f32 v11, v7;
	v11 =	vld [tilespmem:s13+$0x1B4D8]  }
0x1d7: {  	[tilespmem:s13+$0x1B478] =	vst v5;
	v5 =	vmul.f32 v9, v7;
	v9 =	vbroadcast v2, $0xA;
	v13 =	vld [tilespmem:s13+$0x1B4E8]  }
0x1d8: {  	[tilespmem:s13+$0x1B488] =	vst v6;
	v6 =	vmul.f32 v12, v7;
	v7 =	vld [tilespmem:s13+$0x1B4F8]  }
0x1d9: {  	[tilespmem:s13+$0x1B498] =	vst v5;
	v5 =	vmul.f32 v8, v9;
	v8 =	vld [tilespmem:s13+$0x1B508]  }
0x1da: {  	[tilespmem:s13+$0x1B4A8] =	vst v6;
	v6 =	vmul.f32 v10, v9;
	v10 =	vld [tilespmem:s13+$0x1B518]  }
0x1db: {  	[tilespmem:s13+$0x1B4B8] =	vst v5;
	v5 =	vmul.f32 v11, v9;
	v11 =	vld [tilespmem:s13+$0x1B528]  }
0x1dc: {  	[tilespmem:s13+$0x1B4C8] =	vst v6;
	v6 =	vmul.f32 v13, v9;
	v12 =	vld [tilespmem:s13+$0x1B538]  }
0x1dd: {  	[tilespmem:s13+$0x1B4D8] =	vst v5;
	v5 =	vmul.f32 v7, v9;
	v7 =	vld [tilespmem:s13+$0x1B548]  }
0x1de: {  	[tilespmem:s13+$0x1B4E8] =	vst v6;
	v6 =	vmul.f32 v8, v9;
	v8 =	vld [tilespmem:s13+$0x1B558]  }
0x1df: {  	[tilespmem:s13+$0x1B4F8] =	vst v5;
	v5 =	vmul.f32 v10, v9;
	v10 =	vld [tilespmem:s13+$0x1B568]  }
0x1e0: {  	[tilespmem:s13+$0x1B508] =	vst v6;
	v6 =	vmul.f32 v11, v9;
	v11 =	vbroadcast v2, $0xB;
	v13 =	vld [tilespmem:s13+$0x1B578]  }
0x1e1: {  	v14 =	vld [tilespmem:s13+$0x1AF18];
	[tilespmem:s13+$0x1B518] =	vst v5;
	v5 =	vmul.f32 v12, v9  }
0x1e2: {  	[tilespmem:s13+$0x1B528] =	vst v6;
	v6 =	vmul.f32 v7, v11;
	v7 =	vld [tilespmem:s13+$0x1B588]  }
0x1e3: {  	[tilespmem:s13+$0x1B538] =	vst v5;
	v5 =	vmul.f32 v8, v11;
	v8 =	vld [tilespmem:s13+$0x1B598]  }
0x1e4: {  	[tilespmem:s13+$0x1B548] =	vst v6;
	v6 =	vmul.f32 v10, v11;
	v9 =	vld [tilespmem:s13+$0x1B5A8];
	v10 =	vbroadcast v2, $0xD  }
0x1e5: {  	[tilespmem:s13+$0x1B558] =	vst v5;
	v5 =	vmul.f32 v13, v11;
	v12 =	vld [tilespmem:s13+$0x1B5B8]  }
0x1e6: {  	v3 =	vmul.f32 v3, v14;
	[tilespmem:s13+$0x1B568] =	vst v6;
	v6 =	vld [tilespmem:s13+$0x1B5C8];
	v4 =	vmul.f32 v4, v10  }
0x1e7: {  	[tilespmem:s13+$0x1B578] =	vst v5;
	v5 =	vmul.f32 v7, v11;
	v7 =	vld [tilespmem:s13+$0x1B5D8]  }
0x1e8: {  	v8 =	vmul.f32 v8, v11;
	v13 =	vld [tilespmem:s13+$0x1B5E8];
	[tilespmem:s13+$0x1B6A8] =	vst v4  }
0x1e9: {  	[tilespmem:s13+$0x1B588] =	vst v5;
	v4 =	vld [tilespmem:s13+$0x1B5F8]  }
0x1ea: {  	v5 =	vbroadcast v2, $0xC;
	[tilespmem:s13+$0x1AF18] =	vst v3;
	v3 =	vmul.f32 v9, v11;
	v9 =	vld [tilespmem:s13+$0x1B608]  }
0x1eb: {  	[tilespmem:s13+$0x1B598] =	vst v8;
	v8 =	vmul.f32 v12, v11;
	v6 =	vmul.f32 v6, v11;
	v11 =	vld [tilespmem:s13+$0x1B618]  }
0x1ec: {  	[tilespmem:s13+$0x1B5A8] =	vst v3;
	v3 =	vmul.f32 v7, v5;
	v7 =	vld [tilespmem:s13+$0x1B628]  }
0x1ed: {  	[tilespmem:s13+$0x1B5B8] =	vst v8;
	v8 =	vmul.f32 v13, v5;
	v12 =	vld [tilespmem:s13+$0x1B638]  }
0x1ee: {  	[tilespmem:s13+$0x1B5D8] =	vst v3;
	v3 =	vmul.f32 v4, v5;
	v4 =	vld [tilespmem:s13+$0x1B648]  }
0x1ef: {  	[tilespmem:s13+$0x1B5C8] =	vst v6;
	v6 =	vmul.f32 v9, v5;
	v9 =	vld [tilespmem:s13+$0x1B658]  }
0x1f0: {  	[tilespmem:s13+$0x1B5F8] =	vst v3;
	v3 =	vmul.f32 v11, v5;
	v11 =	vld [tilespmem:s13+$0x1B668]  }
0x1f1: {  	[tilespmem:s13+$0x1B608] =	vst v6;
	v6 =	vmul.f32 v7, v5;
	v7 =	vld [tilespmem:s13+$0x1B678]  }
0x1f2: {  	[tilespmem:s13+$0x1B618] =	vst v3;
	v3 =	vmul.f32 v12, v5;
	v12 =	vld [tilespmem:s13+$0x1B688]  }
0x1f3: {  	[tilespmem:s13+$0x1B628] =	vst v6;
	v4 =	vmul.f32 v4, v5;
	v6 =	vld [tilespmem:s13+$0x1B698]  }
0x1f4: {  	[tilespmem:s13+$0x1B638] =	vst v3;
	v3 =	vmul.f32 v9, v5;
	v5 =	vld [tilespmem:s13+$0x1B6B8]  }
0x1f5: {  	[tilespmem:s13+$0x1B648] =	vst v4;
	v4 =	vmul.f32 v11, v10;
	v9 =	vld [tilespmem:s13+$0x1B6C8]  }
0x1f6: {  	[tilespmem:s13+$0x1B658] =	vst v3;
	v3 =	vmul.f32 v7, v10;
	v7 =	vld [tilespmem:s13+$0x1B6D8]  }
0x1f7: {  	[tilespmem:s13+$0x1B668] =	vst v4;
	v4 =	vmul.f32 v12, v10;
	v11 =	vld [tilespmem:s13+$0x1B6E8]  }
0x1f8: {  	[tilespmem:s13+$0x1B678] =	vst v3;
	v3 =	vmul.f32 v6, v10;
	v6 =	vld [tilespmem:s13+$0x1B6F8]  }
0x1f9: {  	[tilespmem:s13+$0x1B688] =	vst v4;
	v4 =	vmul.f32 v5, v10;
	v5 =	vld [tilespmem:s13+$0x1B708]  }
0x1fa: {  	[tilespmem:s13+$0x1B698] =	vst v3;
	v3 =	vmul.f32 v9, v10;
	v9 =	vld [tilespmem:s13+$0x1B718]  }
0x1fb: {  	[tilespmem:s13+$0x1B6B8] =	vst v4;
	v4 =	vmul.f32 v7, v10;
	v7 =	vbroadcast v2, $0xE;
	v12 =	vld [tilespmem:s13+$0x1B728]  }
0x1fc: {  	[tilespmem:s13+$0x1B6C8] =	vst v3;
	v3 =	vmul.f32 v11, v10;
	v10 =	vld [tilespmem:s13+$0x1B738]  }
0x1fd: {  	[tilespmem:s13+$0x1B6D8] =	vst v4;
	v4 =	vmul.f32 v6, v7;
	v6 =	vld [tilespmem:s13+$0x1B748]  }
0x1fe: {  	[tilespmem:s13+$0x1B6E8] =	vst v3;
	v3 =	vmul.f32 v5, v7;
	v5 =	vld [tilespmem:s13+$0x1B758]  }
0x1ff: {  	[tilespmem:s13+$0x1B6F8] =	vst v4;
	v4 =	vmul.f32 v9, v7;
	v9 =	vld [tilespmem:s13+$0x1B768]  }
0x200: {  	[tilespmem:s13+$0x1B708] =	vst v3;
	v3 =	vmul.f32 v12, v7;
	v11 =	vld [tilespmem:s13+$0x1B778]  }
0x201: {  	[tilespmem:s13+$0x1B718] =	vst v4;
	v4 =	vmul.f32 v10, v7;
	v10 =	vld [tilespmem:s13+$0x1B788]  }
0x202: {  	[tilespmem:s13+$0x1B728] =	vst v3;
	v3 =	vmul.f32 v6, v7;
	v6 =	vld [tilespmem:s13+$0x1B798]  }
0x203: {  	[tilespmem:s13+$0x1B5E8] =	vst v8;
	v5 =	vmul.f32 v5, v7;
	v8 =	vld [tilespmem:s13+$0x1B7A8]  }
0x204: {  	v2 =	vbroadcast v2, $0xF;
	[tilespmem:s13+$0x1B748] =	vst v3;
	v3 =	vmul.f32 v9, v7;
	v9 =	vld [tilespmem:s13+$0x1B7B8]  }
0x205: {  	[tilespmem:s13+$0x1B758] =	vst v5;
	v5 =	vmul.f32 v11, v7;
	v7 =	vld [tilespmem:s13+$0x1B7C8]  }
0x206: {  	[tilespmem:s13+$0x1B768] =	vst v3;
	v3 =	vmul.f32 v10, v2;
	v10 =	vld [tilespmem:s13+$0x1B7D8]  }
0x207: {  	[tilespmem:s13+$0x1B778] =	vst v5;
	v5 =	vmul.f32 v6, v2;
	v6 =	vld [tilespmem:s13+$0x1B7E8]  }
0x208: {  	[tilespmem:s13+$0x1B788] =	vst v3;
	v3 =	vmul.f32 v8, v2;
	v8 =	vld [tilespmem:s13+$0x1B7F8]  }
0x209: {  	[tilespmem:s13+$0x1B798] =	vst v5;
	v5 =	vmul.f32 v9, v2;
	v9 =	vld [tilespmem:s13+$0x1B808]  }
0x20a: {  	[tilespmem:s13+$0x1B7A8] =	vst v3;
	v3 =	vmul.f32 v7, v2  }
.Ltmp1:
0x20b: {  	[tilespmem:s13+$0x1B7B8] =	vst v5;
	v5 =	vmul.f32 v10, v2;
	(pc) =	sbr.rel @p1 .LBB2_5-.Ltmp1, $4  }
0x20c: {  	[tilespmem:s13+$0x1B7C8] =	vst v3;
	v3 =	vmul.f32 v6, v2  }
0x20d: {  	[tilespmem:s13+$0x1B7D8] =	vst v5  }
0x20e: {  	[tilespmem:s13+$0x1B7E8] =	vst v3;
	v3 =	vmul.f32 v8, v2;
	v2 =	vmul.f32 v9, v2  }
0x20f: {  	[tilespmem:s13+$0x1B738] =	vst v4  }
0x210: {  	s12 =	sadd.s32 $0x1, s12  }
0x211: {  	[tilespmem:s13+$0x1B7F8] =	vst v3;
	p1 =	sne.s32 s12, s20  }
.Ltmp2:
0x212: {  	[tilespmem:s13+$0x1B808] =	vst v2;
	(pc) =	sbr.rel @p1 .LBB2_4-.Ltmp2, $4  }
0x213: {  	[spmem:s3] =	stream.indirect.scatter.add.f32 [tilespmem:s2], [sflag:$0x2], $0x90, s1, s31, $0xb8;
	[tilespmem:$0x1F798] =	vst v63  }
0x214: {  	_ =	swait.ge [sflag:s29], $0x4800  }
0x215: {  	[sflag:s29] =	ssyncset.done $0x0  }
0x216: {  	[sflag:s29] =	ssyncadd.s32 $0xFFFFB800  }
0x217: {  	[bflag:$0x0] =	sbarrier.arrive $0xFFFF;
	s11 =	sshrl.u32 @p0 s14, $0x3;
	s12 =	simm.s32 @p0 $0x1FC2  }
0x218: {  	[hbm:s23], [sflag:s12] =	dma.local @p0 [spmem:s11], $0x2D90  }
0x219: {  	s11 =	simm.s32 @p0 $0x2  }
0x21a: {  	s12 =	stileid.u32;
	_ =	swait.ge @p0 [sflag:s11], $0x2D90  }
0x21b: {  	s7 =	sadd.s32 $0x1, s7;
	s12 =	sshll.u32 @!p0 s12, $0x6;
	[sflag:s11] =	ssyncset.done @p0 $0x0  }
0x21c: {  	p1 =	sne.s32 s7, s24;
	[sflag:s11] =	ssyncadd.s32 @p0 $0xFFFFD270;
	s11 =	sor.u32 @!p0 $0x1C02, s12  }
0x21d: {  	[hbm:s21], [sflag:s11] =	dma.local @!p0 [spmem:s25], $0x2BE0  }
.Ltmp3:
0x21e: {  	_ = 	snop;
	(pc) =	sbr.rel @p1 .LBB2_1-.Ltmp3, $4  }
0x21f: {  	s11 =	simm.s32 @!p0 $0x2  }
0x220: {  	_ =	swait.ge @!p0 [sflag:s11], $0x2BE0  }
0x221: {  	[sflag:s11] =	ssyncset.done @!p0 $0x0  }
0x222: {  	[sflag:s11] =	ssyncadd.s32 @!p0 $0xFFFFD420  }
0x223: {  	_ =	sfence.sel $0x180000  }
0x224: {  	[bflag:$0x0] =	sbarrier.arrive $0xFFFF  }
0x225: {  	_ =	strace $0x90000047  }
0x226: {  	s0 =	stileid.u32;
	[bflag:$0x2] =	sbarrier.arrive $0xFFFF  }
0x227: {  	p0 =	sne.s32 s0, $0x0;
	s0 =	rddreg [dreg:$0x3]  }
0x228: {  	s0 =	sadd.s32 @!p0 $0x100000, s0  }
0x229: {  	[sflag:s0] =	ssyncadd.tile.s32 @!p0 $0x1;
	_ =	shalt  }
.Lfunc_end2:
_tile_overlayer_lowered:
.L_overlay_start_2:
0x22a: {  	(tag) =	ssettag $0x2  }
0x22b: {  	s0 =	rddreg [dreg:$0x0];
	s2 =	stileid.u32  }
0x22c: {  	s1 =	rddreg [dreg:$0x1];
	p0 =	sne.s32 s2, $0x0  }
0x22d: {  	s3 =	rddreg [dreg:$0x2];
	[bflag:$0x3] =	sbarrier.arrive $0xFFFF;
	s2 =	simm.s32 @!p0 $0x1C02  }
0x22e: {  	[timem:s3], [sflag:s2] =	dma.local @!p0 [hbm:s0], s1  }
0x22f: {  	s0 =	simm.s32 @!p0 $0x2  }
0x230: {  	_ =	swait.ge @!p0 [sflag:s0], s1  }
0x231: {  	s1 =	ssub.s32 @!p0 $0x0, s1;
	[sflag:s0] =	ssyncset.done @!p0 $0x0  }
0x232: {  	[sflag:s0] =	ssyncadd.s32 @!p0 s1  }
0x233: {  	[bflag:$0x3] =	sbarrier.arrive $0xFFFF  }
0x234: {  	_ =	shalt  }

</sc_bundles>
